<compile_context>
chip_gen: v7x
topology: tpu7x:2x2x1
jax: 0.10.2.dev20260603
libtpu: 0.0.44.dev20260713+nightly
codegen_flags: <defaults>
</compile_context>

<pallas_src>
import jax
import jax.numpy as jnp
from jax import lax
from jax.experimental import pallas as pl
from jax.experimental.pallas import tpu as pltpu
from jax.experimental.pallas import tpu_sc as plsc

NC, NS = 2, 16
NN = 10000
NP = 10240
NE = 160000
EB = 128
EROWS = 1280
EPAD = EROWS * EB
D = 256
HC = D // NC
RB = 1024
GRID = NP // RB
EPS = 1e-5

_MESH = dict(core_axis_name="c", subcore_axis_name="s", num_cores=NC,
             num_subcores=NS)



def _sc_agg_wide(y2, src2, dst2):
  bpt = EROWS // NS
  NST = 5
  hb = bpt // NST
  rpt = NP // NS

  def body(y2_hbm, src_hbm, dst_hbm, out_hbm,
           srcloc, dstloc, rows0, rows1, acc_sh, sem0, sem1):
    c = lax.axis_index("c")
    s = lax.axis_index("s")
    def zrow(i, carry):
      for j in range(HC // 16):
        rows0[i, pl.ds(16 * j, 16)] = jnp.zeros((16,), jnp.float32)
      return carry
    lax.fori_loop(0, EB, zrow, 0)
    r0 = s * rpt
    for k in range(rpt // EB):
      pltpu.sync_copy(rows0, acc_sh.at[pl.ds(r0 + EB * k, EB)])
    plsc.subcore_barrier()

    b0 = s * bpt
    def stage(g, carry):
      gb = b0 + g * hb
      pltpu.sync_copy(src_hbm.at[pl.ds(gb, hb)], srcloc)
      pltpu.sync_copy(dst_hbm.at[pl.ds(gb, hb)], dstloc)
      def sxf(i, c2):
        for j in range(EB // 16):
          v = srcloc[i, pl.ds(16 * j, 16)]
          srcloc[i, pl.ds(16 * j, 16)] = v + v + c
        return c2
      lax.fori_loop(0, hb, sxf, 0)

      pltpu.async_copy(y2_hbm.at[srcloc.at[0]], rows0, sem0)
      def pair(p, c2):
        a = 2 * p
        b = a + 1
        pltpu.async_copy(y2_hbm.at[srcloc.at[b]], rows1, sem1)
        pltpu.make_async_copy(y2_hbm.at[srcloc.at[a]], rows0, sem0).wait()
        pltpu.sync_copy(rows0, acc_sh.at[dstloc.at[a]], add=True)
        @pl.when(b + 1 < hb)
        def _():
          pltpu.async_copy(y2_hbm.at[srcloc.at[b + 1]], rows0, sem0)
        pltpu.make_async_copy(y2_hbm.at[srcloc.at[b]], rows1, sem1).wait()
        pltpu.sync_copy(rows1, acc_sh.at[dstloc.at[b]], add=True)
        return c2
      lax.fori_loop(0, hb // 2, pair, 0)
      return carry
    lax.fori_loop(0, NST, stage, 0)

    plsc.subcore_barrier()
    pltpu.sync_copy(acc_sh.at[pl.ds(r0, rpt)], out_hbm.at[c, pl.ds(r0, rpt)])

  return pl.kernel(
      body,
      out_type=jax.ShapeDtypeStruct((NC, NP, HC), jnp.float32),
      mesh=plsc.VectorSubcoreMesh(**_MESH),
      scratch_types=[
          pltpu.VMEM((hb, EB), jnp.int32),
          pltpu.VMEM((hb, EB), jnp.int32),
          pltpu.VMEM((EB, HC), jnp.float32),
          pltpu.VMEM((EB, HC), jnp.float32),
          pltpu.VMEM_SHARED((NP, HC), jnp.float32),
          pltpu.SemaphoreType.DMA,
          pltpu.SemaphoreType.DMA,
      ],
  )(y2, src2, dst2)


def _make_sc_narrow(gather):
  bpt = EROWS // (NC * NS)
  rpt = NP // NS

  def body(tab_hbm, src_hbm, dst_hbm, out_hbm,
           srcloc, dstloc, val0, val1, acc_sh, sem0, sem1):
    c = lax.axis_index("c")
    s = lax.axis_index("s")
    for j in range(EB // 16):
      val0[pl.ds(16 * j, 16)] = jnp.zeros((16,), jnp.float32)
    r0 = s * rpt
    for k in range(rpt // EB):
      pltpu.sync_copy(val0, acc_sh.at[pl.ds(r0 + EB * k, EB)])

    b0 = (c * NS + s) * bpt
    pltpu.sync_copy(dst_hbm.at[pl.ds(b0, bpt)], dstloc)
    if gather:
      pltpu.sync_copy(src_hbm.at[pl.ds(b0, bpt)], srcloc)
    else:
      for j in range(EB // 16):
        val0[pl.ds(16 * j, 16)] = jnp.ones((16,), jnp.float32)
    plsc.subcore_barrier()

    if gather:
      pltpu.async_copy(tab_hbm.at[srcloc.at[0]], val0, sem0)
      def pair(p, carry):
        a = 2 * p
        b = a + 1
        pltpu.async_copy(tab_hbm.at[srcloc.at[b]], val1, sem1)
        pltpu.make_async_copy(tab_hbm.at[srcloc.at[a]], val0, sem0).wait()
        pltpu.sync_copy(val0, acc_sh.at[dstloc.at[a]], add=True)
        @pl.when(b + 1 < bpt)
        def _():
          pltpu.async_copy(tab_hbm.at[srcloc.at[b + 1]], val0, sem0)
        pltpu.make_async_copy(tab_hbm.at[srcloc.at[b]], val1, sem1).wait()
        pltpu.sync_copy(val1, acc_sh.at[dstloc.at[b]], add=True)
        return carry
      lax.fori_loop(0, bpt // 2, pair, 0)
    else:
      def batch(b, carry):
        pltpu.sync_copy(val0, acc_sh.at[dstloc.at[b]], add=True)
        return carry
      lax.fori_loop(0, bpt, batch, 0)

    plsc.subcore_barrier()
    pltpu.sync_copy(acc_sh.at[pl.ds(r0, rpt)], out_hbm.at[c, pl.ds(r0, rpt)])

  def run(tab, src, dst):
    return pl.kernel(
        body,
        out_type=jax.ShapeDtypeStruct((NC, NP), jnp.float32),
        mesh=plsc.VectorSubcoreMesh(**_MESH),
        scratch_types=[
            pltpu.VMEM((bpt, EB), jnp.int32),
            pltpu.VMEM((bpt, EB), jnp.int32),
            pltpu.VMEM((EB,), jnp.float32),
            pltpu.VMEM((EB,), jnp.float32),
            pltpu.VMEM_SHARED((NP,), jnp.float32),
            pltpu.SemaphoreType.DMA,
            pltpu.SemaphoreType.DMA,
        ],
    )(tab, src, dst)
  return run


_sc_deg = _make_sc_narrow(gather=False)
_sc_agg1 = _make_sc_narrow(gather=True)



def _dinv_col(degT_blk):
  return lax.rsqrt(degT_blk[:, 0:1] + degT_blk[:, 1:2] + 1.0)


def _tc_prep(degT, xp, W1):
  def body(deg_ref, x_ref, w_ref, y_ref):
    dinv = _dinv_col(deg_ref[...])
    xw = jnp.dot(x_ref[...], w_ref[...],
                 preferred_element_type=jnp.float32)
    y_ref[...] = xw * dinv
  return pl.pallas_call(
      body,
      grid=(GRID,),
      in_specs=[
          pl.BlockSpec((RB, 2), lambda i: (i, 0)),
          pl.BlockSpec((RB, D), lambda i: (i, 0)),
          pl.BlockSpec((D, D), lambda i: (0, 0)),
      ],
      out_specs=pl.BlockSpec((RB, D), lambda i: (i, 0)),
      out_shape=jax.ShapeDtypeStruct((NP, D), jnp.float32),
  )(degT, xp, W1)


def _tc_layer(accw, y, degT, bl, gl, bel, Wn):
  hn = Wn.shape[1]
  def body(acc_ref, y_ref, deg_ref, b_ref, g_ref, be_ref, w_ref, yn_ref,
           t_sc, st_sc):
    ph = pl.program_id(0)
    i = pl.program_id(1)
    dinv = _dinv_col(deg_ref[...])
    @pl.when(ph == 0)
    def _():
      acc = jnp.concatenate([acc_ref[0], acc_ref[1]], axis=-1)
      t = dinv * (acc + y_ref[...]) + b_ref[...]
      rows = i * RB + lax.broadcasted_iota(jnp.int32, (RB, 1), 0)
      t = jnp.where(rows < NN, t, 0.0)
      t_sc[pl.ds(i * RB, RB), :] = t
      @pl.when(i == 0)
      def _():
        st_sc[...] = jnp.zeros_like(st_sc)
      st_sc[0:1, :] += jnp.sum(t, axis=0, keepdims=True)
      st_sc[1:2, :] += jnp.sum(t * t, axis=0, keepdims=True)
    @pl.when(ph == 1)
    def _():
      mu = st_sc[0:1, :] * (1.0 / NN)
      var = st_sc[1:2, :] * (1.0 / NN) - mu * mu
      inv = lax.rsqrt(var + EPS)
      t = t_sc[pl.ds(i * RB, RB), :]
      h = jnp.maximum((t - mu) * inv * g_ref[...] + be_ref[...], 0.0)
      yn_ref[...] = jnp.dot(h, w_ref[...],
                            preferred_element_type=jnp.float32) * dinv
  return pl.pallas_call(
      body,
      grid=(2, GRID),
      in_specs=[
          pl.BlockSpec((NC, RB, HC), lambda ph, i: (0, i * (1 - ph), 0)),
          pl.BlockSpec((RB, D), lambda ph, i: (i * (1 - ph), 0)),
          pl.BlockSpec((RB, 2), lambda ph, i: (i, 0)),
          pl.BlockSpec((1, D), lambda ph, i: (0, 0)),
          pl.BlockSpec((1, D), lambda ph, i: (0, 0)),
          pl.BlockSpec((1, D), lambda ph, i: (0, 0)),
          pl.BlockSpec((D, hn), lambda ph, i: (0, 0)),
      ],
      out_specs=pl.BlockSpec((RB, hn), lambda ph, i: (i * ph, 0)),
      out_shape=jax.ShapeDtypeStruct((NP, hn), jnp.float32),
      scratch_shapes=[
          pltpu.VMEM((NP, D), jnp.float32),
          pltpu.VMEM((8, D), jnp.float32),
      ],
  )(accw, y, degT, bl, gl, bel, Wn)


def _tc_final(p4T, y4p, degT, b4b):
  def body(p_ref, y_ref, deg_ref, b_ref, o_ref):
    dinv = _dinv_col(deg_ref[...])
    val = dinv * (p_ref[:, 0:1] + p_ref[:, 1:2] + y_ref[:, 0:1]) \
        + b_ref[0:1, 0:1]
    o_ref[...] = jnp.broadcast_to(val, (RB, 8))
  return pl.pallas_call(
      body,
      grid=(GRID,),
      in_specs=[
          pl.BlockSpec((RB, 2), lambda i: (i, 0)),
          pl.BlockSpec((RB, HC), lambda i: (i, 0)),
          pl.BlockSpec((RB, 2), lambda i: (i, 0)),
          pl.BlockSpec((1, 128), lambda i: (0, 0)),
      ],
      out_specs=pl.BlockSpec((RB, 8), lambda i: (i, 0)),
      out_shape=jax.ShapeDtypeStruct((NP, 8), jnp.float32),
  )(p4T, y4p, degT, b4b)



def kernel(x, W1, b1, g1, be1, W2, b2, g2, be2, W3, b3, g3, be3, W4, b4,
           edge_index):
  pad_idx = NN + (jnp.arange(EPAD - NE, dtype=jnp.int32) % (NP - NN))
  src2 = jnp.concatenate([edge_index[0].astype(jnp.int32), pad_idx]
                         ).reshape(EROWS, EB)
  dst2 = jnp.concatenate([edge_index[1].astype(jnp.int32), pad_idx]
                         ).reshape(EROWS, EB)
  W4p = jnp.pad(W4, ((0, 0), (0, HC - 1)))

  degp = _sc_deg(jnp.zeros((NP,), jnp.float32), src2, dst2)
  degT = degp.T

  y = _tc_prep(degT, x, W1)
  for (Wn, bl, gl, bel) in ((W2, b1, g1, be1), (W3, b2, g2, be2),
                            (W4p, b3, g3, be3)):
    accw = _sc_agg_wide(y.reshape(2 * NP, HC), src2, dst2)
    y = _tc_layer(accw, y, degT, bl.reshape(1, D), gl.reshape(1, D),
                  bel.reshape(1, D), Wn)

  p4 = _sc_agg1(y[:, 0], src2, dst2)
  out = _tc_final(p4.T, y, degT, jnp.broadcast_to(b4, (1, 128)))
  return out[:NN, 0]

# --- scband reference (transcript-rebuilt; emitter-appended) ---
"""Pipeline reference for scband-gcnreg-80814104641845 (READ-ONLY COPY).

The authoritative reference and input builder live on the scoring server;
editing this copy changes nothing except your own understanding.
"""

import jax, jax.numpy as jnp
import numpy as np

N = 10000
E = 160000
D = 256
H = 256
EPS = 1e-5


def setup_inputs(seed: int = 0) -> dict:
    key = jax.random.key(seed)
    ks = jax.random.split(key, 16)
    x = jax.random.normal(ks[0], (N, D), dtype=jnp.float32)
    edge_index = jax.random.randint(ks[1], (2, E), 0, N)
    def glorot(k, fi, fo):
        s = float(np.sqrt(6.0 / (fi + fo)))
        return jax.random.uniform(k, (fi, fo), minval=-s, maxval=s, dtype=jnp.float32)
    inp = {
        'x': x,
        'W1': glorot(ks[2], D, H), 'b1': jnp.zeros((H,), jnp.float32),
        'g1': jnp.ones((H,), jnp.float32), 'be1': jnp.zeros((H,), jnp.float32),
        'W2': glorot(ks[3], H, H), 'b2': jnp.zeros((H,), jnp.float32),
        'g2': jnp.ones((H,), jnp.float32), 'be2': jnp.zeros((H,), jnp.float32),
        'W3': glorot(ks[4], H, H), 'b3': jnp.zeros((H,), jnp.float32),
        'g3': jnp.ones((H,), jnp.float32), 'be3': jnp.zeros((H,), jnp.float32),
        'W4': glorot(ks[5], H, 1), 'b4': jnp.zeros((1,), jnp.float32),
        'edge_index': edge_index,
    }
    return inp


def gcn_conv(x, W, b, src, dst, n):
    # PyG GCNConv: x' = D^-1/2 (A + I) D^-1/2 (X W) + b
    xw = x @ W
    loop = jnp.arange(n, dtype=src.dtype)
    s = jnp.concatenate([src, loop])
    d = jnp.concatenate([dst, loop])
    deg = jnp.zeros((n,), x.dtype).at[d].add(1.0)
    dinv = jnp.where(deg > 0, 1.0 / jnp.sqrt(deg), 0.0)
    norm = dinv[s] * dinv[d]
    msg = jnp.take(xw, s, axis=0) * norm[:, None]
    out = jnp.zeros((n, W.shape[1]), x.dtype).at[d].add(msg)
    return out + b


def batch_norm(x, g, be):
    mu = jnp.mean(x, axis=0)
    var = jnp.var(x, axis=0)  # biased, matches training-mode BatchNorm
    return (x - mu) / jnp.sqrt(var + EPS) * g + be


def reference(x, W1, b1, g1, be1, W2, b2, g2, be2, W3, b3, g3, be3, W4, b4, edge_index):
    src = edge_index[0]
    dst = edge_index[1]
    n = x.shape[0]
    h = gcn_conv(x, W1, b1, src, dst, n)
    h = jax.nn.relu(batch_norm(h, g1, be1))
    h = gcn_conv(h, W2, b2, src, dst, n)
    h = jax.nn.relu(batch_norm(h, g2, be2))
    h = gcn_conv(h, W3, b3, src, dst, n)
    h = jax.nn.relu(batch_norm(h, g3, be3))
    h = gcn_conv(h, W4, b4, src, dst, n)
    return jnp.squeeze(h, axis=-1)

if __name__ == "__main__":
    import jax
    _d = setup_inputs()
    print(jax.jit(kernel)(*tuple(_d.values())))

</pallas_src>

<mosaic_0001>
#map = affine_map<(d0, d1) -> (0, 0)>
#map1 = affine_map<(d0, d1) -> (0, 0, 0)>
module attributes {stable_mosaic.version = 14 : i64} {
  func.func @body(%arg0: i32, %arg1: i32, %arg2: memref<20480x128xf32, #tpu.memory_space<hbm>>, %arg3: memref<1280x128xi32, #tpu.memory_space<hbm>>, %arg4: memref<1280x128xi32, #tpu.memory_space<hbm>>, %arg5: memref<2x10240x128xf32, #tpu.memory_space<hbm>>, %arg6: memref<16x128xi32, #tpu.memory_space<vmem>>, %arg7: memref<16x128xi32, #tpu.memory_space<vmem>>, %arg8: memref<128x128xf32, #tpu.memory_space<vmem>>, %arg9: memref<128x128xf32, #tpu.memory_space<vmem>>, %arg10: memref<10240x128xf32, #tpu.memory_space<vmem_shared>>, %arg11: memref<!tpu.dma_semaphore, #tpu.memory_space<semaphore_mem>>, %arg12: memref<!tpu.dma_semaphore, #tpu.memory_space<semaphore_mem>>) attributes {dimension_semantics = [#tpu.dimension_semantics<core_parallel>, #tpu.dimension_semantics<subcore_parallel>], iteration_bounds = array<i64: 2, 16>, scalar_prefetch = 0 : i64, scratch_operands = 7 : i64, tpu.core_type = #tpu.core_type<sc_vector_subcore>, window_params = [{transform_indices = #map}, {transform_indices = #map}, {transform_indices = #map}, {transform_indices = #map1}]} {
    %scan3A = arith.constant 0 : i32
    %scan3A_0 = arith.constant 0 : i32
    %scan3A_1 = arith.constant 128 : i32
    %scan3A_2 = arith.addi %scan3A_0, %scan3A_1 : i32
    %scan3A_3 = arith.constant 1 : i32
    scf.for %scan3A_24 = %scan3A_0 to %scan3A_2 step %scan3A_3  : i32 {
      %broadcast_in_dim3A = arith.constant 0.000000e+00 : f32
      %broadcast_in_dim3A_25 = vector.broadcast %broadcast_in_dim3A : f32 to vector<16xf32>
      %swap3A = arith.index_cast %scan3A_24 : i32 to index
      %swap3A_26 = arith.constant 0 : index
      %swap3A_27 = tpu.vector_load %arg8[%swap3A, %swap3A_26] {strides = array<i32>} : memref<128x128xf32, #tpu.memory_space<vmem>>, vector<1x16xf32>,
      %swap3A_28 = vector.shape_cast %swap3A_27 : vector<1x16xf32> to vector<16xf32>
      %swap3A_29 = vector.shape_cast %broadcast_in_dim3A_25 : vector<16xf32> to vector<1x16xf32>
      tpu.vector_store %arg8[%swap3A, %swap3A_26], %swap3A_29 {strides = array<i32>} : memref<128x128xf32, #tpu.memory_space<vmem>>, vector<1x16xf32>,
      %broadcast_in_dim3A_30 = arith.constant 0.000000e+00 : f32
      %broadcast_in_dim3A_31 = vector.broadcast %broadcast_in_dim3A_30 : f32 to vector<16xf32>
      %swap3A_32 = arith.index_cast %scan3A_24 : i32 to index
      %swap3A_33 = arith.constant 16 : index
      %swap3A_34 = tpu.vector_load %arg8[%swap3A_32, %swap3A_33] {strides = array<i32>} : memref<128x128xf32, #tpu.memory_space<vmem>>, vector<1x16xf32>,
      %swap3A_35 = vector.shape_cast %swap3A_34 : vector<1x16xf32> to vector<16xf32>
      %swap3A_36 = vector.shape_cast %broadcast_in_dim3A_31 : vector<16xf32> to vector<1x16xf32>
      tpu.vector_store %arg8[%swap3A_32, %swap3A_33], %swap3A_36 {strides = array<i32>} : memref<128x128xf32, #tpu.memory_space<vmem>>, vector<1x16xf32>,
      %broadcast_in_dim3A_37 = arith.constant 0.000000e+00 : f32
      %broadcast_in_dim3A_38 = vector.broadcast %broadcast_in_dim3A_37 : f32 to vector<16xf32>
      %swap3A_39 = arith.index_cast %scan3A_24 : i32 to index
      %swap3A_40 = arith.constant 32 : index
      %swap3A_41 = tpu.vector_load %arg8[%swap3A_39, %swap3A_40] {strides = array<i32>} : memref<128x128xf32, #tpu.memory_space<vmem>>, vector<1x16xf32>,
      %swap3A_42 = vector.shape_cast %swap3A_41 : vector<1x16xf32> to vector<16xf32>
      %swap3A_43 = vector.shape_cast %broadcast_in_dim3A_38 : vector<16xf32> to vector<1x16xf32>
      tpu.vector_store %arg8[%swap3A_39, %swap3A_40], %swap3A_43 {strides = array<i32>} : memref<128x128xf32, #tpu.memory_space<vmem>>, vector<1x16xf32>,
      %broadcast_in_dim3A_44 = arith.constant 0.000000e+00 : f32
      %broadcast_in_dim3A_45 = vector.broadcast %broadcast_in_dim3A_44 : f32 to vector<16xf32>
      %swap3A_46 = arith.index_cast %scan3A_24 : i32 to index
      %swap3A_47 = arith.constant 48 : index
      %swap3A_48 = tpu.vector_load %arg8[%swap3A_46, %swap3A_47] {strides = array<i32>} : memref<128x128xf32, #tpu.memory_space<vmem>>, vector<1x16xf32>,
      %swap3A_49 = vector.shape_cast %swap3A_48 : vector<1x16xf32> to vector<16xf32>
      %swap3A_50 = vector.shape_cast %broadcast_in_dim3A_45 : vector<16xf32> to vector<1x16xf32>
      tpu.vector_store %arg8[%swap3A_46, %swap3A_47], %swap3A_50 {strides = array<i32>} : memref<128x128xf32, #tpu.memory_space<vmem>>, vector<1x16xf32>,
      %broadcast_in_dim3A_51 = arith.constant 0.000000e+00 : f32
      %broadcast_in_dim3A_52 = vector.broadcast %broadcast_in_dim3A_51 : f32 to vector<16xf32>
      %swap3A_53 = arith.index_cast %scan3A_24 : i32 to index
      %swap3A_54 = arith.constant 64 : index
      %swap3A_55 = tpu.vector_load %arg8[%swap3A_53, %swap3A_54] {strides = array<i32>} : memref<128x128xf32, #tpu.memory_space<vmem>>, vector<1x16xf32>,
      %swap3A_56 = vector.shape_cast %swap3A_55 : vector<1x16xf32> to vector<16xf32>
      %swap3A_57 = vector.shape_cast %broadcast_in_dim3A_52 : vector<16xf32> to vector<1x16xf32>
      tpu.vector_store %arg8[%swap3A_53, %swap3A_54], %swap3A_57 {strides = array<i32>} : memref<128x128xf32, #tpu.memory_space<vmem>>, vector<1x16xf32>,
      %broadcast_in_dim3A_58 = arith.constant 0.000000e+00 : f32
      %broadcast_in_dim3A_59 = vector.broadcast %broadcast_in_dim3A_58 : f32 to vector<16xf32>
      %swap3A_60 = arith.index_cast %scan3A_24 : i32 to index
      %swap3A_61 = arith.constant 80 : index
      %swap3A_62 = tpu.vector_load %arg8[%swap3A_60, %swap3A_61] {strides = array<i32>} : memref<128x128xf32, #tpu.memory_space<vmem>>, vector<1x16xf32>,
      %swap3A_63 = vector.shape_cast %swap3A_62 : vector<1x16xf32> to vector<16xf32>
      %swap3A_64 = vector.shape_cast %broadcast_in_dim3A_59 : vector<16xf32> to vector<1x16xf32>
      tpu.vector_store %arg8[%swap3A_60, %swap3A_61], %swap3A_64 {strides = array<i32>} : memref<128x128xf32, #tpu.memory_space<vmem>>, vector<1x16xf32>,
      %broadcast_in_dim3A_65 = arith.constant 0.000000e+00 : f32
      %broadcast_in_dim3A_66 = vector.broadcast %broadcast_in_dim3A_65 : f32 to vector<16xf32>
      %swap3A_67 = arith.index_cast %scan3A_24 : i32 to index
      %swap3A_68 = arith.constant 96 : index
      %swap3A_69 = tpu.vector_load %arg8[%swap3A_67, %swap3A_68] {strides = array<i32>} : memref<128x128xf32, #tpu.memory_space<vmem>>, vector<1x16xf32>,
      %swap3A_70 = vector.shape_cast %swap3A_69 : vector<1x16xf32> to vector<16xf32>
      %swap3A_71 = vector.shape_cast %broadcast_in_dim3A_66 : vector<16xf32> to vector<1x16xf32>
      tpu.vector_store %arg8[%swap3A_67, %swap3A_68], %swap3A_71 {strides = array<i32>} : memref<128x128xf32, #tpu.memory_space<vmem>>, vector<1x16xf32>,
      %broadcast_in_dim3A_72 = arith.constant 0.000000e+00 : f32
      %broadcast_in_dim3A_73 = vector.broadcast %broadcast_in_dim3A_72 : f32 to vector<16xf32>
      %swap3A_74 = arith.index_cast %scan3A_24 : i32 to index
      %swap3A_75 = arith.constant 112 : index
      %swap3A_76 = tpu.vector_load %arg8[%swap3A_74, %swap3A_75] {strides = array<i32>} : memref<128x128xf32, #tpu.memory_space<vmem>>, vector<1x16xf32>,
      %swap3A_77 = vector.shape_cast %swap3A_76 : vector<1x16xf32> to vector<16xf32>
      %swap3A_78 = vector.shape_cast %broadcast_in_dim3A_73 : vector<16xf32> to vector<1x16xf32>
      tpu.vector_store %arg8[%swap3A_74, %swap3A_75], %swap3A_78 {strides = array<i32>} : memref<128x128xf32, #tpu.memory_space<vmem>>, vector<1x16xf32>,
    }
    %scan3A_4 = arith.constant 128 : i32
    %mul3A = arith.constant 640 : i32
    %mul3A_5 = arith.muli %arg1, %mul3A : i32
    %add3A = arith.constant 0 : i32
    %add3A_6 = arith.addi %mul3A_5, %add3A : i32
    "tpu.region"() ({
      %run_scoped3A = tpu.sem_alloc : memref<!tpu.dma_semaphore, #tpu.memory_space<semaphore_mem>>
      %dma_start3A = arith.constant 0 : i32
      %dma_start3A_24 = tpu.memref_slice %arg10[%add3A_6, %dma_start3A] : memref<10240x128xf32, #tpu.memory_space<vmem_shared>> -> memref<128x128xf32, #tpu.memory_space<vmem_shared>>
      %dma_start3A_25 = arith.constant 0 : i32
      %dma_start3A_26 = tpu.memref_slice %arg10[%add3A_6, %dma_start3A_25] : memref<10240x128xf32, #tpu.memory_space<vmem_shared>> -> memref<128x128xf32, #tpu.memory_space<vmem_shared>>
      tpu.enqueue_dma source(%arg8 : memref<128x128xf32, #tpu.memory_space<vmem>>) target(%dma_start3A_26 : memref<128x128xf32, #tpu.memory_space<vmem_shared>>) target_semaphore(%run_scoped3A : memref<!tpu.dma_semaphore, #tpu.memory_space<semaphore_mem>>)
      %dma_wait3A = arith.constant 0 : i32
      %dma_wait3A_27 = tpu.memref_slice %arg10[%add3A_6, %dma_wait3A] : memref<10240x128xf32, #tpu.memory_space<vmem_shared>> -> memref<128x128xf32, #tpu.memory_space<vmem_shared>>
      %dma_wait3A_28 = arith.constant 0 : i32
      %dma_wait3A_29 = tpu.memref_slice %arg10[%add3A_6, %dma_wait3A_28] : memref<10240x128xf32, #tpu.memory_space<vmem_shared>> -> memref<128x128xf32, #tpu.memory_space<vmem_shared>>
      tpu.wait_dma2 semaphore(%run_scoped3A : memref<!tpu.dma_semaphore, #tpu.memory_space<semaphore_mem>>) src(%arg8 : memref<128x128xf32, #tpu.memory_space<vmem>>) dst(%dma_wait3A_29 : memref<128x128xf32, #tpu.memory_space<vmem_shared>>)
      tpu.yield
    }) : () -> ()
    %add3A_7 = arith.constant 128 : i32
    %add3A_8 = arith.addi %mul3A_5, %add3A_7 : i32
    "tpu.region"() ({
      %run_scoped3A = tpu.sem_alloc : memref<!tpu.dma_semaphore, #tpu.memory_space<semaphore_mem>>
      %dma_start3A = arith.constant 0 : i32
      %dma_start3A_24 = tpu.memref_slice %arg10[%add3A_8, %dma_start3A] : memref<10240x128xf32, #tpu.memory_space<vmem_shared>> -> memref<128x128xf32, #tpu.memory_space<vmem_shared>>
      %dma_start3A_25 = arith.constant 0 : i32
      %dma_start3A_26 = tpu.memref_slice %arg10[%add3A_8, %dma_start3A_25] : memref<10240x128xf32, #tpu.memory_space<vmem_shared>> -> memref<128x128xf32, #tpu.memory_space<vmem_shared>>
      tpu.enqueue_dma source(%arg8 : memref<128x128xf32, #tpu.memory_space<vmem>>) target(%dma_start3A_26 : memref<128x128xf32, #tpu.memory_space<vmem_shared>>) target_semaphore(%run_scoped3A : memref<!tpu.dma_semaphore, #tpu.memory_space<semaphore_mem>>)
      %dma_wait3A = arith.constant 0 : i32
      %dma_wait3A_27 = tpu.memref_slice %arg10[%add3A_8, %dma_wait3A] : memref<10240x128xf32, #tpu.memory_space<vmem_shared>> -> memref<128x128xf32, #tpu.memory_space<vmem_shared>>
      %dma_wait3A_28 = arith.constant 0 : i32
      %dma_wait3A_29 = tpu.memref_slice %arg10[%add3A_8, %dma_wait3A_28] : memref<10240x128xf32, #tpu.memory_space<vmem_shared>> -> memref<128x128xf32, #tpu.memory_space<vmem_shared>>
      tpu.wait_dma2 semaphore(%run_scoped3A : memref<!tpu.dma_semaphore, #tpu.memory_space<semaphore_mem>>) src(%arg8 : memref<128x128xf32, #tpu.memory_space<vmem>>) dst(%dma_wait3A_29 : memref<128x128xf32, #tpu.memory_space<vmem_shared>>)
      tpu.yield
    }) : () -> ()
    %add3A_9 = arith.constant 256 : i32
    %add3A_10 = arith.addi %mul3A_5, %add3A_9 : i32
    "tpu.region"() ({
      %run_scoped3A = tpu.sem_alloc : memref<!tpu.dma_semaphore, #tpu.memory_space<semaphore_mem>>
      %dma_start3A = arith.constant 0 : i32
      %dma_start3A_24 = tpu.memref_slice %arg10[%add3A_10, %dma_start3A] : memref<10240x128xf32, #tpu.memory_space<vmem_shared>> -> memref<128x128xf32, #tpu.memory_space<vmem_shared>>
      %dma_start3A_25 = arith.constant 0 : i32
      %dma_start3A_26 = tpu.memref_slice %arg10[%add3A_10, %dma_start3A_25] : memref<10240x128xf32, #tpu.memory_space<vmem_shared>> -> memref<128x128xf32, #tpu.memory_space<vmem_shared>>
      tpu.enqueue_dma source(%arg8 : memref<128x128xf32, #tpu.memory_space<vmem>>) target(%dma_start3A_26 : memref<128x128xf32, #tpu.memory_space<vmem_shared>>) target_semaphore(%run_scoped3A : memref<!tpu.dma_semaphore, #tpu.memory_space<semaphore_mem>>)
      %dma_wait3A = arith.constant 0 : i32
      %dma_wait3A_27 = tpu.memref_slice %arg10[%add3A_10, %dma_wait3A] : memref<10240x128xf32, #tpu.memory_space<vmem_shared>> -> memref<128x128xf32, #tpu.memory_space<vmem_shared>>
      %dma_wait3A_28 = arith.constant 0 : i32
      %dma_wait3A_29 = tpu.memref_slice %arg10[%add3A_10, %dma_wait3A_28] : memref<10240x128xf32, #tpu.memory_space<vmem_shared>> -> memref<128x128xf32, #tpu.memory_space<vmem_shared>>
      tpu.wait_dma2 semaphore(%run_scoped3A : memref<!tpu.dma_semaphore, #tpu.memory_space<semaphore_mem>>) src(%arg8 : memref<128x128xf32, #tpu.memory_space<vmem>>) dst(%dma_wait3A_29 : memref<128x128xf32, #tpu.memory_space<vmem_shared>>)
      tpu.yield
    }) : () -> ()
    %add3A_11 = arith.constant 384 : i32
    %add3A_12 = arith.addi %mul3A_5, %add3A_11 : i32
    "tpu.region"() ({
      %run_scoped3A = tpu.sem_alloc : memref<!tpu.dma_semaphore, #tpu.memory_space<semaphore_mem>>
      %dma_start3A = arith.constant 0 : i32
      %dma_start3A_24 = tpu.memref_slice %arg10[%add3A_12, %dma_start3A] : memref<10240x128xf32, #tpu.memory_space<vmem_shared>> -> memref<128x128xf32, #tpu.memory_space<vmem_shared>>
      %dma_start3A_25 = arith.constant 0 : i32
      %dma_start3A_26 = tpu.memref_slice %arg10[%add3A_12, %dma_start3A_25] : memref<10240x128xf32, #tpu.memory_space<vmem_shared>> -> memref<128x128xf32, #tpu.memory_space<vmem_shared>>
      tpu.enqueue_dma source(%arg8 : memref<128x128xf32, #tpu.memory_space<vmem>>) target(%dma_start3A_26 : memref<128x128xf32, #tpu.memory_space<vmem_shared>>) target_semaphore(%run_scoped3A : memref<!tpu.dma_semaphore, #tpu.memory_space<semaphore_mem>>)
      %dma_wait3A = arith.constant 0 : i32
      %dma_wait3A_27 = tpu.memref_slice %arg10[%add3A_12, %dma_wait3A] : memref<10240x128xf32, #tpu.memory_space<vmem_shared>> -> memref<128x128xf32, #tpu.memory_space<vmem_shared>>
      %dma_wait3A_28 = arith.constant 0 : i32
      %dma_wait3A_29 = tpu.memref_slice %arg10[%add3A_12, %dma_wait3A_28] : memref<10240x128xf32, #tpu.memory_space<vmem_shared>> -> memref<128x128xf32, #tpu.memory_space<vmem_shared>>
      tpu.wait_dma2 semaphore(%run_scoped3A : memref<!tpu.dma_semaphore, #tpu.memory_space<semaphore_mem>>) src(%arg8 : memref<128x128xf32, #tpu.memory_space<vmem>>) dst(%dma_wait3A_29 : memref<128x128xf32, #tpu.memory_space<vmem_shared>>)
      tpu.yield
    }) : () -> ()
    %add3A_13 = arith.constant 512 : i32
    %add3A_14 = arith.addi %mul3A_5, %add3A_13 : i32
    "tpu.region"() ({
      %run_scoped3A = tpu.sem_alloc : memref<!tpu.dma_semaphore, #tpu.memory_space<semaphore_mem>>
      %dma_start3A = arith.constant 0 : i32
      %dma_start3A_24 = tpu.memref_slice %arg10[%add3A_14, %dma_start3A] : memref<10240x128xf32, #tpu.memory_space<vmem_shared>> -> memref<128x128xf32, #tpu.memory_space<vmem_shared>>
      %dma_start3A_25 = arith.constant 0 : i32
      %dma_start3A_26 = tpu.memref_slice %arg10[%add3A_14, %dma_start3A_25] : memref<10240x128xf32, #tpu.memory_space<vmem_shared>> -> memref<128x128xf32, #tpu.memory_space<vmem_shared>>
      tpu.enqueue_dma source(%arg8 : memref<128x128xf32, #tpu.memory_space<vmem>>) target(%dma_start3A_26 : memref<128x128xf32, #tpu.memory_space<vmem_shared>>) target_semaphore(%run_scoped3A : memref<!tpu.dma_semaphore, #tpu.memory_space<semaphore_mem>>)
      %dma_wait3A = arith.constant 0 : i32
      %dma_wait3A_27 = tpu.memref_slice %arg10[%add3A_14, %dma_wait3A] : memref<10240x128xf32, #tpu.memory_space<vmem_shared>> -> memref<128x128xf32, #tpu.memory_space<vmem_shared>>
      %dma_wait3A_28 = arith.constant 0 : i32
      %dma_wait3A_29 = tpu.memref_slice %arg10[%add3A_14, %dma_wait3A_28] : memref<10240x128xf32, #tpu.memory_space<vmem_shared>> -> memref<128x128xf32, #tpu.memory_space<vmem_shared>>
      tpu.wait_dma2 semaphore(%run_scoped3A : memref<!tpu.dma_semaphore, #tpu.memory_space<semaphore_mem>>) src(%arg8 : memref<128x128xf32, #tpu.memory_space<vmem>>) dst(%dma_wait3A_29 : memref<128x128xf32, #tpu.memory_space<vmem_shared>>)
      tpu.yield
    }) : () -> ()
    %barrier3A = arith.constant 0 : index
    tpu.barrier barrier_id(%barrier3A)
    %mul3A_15 = arith.constant 80 : i32
    %mul3A_16 = arith.muli %arg1, %mul3A_15 : i32
    %scan3A_17 = arith.constant 0 : i32
    %scan3A_18 = arith.constant 0 : i32
    %scan3A_19 = arith.constant 5 : i32
    %scan3A_20 = arith.addi %scan3A_18, %scan3A_19 : i32
    %scan3A_21 = arith.constant 1 : i32
    scf.for %scan3A_24 = %scan3A_18 to %scan3A_20 step %scan3A_21  : i32 {
      %mul3A_25 = arith.constant 16 : i32
      %mul3A_26 = arith.muli %scan3A_24, %mul3A_25 : i32
      %add3A_27 = arith.addi %mul3A_16, %mul3A_26 : i32
      "tpu.region"() ({
        %run_scoped3A = tpu.sem_alloc : memref<!tpu.dma_semaphore, #tpu.memory_space<semaphore_mem>>
        %dma_start3A_46 = arith.constant 0 : i32
        %dma_start3A_47 = tpu.memref_slice %arg3[%add3A_27, %dma_start3A_46] : memref<1280x128xi32, #tpu.memory_space<hbm>> -> memref<16x128xi32, #tpu.memory_space<hbm>>
        %dma_start3A_48 = arith.constant 0 : i32
        %dma_start3A_49 = tpu.memref_slice %arg3[%add3A_27, %dma_start3A_48] : memref<1280x128xi32, #tpu.memory_space<hbm>> -> memref<16x128xi32, #tpu.memory_space<hbm>>
        tpu.enqueue_dma source(%dma_start3A_49 : memref<16x128xi32, #tpu.memory_space<hbm>>) target(%arg6 : memref<16x128xi32, #tpu.memory_space<vmem>>) target_semaphore(%run_scoped3A : memref<!tpu.dma_semaphore, #tpu.memory_space<semaphore_mem>>)
        %dma_wait3A = arith.constant 0 : i32
        %dma_wait3A_50 = tpu.memref_slice %arg3[%add3A_27, %dma_wait3A] : memref<1280x128xi32, #tpu.memory_space<hbm>> -> memref<16x128xi32, #tpu.memory_space<hbm>>
        %dma_wait3A_51 = arith.constant 0 : i32
        %dma_wait3A_52 = tpu.memref_slice %arg3[%add3A_27, %dma_wait3A_51] : memref<1280x128xi32, #tpu.memory_space<hbm>> -> memref<16x128xi32, #tpu.memory_space<hbm>>
        tpu.wait_dma2 semaphore(%run_scoped3A : memref<!tpu.dma_semaphore, #tpu.memory_space<semaphore_mem>>) src(%dma_wait3A_52 : memref<16x128xi32, #tpu.memory_space<hbm>>) dst(%arg6 : memref<16x128xi32, #tpu.memory_space<vmem>>)
        tpu.yield
      }) : () -> ()
      "tpu.region"() ({
        %run_scoped3A = tpu.sem_alloc : memref<!tpu.dma_semaphore, #tpu.memory_space<semaphore_mem>>
        %dma_start3A_46 = arith.constant 0 : i32
        %dma_start3A_47 = tpu.memref_slice %arg4[%add3A_27, %dma_start3A_46] : memref<1280x128xi32, #tpu.memory_space<hbm>> -> memref<16x128xi32, #tpu.memory_space<hbm>>
        %dma_start3A_48 = arith.constant 0 : i32
        %dma_start3A_49 = tpu.memref_slice %arg4[%add3A_27, %dma_start3A_48] : memref<1280x128xi32, #tpu.memory_space<hbm>> -> memref<16x128xi32, #tpu.memory_space<hbm>>
        tpu.enqueue_dma source(%dma_start3A_49 : memref<16x128xi32, #tpu.memory_space<hbm>>) target(%arg7 : memref<16x128xi32, #tpu.memory_space<vmem>>) target_semaphore(%run_scoped3A : memref<!tpu.dma_semaphore, #tpu.memory_space<semaphore_mem>>)
        %dma_wait3A = arith.constant 0 : i32
        %dma_wait3A_50 = tpu.memref_slice %arg4[%add3A_27, %dma_wait3A] : memref<1280x128xi32, #tpu.memory_space<hbm>> -> memref<16x128xi32, #tpu.memory_space<hbm>>
        %dma_wait3A_51 = arith.constant 0 : i32
        %dma_wait3A_52 = tpu.memref_slice %arg4[%add3A_27, %dma_wait3A_51] : memref<1280x128xi32, #tpu.memory_space<hbm>> -> memref<16x128xi32, #tpu.memory_space<hbm>>
        tpu.wait_dma2 semaphore(%run_scoped3A : memref<!tpu.dma_semaphore, #tpu.memory_space<semaphore_mem>>) src(%dma_wait3A_52 : memref<16x128xi32, #tpu.memory_space<hbm>>) dst(%arg7 : memref<16x128xi32, #tpu.memory_space<vmem>>)
        tpu.yield
      }) : () -> ()
      %scan3A_28 = arith.constant 0 : i32
      %scan3A_29 = arith.constant 0 : i32
      %scan3A_30 = arith.constant 16 : i32
      %scan3A_31 = arith.addi %scan3A_29, %scan3A_30 : i32
      %scan3A_32 = arith.constant 1 : i32
      scf.for %scan3A_46 = %scan3A_29 to %scan3A_31 step %scan3A_32  : i32 {
        %get3A = arith.index_cast %scan3A_46 : i32 to index
        %get3A_47 = arith.constant 0 : index
        %get3A_48 = tpu.vector_load %arg6[%get3A, %get3A_47] {strides = array<i32>} : memref<16x128xi32, #tpu.memory_space<vmem>>, vector<1x16xi32>,
        %get3A_49 = vector.shape_cast %get3A_48 : vector<1x16xi32> to vector<16xi32>
        %add3A_50 = arith.addi %get3A_49, %get3A_49 : vector<16xi32>
        %add3A_51 = vector.broadcast %arg0 : i32 to vector<16xi32>
        %add3A_52 = arith.addi %add3A_50, %add3A_51 : vector<16xi32>
        %swap3A = arith.index_cast %scan3A_46 : i32 to index
        %swap3A_53 = arith.constant 0 : index
        %swap3A_54 = tpu.vector_load %arg6[%swap3A, %swap3A_53] {strides = array<i32>} : memref<16x128xi32, #tpu.memory_space<vmem>>, vector<1x16xi32>,
        %swap3A_55 = vector.shape_cast %swap3A_54 : vector<1x16xi32> to vector<16xi32>
        %swap3A_56 = vector.shape_cast %add3A_52 : vector<16xi32> to vector<1x16xi32>
        tpu.vector_store %arg6[%swap3A, %swap3A_53], %swap3A_56 {strides = array<i32>} : memref<16x128xi32, #tpu.memory_space<vmem>>, vector<1x16xi32>,
        %get3A_57 = arith.index_cast %scan3A_46 : i32 to index
        %get3A_58 = arith.constant 16 : index
        %get3A_59 = tpu.vector_load %arg6[%get3A_57, %get3A_58] {strides = array<i32>} : memref<16x128xi32, #tpu.memory_space<vmem>>, vector<1x16xi32>,
        %get3A_60 = vector.shape_cast %get3A_59 : vector<1x16xi32> to vector<16xi32>
        %add3A_61 = arith.addi %get3A_60, %get3A_60 : vector<16xi32>
        %add3A_62 = vector.broadcast %arg0 : i32 to vector<16xi32>
        %add3A_63 = arith.addi %add3A_61, %add3A_62 : vector<16xi32>
        %swap3A_64 = arith.index_cast %scan3A_46 : i32 to index
        %swap3A_65 = arith.constant 16 : index
        %swap3A_66 = tpu.vector_load %arg6[%swap3A_64, %swap3A_65] {strides = array<i32>} : memref<16x128xi32, #tpu.memory_space<vmem>>, vector<1x16xi32>,
        %swap3A_67 = vector.shape_cast %swap3A_66 : vector<1x16xi32> to vector<16xi32>
        %swap3A_68 = vector.shape_cast %add3A_63 : vector<16xi32> to vector<1x16xi32>
        tpu.vector_store %arg6[%swap3A_64, %swap3A_65], %swap3A_68 {strides = array<i32>} : memref<16x128xi32, #tpu.memory_space<vmem>>, vector<1x16xi32>,
        %get3A_69 = arith.index_cast %scan3A_46 : i32 to index
        %get3A_70 = arith.constant 32 : index
        %get3A_71 = tpu.vector_load %arg6[%get3A_69, %get3A_70] {strides = array<i32>} : memref<16x128xi32, #tpu.memory_space<vmem>>, vector<1x16xi32>,
        %get3A_72 = vector.shape_cast %get3A_71 : vector<1x16xi32> to vector<16xi32>
        %add3A_73 = arith.addi %get3A_72, %get3A_72 : vector<16xi32>
        %add3A_74 = vector.broadcast %arg0 : i32 to vector<16xi32>
        %add3A_75 = arith.addi %add3A_73, %add3A_74 : vector<16xi32>
        %swap3A_76 = arith.index_cast %scan3A_46 : i32 to index
        %swap3A_77 = arith.constant 32 : index
        %swap3A_78 = tpu.vector_load %arg6[%swap3A_76, %swap3A_77] {strides = array<i32>} : memref<16x128xi32, #tpu.memory_space<vmem>>, vector<1x16xi32>,
        %swap3A_79 = vector.shape_cast %swap3A_78 : vector<1x16xi32> to vector<16xi32>
        %swap3A_80 = vector.shape_cast %add3A_75 : vector<16xi32> to vector<1x16xi32>
        tpu.vector_store %arg6[%swap3A_76, %swap3A_77], %swap3A_80 {strides = array<i32>} : memref<16x128xi32, #tpu.memory_space<vmem>>, vector<1x16xi32>,
        %get3A_81 = arith.index_cast %scan3A_46 : i32 to index
        %get3A_82 = arith.constant 48 : index
        %get3A_83 = tpu.vector_load %arg6[%get3A_81, %get3A_82] {strides = array<i32>} : memref<16x128xi32, #tpu.memory_space<vmem>>, vector<1x16xi32>,
        %get3A_84 = vector.shape_cast %get3A_83 : vector<1x16xi32> to vector<16xi32>
        %add3A_85 = arith.addi %get3A_84, %get3A_84 : vector<16xi32>
        %add3A_86 = vector.broadcast %arg0 : i32 to vector<16xi32>
        %add3A_87 = arith.addi %add3A_85, %add3A_86 : vector<16xi32>
        %swap3A_88 = arith.index_cast %scan3A_46 : i32 to index
        %swap3A_89 = arith.constant 48 : index
        %swap3A_90 = tpu.vector_load %arg6[%swap3A_88, %swap3A_89] {strides = array<i32>} : memref<16x128xi32, #tpu.memory_space<vmem>>, vector<1x16xi32>,
        %swap3A_91 = vector.shape_cast %swap3A_90 : vector<1x16xi32> to vector<16xi32>
        %swap3A_92 = vector.shape_cast %add3A_87 : vector<16xi32> to vector<1x16xi32>
        tpu.vector_store %arg6[%swap3A_88, %swap3A_89], %swap3A_92 {strides = array<i32>} : memref<16x128xi32, #tpu.memory_space<vmem>>, vector<1x16xi32>,
        %get3A_93 = arith.index_cast %scan3A_46 : i32 to index
        %get3A_94 = arith.constant 64 : index
        %get3A_95 = tpu.vector_load %arg6[%get3A_93, %get3A_94] {strides = array<i32>} : memref<16x128xi32, #tpu.memory_space<vmem>>, vector<1x16xi32>,
        %get3A_96 = vector.shape_cast %get3A_95 : vector<1x16xi32> to vector<16xi32>
        %add3A_97 = arith.addi %get3A_96, %get3A_96 : vector<16xi32>
        %add3A_98 = vector.broadcast %arg0 : i32 to vector<16xi32>
        %add3A_99 = arith.addi %add3A_97, %add3A_98 : vector<16xi32>
        %swap3A_100 = arith.index_cast %scan3A_46 : i32 to index
        %swap3A_101 = arith.constant 64 : index
        %swap3A_102 = tpu.vector_load %arg6[%swap3A_100, %swap3A_101] {strides = array<i32>} : memref<16x128xi32, #tpu.memory_space<vmem>>, vector<1x16xi32>,
        %swap3A_103 = vector.shape_cast %swap3A_102 : vector<1x16xi32> to vector<16xi32>
        %swap3A_104 = vector.shape_cast %add3A_99 : vector<16xi32> to vector<1x16xi32>
        tpu.vector_store %arg6[%swap3A_100, %swap3A_101], %swap3A_104 {strides = array<i32>} : memref<16x128xi32, #tpu.memory_space<vmem>>, vector<1x16xi32>,
        %get3A_105 = arith.index_cast %scan3A_46 : i32 to index
        %get3A_106 = arith.constant 80 : index
        %get3A_107 = tpu.vector_load %arg6[%get3A_105, %get3A_106] {strides = array<i32>} : memref<16x128xi32, #tpu.memory_space<vmem>>, vector<1x16xi32>,
        %get3A_108 = vector.shape_cast %get3A_107 : vector<1x16xi32> to vector<16xi32>
        %add3A_109 = arith.addi %get3A_108, %get3A_108 : vector<16xi32>
        %add3A_110 = vector.broadcast %arg0 : i32 to vector<16xi32>
        %add3A_111 = arith.addi %add3A_109, %add3A_110 : vector<16xi32>
        %swap3A_112 = arith.index_cast %scan3A_46 : i32 to index
        %swap3A_113 = arith.constant 80 : index
        %swap3A_114 = tpu.vector_load %arg6[%swap3A_112, %swap3A_113] {strides = array<i32>} : memref<16x128xi32, #tpu.memory_space<vmem>>, vector<1x16xi32>,
        %swap3A_115 = vector.shape_cast %swap3A_114 : vector<1x16xi32> to vector<16xi32>
        %swap3A_116 = vector.shape_cast %add3A_111 : vector<16xi32> to vector<1x16xi32>
        tpu.vector_store %arg6[%swap3A_112, %swap3A_113], %swap3A_116 {strides = array<i32>} : memref<16x128xi32, #tpu.memory_space<vmem>>, vector<1x16xi32>,
        %get3A_117 = arith.index_cast %scan3A_46 : i32 to index
        %get3A_118 = arith.constant 96 : index
        %get3A_119 = tpu.vector_load %arg6[%get3A_117, %get3A_118] {strides = array<i32>} : memref<16x128xi32, #tpu.memory_space<vmem>>, vector<1x16xi32>,
        %get3A_120 = vector.shape_cast %get3A_119 : vector<1x16xi32> to vector<16xi32>
        %add3A_121 = arith.addi %get3A_120, %get3A_120 : vector<16xi32>
        %add3A_122 = vector.broadcast %arg0 : i32 to vector<16xi32>
        %add3A_123 = arith.addi %add3A_121, %add3A_122 : vector<16xi32>
        %swap3A_124 = arith.index_cast %scan3A_46 : i32 to index
        %swap3A_125 = arith.constant 96 : index
        %swap3A_126 = tpu.vector_load %arg6[%swap3A_124, %swap3A_125] {strides = array<i32>} : memref<16x128xi32, #tpu.memory_space<vmem>>, vector<1x16xi32>,
        %swap3A_127 = vector.shape_cast %swap3A_126 : vector<1x16xi32> to vector<16xi32>
        %swap3A_128 = vector.shape_cast %add3A_123 : vector<16xi32> to vector<1x16xi32>
        tpu.vector_store %arg6[%swap3A_124, %swap3A_125], %swap3A_128 {strides = array<i32>} : memref<16x128xi32, #tpu.memory_space<vmem>>, vector<1x16xi32>,
        %get3A_129 = arith.index_cast %scan3A_46 : i32 to index
        %get3A_130 = arith.constant 112 : index
        %get3A_131 = tpu.vector_load %arg6[%get3A_129, %get3A_130] {strides = array<i32>} : memref<16x128xi32, #tpu.memory_space<vmem>>, vector<1x16xi32>,
        %get3A_132 = vector.shape_cast %get3A_131 : vector<1x16xi32> to vector<16xi32>
        %add3A_133 = arith.addi %get3A_132, %get3A_132 : vector<16xi32>
        %add3A_134 = vector.broadcast %arg0 : i32 to vector<16xi32>
        %add3A_135 = arith.addi %add3A_133, %add3A_134 : vector<16xi32>
        %swap3A_136 = arith.index_cast %scan3A_46 : i32 to index
        %swap3A_137 = arith.constant 112 : index
        %swap3A_138 = tpu.vector_load %arg6[%swap3A_136, %swap3A_137] {strides = array<i32>} : memref<16x128xi32, #tpu.memory_space<vmem>>, vector<1x16xi32>,
        %swap3A_139 = vector.shape_cast %swap3A_138 : vector<1x16xi32> to vector<16xi32>
        %swap3A_140 = vector.shape_cast %add3A_135 : vector<16xi32> to vector<1x16xi32>
        tpu.vector_store %arg6[%swap3A_136, %swap3A_137], %swap3A_140 {strides = array<i32>} : memref<16x128xi32, #tpu.memory_space<vmem>>, vector<1x16xi32>,
      }
      %scan3A_33 = arith.constant 16 : i32
      %dma_start3A = arith.constant 0 : i32
      %dma_start3A_34 = arith.constant 0 : i32
      %dma_start3A_35 = tpu.memref_slice %arg6[%dma_start3A, %dma_start3A_34] : memref<16x128xi32, #tpu.memory_space<vmem>> -> memref<1x128xi32, #tpu.memory_space<vmem>>
      %dma_start3A_36 = tpu.memref_squeeze %dma_start3A_35 : memref<1x128xi32, #tpu.memory_space<vmem>> -> memref<128xi32, #tpu.memory_space<vmem>>
      %dma_start3A_37 = arith.constant 0 : i32
      %dma_start3A_38 = arith.constant 0 : i32
      %dma_start3A_39 = tpu.memref_slice %arg2[%dma_start3A_37, %dma_start3A_38] : memref<20480x128xf32, #tpu.memory_space<hbm>> -> memref<20480x128xf32, #tpu.memory_space<hbm>>
      tpu.enqueue_indirect_dma source(%dma_start3A_39 : memref<20480x128xf32, #tpu.memory_space<hbm>>) target(%arg8 : memref<128x128xf32, #tpu.memory_space<vmem>>) offsets(%dma_start3A_36 : memref<128xi32, #tpu.memory_space<vmem>>) semaphore(%arg11 : memref<!tpu.dma_semaphore, #tpu.memory_space<semaphore_mem>>)
      %scan3A_40 = arith.constant 0 : i32
      %scan3A_41 = arith.constant 0 : i32
      %scan3A_42 = arith.constant 8 : i32
      %scan3A_43 = arith.addi %scan3A_41, %scan3A_42 : i32
      %scan3A_44 = arith.constant 1 : i32
      scf.for %scan3A_46 = %scan3A_41 to %scan3A_43 step %scan3A_44  : i32 {
        %mul3A_47 = arith.constant 2 : i32
        %mul3A_48 = arith.muli %mul3A_47, %scan3A_46 : i32
        %add3A_49 = arith.constant 1 : i32
        %add3A_50 = arith.addi %mul3A_48, %add3A_49 : i32
        %dma_start3A_51 = arith.constant 0 : i32
        %dma_start3A_52 = tpu.memref_slice %arg6[%add3A_50, %dma_start3A_51] : memref<16x128xi32, #tpu.memory_space<vmem>> -> memref<1x128xi32, #tpu.memory_space<vmem>>
        %dma_start3A_53 = tpu.memref_squeeze %dma_start3A_52 : memref<1x128xi32, #tpu.memory_space<vmem>> -> memref<128xi32, #tpu.memory_space<vmem>>
        %dma_start3A_54 = arith.constant 0 : i32
        %dma_start3A_55 = arith.constant 0 : i32
        %dma_start3A_56 = tpu.memref_slice %arg2[%dma_start3A_54, %dma_start3A_55] : memref<20480x128xf32, #tpu.memory_space<hbm>> -> memref<20480x128xf32, #tpu.memory_space<hbm>>
        tpu.enqueue_indirect_dma source(%dma_start3A_56 : memref<20480x128xf32, #tpu.memory_space<hbm>>) target(%arg9 : memref<128x128xf32, #tpu.memory_space<vmem>>) offsets(%dma_start3A_53 : memref<128xi32, #tpu.memory_space<vmem>>) semaphore(%arg12 : memref<!tpu.dma_semaphore, #tpu.memory_space<semaphore_mem>>)
        %dma_wait3A = arith.constant 0 : i32
        %dma_wait3A_57 = tpu.memref_slice %arg6[%mul3A_48, %dma_wait3A] : memref<16x128xi32, #tpu.memory_space<vmem>> -> memref<1x128xi32, #tpu.memory_space<vmem>>
        %dma_wait3A_58 = tpu.memref_squeeze %dma_wait3A_57 : memref<1x128xi32, #tpu.memory_space<vmem>> -> memref<128xi32, #tpu.memory_space<vmem>>
        %dma_wait3A_59 = arith.constant 0 : i32
        %dma_wait3A_60 = arith.constant 0 : i32
        %dma_wait3A_61 = tpu.memref_slice %arg2[%dma_wait3A_59, %dma_wait3A_60] : memref<20480x128xf32, #tpu.memory_space<hbm>> -> memref<20480x128xf32, #tpu.memory_space<hbm>>
        tpu.wait_indirect_dma semaphore(%arg11 : memref<!tpu.dma_semaphore, #tpu.memory_space<semaphore_mem>>) src(%dma_wait3A_61 : memref<20480x128xf32, #tpu.memory_space<hbm>>) dst(%arg8 : memref<128x128xf32, #tpu.memory_space<vmem>>)
        "tpu.region"() ({
          %run_scoped3A = tpu.sem_alloc : memref<!tpu.dma_semaphore, #tpu.memory_space<semaphore_mem>>
          %dma_start3A_72 = arith.constant 0 : i32
          %dma_start3A_73 = tpu.memref_slice %arg7[%mul3A_48, %dma_start3A_72] : memref<16x128xi32, #tpu.memory_space<vmem>> -> memref<1x128xi32, #tpu.memory_space<vmem>>
          %dma_start3A_74 = tpu.memref_squeeze %dma_start3A_73 : memref<1x128xi32, #tpu.memory_space<vmem>> -> memref<128xi32, #tpu.memory_space<vmem>>
          %dma_start3A_75 = arith.constant 0 : i32
          %dma_start3A_76 = arith.constant 0 : i32
          %dma_start3A_77 = tpu.memref_slice %arg10[%dma_start3A_75, %dma_start3A_76] : memref<10240x128xf32, #tpu.memory_space<vmem_shared>> -> memref<10240x128xf32, #tpu.memory_space<vmem_shared>>
          tpu.enqueue_indirect_dma source(%arg8 : memref<128x128xf32, #tpu.memory_space<vmem>>) target(%dma_start3A_77 : memref<10240x128xf32, #tpu.memory_space<vmem_shared>>) offsets(%dma_start3A_74 : memref<128xi32, #tpu.memory_space<vmem>>) semaphore(%run_scoped3A : memref<!tpu.dma_semaphore, #tpu.memory_space<semaphore_mem>>) {add = true}
          %dma_wait3A_78 = arith.constant 0 : i32
          %dma_wait3A_79 = tpu.memref_slice %arg7[%mul3A_48, %dma_wait3A_78] : memref<16x128xi32, #tpu.memory_space<vmem>> -> memref<1x128xi32, #tpu.memory_space<vmem>>
          %dma_wait3A_80 = tpu.memref_squeeze %dma_wait3A_79 : memref<1x128xi32, #tpu.memory_space<vmem>> -> memref<128xi32, #tpu.memory_space<vmem>>
          %dma_wait3A_81 = arith.constant 0 : i32
          %dma_wait3A_82 = arith.constant 0 : i32
          %dma_wait3A_83 = tpu.memref_slice %arg10[%dma_wait3A_81, %dma_wait3A_82] : memref<10240x128xf32, #tpu.memory_space<vmem_shared>> -> memref<10240x128xf32, #tpu.memory_space<vmem_shared>>
          tpu.wait_indirect_dma semaphore(%run_scoped3A : memref<!tpu.dma_semaphore, #tpu.memory_space<semaphore_mem>>) src(%arg8 : memref<128x128xf32, #tpu.memory_space<vmem>>) dst(%dma_wait3A_83 : memref<10240x128xf32, #tpu.memory_space<vmem_shared>>)
          tpu.yield
        }) : () -> ()
        %add3A_62 = arith.constant 1 : i32
        %add3A_63 = arith.addi %add3A_50, %add3A_62 : i32
        %lt3A = arith.constant 16 : i32
        %lt3A_64 = arith.cmpi slt, %add3A_63, %lt3A : i32
        %convert_element_type3A = arith.extui %lt3A_64 : i1 to i32
        %cond3A = arith.constant 0 : i32
        %cond3A_65 = arith.cmpi ne, %convert_element_type3A, %cond3A : i32
        scf.if %cond3A_65 {
          %add3A_72 = arith.constant 1 : i32
          %add3A_73 = arith.addi %add3A_50, %add3A_72 : i32
          %dma_start3A_74 = arith.constant 0 : i32
          %dma_start3A_75 = tpu.memref_slice %arg6[%add3A_73, %dma_start3A_74] : memref<16x128xi32, #tpu.memory_space<vmem>> -> memref<1x128xi32, #tpu.memory_space<vmem>>
          %dma_start3A_76 = tpu.memref_squeeze %dma_start3A_75 : memref<1x128xi32, #tpu.memory_space<vmem>> -> memref<128xi32, #tpu.memory_space<vmem>>
          %dma_start3A_77 = arith.constant 0 : i32
          %dma_start3A_78 = arith.constant 0 : i32
          %dma_start3A_79 = tpu.memref_slice %arg2[%dma_start3A_77, %dma_start3A_78] : memref<20480x128xf32, #tpu.memory_space<hbm>> -> memref<20480x128xf32, #tpu.memory_space<hbm>>
          tpu.enqueue_indirect_dma source(%dma_start3A_79 : memref<20480x128xf32, #tpu.memory_space<hbm>>) target(%arg8 : memref<128x128xf32, #tpu.memory_space<vmem>>) offsets(%dma_start3A_76 : memref<128xi32, #tpu.memory_space<vmem>>) semaphore(%arg11 : memref<!tpu.dma_semaphore, #tpu.memory_space<semaphore_mem>>)
        } else {
        }
        %dma_wait3A_66 = arith.constant 0 : i32
        %dma_wait3A_67 = tpu.memref_slice %arg6[%add3A_50, %dma_wait3A_66] : memref<16x128xi32, #tpu.memory_space<vmem>> -> memref<1x128xi32, #tpu.memory_space<vmem>>
        %dma_wait3A_68 = tpu.memref_squeeze %dma_wait3A_67 : memref<1x128xi32, #tpu.memory_space<vmem>> -> memref<128xi32, #tpu.memory_space<vmem>>
        %dma_wait3A_69 = arith.constant 0 : i32
        %dma_wait3A_70 = arith.constant 0 : i32
        %dma_wait3A_71 = tpu.memref_slice %arg2[%dma_wait3A_69, %dma_wait3A_70] : memref<20480x128xf32, #tpu.memory_space<hbm>> -> memref<20480x128xf32, #tpu.memory_space<hbm>>
        tpu.wait_indirect_dma semaphore(%arg12 : memref<!tpu.dma_semaphore, #tpu.memory_space<semaphore_mem>>) src(%dma_wait3A_71 : memref<20480x128xf32, #tpu.memory_space<hbm>>) dst(%arg9 : memref<128x128xf32, #tpu.memory_space<vmem>>)
        "tpu.region"() ({
          %run_scoped3A = tpu.sem_alloc : memref<!tpu.dma_semaphore, #tpu.memory_space<semaphore_mem>>
          %dma_start3A_72 = arith.constant 0 : i32
          %dma_start3A_73 = tpu.memref_slice %arg7[%add3A_50, %dma_start3A_72] : memref<16x128xi32, #tpu.memory_space<vmem>> -> memref<1x128xi32, #tpu.memory_space<vmem>>
          %dma_start3A_74 = tpu.memref_squeeze %dma_start3A_73 : memref<1x128xi32, #tpu.memory_space<vmem>> -> memref<128xi32, #tpu.memory_space<vmem>>
          %dma_start3A_75 = arith.constant 0 : i32
          %dma_start3A_76 = arith.constant 0 : i32
          %dma_start3A_77 = tpu.memref_slice %arg10[%dma_start3A_75, %dma_start3A_76] : memref<10240x128xf32, #tpu.memory_space<vmem_shared>> -> memref<10240x128xf32, #tpu.memory_space<vmem_shared>>
          tpu.enqueue_indirect_dma source(%arg9 : memref<128x128xf32, #tpu.memory_space<vmem>>) target(%dma_start3A_77 : memref<10240x128xf32, #tpu.memory_space<vmem_shared>>) offsets(%dma_start3A_74 : memref<128xi32, #tpu.memory_space<vmem>>) semaphore(%run_scoped3A : memref<!tpu.dma_semaphore, #tpu.memory_space<semaphore_mem>>) {add = true}
          %dma_wait3A_78 = arith.constant 0 : i32
          %dma_wait3A_79 = tpu.memref_slice %arg7[%add3A_50, %dma_wait3A_78] : memref<16x128xi32, #tpu.memory_space<vmem>> -> memref<1x128xi32, #tpu.memory_space<vmem>>
          %dma_wait3A_80 = tpu.memref_squeeze %dma_wait3A_79 : memref<1x128xi32, #tpu.memory_space<vmem>> -> memref<128xi32, #tpu.memory_space<vmem>>
          %dma_wait3A_81 = arith.constant 0 : i32
          %dma_wait3A_82 = arith.constant 0 : i32
          %dma_wait3A_83 = tpu.memref_slice %arg10[%dma_wait3A_81, %dma_wait3A_82] : memref<10240x128xf32, #tpu.memory_space<vmem_shared>> -> memref<10240x128xf32, #tpu.memory_space<vmem_shared>>
          tpu.wait_indirect_dma semaphore(%run_scoped3A : memref<!tpu.dma_semaphore, #tpu.memory_space<semaphore_mem>>) src(%arg9 : memref<128x128xf32, #tpu.memory_space<vmem>>) dst(%dma_wait3A_83 : memref<10240x128xf32, #tpu.memory_space<vmem_shared>>)
          tpu.yield
        }) : () -> ()
      }
      %scan3A_45 = arith.constant 8 : i32
    }
    %scan3A_22 = arith.constant 5 : i32
    %barrier3A_23 = arith.constant 0 : index
    tpu.barrier barrier_id(%barrier3A_23)
    "tpu.region"() ({
      %run_scoped3A = tpu.sem_alloc : memref<!tpu.dma_semaphore, #tpu.memory_space<semaphore_mem>>
      %dma_start3A = arith.constant 0 : i32
      %dma_start3A_24 = tpu.memref_slice %arg5[%arg0, %mul3A_5, %dma_start3A] : memref<2x10240x128xf32, #tpu.memory_space<hbm>> -> memref<1x640x128xf32, #tpu.memory_space<hbm>>
      %dma_start3A_25 = tpu.memref_squeeze %dma_start3A_24 : memref<1x640x128xf32, #tpu.memory_space<hbm>> -> memref<640x128xf32, #tpu.memory_space<hbm>>
      %dma_start3A_26 = arith.constant 0 : i32
      %dma_start3A_27 = tpu.memref_slice %arg10[%mul3A_5, %dma_start3A_26] : memref<10240x128xf32, #tpu.memory_space<vmem_shared>> -> memref<640x128xf32, #tpu.memory_space<vmem_shared>>
      tpu.enqueue_dma source(%dma_start3A_27 : memref<640x128xf32, #tpu.memory_space<vmem_shared>>) target(%dma_start3A_25 : memref<640x128xf32, #tpu.memory_space<hbm>>) target_semaphore(%run_scoped3A : memref<!tpu.dma_semaphore, #tpu.memory_space<semaphore_mem>>)
      %dma_wait3A = arith.constant 0 : i32
      %dma_wait3A_28 = tpu.memref_slice %arg5[%arg0, %mul3A_5, %dma_wait3A] : memref<2x10240x128xf32, #tpu.memory_space<hbm>> -> memref<1x640x128xf32, #tpu.memory_space<hbm>>
      %dma_wait3A_29 = tpu.memref_squeeze %dma_wait3A_28 : memref<1x640x128xf32, #tpu.memory_space<hbm>> -> memref<640x128xf32, #tpu.memory_space<hbm>>
      %dma_wait3A_30 = arith.constant 0 : i32
      %dma_wait3A_31 = tpu.memref_slice %arg10[%mul3A_5, %dma_wait3A_30] : memref<10240x128xf32, #tpu.memory_space<vmem_shared>> -> memref<640x128xf32, #tpu.memory_space<vmem_shared>>
      tpu.wait_dma2 semaphore(%run_scoped3A : memref<!tpu.dma_semaphore, #tpu.memory_space<semaphore_mem>>) src(%dma_wait3A_31 : memref<640x128xf32, #tpu.memory_space<vmem_shared>>) dst(%dma_wait3A_29 : memref<640x128xf32, #tpu.memory_space<hbm>>)
      tpu.yield
    }) : () -> ()
    return
  }
}

#map = affine_map<(d0, d1) -> (0)>
#map1 = affine_map<(d0, d1) -> (0, 0)>
module attributes {stable_mosaic.version = 14 : i64} {
  func.func @body(%arg0: i32, %arg1: i32, %arg2: memref<10240xf32, #tpu.memory_space<hbm>>, %arg3: memref<1280x128xi32, #tpu.memory_space<hbm>>, %arg4: memref<1280x128xi32, #tpu.memory_space<hbm>>, %arg5: memref<2x10240xf32, #tpu.memory_space<hbm>>, %arg6: memref<40x128xi32, #tpu.memory_space<vmem>>, %arg7: memref<40x128xi32, #tpu.memory_space<vmem>>, %arg8: memref<128xf32, #tpu.memory_space<vmem>>, %arg9: memref<128xf32, #tpu.memory_space<vmem>>, %arg10: memref<10240xf32, #tpu.memory_space<vmem_shared>>, %arg11: memref<!tpu.dma_semaphore, #tpu.memory_space<semaphore_mem>>, %arg12: memref<!tpu.dma_semaphore, #tpu.memory_space<semaphore_mem>>) attributes {dimension_semantics = [#tpu.dimension_semantics<core_parallel>, #tpu.dimension_semantics<subcore_parallel>], iteration_bounds = array<i64: 2, 16>, scalar_prefetch = 0 : i64, scratch_operands = 7 : i64, tpu.core_type = #tpu.core_type<sc_vector_subcore>, window_params = [{transform_indices = #map}, {transform_indices = #map1}, {transform_indices = #map1}, {transform_indices = #map1}]} {
    %broadcast_in_dim3A = arith.constant 0.000000e+00 : f32
    %broadcast_in_dim3A_0 = vector.broadcast %broadcast_in_dim3A : f32 to vector<16xf32>
    %swap3A = arith.constant 0 : index
    %swap3A_1 = tpu.vector_load %arg8[%swap3A] {strides = array<i32>} : memref<128xf32, #tpu.memory_space<vmem>>, vector<16xf32>,
    %swap3A_2 = vector.shape_cast %swap3A_1 : vector<16xf32> to vector<16xf32>
    %swap3A_3 = vector.shape_cast %broadcast_in_dim3A_0 : vector<16xf32> to vector<16xf32>
    tpu.vector_store %arg8[%swap3A], %swap3A_3 {strides = array<i32>} : memref<128xf32, #tpu.memory_space<vmem>>, vector<16xf32>,
    %broadcast_in_dim3A_4 = arith.constant 0.000000e+00 : f32
    %broadcast_in_dim3A_5 = vector.broadcast %broadcast_in_dim3A_4 : f32 to vector<16xf32>
    %swap3A_6 = arith.constant 16 : index
    %swap3A_7 = tpu.vector_load %arg8[%swap3A_6] {strides = array<i32>} : memref<128xf32, #tpu.memory_space<vmem>>, vector<16xf32>,
    %swap3A_8 = vector.shape_cast %swap3A_7 : vector<16xf32> to vector<16xf32>
    %swap3A_9 = vector.shape_cast %broadcast_in_dim3A_5 : vector<16xf32> to vector<16xf32>
    tpu.vector_store %arg8[%swap3A_6], %swap3A_9 {strides = array<i32>} : memref<128xf32, #tpu.memory_space<vmem>>, vector<16xf32>,
    %broadcast_in_dim3A_10 = arith.constant 0.000000e+00 : f32
    %broadcast_in_dim3A_11 = vector.broadcast %broadcast_in_dim3A_10 : f32 to vector<16xf32>
    %swap3A_12 = arith.constant 32 : index
    %swap3A_13 = tpu.vector_load %arg8[%swap3A_12] {strides = array<i32>} : memref<128xf32, #tpu.memory_space<vmem>>, vector<16xf32>,
    %swap3A_14 = vector.shape_cast %swap3A_13 : vector<16xf32> to vector<16xf32>
    %swap3A_15 = vector.shape_cast %broadcast_in_dim3A_11 : vector<16xf32> to vector<16xf32>
    tpu.vector_store %arg8[%swap3A_12], %swap3A_15 {strides = array<i32>} : memref<128xf32, #tpu.memory_space<vmem>>, vector<16xf32>,
    %broadcast_in_dim3A_16 = arith.constant 0.000000e+00 : f32
    %broadcast_in_dim3A_17 = vector.broadcast %broadcast_in_dim3A_16 : f32 to vector<16xf32>
    %swap3A_18 = arith.constant 48 : index
    %swap3A_19 = tpu.vector_load %arg8[%swap3A_18] {strides = array<i32>} : memref<128xf32, #tpu.memory_space<vmem>>, vector<16xf32>,
    %swap3A_20 = vector.shape_cast %swap3A_19 : vector<16xf32> to vector<16xf32>
    %swap3A_21 = vector.shape_cast %broadcast_in_dim3A_17 : vector<16xf32> to vector<16xf32>
    tpu.vector_store %arg8[%swap3A_18], %swap3A_21 {strides = array<i32>} : memref<128xf32, #tpu.memory_space<vmem>>, vector<16xf32>,
    %broadcast_in_dim3A_22 = arith.constant 0.000000e+00 : f32
    %broadcast_in_dim3A_23 = vector.broadcast %broadcast_in_dim3A_22 : f32 to vector<16xf32>
    %swap3A_24 = arith.constant 64 : index
    %swap3A_25 = tpu.vector_load %arg8[%swap3A_24] {strides = array<i32>} : memref<128xf32, #tpu.memory_space<vmem>>, vector<16xf32>,
    %swap3A_26 = vector.shape_cast %swap3A_25 : vector<16xf32> to vector<16xf32>
    %swap3A_27 = vector.shape_cast %broadcast_in_dim3A_23 : vector<16xf32> to vector<16xf32>
    tpu.vector_store %arg8[%swap3A_24], %swap3A_27 {strides = array<i32>} : memref<128xf32, #tpu.memory_space<vmem>>, vector<16xf32>,
    %broadcast_in_dim3A_28 = arith.constant 0.000000e+00 : f32
    %broadcast_in_dim3A_29 = vector.broadcast %broadcast_in_dim3A_28 : f32 to vector<16xf32>
    %swap3A_30 = arith.constant 80 : index
    %swap3A_31 = tpu.vector_load %arg8[%swap3A_30] {strides = array<i32>} : memref<128xf32, #tpu.memory_space<vmem>>, vector<16xf32>,
    %swap3A_32 = vector.shape_cast %swap3A_31 : vector<16xf32> to vector<16xf32>
    %swap3A_33 = vector.shape_cast %broadcast_in_dim3A_29 : vector<16xf32> to vector<16xf32>
    tpu.vector_store %arg8[%swap3A_30], %swap3A_33 {strides = array<i32>} : memref<128xf32, #tpu.memory_space<vmem>>, vector<16xf32>,
    %broadcast_in_dim3A_34 = arith.constant 0.000000e+00 : f32
    %broadcast_in_dim3A_35 = vector.broadcast %broadcast_in_dim3A_34 : f32 to vector<16xf32>
    %swap3A_36 = arith.constant 96 : index
    %swap3A_37 = tpu.vector_load %arg8[%swap3A_36] {strides = array<i32>} : memref<128xf32, #tpu.memory_space<vmem>>, vector<16xf32>,
    %swap3A_38 = vector.shape_cast %swap3A_37 : vector<16xf32> to vector<16xf32>
    %swap3A_39 = vector.shape_cast %broadcast_in_dim3A_35 : vector<16xf32> to vector<16xf32>
    tpu.vector_store %arg8[%swap3A_36], %swap3A_39 {strides = array<i32>} : memref<128xf32, #tpu.memory_space<vmem>>, vector<16xf32>,
    %broadcast_in_dim3A_40 = arith.constant 0.000000e+00 : f32
    %broadcast_in_dim3A_41 = vector.broadcast %broadcast_in_dim3A_40 : f32 to vector<16xf32>
    %swap3A_42 = arith.constant 112 : index
    %swap3A_43 = tpu.vector_load %arg8[%swap3A_42] {strides = array<i32>} : memref<128xf32, #tpu.memory_space<vmem>>, vector<16xf32>,
    %swap3A_44 = vector.shape_cast %swap3A_43 : vector<16xf32> to vector<16xf32>
    %swap3A_45 = vector.shape_cast %broadcast_in_dim3A_41 : vector<16xf32> to vector<16xf32>
    tpu.vector_store %arg8[%swap3A_42], %swap3A_45 {strides = array<i32>} : memref<128xf32, #tpu.memory_space<vmem>>, vector<16xf32>,
    %mul3A = arith.constant 640 : i32
    %mul3A_46 = arith.muli %arg1, %mul3A : i32
    %add3A = arith.constant 0 : i32
    %add3A_47 = arith.addi %mul3A_46, %add3A : i32
    "tpu.region"() ({
      %run_scoped3A = tpu.sem_alloc : memref<!tpu.dma_semaphore, #tpu.memory_space<semaphore_mem>>
      %dma_start3A = tpu.memref_slice %arg10[%add3A_47] : memref<10240xf32, #tpu.memory_space<vmem_shared>> -> memref<128xf32, #tpu.memory_space<vmem_shared>>
      %dma_start3A_115 = tpu.memref_slice %arg10[%add3A_47] : memref<10240xf32, #tpu.memory_space<vmem_shared>> -> memref<128xf32, #tpu.memory_space<vmem_shared>>
      tpu.enqueue_dma source(%arg8 : memref<128xf32, #tpu.memory_space<vmem>>) target(%dma_start3A_115 : memref<128xf32, #tpu.memory_space<vmem_shared>>) target_semaphore(%run_scoped3A : memref<!tpu.dma_semaphore, #tpu.memory_space<semaphore_mem>>)
      %dma_wait3A = tpu.memref_slice %arg10[%add3A_47] : memref<10240xf32, #tpu.memory_space<vmem_shared>> -> memref<128xf32, #tpu.memory_space<vmem_shared>>
      %dma_wait3A_116 = tpu.memref_slice %arg10[%add3A_47] : memref<10240xf32, #tpu.memory_space<vmem_shared>> -> memref<128xf32, #tpu.memory_space<vmem_shared>>
      tpu.wait_dma2 semaphore(%run_scoped3A : memref<!tpu.dma_semaphore, #tpu.memory_space<semaphore_mem>>) src(%arg8 : memref<128xf32, #tpu.memory_space<vmem>>) dst(%dma_wait3A_116 : memref<128xf32, #tpu.memory_space<vmem_shared>>)
      tpu.yield
    }) : () -> ()
    %add3A_48 = arith.constant 128 : i32
    %add3A_49 = arith.addi %mul3A_46, %add3A_48 : i32
    "tpu.region"() ({
      %run_scoped3A = tpu.sem_alloc : memref<!tpu.dma_semaphore, #tpu.memory_space<semaphore_mem>>
      %dma_start3A = tpu.memref_slice %arg10[%add3A_49] : memref<10240xf32, #tpu.memory_space<vmem_shared>> -> memref<128xf32, #tpu.memory_space<vmem_shared>>
      %dma_start3A_115 = tpu.memref_slice %arg10[%add3A_49] : memref<10240xf32, #tpu.memory_space<vmem_shared>> -> memref<128xf32, #tpu.memory_space<vmem_shared>>
      tpu.enqueue_dma source(%arg8 : memref<128xf32, #tpu.memory_space<vmem>>) target(%dma_start3A_115 : memref<128xf32, #tpu.memory_space<vmem_shared>>) target_semaphore(%run_scoped3A : memref<!tpu.dma_semaphore, #tpu.memory_space<semaphore_mem>>)
      %dma_wait3A = tpu.memref_slice %arg10[%add3A_49] : memref<10240xf32, #tpu.memory_space<vmem_shared>> -> memref<128xf32, #tpu.memory_space<vmem_shared>>
      %dma_wait3A_116 = tpu.memref_slice %arg10[%add3A_49] : memref<10240xf32, #tpu.memory_space<vmem_shared>> -> memref<128xf32, #tpu.memory_space<vmem_shared>>
      tpu.wait_dma2 semaphore(%run_scoped3A : memref<!tpu.dma_semaphore, #tpu.memory_space<semaphore_mem>>) src(%arg8 : memref<128xf32, #tpu.memory_space<vmem>>) dst(%dma_wait3A_116 : memref<128xf32, #tpu.memory_space<vmem_shared>>)
      tpu.yield
    }) : () -> ()
    %add3A_50 = arith.constant 256 : i32
    %add3A_51 = arith.addi %mul3A_46, %add3A_50 : i32
    "tpu.region"() ({
      %run_scoped3A = tpu.sem_alloc : memref<!tpu.dma_semaphore, #tpu.memory_space<semaphore_mem>>
      %dma_start3A = tpu.memref_slice %arg10[%add3A_51] : memref<10240xf32, #tpu.memory_space<vmem_shared>> -> memref<128xf32, #tpu.memory_space<vmem_shared>>
      %dma_start3A_115 = tpu.memref_slice %arg10[%add3A_51] : memref<10240xf32, #tpu.memory_space<vmem_shared>> -> memref<128xf32, #tpu.memory_space<vmem_shared>>
      tpu.enqueue_dma source(%arg8 : memref<128xf32, #tpu.memory_space<vmem>>) target(%dma_start3A_115 : memref<128xf32, #tpu.memory_space<vmem_shared>>) target_semaphore(%run_scoped3A : memref<!tpu.dma_semaphore, #tpu.memory_space<semaphore_mem>>)
      %dma_wait3A = tpu.memref_slice %arg10[%add3A_51] : memref<10240xf32, #tpu.memory_space<vmem_shared>> -> memref<128xf32, #tpu.memory_space<vmem_shared>>
      %dma_wait3A_116 = tpu.memref_slice %arg10[%add3A_51] : memref<10240xf32, #tpu.memory_space<vmem_shared>> -> memref<128xf32, #tpu.memory_space<vmem_shared>>
      tpu.wait_dma2 semaphore(%run_scoped3A : memref<!tpu.dma_semaphore, #tpu.memory_space<semaphore_mem>>) src(%arg8 : memref<128xf32, #tpu.memory_space<vmem>>) dst(%dma_wait3A_116 : memref<128xf32, #tpu.memory_space<vmem_shared>>)
      tpu.yield
    }) : () -> ()
    %add3A_52 = arith.constant 384 : i32
    %add3A_53 = arith.addi %mul3A_46, %add3A_52 : i32
    "tpu.region"() ({
      %run_scoped3A = tpu.sem_alloc : memref<!tpu.dma_semaphore, #tpu.memory_space<semaphore_mem>>
      %dma_start3A = tpu.memref_slice %arg10[%add3A_53] : memref<10240xf32, #tpu.memory_space<vmem_shared>> -> memref<128xf32, #tpu.memory_space<vmem_shared>>
      %dma_start3A_115 = tpu.memref_slice %arg10[%add3A_53] : memref<10240xf32, #tpu.memory_space<vmem_shared>> -> memref<128xf32, #tpu.memory_space<vmem_shared>>
      tpu.enqueue_dma source(%arg8 : memref<128xf32, #tpu.memory_space<vmem>>) target(%dma_start3A_115 : memref<128xf32, #tpu.memory_space<vmem_shared>>) target_semaphore(%run_scoped3A : memref<!tpu.dma_semaphore, #tpu.memory_space<semaphore_mem>>)
      %dma_wait3A = tpu.memref_slice %arg10[%add3A_53] : memref<10240xf32, #tpu.memory_space<vmem_shared>> -> memref<128xf32, #tpu.memory_space<vmem_shared>>
      %dma_wait3A_116 = tpu.memref_slice %arg10[%add3A_53] : memref<10240xf32, #tpu.memory_space<vmem_shared>> -> memref<128xf32, #tpu.memory_space<vmem_shared>>
      tpu.wait_dma2 semaphore(%run_scoped3A : memref<!tpu.dma_semaphore, #tpu.memory_space<semaphore_mem>>) src(%arg8 : memref<128xf32, #tpu.memory_space<vmem>>) dst(%dma_wait3A_116 : memref<128xf32, #tpu.memory_space<vmem_shared>>)
      tpu.yield
    }) : () -> ()
    %add3A_54 = arith.constant 512 : i32
    %add3A_55 = arith.addi %mul3A_46, %add3A_54 : i32
    "tpu.region"() ({
      %run_scoped3A = tpu.sem_alloc : memref<!tpu.dma_semaphore, #tpu.memory_space<semaphore_mem>>
      %dma_start3A = tpu.memref_slice %arg10[%add3A_55] : memref<10240xf32, #tpu.memory_space<vmem_shared>> -> memref<128xf32, #tpu.memory_space<vmem_shared>>
      %dma_start3A_115 = tpu.memref_slice %arg10[%add3A_55] : memref<10240xf32, #tpu.memory_space<vmem_shared>> -> memref<128xf32, #tpu.memory_space<vmem_shared>>
      tpu.enqueue_dma source(%arg8 : memref<128xf32, #tpu.memory_space<vmem>>) target(%dma_start3A_115 : memref<128xf32, #tpu.memory_space<vmem_shared>>) target_semaphore(%run_scoped3A : memref<!tpu.dma_semaphore, #tpu.memory_space<semaphore_mem>>)
      %dma_wait3A = tpu.memref_slice %arg10[%add3A_55] : memref<10240xf32, #tpu.memory_space<vmem_shared>> -> memref<128xf32, #tpu.memory_space<vmem_shared>>
      %dma_wait3A_116 = tpu.memref_slice %arg10[%add3A_55] : memref<10240xf32, #tpu.memory_space<vmem_shared>> -> memref<128xf32, #tpu.memory_space<vmem_shared>>
      tpu.wait_dma2 semaphore(%run_scoped3A : memref<!tpu.dma_semaphore, #tpu.memory_space<semaphore_mem>>) src(%arg8 : memref<128xf32, #tpu.memory_space<vmem>>) dst(%dma_wait3A_116 : memref<128xf32, #tpu.memory_space<vmem_shared>>)
      tpu.yield
    }) : () -> ()
    %mul3A_56 = arith.constant 16 : i32
    %mul3A_57 = arith.muli %arg0, %mul3A_56 : i32
    %add3A_58 = arith.addi %mul3A_57, %arg1 : i32
    %mul3A_59 = arith.constant 40 : i32
    %mul3A_60 = arith.muli %add3A_58, %mul3A_59 : i32
    "tpu.region"() ({
      %run_scoped3A = tpu.sem_alloc : memref<!tpu.dma_semaphore, #tpu.memory_space<semaphore_mem>>
      %dma_start3A = arith.constant 0 : i32
      %dma_start3A_115 = tpu.memref_slice %arg4[%mul3A_60, %dma_start3A] : memref<1280x128xi32, #tpu.memory_space<hbm>> -> memref<40x128xi32, #tpu.memory_space<hbm>>
      %dma_start3A_116 = arith.constant 0 : i32
      %dma_start3A_117 = tpu.memref_slice %arg4[%mul3A_60, %dma_start3A_116] : memref<1280x128xi32, #tpu.memory_space<hbm>> -> memref<40x128xi32, #tpu.memory_space<hbm>>
      tpu.enqueue_dma source(%dma_start3A_117 : memref<40x128xi32, #tpu.memory_space<hbm>>) target(%arg7 : memref<40x128xi32, #tpu.memory_space<vmem>>) target_semaphore(%run_scoped3A : memref<!tpu.dma_semaphore, #tpu.memory_space<semaphore_mem>>)
      %dma_wait3A = arith.constant 0 : i32
      %dma_wait3A_118 = tpu.memref_slice %arg4[%mul3A_60, %dma_wait3A] : memref<1280x128xi32, #tpu.memory_space<hbm>> -> memref<40x128xi32, #tpu.memory_space<hbm>>
      %dma_wait3A_119 = arith.constant 0 : i32
      %dma_wait3A_120 = tpu.memref_slice %arg4[%mul3A_60, %dma_wait3A_119] : memref<1280x128xi32, #tpu.memory_space<hbm>> -> memref<40x128xi32, #tpu.memory_space<hbm>>
      tpu.wait_dma2 semaphore(%run_scoped3A : memref<!tpu.dma_semaphore, #tpu.memory_space<semaphore_mem>>) src(%dma_wait3A_120 : memref<40x128xi32, #tpu.memory_space<hbm>>) dst(%arg7 : memref<40x128xi32, #tpu.memory_space<vmem>>)
      tpu.yield
    }) : () -> ()
    %broadcast_in_dim3A_61 = arith.constant 1.000000e+00 : f32
    %broadcast_in_dim3A_62 = vector.broadcast %broadcast_in_dim3A_61 : f32 to vector<16xf32>
    %swap3A_63 = arith.constant 0 : index
    %swap3A_64 = tpu.vector_load %arg8[%swap3A_63] {strides = array<i32>} : memref<128xf32, #tpu.memory_space<vmem>>, vector<16xf32>,
    %swap3A_65 = vector.shape_cast %swap3A_64 : vector<16xf32> to vector<16xf32>
    %swap3A_66 = vector.shape_cast %broadcast_in_dim3A_62 : vector<16xf32> to vector<16xf32>
    tpu.vector_store %arg8[%swap3A_63], %swap3A_66 {strides = array<i32>} : memref<128xf32, #tpu.memory_space<vmem>>, vector<16xf32>,
    %broadcast_in_dim3A_67 = arith.constant 1.000000e+00 : f32
    %broadcast_in_dim3A_68 = vector.broadcast %broadcast_in_dim3A_67 : f32 to vector<16xf32>
    %swap3A_69 = arith.constant 16 : index
    %swap3A_70 = tpu.vector_load %arg8[%swap3A_69] {strides = array<i32>} : memref<128xf32, #tpu.memory_space<vmem>>, vector<16xf32>,
    %swap3A_71 = vector.shape_cast %swap3A_70 : vector<16xf32> to vector<16xf32>
    %swap3A_72 = vector.shape_cast %broadcast_in_dim3A_68 : vector<16xf32> to vector<16xf32>
    tpu.vector_store %arg8[%swap3A_69], %swap3A_72 {strides = array<i32>} : memref<128xf32, #tpu.memory_space<vmem>>, vector<16xf32>,
    %broadcast_in_dim3A_73 = arith.constant 1.000000e+00 : f32
    %broadcast_in_dim3A_74 = vector.broadcast %broadcast_in_dim3A_73 : f32 to vector<16xf32>
    %swap3A_75 = arith.constant 32 : index
    %swap3A_76 = tpu.vector_load %arg8[%swap3A_75] {strides = array<i32>} : memref<128xf32, #tpu.memory_space<vmem>>, vector<16xf32>,
    %swap3A_77 = vector.shape_cast %swap3A_76 : vector<16xf32> to vector<16xf32>
    %swap3A_78 = vector.shape_cast %broadcast_in_dim3A_74 : vector<16xf32> to vector<16xf32>
    tpu.vector_store %arg8[%swap3A_75], %swap3A_78 {strides = array<i32>} : memref<128xf32, #tpu.memory_space<vmem>>, vector<16xf32>,
    %broadcast_in_dim3A_79 = arith.constant 1.000000e+00 : f32
    %broadcast_in_dim3A_80 = vector.broadcast %broadcast_in_dim3A_79 : f32 to vector<16xf32>
    %swap3A_81 = arith.constant 48 : index
    %swap3A_82 = tpu.vector_load %arg8[%swap3A_81] {strides = array<i32>} : memref<128xf32, #tpu.memory_space<vmem>>, vector<16xf32>,
    %swap3A_83 = vector.shape_cast %swap3A_82 : vector<16xf32> to vector<16xf32>
    %swap3A_84 = vector.shape_cast %broadcast_in_dim3A_80 : vector<16xf32> to vector<16xf32>
    tpu.vector_store %arg8[%swap3A_81], %swap3A_84 {strides = array<i32>} : memref<128xf32, #tpu.memory_space<vmem>>, vector<16xf32>,
    %broadcast_in_dim3A_85 = arith.constant 1.000000e+00 : f32
    %broadcast_in_dim3A_86 = vector.broadcast %broadcast_in_dim3A_85 : f32 to vector<16xf32>
    %swap3A_87 = arith.constant 64 : index
    %swap3A_88 = tpu.vector_load %arg8[%swap3A_87] {strides = array<i32>} : memref<128xf32, #tpu.memory_space<vmem>>, vector<16xf32>,
    %swap3A_89 = vector.shape_cast %swap3A_88 : vector<16xf32> to vector<16xf32>
    %swap3A_90 = vector.shape_cast %broadcast_in_dim3A_86 : vector<16xf32> to vector<16xf32>
    tpu.vector_store %arg8[%swap3A_87], %swap3A_90 {strides = array<i32>} : memref<128xf32, #tpu.memory_space<vmem>>, vector<16xf32>,
    %broadcast_in_dim3A_91 = arith.constant 1.000000e+00 : f32
    %broadcast_in_dim3A_92 = vector.broadcast %broadcast_in_dim3A_91 : f32 to vector<16xf32>
    %swap3A_93 = arith.constant 80 : index
    %swap3A_94 = tpu.vector_load %arg8[%swap3A_93] {strides = array<i32>} : memref<128xf32, #tpu.memory_space<vmem>>, vector<16xf32>,
    %swap3A_95 = vector.shape_cast %swap3A_94 : vector<16xf32> to vector<16xf32>
    %swap3A_96 = vector.shape_cast %broadcast_in_dim3A_92 : vector<16xf32> to vector<16xf32>
    tpu.vector_store %arg8[%swap3A_93], %swap3A_96 {strides = array<i32>} : memref<128xf32, #tpu.memory_space<vmem>>, vector<16xf32>,
    %broadcast_in_dim3A_97 = arith.constant 1.000000e+00 : f32
    %broadcast_in_dim3A_98 = vector.broadcast %broadcast_in_dim3A_97 : f32 to vector<16xf32>
    %swap3A_99 = arith.constant 96 : index
    %swap3A_100 = tpu.vector_load %arg8[%swap3A_99] {strides = array<i32>} : memref<128xf32, #tpu.memory_space<vmem>>, vector<16xf32>,
    %swap3A_101 = vector.shape_cast %swap3A_100 : vector<16xf32> to vector<16xf32>
    %swap3A_102 = vector.shape_cast %broadcast_in_dim3A_98 : vector<16xf32> to vector<16xf32>
    tpu.vector_store %arg8[%swap3A_99], %swap3A_102 {strides = array<i32>} : memref<128xf32, #tpu.memory_space<vmem>>, vector<16xf32>,
    %broadcast_in_dim3A_103 = arith.constant 1.000000e+00 : f32
    %broadcast_in_dim3A_104 = vector.broadcast %broadcast_in_dim3A_103 : f32 to vector<16xf32>
    %swap3A_105 = arith.constant 112 : index
    %swap3A_106 = tpu.vector_load %arg8[%swap3A_105] {strides = array<i32>} : memref<128xf32, #tpu.memory_space<vmem>>, vector<16xf32>,
    %swap3A_107 = vector.shape_cast %swap3A_106 : vector<16xf32> to vector<16xf32>
    %swap3A_108 = vector.shape_cast %broadcast_in_dim3A_104 : vector<16xf32> to vector<16xf32>
    tpu.vector_store %arg8[%swap3A_105], %swap3A_108 {strides = array<i32>} : memref<128xf32, #tpu.memory_space<vmem>>, vector<16xf32>,
    %barrier3A = arith.constant 0 : index
    tpu.barrier barrier_id(%barrier3A)
    %scan3A = arith.constant 0 : i32
    %scan3A_109 = arith.constant 0 : i32
    %scan3A_110 = arith.constant 40 : i32
    %scan3A_111 = arith.addi %scan3A_109, %scan3A_110 : i32
    %scan3A_112 = arith.constant 1 : i32
    scf.for %scan3A_115 = %scan3A_109 to %scan3A_111 step %scan3A_112  : i32 {
      "tpu.region"() ({
        %run_scoped3A = tpu.sem_alloc : memref<!tpu.dma_semaphore, #tpu.memory_space<semaphore_mem>>
        %dma_start3A = arith.constant 0 : i32
        %dma_start3A_116 = tpu.memref_slice %arg7[%scan3A_115, %dma_start3A] : memref<40x128xi32, #tpu.memory_space<vmem>> -> memref<1x128xi32, #tpu.memory_space<vmem>>
        %dma_start3A_117 = tpu.memref_squeeze %dma_start3A_116 : memref<1x128xi32, #tpu.memory_space<vmem>> -> memref<128xi32, #tpu.memory_space<vmem>>
        %dma_start3A_118 = arith.constant 0 : i32
        %dma_start3A_119 = tpu.memref_slice %arg10[%dma_start3A_118] : memref<10240xf32, #tpu.memory_space<vmem_shared>> -> memref<10240xf32, #tpu.memory_space<vmem_shared>>
        tpu.enqueue_indirect_dma source(%arg8 : memref<128xf32, #tpu.memory_space<vmem>>) target(%dma_start3A_119 : memref<10240xf32, #tpu.memory_space<vmem_shared>>) offsets(%dma_start3A_117 : memref<128xi32, #tpu.memory_space<vmem>>) semaphore(%run_scoped3A : memref<!tpu.dma_semaphore, #tpu.memory_space<semaphore_mem>>) {add = true}
        %dma_wait3A = arith.constant 0 : i32
        %dma_wait3A_120 = tpu.memref_slice %arg7[%scan3A_115, %dma_wait3A] : memref<40x128xi32, #tpu.memory_space<vmem>> -> memref<1x128xi32, #tpu.memory_space<vmem>>
        %dma_wait3A_121 = tpu.memref_squeeze %dma_wait3A_120 : memref<1x128xi32, #tpu.memory_space<vmem>> -> memref<128xi32, #tpu.memory_space<vmem>>
        %dma_wait3A_122 = arith.constant 0 : i32
        %dma_wait3A_123 = tpu.memref_slice %arg10[%dma_wait3A_122] : memref<10240xf32, #tpu.memory_space<vmem_shared>> -> memref<10240xf32, #tpu.memory_space<vmem_shared>>
        tpu.wait_indirect_dma semaphore(%run_scoped3A : memref<!tpu.dma_semaphore, #tpu.memory_space<semaphore_mem>>) src(%arg8 : memref<128xf32, #tpu.memory_space<vmem>>) dst(%dma_wait3A_123 : memref<10240xf32, #tpu.memory_space<vmem_shared>>)
        tpu.yield
      }) : () -> ()
    }
    %scan3A_113 = arith.constant 40 : i32
    %barrier3A_114 = arith.constant 0 : index
    tpu.barrier barrier_id(%barrier3A_114)
    "tpu.region"() ({
      %run_scoped3A = tpu.sem_alloc : memref<!tpu.dma_semaphore, #tpu.memory_space<semaphore_mem>>
      %dma_start3A = tpu.memref_slice %arg5[%arg0, %mul3A_46] : memref<2x10240xf32, #tpu.memory_space<hbm>> -> memref<1x640xf32, #tpu.memory_space<hbm>>
      %dma_start3A_115 = tpu.memref_squeeze %dma_start3A : memref<1x640xf32, #tpu.memory_space<hbm>> -> memref<640xf32, #tpu.memory_space<hbm>>
      %dma_start3A_116 = tpu.memref_slice %arg10[%mul3A_46] : memref<10240xf32, #tpu.memory_space<vmem_shared>> -> memref<640xf32, #tpu.memory_space<vmem_shared>>
      tpu.enqueue_dma source(%dma_start3A_116 : memref<640xf32, #tpu.memory_space<vmem_shared>>) target(%dma_start3A_115 : memref<640xf32, #tpu.memory_space<hbm>>) target_semaphore(%run_scoped3A : memref<!tpu.dma_semaphore, #tpu.memory_space<semaphore_mem>>)
      %dma_wait3A = tpu.memref_slice %arg5[%arg0, %mul3A_46] : memref<2x10240xf32, #tpu.memory_space<hbm>> -> memref<1x640xf32, #tpu.memory_space<hbm>>
      %dma_wait3A_117 = tpu.memref_squeeze %dma_wait3A : memref<1x640xf32, #tpu.memory_space<hbm>> -> memref<640xf32, #tpu.memory_space<hbm>>
      %dma_wait3A_118 = tpu.memref_slice %arg10[%mul3A_46] : memref<10240xf32, #tpu.memory_space<vmem_shared>> -> memref<640xf32, #tpu.memory_space<vmem_shared>>
      tpu.wait_dma2 semaphore(%run_scoped3A : memref<!tpu.dma_semaphore, #tpu.memory_space<semaphore_mem>>) src(%dma_wait3A_118 : memref<640xf32, #tpu.memory_space<vmem_shared>>) dst(%dma_wait3A_117 : memref<640xf32, #tpu.memory_space<hbm>>)
      tpu.yield
    }) : () -> ()
    return
  }
}

#map = affine_map<(d0, d1) -> (0, 0)>
#map1 = affine_map<(d0, d1) -> (0, 0, 0)>
module attributes {stable_mosaic.version = 14 : i64} {
  func.func @body(%arg0: i32, %arg1: i32, %arg2: memref<20480x128xf32, #tpu.memory_space<hbm>>, %arg3: memref<1280x128xi32, #tpu.memory_space<hbm>>, %arg4: memref<1280x128xi32, #tpu.memory_space<hbm>>, %arg5: memref<2x10240x128xf32, #tpu.memory_space<hbm>>, %arg6: memref<16x128xi32, #tpu.memory_space<vmem>>, %arg7: memref<16x128xi32, #tpu.memory_space<vmem>>, %arg8: memref<128x128xf32, #tpu.memory_space<vmem>>, %arg9: memref<128x128xf32, #tpu.memory_space<vmem>>, %arg10: memref<10240x128xf32, #tpu.memory_space<vmem_shared>>, %arg11: memref<!tpu.dma_semaphore, #tpu.memory_space<semaphore_mem>>, %arg12: memref<!tpu.dma_semaphore, #tpu.memory_space<semaphore_mem>>) attributes {dimension_semantics = [#tpu.dimension_semantics<core_parallel>, #tpu.dimension_semantics<subcore_parallel>], iteration_bounds = array<i64: 2, 16>, scalar_prefetch = 0 : i64, scratch_operands = 7 : i64, tpu.core_type = #tpu.core_type<sc_vector_subcore>, window_params = [{transform_indices = #map}, {transform_indices = #map}, {transform_indices = #map}, {transform_indices = #map1}]} {
    %scan3A = arith.constant 0 : i32
    %scan3A_0 = arith.constant 0 : i32
    %scan3A_1 = arith.constant 128 : i32
    %scan3A_2 = arith.addi %scan3A_0, %scan3A_1 : i32
    %scan3A_3 = arith.constant 1 : i32
    scf.for %scan3A_24 = %scan3A_0 to %scan3A_2 step %scan3A_3  : i32 {
      %broadcast_in_dim3A = arith.constant 0.000000e+00 : f32
      %broadcast_in_dim3A_25 = vector.broadcast %broadcast_in_dim3A : f32 to vector<16xf32>
      %swap3A = arith.index_cast %scan3A_24 : i32 to index
      %swap3A_26 = arith.constant 0 : index
      %swap3A_27 = tpu.vector_load %arg8[%swap3A, %swap3A_26] {strides = array<i32>} : memref<128x128xf32, #tpu.memory_space<vmem>>, vector<1x16xf32>,
      %swap3A_28 = vector.shape_cast %swap3A_27 : vector<1x16xf32> to vector<16xf32>
      %swap3A_29 = vector.shape_cast %broadcast_in_dim3A_25 : vector<16xf32> to vector<1x16xf32>
      tpu.vector_store %arg8[%swap3A, %swap3A_26], %swap3A_29 {strides = array<i32>} : memref<128x128xf32, #tpu.memory_space<vmem>>, vector<1x16xf32>,
      %broadcast_in_dim3A_30 = arith.constant 0.000000e+00 : f32
      %broadcast_in_dim3A_31 = vector.broadcast %broadcast_in_dim3A_30 : f32 to vector<16xf32>
      %swap3A_32 = arith.index_cast %scan3A_24 : i32 to index
      %swap3A_33 = arith.constant 16 : index
      %swap3A_34 = tpu.vector_load %arg8[%swap3A_32, %swap3A_33] {strides = array<i32>} : memref<128x128xf32, #tpu.memory_space<vmem>>, vector<1x16xf32>,
      %swap3A_35 = vector.shape_cast %swap3A_34 : vector<1x16xf32> to vector<16xf32>
      %swap3A_36 = vector.shape_cast %broadcast_in_dim3A_31 : vector<16xf32> to vector<1x16xf32>
      tpu.vector_store %arg8[%swap3A_32, %swap3A_33], %swap3A_36 {strides = array<i32>} : memref<128x128xf32, #tpu.memory_space<vmem>>, vector<1x16xf32>,
      %broadcast_in_dim3A_37 = arith.constant 0.000000e+00 : f32
      %broadcast_in_dim3A_38 = vector.broadcast %broadcast_in_dim3A_37 : f32 to vector<16xf32>
      %swap3A_39 = arith.index_cast %scan3A_24 : i32 to index
      %swap3A_40 = arith.constant 32 : index
      %swap3A_41 = tpu.vector_load %arg8[%swap3A_39, %swap3A_40] {strides = array<i32>} : memref<128x128xf32, #tpu.memory_space<vmem>>, vector<1x16xf32>,
      %swap3A_42 = vector.shape_cast %swap3A_41 : vector<1x16xf32> to vector<16xf32>
      %swap3A_43 = vector.shape_cast %broadcast_in_dim3A_38 : vector<16xf32> to vector<1x16xf32>
      tpu.vector_store %arg8[%swap3A_39, %swap3A_40], %swap3A_43 {strides = array<i32>} : memref<128x128xf32, #tpu.memory_space<vmem>>, vector<1x16xf32>,
      %broadcast_in_dim3A_44 = arith.constant 0.000000e+00 : f32
      %broadcast_in_dim3A_45 = vector.broadcast %broadcast_in_dim3A_44 : f32 to vector<16xf32>
      %swap3A_46 = arith.index_cast %scan3A_24 : i32 to index
      %swap3A_47 = arith.constant 48 : index
      %swap3A_48 = tpu.vector_load %arg8[%swap3A_46, %swap3A_47] {strides = array<i32>} : memref<128x128xf32, #tpu.memory_space<vmem>>, vector<1x16xf32>,
      %swap3A_49 = vector.shape_cast %swap3A_48 : vector<1x16xf32> to vector<16xf32>
      %swap3A_50 = vector.shape_cast %broadcast_in_dim3A_45 : vector<16xf32> to vector<1x16xf32>
      tpu.vector_store %arg8[%swap3A_46, %swap3A_47], %swap3A_50 {strides = array<i32>} : memref<128x128xf32, #tpu.memory_space<vmem>>, vector<1x16xf32>,
      %broadcast_in_dim3A_51 = arith.constant 0.000000e+00 : f32
      %broadcast_in_dim3A_52 = vector.broadcast %broadcast_in_dim3A_51 : f32 to vector<16xf32>
      %swap3A_53 = arith.index_cast %scan3A_24 : i32 to index
      %swap3A_54 = arith.constant 64 : index
      %swap3A_55 = tpu.vector_load %arg8[%swap3A_53, %swap3A_54] {strides = array<i32>} : memref<128x128xf32, #tpu.memory_space<vmem>>, vector<1x16xf32>,
      %swap3A_56 = vector.shape_cast %swap3A_55 : vector<1x16xf32> to vector<16xf32>
      %swap3A_57 = vector.shape_cast %broadcast_in_dim3A_52 : vector<16xf32> to vector<1x16xf32>
      tpu.vector_store %arg8[%swap3A_53, %swap3A_54], %swap3A_57 {strides = array<i32>} : memref<128x128xf32, #tpu.memory_space<vmem>>, vector<1x16xf32>,
      %broadcast_in_dim3A_58 = arith.constant 0.000000e+00 : f32
      %broadcast_in_dim3A_59 = vector.broadcast %broadcast_in_dim3A_58 : f32 to vector<16xf32>
      %swap3A_60 = arith.index_cast %scan3A_24 : i32 to index
      %swap3A_61 = arith.constant 80 : index
      %swap3A_62 = tpu.vector_load %arg8[%swap3A_60, %swap3A_61] {strides = array<i32>} : memref<128x128xf32, #tpu.memory_space<vmem>>, vector<1x16xf32>,
      %swap3A_63 = vector.shape_cast %swap3A_62 : vector<1x16xf32> to vector<16xf32>
      %swap3A_64 = vector.shape_cast %broadcast_in_dim3A_59 : vector<16xf32> to vector<1x16xf32>
      tpu.vector_store %arg8[%swap3A_60, %swap3A_61], %swap3A_64 {strides = array<i32>} : memref<128x128xf32, #tpu.memory_space<vmem>>, vector<1x16xf32>,
      %broadcast_in_dim3A_65 = arith.constant 0.000000e+00 : f32
      %broadcast_in_dim3A_66 = vector.broadcast %broadcast_in_dim3A_65 : f32 to vector<16xf32>
      %swap3A_67 = arith.index_cast %scan3A_24 : i32 to index
      %swap3A_68 = arith.constant 96 : index
      %swap3A_69 = tpu.vector_load %arg8[%swap3A_67, %swap3A_68] {strides = array<i32>} : memref<128x128xf32, #tpu.memory_space<vmem>>, vector<1x16xf32>,
      %swap3A_70 = vector.shape_cast %swap3A_69 : vector<1x16xf32> to vector<16xf32>
      %swap3A_71 = vector.shape_cast %broadcast_in_dim3A_66 : vector<16xf32> to vector<1x16xf32>
      tpu.vector_store %arg8[%swap3A_67, %swap3A_68], %swap3A_71 {strides = array<i32>} : memref<128x128xf32, #tpu.memory_space<vmem>>, vector<1x16xf32>,
      %broadcast_in_dim3A_72 = arith.constant 0.000000e+00 : f32
      %broadcast_in_dim3A_73 = vector.broadcast %broadcast_in_dim3A_72 : f32 to vector<16xf32>
      %swap3A_74 = arith.index_cast %scan3A_24 : i32 to index
      %swap3A_75 = arith.constant 112 : index
      %swap3A_76 = tpu.vector_load %arg8[%swap3A_74, %swap3A_75] {strides = array<i32>} : memref<128x128xf32, #tpu.memory_space<vmem>>, vector<1x16xf32>,
      %swap3A_77 = vector.shape_cast %swap3A_76 : vector<1x16xf32> to vector<16xf32>
      %swap3A_78 = vector.shape_cast %broadcast_in_dim3A_73 : vector<16xf32> to vector<1x16xf32>
      tpu.vector_store %arg8[%swap3A_74, %swap3A_75], %swap3A_78 {strides = array<i32>} : memref<128x128xf32, #tpu.memory_space<vmem>>, vector<1x16xf32>,
    }
    %scan3A_4 = arith.constant 128 : i32
    %mul3A = arith.constant 640 : i32
    %mul3A_5 = arith.muli %arg1, %mul3A : i32
    %add3A = arith.constant 0 : i32
    %add3A_6 = arith.addi %mul3A_5, %add3A : i32
    "tpu.region"() ({
      %run_scoped3A = tpu.sem_alloc : memref<!tpu.dma_semaphore, #tpu.memory_space<semaphore_mem>>
      %dma_start3A = arith.constant 0 : i32
      %dma_start3A_24 = tpu.memref_slice %arg10[%add3A_6, %dma_start3A] : memref<10240x128xf32, #tpu.memory_space<vmem_shared>> -> memref<128x128xf32, #tpu.memory_space<vmem_shared>>
      %dma_start3A_25 = arith.constant 0 : i32
      %dma_start3A_26 = tpu.memref_slice %arg10[%add3A_6, %dma_start3A_25] : memref<10240x128xf32, #tpu.memory_space<vmem_shared>> -> memref<128x128xf32, #tpu.memory_space<vmem_shared>>
      tpu.enqueue_dma source(%arg8 : memref<128x128xf32, #tpu.memory_space<vmem>>) target(%dma_start3A_26 : memref<128x128xf32, #tpu.memory_space<vmem_shared>>) target_semaphore(%run_scoped3A : memref<!tpu.dma_semaphore, #tpu.memory_space<semaphore_mem>>)
      %dma_wait3A = arith.constant 0 : i32
      %dma_wait3A_27 = tpu.memref_slice %arg10[%add3A_6, %dma_wait3A] : memref<10240x128xf32, #tpu.memory_space<vmem_shared>> -> memref<128x128xf32, #tpu.memory_space<vmem_shared>>
      %dma_wait3A_28 = arith.constant 0 : i32
      %dma_wait3A_29 = tpu.memref_slice %arg10[%add3A_6, %dma_wait3A_28] : memref<10240x128xf32, #tpu.memory_space<vmem_shared>> -> memref<128x128xf32, #tpu.memory_space<vmem_shared>>
      tpu.wait_dma2 semaphore(%run_scoped3A : memref<!tpu.dma_semaphore, #tpu.memory_space<semaphore_mem>>) src(%arg8 : memref<128x128xf32, #tpu.memory_space<vmem>>) dst(%dma_wait3A_29 : memref<128x128xf32, #tpu.memory_space<vmem_shared>>)
      tpu.yield
    }) : () -> ()
    %add3A_7 = arith.constant 128 : i32
    %add3A_8 = arith.addi %mul3A_5, %add3A_7 : i32
    "tpu.region"() ({
      %run_scoped3A = tpu.sem_alloc : memref<!tpu.dma_semaphore, #tpu.memory_space<semaphore_mem>>
      %dma_start3A = arith.constant 0 : i32
      %dma_start3A_24 = tpu.memref_slice %arg10[%add3A_8, %dma_start3A] : memref<10240x128xf32, #tpu.memory_space<vmem_shared>> -> memref<128x128xf32, #tpu.memory_space<vmem_shared>>
      %dma_start3A_25 = arith.constant 0 : i32
      %dma_start3A_26 = tpu.memref_slice %arg10[%add3A_8, %dma_start3A_25] : memref<10240x128xf32, #tpu.memory_space<vmem_shared>> -> memref<128x128xf32, #tpu.memory_space<vmem_shared>>
      tpu.enqueue_dma source(%arg8 : memref<128x128xf32, #tpu.memory_space<vmem>>) target(%dma_start3A_26 : memref<128x128xf32, #tpu.memory_space<vmem_shared>>) target_semaphore(%run_scoped3A : memref<!tpu.dma_semaphore, #tpu.memory_space<semaphore_mem>>)
      %dma_wait3A = arith.constant 0 : i32
      %dma_wait3A_27 = tpu.memref_slice %arg10[%add3A_8, %dma_wait3A] : memref<10240x128xf32, #tpu.memory_space<vmem_shared>> -> memref<128x128xf32, #tpu.memory_space<vmem_shared>>
      %dma_wait3A_28 = arith.constant 0 : i32
      %dma_wait3A_29 = tpu.memref_slice %arg10[%add3A_8, %dma_wait3A_28] : memref<10240x128xf32, #tpu.memory_space<vmem_shared>> -> memref<128x128xf32, #tpu.memory_space<vmem_shared>>
      tpu.wait_dma2 semaphore(%run_scoped3A : memref<!tpu.dma_semaphore, #tpu.memory_space<semaphore_mem>>) src(%arg8 : memref<128x128xf32, #tpu.memory_space<vmem>>) dst(%dma_wait3A_29 : memref<128x128xf32, #tpu.memory_space<vmem_shared>>)
      tpu.yield
    }) : () -> ()
    %add3A_9 = arith.constant 256 : i32
    %add3A_10 = arith.addi %mul3A_5, %add3A_9 : i32
    "tpu.region"() ({
      %run_scoped3A = tpu.sem_alloc : memref<!tpu.dma_semaphore, #tpu.memory_space<semaphore_mem>>
      %dma_start3A = arith.constant 0 : i32
      %dma_start3A_24 = tpu.memref_slice %arg10[%add3A_10, %dma_start3A] : memref<10240x128xf32, #tpu.memory_space<vmem_shared>> -> memref<128x128xf32, #tpu.memory_space<vmem_shared>>
      %dma_start3A_25 = arith.constant 0 : i32
      %dma_start3A_26 = tpu.memref_slice %arg10[%add3A_10, %dma_start3A_25] : memref<10240x128xf32, #tpu.memory_space<vmem_shared>> -> memref<128x128xf32, #tpu.memory_space<vmem_shared>>
      tpu.enqueue_dma source(%arg8 : memref<128x128xf32, #tpu.memory_space<vmem>>) target(%dma_start3A_26 : memref<128x128xf32, #tpu.memory_space<vmem_shared>>) target_semaphore(%run_scoped3A : memref<!tpu.dma_semaphore, #tpu.memory_space<semaphore_mem>>)
      %dma_wait3A = arith.constant 0 : i32
      %dma_wait3A_27 = tpu.memref_slice %arg10[%add3A_10, %dma_wait3A] : memref<10240x128xf32, #tpu.memory_space<vmem_shared>> -> memref<128x128xf32, #tpu.memory_space<vmem_shared>>
      %dma_wait3A_28 = arith.constant 0 : i32
      %dma_wait3A_29 = tpu.memref_slice %arg10[%add3A_10, %dma_wait3A_28] : memref<10240x128xf32, #tpu.memory_space<vmem_shared>> -> memref<128x128xf32, #tpu.memory_space<vmem_shared>>
      tpu.wait_dma2 semaphore(%run_scoped3A : memref<!tpu.dma_semaphore, #tpu.memory_space<semaphore_mem>>) src(%arg8 : memref<128x128xf32, #tpu.memory_space<vmem>>) dst(%dma_wait3A_29 : memref<128x128xf32, #tpu.memory_space<vmem_shared>>)
      tpu.yield
    }) : () -> ()
    %add3A_11 = arith.constant 384 : i32
    %add3A_12 = arith.addi %mul3A_5, %add3A_11 : i32
    "tpu.region"() ({
      %run_scoped3A = tpu.sem_alloc : memref<!tpu.dma_semaphore, #tpu.memory_space<semaphore_mem>>
      %dma_start3A = arith.constant 0 : i32
      %dma_start3A_24 = tpu.memref_slice %arg10[%add3A_12, %dma_start3A] : memref<10240x128xf32, #tpu.memory_space<vmem_shared>> -> memref<128x128xf32, #tpu.memory_space<vmem_shared>>
      %dma_start3A_25 = arith.constant 0 : i32
      %dma_start3A_26 = tpu.memref_slice %arg10[%add3A_12, %dma_start3A_25] : memref<10240x128xf32, #tpu.memory_space<vmem_shared>> -> memref<128x128xf32, #tpu.memory_space<vmem_shared>>
      tpu.enqueue_dma source(%arg8 : memref<128x128xf32, #tpu.memory_space<vmem>>) target(%dma_start3A_26 : memref<128x128xf32, #tpu.memory_space<vmem_shared>>) target_semaphore(%run_scoped3A : memref<!tpu.dma_semaphore, #tpu.memory_space<semaphore_mem>>)
      %dma_wait3A = arith.constant 0 : i32
      %dma_wait3A_27 = tpu.memref_slice %arg10[%add3A_12, %dma_wait3A] : memref<10240x128xf32, #tpu.memory_space<vmem_shared>> -> memref<128x128xf32, #tpu.memory_space<vmem_shared>>
      %dma_wait3A_28 = arith.constant 0 : i32
      %dma_wait3A_29 = tpu.memref_slice %arg10[%add3A_12, %dma_wait3A_28] : memref<10240x128xf32, #tpu.memory_space<vmem_shared>> -> memref<128x128xf32, #tpu.memory_space<vmem_shared>>
      tpu.wait_dma2 semaphore(%run_scoped3A : memref<!tpu.dma_semaphore, #tpu.memory_space<semaphore_mem>>) src(%arg8 : memref<128x128xf32, #tpu.memory_space<vmem>>) dst(%dma_wait3A_29 : memref<128x128xf32, #tpu.memory_space<vmem_shared>>)
      tpu.yield
    }) : () -> ()
    %add3A_13 = arith.constant 512 : i32
    %add3A_14 = arith.addi %mul3A_5, %add3A_13 : i32
    "tpu.region"() ({
      %run_scoped3A = tpu.sem_alloc : memref<!tpu.dma_semaphore, #tpu.memory_space<semaphore_mem>>
      %dma_start3A = arith.constant 0 : i32
      %dma_start3A_24 = tpu.memref_slice %arg10[%add3A_14, %dma_start3A] : memref<10240x128xf32, #tpu.memory_space<vmem_shared>> -> memref<128x128xf32, #tpu.memory_space<vmem_shared>>
      %dma_start3A_25 = arith.constant 0 : i32
      %dma_start3A_26 = tpu.memref_slice %arg10[%add3A_14, %dma_start3A_25] : memref<10240x128xf32, #tpu.memory_space<vmem_shared>> -> memref<128x128xf32, #tpu.memory_space<vmem_shared>>
      tpu.enqueue_dma source(%arg8 : memref<128x128xf32, #tpu.memory_space<vmem>>) target(%dma_start3A_26 : memref<128x128xf32, #tpu.memory_space<vmem_shared>>) target_semaphore(%run_scoped3A : memref<!tpu.dma_semaphore, #tpu.memory_space<semaphore_mem>>)
      %dma_wait3A = arith.constant 0 : i32
      %dma_wait3A_27 = tpu.memref_slice %arg10[%add3A_14, %dma_wait3A] : memref<10240x128xf32, #tpu.memory_space<vmem_shared>> -> memref<128x128xf32, #tpu.memory_space<vmem_shared>>
      %dma_wait3A_28 = arith.constant 0 : i32
      %dma_wait3A_29 = tpu.memref_slice %arg10[%add3A_14, %dma_wait3A_28] : memref<10240x128xf32, #tpu.memory_space<vmem_shared>> -> memref<128x128xf32, #tpu.memory_space<vmem_shared>>
      tpu.wait_dma2 semaphore(%run_scoped3A : memref<!tpu.dma_semaphore, #tpu.memory_space<semaphore_mem>>) src(%arg8 : memref<128x128xf32, #tpu.memory_space<vmem>>) dst(%dma_wait3A_29 : memref<128x128xf32, #tpu.memory_space<vmem_shared>>)
      tpu.yield
    }) : () -> ()
    %barrier3A = arith.constant 0 : index
    tpu.barrier barrier_id(%barrier3A)
    %mul3A_15 = arith.constant 80 : i32
    %mul3A_16 = arith.muli %arg1, %mul3A_15 : i32
    %scan3A_17 = arith.constant 0 : i32
    %scan3A_18 = arith.constant 0 : i32
    %scan3A_19 = arith.constant 5 : i32
    %scan3A_20 = arith.addi %scan3A_18, %scan3A_19 : i32
    %scan3A_21 = arith.constant 1 : i32
    scf.for %scan3A_24 = %scan3A_18 to %scan3A_20 step %scan3A_21  : i32 {
      %mul3A_25 = arith.constant 16 : i32
      %mul3A_26 = arith.muli %scan3A_24, %mul3A_25 : i32
      %add3A_27 = arith.addi %mul3A_16, %mul3A_26 : i32
      "tpu.region"() ({
        %run_scoped3A = tpu.sem_alloc : memref<!tpu.dma_semaphore, #tpu.memory_space<semaphore_mem>>
        %dma_start3A_46 = arith.constant 0 : i32
        %dma_start3A_47 = tpu.memref_slice %arg3[%add3A_27, %dma_start3A_46] : memref<1280x128xi32, #tpu.memory_space<hbm>> -> memref<16x128xi32, #tpu.memory_space<hbm>>
        %dma_start3A_48 = arith.constant 0 : i32
        %dma_start3A_49 = tpu.memref_slice %arg3[%add3A_27, %dma_start3A_48] : memref<1280x128xi32, #tpu.memory_space<hbm>> -> memref<16x128xi32, #tpu.memory_space<hbm>>
        tpu.enqueue_dma source(%dma_start3A_49 : memref<16x128xi32, #tpu.memory_space<hbm>>) target(%arg6 : memref<16x128xi32, #tpu.memory_space<vmem>>) target_semaphore(%run_scoped3A : memref<!tpu.dma_semaphore, #tpu.memory_space<semaphore_mem>>)
        %dma_wait3A = arith.constant 0 : i32
        %dma_wait3A_50 = tpu.memref_slice %arg3[%add3A_27, %dma_wait3A] : memref<1280x128xi32, #tpu.memory_space<hbm>> -> memref<16x128xi32, #tpu.memory_space<hbm>>
        %dma_wait3A_51 = arith.constant 0 : i32
        %dma_wait3A_52 = tpu.memref_slice %arg3[%add3A_27, %dma_wait3A_51] : memref<1280x128xi32, #tpu.memory_space<hbm>> -> memref<16x128xi32, #tpu.memory_space<hbm>>
        tpu.wait_dma2 semaphore(%run_scoped3A : memref<!tpu.dma_semaphore, #tpu.memory_space<semaphore_mem>>) src(%dma_wait3A_52 : memref<16x128xi32, #tpu.memory_space<hbm>>) dst(%arg6 : memref<16x128xi32, #tpu.memory_space<vmem>>)
        tpu.yield
      }) : () -> ()
      "tpu.region"() ({
        %run_scoped3A = tpu.sem_alloc : memref<!tpu.dma_semaphore, #tpu.memory_space<semaphore_mem>>
        %dma_start3A_46 = arith.constant 0 : i32
        %dma_start3A_47 = tpu.memref_slice %arg4[%add3A_27, %dma_start3A_46] : memref<1280x128xi32, #tpu.memory_space<hbm>> -> memref<16x128xi32, #tpu.memory_space<hbm>>
        %dma_start3A_48 = arith.constant 0 : i32
        %dma_start3A_49 = tpu.memref_slice %arg4[%add3A_27, %dma_start3A_48] : memref<1280x128xi32, #tpu.memory_space<hbm>> -> memref<16x128xi32, #tpu.memory_space<hbm>>
        tpu.enqueue_dma source(%dma_start3A_49 : memref<16x128xi32, #tpu.memory_space<hbm>>) target(%arg7 : memref<16x128xi32, #tpu.memory_space<vmem>>) target_semaphore(%run_scoped3A : memref<!tpu.dma_semaphore, #tpu.memory_space<semaphore_mem>>)
        %dma_wait3A = arith.constant 0 : i32
        %dma_wait3A_50 = tpu.memref_slice %arg4[%add3A_27, %dma_wait3A] : memref<1280x128xi32, #tpu.memory_space<hbm>> -> memref<16x128xi32, #tpu.memory_space<hbm>>
        %dma_wait3A_51 = arith.constant 0 : i32
        %dma_wait3A_52 = tpu.memref_slice %arg4[%add3A_27, %dma_wait3A_51] : memref<1280x128xi32, #tpu.memory_space<hbm>> -> memref<16x128xi32, #tpu.memory_space<hbm>>
        tpu.wait_dma2 semaphore(%run_scoped3A : memref<!tpu.dma_semaphore, #tpu.memory_space<semaphore_mem>>) src(%dma_wait3A_52 : memref<16x128xi32, #tpu.memory_space<hbm>>) dst(%arg7 : memref<16x128xi32, #tpu.memory_space<vmem>>)
        tpu.yield
      }) : () -> ()
      %scan3A_28 = arith.constant 0 : i32
      %scan3A_29 = arith.constant 0 : i32
      %scan3A_30 = arith.constant 16 : i32
      %scan3A_31 = arith.addi %scan3A_29, %scan3A_30 : i32
      %scan3A_32 = arith.constant 1 : i32
      scf.for %scan3A_46 = %scan3A_29 to %scan3A_31 step %scan3A_32  : i32 {
        %get3A = arith.index_cast %scan3A_46 : i32 to index
        %get3A_47 = arith.constant 0 : index
        %get3A_48 = tpu.vector_load %arg6[%get3A, %get3A_47] {strides = array<i32>} : memref<16x128xi32, #tpu.memory_space<vmem>>, vector<1x16xi32>,
        %get3A_49 = vector.shape_cast %get3A_48 : vector<1x16xi32> to vector<16xi32>
        %add3A_50 = arith.addi %get3A_49, %get3A_49 : vector<16xi32>
        %add3A_51 = vector.broadcast %arg0 : i32 to vector<16xi32>
        %add3A_52 = arith.addi %add3A_50, %add3A_51 : vector<16xi32>
        %swap3A = arith.index_cast %scan3A_46 : i32 to index
        %swap3A_53 = arith.constant 0 : index
        %swap3A_54 = tpu.vector_load %arg6[%swap3A, %swap3A_53] {strides = array<i32>} : memref<16x128xi32, #tpu.memory_space<vmem>>, vector<1x16xi32>,
        %swap3A_55 = vector.shape_cast %swap3A_54 : vector<1x16xi32> to vector<16xi32>
        %swap3A_56 = vector.shape_cast %add3A_52 : vector<16xi32> to vector<1x16xi32>
        tpu.vector_store %arg6[%swap3A, %swap3A_53], %swap3A_56 {strides = array<i32>} : memref<16x128xi32, #tpu.memory_space<vmem>>, vector<1x16xi32>,
        %get3A_57 = arith.index_cast %scan3A_46 : i32 to index
        %get3A_58 = arith.constant 16 : index
        %get3A_59 = tpu.vector_load %arg6[%get3A_57, %get3A_58] {strides = array<i32>} : memref<16x128xi32, #tpu.memory_space<vmem>>, vector<1x16xi32>,
        %get3A_60 = vector.shape_cast %get3A_59 : vector<1x16xi32> to vector<16xi32>
        %add3A_61 = arith.addi %get3A_60, %get3A_60 : vector<16xi32>
        %add3A_62 = vector.broadcast %arg0 : i32 to vector<16xi32>
        %add3A_63 = arith.addi %add3A_61, %add3A_62 : vector<16xi32>
        %swap3A_64 = arith.index_cast %scan3A_46 : i32 to index
        %swap3A_65 = arith.constant 16 : index
        %swap3A_66 = tpu.vector_load %arg6[%swap3A_64, %swap3A_65] {strides = array<i32>} : memref<16x128xi32, #tpu.memory_space<vmem>>, vector<1x16xi32>,
        %swap3A_67 = vector.shape_cast %swap3A_66 : vector<1x16xi32> to vector<16xi32>
        %swap3A_68 = vector.shape_cast %add3A_63 : vector<16xi32> to vector<1x16xi32>
        tpu.vector_store %arg6[%swap3A_64, %swap3A_65], %swap3A_68 {strides = array<i32>} : memref<16x128xi32, #tpu.memory_space<vmem>>, vector<1x16xi32>,
        %get3A_69 = arith.index_cast %scan3A_46 : i32 to index
        %get3A_70 = arith.constant 32 : index
        %get3A_71 = tpu.vector_load %arg6[%get3A_69, %get3A_70] {strides = array<i32>} : memref<16x128xi32, #tpu.memory_space<vmem>>, vector<1x16xi32>,
        %get3A_72 = vector.shape_cast %get3A_71 : vector<1x16xi32> to vector<16xi32>
        %add3A_73 = arith.addi %get3A_72, %get3A_72 : vector<16xi32>
        %add3A_74 = vector.broadcast %arg0 : i32 to vector<16xi32>
        %add3A_75 = arith.addi %add3A_73, %add3A_74 : vector<16xi32>
        %swap3A_76 = arith.index_cast %scan3A_46 : i32 to index
        %swap3A_77 = arith.constant 32 : index
        %swap3A_78 = tpu.vector_load %arg6[%swap3A_76, %swap3A_77] {strides = array<i32>} : memref<16x128xi32, #tpu.memory_space<vmem>>, vector<1x16xi32>,
        %swap3A_79 = vector.shape_cast %swap3A_78 : vector<1x16xi32> to vector<16xi32>
        %swap3A_80 = vector.shape_cast %add3A_75 : vector<16xi32> to vector<1x16xi32>
        tpu.vector_store %arg6[%swap3A_76, %swap3A_77], %swap3A_80 {strides = array<i32>} : memref<16x128xi32, #tpu.memory_space<vmem>>, vector<1x16xi32>,
        %get3A_81 = arith.index_cast %scan3A_46 : i32 to index
        %get3A_82 = arith.constant 48 : index
        %get3A_83 = tpu.vector_load %arg6[%get3A_81, %get3A_82] {strides = array<i32>} : memref<16x128xi32, #tpu.memory_space<vmem>>, vector<1x16xi32>,
        %get3A_84 = vector.shape_cast %get3A_83 : vector<1x16xi32> to vector<16xi32>
        %add3A_85 = arith.addi %get3A_84, %get3A_84 : vector<16xi32>
        %add3A_86 = vector.broadcast %arg0 : i32 to vector<16xi32>
        %add3A_87 = arith.addi %add3A_85, %add3A_86 : vector<16xi32>
        %swap3A_88 = arith.index_cast %scan3A_46 : i32 to index
        %swap3A_89 = arith.constant 48 : index
        %swap3A_90 = tpu.vector_load %arg6[%swap3A_88, %swap3A_89] {strides = array<i32>} : memref<16x128xi32, #tpu.memory_space<vmem>>, vector<1x16xi32>,
        %swap3A_91 = vector.shape_cast %swap3A_90 : vector<1x16xi32> to vector<16xi32>
        %swap3A_92 = vector.shape_cast %add3A_87 : vector<16xi32> to vector<1x16xi32>
        tpu.vector_store %arg6[%swap3A_88, %swap3A_89], %swap3A_92 {strides = array<i32>} : memref<16x128xi32, #tpu.memory_space<vmem>>, vector<1x16xi32>,
        %get3A_93 = arith.index_cast %scan3A_46 : i32 to index
        %get3A_94 = arith.constant 64 : index
        %get3A_95 = tpu.vector_load %arg6[%get3A_93, %get3A_94] {strides = array<i32>} : memref<16x128xi32, #tpu.memory_space<vmem>>, vector<1x16xi32>,
        %get3A_96 = vector.shape_cast %get3A_95 : vector<1x16xi32> to vector<16xi32>
        %add3A_97 = arith.addi %get3A_96, %get3A_96 : vector<16xi32>
        %add3A_98 = vector.broadcast %arg0 : i32 to vector<16xi32>
        %add3A_99 = arith.addi %add3A_97, %add3A_98 : vector<16xi32>
        %swap3A_100 = arith.index_cast %scan3A_46 : i32 to index
        %swap3A_101 = arith.constant 64 : index
        %swap3A_102 = tpu.vector_load %arg6[%swap3A_100, %swap3A_101] {strides = array<i32>} : memref<16x128xi32, #tpu.memory_space<vmem>>, vector<1x16xi32>,
        %swap3A_103 = vector.shape_cast %swap3A_102 : vector<1x16xi32> to vector<16xi32>
        %swap3A_104 = vector.shape_cast %add3A_99 : vector<16xi32> to vector<1x16xi32>
        tpu.vector_store %arg6[%swap3A_100, %swap3A_101], %swap3A_104 {strides = array<i32>} : memref<16x128xi32, #tpu.memory_space<vmem>>, vector<1x16xi32>,
        %get3A_105 = arith.index_cast %scan3A_46 : i32 to index
        %get3A_106 = arith.constant 80 : index
        %get3A_107 = tpu.vector_load %arg6[%get3A_105, %get3A_106] {strides = array<i32>} : memref<16x128xi32, #tpu.memory_space<vmem>>, vector<1x16xi32>,
        %get3A_108 = vector.shape_cast %get3A_107 : vector<1x16xi32> to vector<16xi32>
        %add3A_109 = arith.addi %get3A_108, %get3A_108 : vector<16xi32>
        %add3A_110 = vector.broadcast %arg0 : i32 to vector<16xi32>
        %add3A_111 = arith.addi %add3A_109, %add3A_110 : vector<16xi32>
        %swap3A_112 = arith.index_cast %scan3A_46 : i32 to index
        %swap3A_113 = arith.constant 80 : index
        %swap3A_114 = tpu.vector_load %arg6[%swap3A_112, %swap3A_113] {strides = array<i32>} : memref<16x128xi32, #tpu.memory_space<vmem>>, vector<1x16xi32>,
        %swap3A_115 = vector.shape_cast %swap3A_114 : vector<1x16xi32> to vector<16xi32>
        %swap3A_116 = vector.shape_cast %add3A_111 : vector<16xi32> to vector<1x16xi32>
        tpu.vector_store %arg6[%swap3A_112, %swap3A_113], %swap3A_116 {strides = array<i32>} : memref<16x128xi32, #tpu.memory_space<vmem>>, vector<1x16xi32>,
        %get3A_117 = arith.index_cast %scan3A_46 : i32 to index
        %get3A_118 = arith.constant 96 : index
        %get3A_119 = tpu.vector_load %arg6[%get3A_117, %get3A_118] {strides = array<i32>} : memref<16x128xi32, #tpu.memory_space<vmem>>, vector<1x16xi32>,
        %get3A_120 = vector.shape_cast %get3A_119 : vector<1x16xi32> to vector<16xi32>
        %add3A_121 = arith.addi %get3A_120, %get3A_120 : vector<16xi32>
        %add3A_122 = vector.broadcast %arg0 : i32 to vector<16xi32>
        %add3A_123 = arith.addi %add3A_121, %add3A_122 : vector<16xi32>
        %swap3A_124 = arith.index_cast %scan3A_46 : i32 to index
        %swap3A_125 = arith.constant 96 : index
        %swap3A_126 = tpu.vector_load %arg6[%swap3A_124, %swap3A_125] {strides = array<i32>} : memref<16x128xi32, #tpu.memory_space<vmem>>, vector<1x16xi32>,
        %swap3A_127 = vector.shape_cast %swap3A_126 : vector<1x16xi32> to vector<16xi32>
        %swap3A_128 = vector.shape_cast %add3A_123 : vector<16xi32> to vector<1x16xi32>
        tpu.vector_store %arg6[%swap3A_124, %swap3A_125], %swap3A_128 {strides = array<i32>} : memref<16x128xi32, #tpu.memory_space<vmem>>, vector<1x16xi32>,
        %get3A_129 = arith.index_cast %scan3A_46 : i32 to index
        %get3A_130 = arith.constant 112 : index
        %get3A_131 = tpu.vector_load %arg6[%get3A_129, %get3A_130] {strides = array<i32>} : memref<16x128xi32, #tpu.memory_space<vmem>>, vector<1x16xi32>,
        %get3A_132 = vector.shape_cast %get3A_131 : vector<1x16xi32> to vector<16xi32>
        %add3A_133 = arith.addi %get3A_132, %get3A_132 : vector<16xi32>
        %add3A_134 = vector.broadcast %arg0 : i32 to vector<16xi32>
        %add3A_135 = arith.addi %add3A_133, %add3A_134 : vector<16xi32>
        %swap3A_136 = arith.index_cast %scan3A_46 : i32 to index
        %swap3A_137 = arith.constant 112 : index
        %swap3A_138 = tpu.vector_load %arg6[%swap3A_136, %swap3A_137] {strides = array<i32>} : memref<16x128xi32, #tpu.memory_space<vmem>>, vector<1x16xi32>,
        %swap3A_139 = vector.shape_cast %swap3A_138 : vector<1x16xi32> to vector<16xi32>
        %swap3A_140 = vector.shape_cast %add3A_135 : vector<16xi32> to vector<1x16xi32>
        tpu.vector_store %arg6[%swap3A_136, %swap3A_137], %swap3A_140 {strides = array<i32>} : memref<16x128xi32, #tpu.memory_space<vmem>>, vector<1x16xi32>,
      }
      %scan3A_33 = arith.constant 16 : i32
      %dma_start3A = arith.constant 0 : i32
      %dma_start3A_34 = arith.constant 0 : i32
      %dma_start3A_35 = tpu.memref_slice %arg6[%dma_start3A, %dma_start3A_34] : memref<16x128xi32, #tpu.memory_space<vmem>> -> memref<1x128xi32, #tpu.memory_space<vmem>>
      %dma_start3A_36 = tpu.memref_squeeze %dma_start3A_35 : memref<1x128xi32, #tpu.memory_space<vmem>> -> memref<128xi32, #tpu.memory_space<vmem>>
      %dma_start3A_37 = arith.constant 0 : i32
      %dma_start3A_38 = arith.constant 0 : i32
      %dma_start3A_39 = tpu.memref_slice %arg2[%dma_start3A_37, %dma_start3A_38] : memref<20480x128xf32, #tpu.memory_space<hbm>> -> memref<20480x128xf32, #tpu.memory_space<hbm>>
      tpu.enqueue_indirect_dma source(%dma_start3A_39 : memref<20480x128xf32, #tpu.memory_space<hbm>>) target(%arg8 : memref<128x128xf32, #tpu.memory_space<vmem>>) offsets(%dma_start3A_36 : memref<128xi32, #tpu.memory_space<vmem>>) semaphore(%arg11 : memref<!tpu.dma_semaphore, #tpu.memory_space<semaphore_mem>>)
      %scan3A_40 = arith.constant 0 : i32
      %scan3A_41 = arith.constant 0 : i32
      %scan3A_42 = arith.constant 8 : i32
      %scan3A_43 = arith.addi %scan3A_41, %scan3A_42 : i32
      %scan3A_44 = arith.constant 1 : i32
      scf.for %scan3A_46 = %scan3A_41 to %scan3A_43 step %scan3A_44  : i32 {
        %mul3A_47 = arith.constant 2 : i32
        %mul3A_48 = arith.muli %mul3A_47, %scan3A_46 : i32
        %add3A_49 = arith.constant 1 : i32
        %add3A_50 = arith.addi %mul3A_48, %add3A_49 : i32
        %dma_start3A_51 = arith.constant 0 : i32
        %dma_start3A_52 = tpu.memref_slice %arg6[%add3A_50, %dma_start3A_51] : memref<16x128xi32, #tpu.memory_space<vmem>> -> memref<1x128xi32, #tpu.memory_space<vmem>>
        %dma_start3A_53 = tpu.memref_squeeze %dma_start3A_52 : memref<1x128xi32, #tpu.memory_space<vmem>> -> memref<128xi32, #tpu.memory_space<vmem>>
        %dma_start3A_54 = arith.constant 0 : i32
        %dma_start3A_55 = arith.constant 0 : i32
        %dma_start3A_56 = tpu.memref_slice %arg2[%dma_start3A_54, %dma_start3A_55] : memref<20480x128xf32, #tpu.memory_space<hbm>> -> memref<20480x128xf32, #tpu.memory_space<hbm>>
        tpu.enqueue_indirect_dma source(%dma_start3A_56 : memref<20480x128xf32, #tpu.memory_space<hbm>>) target(%arg9 : memref<128x128xf32, #tpu.memory_space<vmem>>) offsets(%dma_start3A_53 : memref<128xi32, #tpu.memory_space<vmem>>) semaphore(%arg12 : memref<!tpu.dma_semaphore, #tpu.memory_space<semaphore_mem>>)
        %dma_wait3A = arith.constant 0 : i32
        %dma_wait3A_57 = tpu.memref_slice %arg6[%mul3A_48, %dma_wait3A] : memref<16x128xi32, #tpu.memory_space<vmem>> -> memref<1x128xi32, #tpu.memory_space<vmem>>
        %dma_wait3A_58 = tpu.memref_squeeze %dma_wait3A_57 : memref<1x128xi32, #tpu.memory_space<vmem>> -> memref<128xi32, #tpu.memory_space<vmem>>
        %dma_wait3A_59 = arith.constant 0 : i32
        %dma_wait3A_60 = arith.constant 0 : i32
        %dma_wait3A_61 = tpu.memref_slice %arg2[%dma_wait3A_59, %dma_wait3A_60] : memref<20480x128xf32, #tpu.memory_space<hbm>> -> memref<20480x128xf32, #tpu.memory_space<hbm>>
        tpu.wait_indirect_dma semaphore(%arg11 : memref<!tpu.dma_semaphore, #tpu.memory_space<semaphore_mem>>) src(%dma_wait3A_61 : memref<20480x128xf32, #tpu.memory_space<hbm>>) dst(%arg8 : memref<128x128xf32, #tpu.memory_space<vmem>>)
        "tpu.region"() ({
          %run_scoped3A = tpu.sem_alloc : memref<!tpu.dma_semaphore, #tpu.memory_space<semaphore_mem>>
          %dma_start3A_72 = arith.constant 0 : i32
          %dma_start3A_73 = tpu.memref_slice %arg7[%mul3A_48, %dma_start3A_72] : memref<16x128xi32, #tpu.memory_space<vmem>> -> memref<1x128xi32, #tpu.memory_space<vmem>>
          %dma_start3A_74 = tpu.memref_squeeze %dma_start3A_73 : memref<1x128xi32, #tpu.memory_space<vmem>> -> memref<128xi32, #tpu.memory_space<vmem>>
          %dma_start3A_75 = arith.constant 0 : i32
          %dma_start3A_76 = arith.constant 0 : i32
          %dma_start3A_77 = tpu.memref_slice %arg10[%dma_start3A_75, %dma_start3A_76] : memref<10240x128xf32, #tpu.memory_space<vmem_shared>> -> memref<10240x128xf32, #tpu.memory_space<vmem_shared>>
          tpu.enqueue_indirect_dma source(%arg8 : memref<128x128xf32, #tpu.memory_space<vmem>>) target(%dma_start3A_77 : memref<10240x128xf32, #tpu.memory_space<vmem_shared>>) offsets(%dma_start3A_74 : memref<128xi32, #tpu.memory_space<vmem>>) semaphore(%run_scoped3A : memref<!tpu.dma_semaphore, #tpu.memory_space<semaphore_mem>>) {add = true}
          %dma_wait3A_78 = arith.constant 0 : i32
          %dma_wait3A_79 = tpu.memref_slice %arg7[%mul3A_48, %dma_wait3A_78] : memref<16x128xi32, #tpu.memory_space<vmem>> -> memref<1x128xi32, #tpu.memory_space<vmem>>
          %dma_wait3A_80 = tpu.memref_squeeze %dma_wait3A_79 : memref<1x128xi32, #tpu.memory_space<vmem>> -> memref<128xi32, #tpu.memory_space<vmem>>
          %dma_wait3A_81 = arith.constant 0 : i32
          %dma_wait3A_82 = arith.constant 0 : i32
          %dma_wait3A_83 = tpu.memref_slice %arg10[%dma_wait3A_81, %dma_wait3A_82] : memref<10240x128xf32, #tpu.memory_space<vmem_shared>> -> memref<10240x128xf32, #tpu.memory_space<vmem_shared>>
          tpu.wait_indirect_dma semaphore(%run_scoped3A : memref<!tpu.dma_semaphore, #tpu.memory_space<semaphore_mem>>) src(%arg8 : memref<128x128xf32, #tpu.memory_space<vmem>>) dst(%dma_wait3A_83 : memref<10240x128xf32, #tpu.memory_space<vmem_shared>>)
          tpu.yield
        }) : () -> ()
        %add3A_62 = arith.constant 1 : i32
        %add3A_63 = arith.addi %add3A_50, %add3A_62 : i32
        %lt3A = arith.constant 16 : i32
        %lt3A_64 = arith.cmpi slt, %add3A_63, %lt3A : i32
        %convert_element_type3A = arith.extui %lt3A_64 : i1 to i32
        %cond3A = arith.constant 0 : i32
        %cond3A_65 = arith.cmpi ne, %convert_element_type3A, %cond3A : i32
        scf.if %cond3A_65 {
          %add3A_72 = arith.constant 1 : i32
          %add3A_73 = arith.addi %add3A_50, %add3A_72 : i32
          %dma_start3A_74 = arith.constant 0 : i32
          %dma_start3A_75 = tpu.memref_slice %arg6[%add3A_73, %dma_start3A_74] : memref<16x128xi32, #tpu.memory_space<vmem>> -> memref<1x128xi32, #tpu.memory_space<vmem>>
          %dma_start3A_76 = tpu.memref_squeeze %dma_start3A_75 : memref<1x128xi32, #tpu.memory_space<vmem>> -> memref<128xi32, #tpu.memory_space<vmem>>
          %dma_start3A_77 = arith.constant 0 : i32
          %dma_start3A_78 = arith.constant 0 : i32
          %dma_start3A_79 = tpu.memref_slice %arg2[%dma_start3A_77, %dma_start3A_78] : memref<20480x128xf32, #tpu.memory_space<hbm>> -> memref<20480x128xf32, #tpu.memory_space<hbm>>
          tpu.enqueue_indirect_dma source(%dma_start3A_79 : memref<20480x128xf32, #tpu.memory_space<hbm>>) target(%arg8 : memref<128x128xf32, #tpu.memory_space<vmem>>) offsets(%dma_start3A_76 : memref<128xi32, #tpu.memory_space<vmem>>) semaphore(%arg11 : memref<!tpu.dma_semaphore, #tpu.memory_space<semaphore_mem>>)
        } else {
        }
        %dma_wait3A_66 = arith.constant 0 : i32
        %dma_wait3A_67 = tpu.memref_slice %arg6[%add3A_50, %dma_wait3A_66] : memref<16x128xi32, #tpu.memory_space<vmem>> -> memref<1x128xi32, #tpu.memory_space<vmem>>
        %dma_wait3A_68 = tpu.memref_squeeze %dma_wait3A_67 : memref<1x128xi32, #tpu.memory_space<vmem>> -> memref<128xi32, #tpu.memory_space<vmem>>
        %dma_wait3A_69 = arith.constant 0 : i32
        %dma_wait3A_70 = arith.constant 0 : i32
        %dma_wait3A_71 = tpu.memref_slice %arg2[%dma_wait3A_69, %dma_wait3A_70] : memref<20480x128xf32, #tpu.memory_space<hbm>> -> memref<20480x128xf32, #tpu.memory_space<hbm>>
        tpu.wait_indirect_dma semaphore(%arg12 : memref<!tpu.dma_semaphore, #tpu.memory_space<semaphore_mem>>) src(%dma_wait3A_71 : memref<20480x128xf32, #tpu.memory_space<hbm>>) dst(%arg9 : memref<128x128xf32, #tpu.memory_space<vmem>>)
        "tpu.region"() ({
          %run_scoped3A = tpu.sem_alloc : memref<!tpu.dma_semaphore, #tpu.memory_space<semaphore_mem>>
          %dma_start3A_72 = arith.constant 0 : i32
          %dma_start3A_73 = tpu.memref_slice %arg7[%add3A_50, %dma_start3A_72] : memref<16x128xi32, #tpu.memory_space<vmem>> -> memref<1x128xi32, #tpu.memory_space<vmem>>
          %dma_start3A_74 = tpu.memref_squeeze %dma_start3A_73 : memref<1x128xi32, #tpu.memory_space<vmem>> -> memref<128xi32, #tpu.memory_space<vmem>>
          %dma_start3A_75 = arith.constant 0 : i32
          %dma_start3A_76 = arith.constant 0 : i32
          %dma_start3A_77 = tpu.memref_slice %arg10[%dma_start3A_75, %dma_start3A_76] : memref<10240x128xf32, #tpu.memory_space<vmem_shared>> -> memref<10240x128xf32, #tpu.memory_space<vmem_shared>>
          tpu.enqueue_indirect_dma source(%arg9 : memref<128x128xf32, #tpu.memory_space<vmem>>) target(%dma_start3A_77 : memref<10240x128xf32, #tpu.memory_space<vmem_shared>>) offsets(%dma_start3A_74 : memref<128xi32, #tpu.memory_space<vmem>>) semaphore(%run_scoped3A : memref<!tpu.dma_semaphore, #tpu.memory_space<semaphore_mem>>) {add = true}
          %dma_wait3A_78 = arith.constant 0 : i32
          %dma_wait3A_79 = tpu.memref_slice %arg7[%add3A_50, %dma_wait3A_78] : memref<16x128xi32, #tpu.memory_space<vmem>> -> memref<1x128xi32, #tpu.memory_space<vmem>>
          %dma_wait3A_80 = tpu.memref_squeeze %dma_wait3A_79 : memref<1x128xi32, #tpu.memory_space<vmem>> -> memref<128xi32, #tpu.memory_space<vmem>>
          %dma_wait3A_81 = arith.constant 0 : i32
          %dma_wait3A_82 = arith.constant 0 : i32
          %dma_wait3A_83 = tpu.memref_slice %arg10[%dma_wait3A_81, %dma_wait3A_82] : memref<10240x128xf32, #tpu.memory_space<vmem_shared>> -> memref<10240x128xf32, #tpu.memory_space<vmem_shared>>
          tpu.wait_indirect_dma semaphore(%run_scoped3A : memref<!tpu.dma_semaphore, #tpu.memory_space<semaphore_mem>>) src(%arg9 : memref<128x128xf32, #tpu.memory_space<vmem>>) dst(%dma_wait3A_83 : memref<10240x128xf32, #tpu.memory_space<vmem_shared>>)
          tpu.yield
        }) : () -> ()
      }
      %scan3A_45 = arith.constant 8 : i32
    }
    %scan3A_22 = arith.constant 5 : i32
    %barrier3A_23 = arith.constant 0 : index
    tpu.barrier barrier_id(%barrier3A_23)
    "tpu.region"() ({
      %run_scoped3A = tpu.sem_alloc : memref<!tpu.dma_semaphore, #tpu.memory_space<semaphore_mem>>
      %dma_start3A = arith.constant 0 : i32
      %dma_start3A_24 = tpu.memref_slice %arg5[%arg0, %mul3A_5, %dma_start3A] : memref<2x10240x128xf32, #tpu.memory_space<hbm>> -> memref<1x640x128xf32, #tpu.memory_space<hbm>>
      %dma_start3A_25 = tpu.memref_squeeze %dma_start3A_24 : memref<1x640x128xf32, #tpu.memory_space<hbm>> -> memref<640x128xf32, #tpu.memory_space<hbm>>
      %dma_start3A_26 = arith.constant 0 : i32
      %dma_start3A_27 = tpu.memref_slice %arg10[%mul3A_5, %dma_start3A_26] : memref<10240x128xf32, #tpu.memory_space<vmem_shared>> -> memref<640x128xf32, #tpu.memory_space<vmem_shared>>
      tpu.enqueue_dma source(%dma_start3A_27 : memref<640x128xf32, #tpu.memory_space<vmem_shared>>) target(%dma_start3A_25 : memref<640x128xf32, #tpu.memory_space<hbm>>) target_semaphore(%run_scoped3A : memref<!tpu.dma_semaphore, #tpu.memory_space<semaphore_mem>>)
      %dma_wait3A = arith.constant 0 : i32
      %dma_wait3A_28 = tpu.memref_slice %arg5[%arg0, %mul3A_5, %dma_wait3A] : memref<2x10240x128xf32, #tpu.memory_space<hbm>> -> memref<1x640x128xf32, #tpu.memory_space<hbm>>
      %dma_wait3A_29 = tpu.memref_squeeze %dma_wait3A_28 : memref<1x640x128xf32, #tpu.memory_space<hbm>> -> memref<640x128xf32, #tpu.memory_space<hbm>>
      %dma_wait3A_30 = arith.constant 0 : i32
      %dma_wait3A_31 = tpu.memref_slice %arg10[%mul3A_5, %dma_wait3A_30] : memref<10240x128xf32, #tpu.memory_space<vmem_shared>> -> memref<640x128xf32, #tpu.memory_space<vmem_shared>>
      tpu.wait_dma2 semaphore(%run_scoped3A : memref<!tpu.dma_semaphore, #tpu.memory_space<semaphore_mem>>) src(%dma_wait3A_31 : memref<640x128xf32, #tpu.memory_space<vmem_shared>>) dst(%dma_wait3A_29 : memref<640x128xf32, #tpu.memory_space<hbm>>)
      tpu.yield
    }) : () -> ()
    return
  }
}

#map = affine_map<(d0, d1) -> (0, 0)>
#map1 = affine_map<(d0, d1) -> (0, 0, 0)>
module attributes {stable_mosaic.version = 14 : i64} {
  func.func @body(%arg0: i32, %arg1: i32, %arg2: memref<20480x128xf32, #tpu.memory_space<hbm>>, %arg3: memref<1280x128xi32, #tpu.memory_space<hbm>>, %arg4: memref<1280x128xi32, #tpu.memory_space<hbm>>, %arg5: memref<2x10240x128xf32, #tpu.memory_space<hbm>>, %arg6: memref<16x128xi32, #tpu.memory_space<vmem>>, %arg7: memref<16x128xi32, #tpu.memory_space<vmem>>, %arg8: memref<128x128xf32, #tpu.memory_space<vmem>>, %arg9: memref<128x128xf32, #tpu.memory_space<vmem>>, %arg10: memref<10240x128xf32, #tpu.memory_space<vmem_shared>>, %arg11: memref<!tpu.dma_semaphore, #tpu.memory_space<semaphore_mem>>, %arg12: memref<!tpu.dma_semaphore, #tpu.memory_space<semaphore_mem>>) attributes {dimension_semantics = [#tpu.dimension_semantics<core_parallel>, #tpu.dimension_semantics<subcore_parallel>], iteration_bounds = array<i64: 2, 16>, scalar_prefetch = 0 : i64, scratch_operands = 7 : i64, tpu.core_type = #tpu.core_type<sc_vector_subcore>, window_params = [{transform_indices = #map}, {transform_indices = #map}, {transform_indices = #map}, {transform_indices = #map1}]} {
    %scan3A = arith.constant 0 : i32
    %scan3A_0 = arith.constant 0 : i32
    %scan3A_1 = arith.constant 128 : i32
    %scan3A_2 = arith.addi %scan3A_0, %scan3A_1 : i32
    %scan3A_3 = arith.constant 1 : i32
    scf.for %scan3A_24 = %scan3A_0 to %scan3A_2 step %scan3A_3  : i32 {
      %broadcast_in_dim3A = arith.constant 0.000000e+00 : f32
      %broadcast_in_dim3A_25 = vector.broadcast %broadcast_in_dim3A : f32 to vector<16xf32>
      %swap3A = arith.index_cast %scan3A_24 : i32 to index
      %swap3A_26 = arith.constant 0 : index
      %swap3A_27 = tpu.vector_load %arg8[%swap3A, %swap3A_26] {strides = array<i32>} : memref<128x128xf32, #tpu.memory_space<vmem>>, vector<1x16xf32>,
      %swap3A_28 = vector.shape_cast %swap3A_27 : vector<1x16xf32> to vector<16xf32>
      %swap3A_29 = vector.shape_cast %broadcast_in_dim3A_25 : vector<16xf32> to vector<1x16xf32>
      tpu.vector_store %arg8[%swap3A, %swap3A_26], %swap3A_29 {strides = array<i32>} : memref<128x128xf32, #tpu.memory_space<vmem>>, vector<1x16xf32>,
      %broadcast_in_dim3A_30 = arith.constant 0.000000e+00 : f32
      %broadcast_in_dim3A_31 = vector.broadcast %broadcast_in_dim3A_30 : f32 to vector<16xf32>
      %swap3A_32 = arith.index_cast %scan3A_24 : i32 to index
      %swap3A_33 = arith.constant 16 : index
      %swap3A_34 = tpu.vector_load %arg8[%swap3A_32, %swap3A_33] {strides = array<i32>} : memref<128x128xf32, #tpu.memory_space<vmem>>, vector<1x16xf32>,
      %swap3A_35 = vector.shape_cast %swap3A_34 : vector<1x16xf32> to vector<16xf32>
      %swap3A_36 = vector.shape_cast %broadcast_in_dim3A_31 : vector<16xf32> to vector<1x16xf32>
      tpu.vector_store %arg8[%swap3A_32, %swap3A_33], %swap3A_36 {strides = array<i32>} : memref<128x128xf32, #tpu.memory_space<vmem>>, vector<1x16xf32>,
      %broadcast_in_dim3A_37 = arith.constant 0.000000e+00 : f32
      %broadcast_in_dim3A_38 = vector.broadcast %broadcast_in_dim3A_37 : f32 to vector<16xf32>
      %swap3A_39 = arith.index_cast %scan3A_24 : i32 to index
      %swap3A_40 = arith.constant 32 : index
      %swap3A_41 = tpu.vector_load %arg8[%swap3A_39, %swap3A_40] {strides = array<i32>} : memref<128x128xf32, #tpu.memory_space<vmem>>, vector<1x16xf32>,
      %swap3A_42 = vector.shape_cast %swap3A_41 : vector<1x16xf32> to vector<16xf32>
      %swap3A_43 = vector.shape_cast %broadcast_in_dim3A_38 : vector<16xf32> to vector<1x16xf32>
      tpu.vector_store %arg8[%swap3A_39, %swap3A_40], %swap3A_43 {strides = array<i32>} : memref<128x128xf32, #tpu.memory_space<vmem>>, vector<1x16xf32>,
      %broadcast_in_dim3A_44 = arith.constant 0.000000e+00 : f32
      %broadcast_in_dim3A_45 = vector.broadcast %broadcast_in_dim3A_44 : f32 to vector<16xf32>
      %swap3A_46 = arith.index_cast %scan3A_24 : i32 to index
      %swap3A_47 = arith.constant 48 : index
      %swap3A_48 = tpu.vector_load %arg8[%swap3A_46, %swap3A_47] {strides = array<i32>} : memref<128x128xf32, #tpu.memory_space<vmem>>, vector<1x16xf32>,
      %swap3A_49 = vector.shape_cast %swap3A_48 : vector<1x16xf32> to vector<16xf32>
      %swap3A_50 = vector.shape_cast %broadcast_in_dim3A_45 : vector<16xf32> to vector<1x16xf32>
      tpu.vector_store %arg8[%swap3A_46, %swap3A_47], %swap3A_50 {strides = array<i32>} : memref<128x128xf32, #tpu.memory_space<vmem>>, vector<1x16xf32>,
      %broadcast_in_dim3A_51 = arith.constant 0.000000e+00 : f32
      %broadcast_in_dim3A_52 = vector.broadcast %broadcast_in_dim3A_51 : f32 to vector<16xf32>
      %swap3A_53 = arith.index_cast %scan3A_24 : i32 to index
      %swap3A_54 = arith.constant 64 : index
      %swap3A_55 = tpu.vector_load %arg8[%swap3A_53, %swap3A_54] {strides = array<i32>} : memref<128x128xf32, #tpu.memory_space<vmem>>, vector<1x16xf32>,
      %swap3A_56 = vector.shape_cast %swap3A_55 : vector<1x16xf32> to vector<16xf32>
      %swap3A_57 = vector.shape_cast %broadcast_in_dim3A_52 : vector<16xf32> to vector<1x16xf32>
      tpu.vector_store %arg8[%swap3A_53, %swap3A_54], %swap3A_57 {strides = array<i32>} : memref<128x128xf32, #tpu.memory_space<vmem>>, vector<1x16xf32>,
      %broadcast_in_dim3A_58 = arith.constant 0.000000e+00 : f32
      %broadcast_in_dim3A_59 = vector.broadcast %broadcast_in_dim3A_58 : f32 to vector<16xf32>
      %swap3A_60 = arith.index_cast %scan3A_24 : i32 to index
      %swap3A_61 = arith.constant 80 : index
      %swap3A_62 = tpu.vector_load %arg8[%swap3A_60, %swap3A_61] {strides = array<i32>} : memref<128x128xf32, #tpu.memory_space<vmem>>, vector<1x16xf32>,
      %swap3A_63 = vector.shape_cast %swap3A_62 : vector<1x16xf32> to vector<16xf32>
      %swap3A_64 = vector.shape_cast %broadcast_in_dim3A_59 : vector<16xf32> to vector<1x16xf32>
      tpu.vector_store %arg8[%swap3A_60, %swap3A_61], %swap3A_64 {strides = array<i32>} : memref<128x128xf32, #tpu.memory_space<vmem>>, vector<1x16xf32>,
      %broadcast_in_dim3A_65 = arith.constant 0.000000e+00 : f32
      %broadcast_in_dim3A_66 = vector.broadcast %broadcast_in_dim3A_65 : f32 to vector<16xf32>
      %swap3A_67 = arith.index_cast %scan3A_24 : i32 to index
      %swap3A_68 = arith.constant 96 : index
      %swap3A_69 = tpu.vector_load %arg8[%swap3A_67, %swap3A_68] {strides = array<i32>} : memref<128x128xf32, #tpu.memory_space<vmem>>, vector<1x16xf32>,
      %swap3A_70 = vector.shape_cast %swap3A_69 : vector<1x16xf32> to vector<16xf32>
      %swap3A_71 = vector.shape_cast %broadcast_in_dim3A_66 : vector<16xf32> to vector<1x16xf32>
      tpu.vector_store %arg8[%swap3A_67, %swap3A_68], %swap3A_71 {strides = array<i32>} : memref<128x128xf32, #tpu.memory_space<vmem>>, vector<1x16xf32>,
      %broadcast_in_dim3A_72 = arith.constant 0.000000e+00 : f32
      %broadcast_in_dim3A_73 = vector.broadcast %broadcast_in_dim3A_72 : f32 to vector<16xf32>
      %swap3A_74 = arith.index_cast %scan3A_24 : i32 to index
      %swap3A_75 = arith.constant 112 : index
      %swap3A_76 = tpu.vector_load %arg8[%swap3A_74, %swap3A_75] {strides = array<i32>} : memref<128x128xf32, #tpu.memory_space<vmem>>, vector<1x16xf32>,
      %swap3A_77 = vector.shape_cast %swap3A_76 : vector<1x16xf32> to vector<16xf32>
      %swap3A_78 = vector.shape_cast %broadcast_in_dim3A_73 : vector<16xf32> to vector<1x16xf32>
      tpu.vector_store %arg8[%swap3A_74, %swap3A_75], %swap3A_78 {strides = array<i32>} : memref<128x128xf32, #tpu.memory_space<vmem>>, vector<1x16xf32>,
    }
    %scan3A_4 = arith.constant 128 : i32
    %mul3A = arith.constant 640 : i32
    %mul3A_5 = arith.muli %arg1, %mul3A : i32
    %add3A = arith.constant 0 : i32
    %add3A_6 = arith.addi %mul3A_5, %add3A : i32
    "tpu.region"() ({
      %run_scoped3A = tpu.sem_alloc : memref<!tpu.dma_semaphore, #tpu.memory_space<semaphore_mem>>
      %dma_start3A = arith.constant 0 : i32
      %dma_start3A_24 = tpu.memref_slice %arg10[%add3A_6, %dma_start3A] : memref<10240x128xf32, #tpu.memory_space<vmem_shared>> -> memref<128x128xf32, #tpu.memory_space<vmem_shared>>
      %dma_start3A_25 = arith.constant 0 : i32
      %dma_start3A_26 = tpu.memref_slice %arg10[%add3A_6, %dma_start3A_25] : memref<10240x128xf32, #tpu.memory_space<vmem_shared>> -> memref<128x128xf32, #tpu.memory_space<vmem_shared>>
      tpu.enqueue_dma source(%arg8 : memref<128x128xf32, #tpu.memory_space<vmem>>) target(%dma_start3A_26 : memref<128x128xf32, #tpu.memory_space<vmem_shared>>) target_semaphore(%run_scoped3A : memref<!tpu.dma_semaphore, #tpu.memory_space<semaphore_mem>>)
      %dma_wait3A = arith.constant 0 : i32
      %dma_wait3A_27 = tpu.memref_slice %arg10[%add3A_6, %dma_wait3A] : memref<10240x128xf32, #tpu.memory_space<vmem_shared>> -> memref<128x128xf32, #tpu.memory_space<vmem_shared>>
      %dma_wait3A_28 = arith.constant 0 : i32
      %dma_wait3A_29 = tpu.memref_slice %arg10[%add3A_6, %dma_wait3A_28] : memref<10240x128xf32, #tpu.memory_space<vmem_shared>> -> memref<128x128xf32, #tpu.memory_space<vmem_shared>>
      tpu.wait_dma2 semaphore(%run_scoped3A : memref<!tpu.dma_semaphore, #tpu.memory_space<semaphore_mem>>) src(%arg8 : memref<128x128xf32, #tpu.memory_space<vmem>>) dst(%dma_wait3A_29 : memref<128x128xf32, #tpu.memory_space<vmem_shared>>)
      tpu.yield
    }) : () -> ()
    %add3A_7 = arith.constant 128 : i32
    %add3A_8 = arith.addi %mul3A_5, %add3A_7 : i32
    "tpu.region"() ({
      %run_scoped3A = tpu.sem_alloc : memref<!tpu.dma_semaphore, #tpu.memory_space<semaphore_mem>>
      %dma_start3A = arith.constant 0 : i32
      %dma_start3A_24 = tpu.memref_slice %arg10[%add3A_8, %dma_start3A] : memref<10240x128xf32, #tpu.memory_space<vmem_shared>> -> memref<128x128xf32, #tpu.memory_space<vmem_shared>>
      %dma_start3A_25 = arith.constant 0 : i32
      %dma_start3A_26 = tpu.memref_slice %arg10[%add3A_8, %dma_start3A_25] : memref<10240x128xf32, #tpu.memory_space<vmem_shared>> -> memref<128x128xf32, #tpu.memory_space<vmem_shared>>
      tpu.enqueue_dma source(%arg8 : memref<128x128xf32, #tpu.memory_space<vmem>>) target(%dma_start3A_26 : memref<128x128xf32, #tpu.memory_space<vmem_shared>>) target_semaphore(%run_scoped3A : memref<!tpu.dma_semaphore, #tpu.memory_space<semaphore_mem>>)
      %dma_wait3A = arith.constant 0 : i32
      %dma_wait3A_27 = tpu.memref_slice %arg10[%add3A_8, %dma_wait3A] : memref<10240x128xf32, #tpu.memory_space<vmem_shared>> -> memref<128x128xf32, #tpu.memory_space<vmem_shared>>
      %dma_wait3A_28 = arith.constant 0 : i32
      %dma_wait3A_29 = tpu.memref_slice %arg10[%add3A_8, %dma_wait3A_28] : memref<10240x128xf32, #tpu.memory_space<vmem_shared>> -> memref<128x128xf32, #tpu.memory_space<vmem_shared>>
      tpu.wait_dma2 semaphore(%run_scoped3A : memref<!tpu.dma_semaphore, #tpu.memory_space<semaphore_mem>>) src(%arg8 : memref<128x128xf32, #tpu.memory_space<vmem>>) dst(%dma_wait3A_29 : memref<128x128xf32, #tpu.memory_space<vmem_shared>>)
      tpu.yield
    }) : () -> ()
    %add3A_9 = arith.constant 256 : i32
    %add3A_10 = arith.addi %mul3A_5, %add3A_9 : i32
    "tpu.region"() ({
      %run_scoped3A = tpu.sem_alloc : memref<!tpu.dma_semaphore, #tpu.memory_space<semaphore_mem>>
      %dma_start3A = arith.constant 0 : i32
      %dma_start3A_24 = tpu.memref_slice %arg10[%add3A_10, %dma_start3A] : memref<10240x128xf32, #tpu.memory_space<vmem_shared>> -> memref<128x128xf32, #tpu.memory_space<vmem_shared>>
      %dma_start3A_25 = arith.constant 0 : i32
      %dma_start3A_26 = tpu.memref_slice %arg10[%add3A_10, %dma_start3A_25] : memref<10240x128xf32, #tpu.memory_space<vmem_shared>> -> memref<128x128xf32, #tpu.memory_space<vmem_shared>>
      tpu.enqueue_dma source(%arg8 : memref<128x128xf32, #tpu.memory_space<vmem>>) target(%dma_start3A_26 : memref<128x128xf32, #tpu.memory_space<vmem_shared>>) target_semaphore(%run_scoped3A : memref<!tpu.dma_semaphore, #tpu.memory_space<semaphore_mem>>)
      %dma_wait3A = arith.constant 0 : i32
      %dma_wait3A_27 = tpu.memref_slice %arg10[%add3A_10, %dma_wait3A] : memref<10240x128xf32, #tpu.memory_space<vmem_shared>> -> memref<128x128xf32, #tpu.memory_space<vmem_shared>>
      %dma_wait3A_28 = arith.constant 0 : i32
      %dma_wait3A_29 = tpu.memref_slice %arg10[%add3A_10, %dma_wait3A_28] : memref<10240x128xf32, #tpu.memory_space<vmem_shared>> -> memref<128x128xf32, #tpu.memory_space<vmem_shared>>
      tpu.wait_dma2 semaphore(%run_scoped3A : memref<!tpu.dma_semaphore, #tpu.memory_space<semaphore_mem>>) src(%arg8 : memref<128x128xf32, #tpu.memory_space<vmem>>) dst(%dma_wait3A_29 : memref<128x128xf32, #tpu.memory_space<vmem_shared>>)
      tpu.yield
    }) : () -> ()
    %add3A_11 = arith.constant 384 : i32
    %add3A_12 = arith.addi %mul3A_5, %add3A_11 : i32
    "tpu.region"() ({
      %run_scoped3A = tpu.sem_alloc : memref<!tpu.dma_semaphore, #tpu.memory_space<semaphore_mem>>
      %dma_start3A = arith.constant 0 : i32
      %dma_start3A_24 = tpu.memref_slice %arg10[%add3A_12, %dma_start3A] : memref<10240x128xf32, #tpu.memory_space<vmem_shared>> -> memref<128x128xf32, #tpu.memory_space<vmem_shared>>
      %dma_start3A_25 = arith.constant 0 : i32
      %dma_start3A_26 = tpu.memref_slice %arg10[%add3A_12, %dma_start3A_25] : memref<10240x128xf32, #tpu.memory_space<vmem_shared>> -> memref<128x128xf32, #tpu.memory_space<vmem_shared>>
      tpu.enqueue_dma source(%arg8 : memref<128x128xf32, #tpu.memory_space<vmem>>) target(%dma_start3A_26 : memref<128x128xf32, #tpu.memory_space<vmem_shared>>) target_semaphore(%run_scoped3A : memref<!tpu.dma_semaphore, #tpu.memory_space<semaphore_mem>>)
      %dma_wait3A = arith.constant 0 : i32
      %dma_wait3A_27 = tpu.memref_slice %arg10[%add3A_12, %dma_wait3A] : memref<10240x128xf32, #tpu.memory_space<vmem_shared>> -> memref<128x128xf32, #tpu.memory_space<vmem_shared>>
      %dma_wait3A_28 = arith.constant 0 : i32
      %dma_wait3A_29 = tpu.memref_slice %arg10[%add3A_12, %dma_wait3A_28] : memref<10240x128xf32, #tpu.memory_space<vmem_shared>> -> memref<128x128xf32, #tpu.memory_space<vmem_shared>>
      tpu.wait_dma2 semaphore(%run_scoped3A : memref<!tpu.dma_semaphore, #tpu.memory_space<semaphore_mem>>) src(%arg8 : memref<128x128xf32, #tpu.memory_space<vmem>>) dst(%dma_wait3A_29 : memref<128x128xf32, #tpu.memory_space<vmem_shared>>)
      tpu.yield
    }) : () -> ()
    %add3A_13 = arith.constant 512 : i32
    %add3A_14 = arith.addi %mul3A_5, %add3A_13 : i32
    "tpu.region"() ({
      %run_scoped3A = tpu.sem_alloc : memref<!tpu.dma_semaphore, #tpu.memory_space<semaphore_mem>>
      %dma_start3A = arith.constant 0 : i32
      %dma_start3A_24 = tpu.memref_slice %arg10[%add3A_14, %dma_start3A] : memref<10240x128xf32, #tpu.memory_space<vmem_shared>> -> memref<128x128xf32, #tpu.memory_space<vmem_shared>>
      %dma_start3A_25 = arith.constant 0 : i32
      %dma_start3A_26 = tpu.memref_slice %arg10[%add3A_14, %dma_start3A_25] : memref<10240x128xf32, #tpu.memory_space<vmem_shared>> -> memref<128x128xf32, #tpu.memory_space<vmem_shared>>
      tpu.enqueue_dma source(%arg8 : memref<128x128xf32, #tpu.memory_space<vmem>>) target(%dma_start3A_26 : memref<128x128xf32, #tpu.memory_space<vmem_shared>>) target_semaphore(%run_scoped3A : memref<!tpu.dma_semaphore, #tpu.memory_space<semaphore_mem>>)
      %dma_wait3A = arith.constant 0 : i32
      %dma_wait3A_27 = tpu.memref_slice %arg10[%add3A_14, %dma_wait3A] : memref<10240x128xf32, #tpu.memory_space<vmem_shared>> -> memref<128x128xf32, #tpu.memory_space<vmem_shared>>
      %dma_wait3A_28 = arith.constant 0 : i32
      %dma_wait3A_29 = tpu.memref_slice %arg10[%add3A_14, %dma_wait3A_28] : memref<10240x128xf32, #tpu.memory_space<vmem_shared>> -> memref<128x128xf32, #tpu.memory_space<vmem_shared>>
      tpu.wait_dma2 semaphore(%run_scoped3A : memref<!tpu.dma_semaphore, #tpu.memory_space<semaphore_mem>>) src(%arg8 : memref<128x128xf32, #tpu.memory_space<vmem>>) dst(%dma_wait3A_29 : memref<128x128xf32, #tpu.memory_space<vmem_shared>>)
      tpu.yield
    }) : () -> ()
    %barrier3A = arith.constant 0 : index
    tpu.barrier barrier_id(%barrier3A)
    %mul3A_15 = arith.constant 80 : i32
    %mul3A_16 = arith.muli %arg1, %mul3A_15 : i32
    %scan3A_17 = arith.constant 0 : i32
    %scan3A_18 = arith.constant 0 : i32
    %scan3A_19 = arith.constant 5 : i32
    %scan3A_20 = arith.addi %scan3A_18, %scan3A_19 : i32
    %scan3A_21 = arith.constant 1 : i32
    scf.for %scan3A_24 = %scan3A_18 to %scan3A_20 step %scan3A_21  : i32 {
      %mul3A_25 = arith.constant 16 : i32
      %mul3A_26 = arith.muli %scan3A_24, %mul3A_25 : i32
      %add3A_27 = arith.addi %mul3A_16, %mul3A_26 : i32
      "tpu.region"() ({
        %run_scoped3A = tpu.sem_alloc : memref<!tpu.dma_semaphore, #tpu.memory_space<semaphore_mem>>
        %dma_start3A_46 = arith.constant 0 : i32
        %dma_start3A_47 = tpu.memref_slice %arg3[%add3A_27, %dma_start3A_46] : memref<1280x128xi32, #tpu.memory_space<hbm>> -> memref<16x128xi32, #tpu.memory_space<hbm>>
        %dma_start3A_48 = arith.constant 0 : i32
        %dma_start3A_49 = tpu.memref_slice %arg3[%add3A_27, %dma_start3A_48] : memref<1280x128xi32, #tpu.memory_space<hbm>> -> memref<16x128xi32, #tpu.memory_space<hbm>>
        tpu.enqueue_dma source(%dma_start3A_49 : memref<16x128xi32, #tpu.memory_space<hbm>>) target(%arg6 : memref<16x128xi32, #tpu.memory_space<vmem>>) target_semaphore(%run_scoped3A : memref<!tpu.dma_semaphore, #tpu.memory_space<semaphore_mem>>)
        %dma_wait3A = arith.constant 0 : i32
        %dma_wait3A_50 = tpu.memref_slice %arg3[%add3A_27, %dma_wait3A] : memref<1280x128xi32, #tpu.memory_space<hbm>> -> memref<16x128xi32, #tpu.memory_space<hbm>>
        %dma_wait3A_51 = arith.constant 0 : i32
        %dma_wait3A_52 = tpu.memref_slice %arg3[%add3A_27, %dma_wait3A_51] : memref<1280x128xi32, #tpu.memory_space<hbm>> -> memref<16x128xi32, #tpu.memory_space<hbm>>
        tpu.wait_dma2 semaphore(%run_scoped3A : memref<!tpu.dma_semaphore, #tpu.memory_space<semaphore_mem>>) src(%dma_wait3A_52 : memref<16x128xi32, #tpu.memory_space<hbm>>) dst(%arg6 : memref<16x128xi32, #tpu.memory_space<vmem>>)
        tpu.yield
      }) : () -> ()
      "tpu.region"() ({
        %run_scoped3A = tpu.sem_alloc : memref<!tpu.dma_semaphore, #tpu.memory_space<semaphore_mem>>
        %dma_start3A_46 = arith.constant 0 : i32
        %dma_start3A_47 = tpu.memref_slice %arg4[%add3A_27, %dma_start3A_46] : memref<1280x128xi32, #tpu.memory_space<hbm>> -> memref<16x128xi32, #tpu.memory_space<hbm>>
        %dma_start3A_48 = arith.constant 0 : i32
        %dma_start3A_49 = tpu.memref_slice %arg4[%add3A_27, %dma_start3A_48] : memref<1280x128xi32, #tpu.memory_space<hbm>> -> memref<16x128xi32, #tpu.memory_space<hbm>>
        tpu.enqueue_dma source(%dma_start3A_49 : memref<16x128xi32, #tpu.memory_space<hbm>>) target(%arg7 : memref<16x128xi32, #tpu.memory_space<vmem>>) target_semaphore(%run_scoped3A : memref<!tpu.dma_semaphore, #tpu.memory_space<semaphore_mem>>)
        %dma_wait3A = arith.constant 0 : i32
        %dma_wait3A_50 = tpu.memref_slice %arg4[%add3A_27, %dma_wait3A] : memref<1280x128xi32, #tpu.memory_space<hbm>> -> memref<16x128xi32, #tpu.memory_space<hbm>>
        %dma_wait3A_51 = arith.constant 0 : i32
        %dma_wait3A_52 = tpu.memref_slice %arg4[%add3A_27, %dma_wait3A_51] : memref<1280x128xi32, #tpu.memory_space<hbm>> -> memref<16x128xi32, #tpu.memory_space<hbm>>
        tpu.wait_dma2 semaphore(%run_scoped3A : memref<!tpu.dma_semaphore, #tpu.memory_space<semaphore_mem>>) src(%dma_wait3A_52 : memref<16x128xi32, #tpu.memory_space<hbm>>) dst(%arg7 : memref<16x128xi32, #tpu.memory_space<vmem>>)
        tpu.yield
      }) : () -> ()
      %scan3A_28 = arith.constant 0 : i32
      %scan3A_29 = arith.constant 0 : i32
      %scan3A_30 = arith.constant 16 : i32
      %scan3A_31 = arith.addi %scan3A_29, %scan3A_30 : i32
      %scan3A_32 = arith.constant 1 : i32
      scf.for %scan3A_46 = %scan3A_29 to %scan3A_31 step %scan3A_32  : i32 {
        %get3A = arith.index_cast %scan3A_46 : i32 to index
        %get3A_47 = arith.constant 0 : index
        %get3A_48 = tpu.vector_load %arg6[%get3A, %get3A_47] {strides = array<i32>} : memref<16x128xi32, #tpu.memory_space<vmem>>, vector<1x16xi32>,
        %get3A_49 = vector.shape_cast %get3A_48 : vector<1x16xi32> to vector<16xi32>
        %add3A_50 = arith.addi %get3A_49, %get3A_49 : vector<16xi32>
        %add3A_51 = vector.broadcast %arg0 : i32 to vector<16xi32>
        %add3A_52 = arith.addi %add3A_50, %add3A_51 : vector<16xi32>
        %swap3A = arith.index_cast %scan3A_46 : i32 to index
        %swap3A_53 = arith.constant 0 : index
        %swap3A_54 = tpu.vector_load %arg6[%swap3A, %swap3A_53] {strides = array<i32>} : memref<16x128xi32, #tpu.memory_space<vmem>>, vector<1x16xi32>,
        %swap3A_55 = vector.shape_cast %swap3A_54 : vector<1x16xi32> to vector<16xi32>
        %swap3A_56 = vector.shape_cast %add3A_52 : vector<16xi32> to vector<1x16xi32>
        tpu.vector_store %arg6[%swap3A, %swap3A_53], %swap3A_56 {strides = array<i32>} : memref<16x128xi32, #tpu.memory_space<vmem>>, vector<1x16xi32>,
        %get3A_57 = arith.index_cast %scan3A_46 : i32 to index
        %get3A_58 = arith.constant 16 : index
        %get3A_59 = tpu.vector_load %arg6[%get3A_57, %get3A_58] {strides = array<i32>} : memref<16x128xi32, #tpu.memory_space<vmem>>, vector<1x16xi32>,
        %get3A_60 = vector.shape_cast %get3A_59 : vector<1x16xi32> to vector<16xi32>
        %add3A_61 = arith.addi %get3A_60, %get3A_60 : vector<16xi32>
        %add3A_62 = vector.broadcast %arg0 : i32 to vector<16xi32>
        %add3A_63 = arith.addi %add3A_61, %add3A_62 : vector<16xi32>
        %swap3A_64 = arith.index_cast %scan3A_46 : i32 to index
        %swap3A_65 = arith.constant 16 : index
        %swap3A_66 = tpu.vector_load %arg6[%swap3A_64, %swap3A_65] {strides = array<i32>} : memref<16x128xi32, #tpu.memory_space<vmem>>, vector<1x16xi32>,
        %swap3A_67 = vector.shape_cast %swap3A_66 : vector<1x16xi32> to vector<16xi32>
        %swap3A_68 = vector.shape_cast %add3A_63 : vector<16xi32> to vector<1x16xi32>
        tpu.vector_store %arg6[%swap3A_64, %swap3A_65], %swap3A_68 {strides = array<i32>} : memref<16x128xi32, #tpu.memory_space<vmem>>, vector<1x16xi32>,
        %get3A_69 = arith.index_cast %scan3A_46 : i32 to index
        %get3A_70 = arith.constant 32 : index
        %get3A_71 = tpu.vector_load %arg6[%get3A_69, %get3A_70] {strides = array<i32>} : memref<16x128xi32, #tpu.memory_space<vmem>>, vector<1x16xi32>,
        %get3A_72 = vector.shape_cast %get3A_71 : vector<1x16xi32> to vector<16xi32>
        %add3A_73 = arith.addi %get3A_72, %get3A_72 : vector<16xi32>
        %add3A_74 = vector.broadcast %arg0 : i32 to vector<16xi32>
        %add3A_75 = arith.addi %add3A_73, %add3A_74 : vector<16xi32>
        %swap3A_76 = arith.index_cast %scan3A_46 : i32 to index
        %swap3A_77 = arith.constant 32 : index
        %swap3A_78 = tpu.vector_load %arg6[%swap3A_76, %swap3A_77] {strides = array<i32>} : memref<16x128xi32, #tpu.memory_space<vmem>>, vector<1x16xi32>,
        %swap3A_79 = vector.shape_cast %swap3A_78 : vector<1x16xi32> to vector<16xi32>
        %swap3A_80 = vector.shape_cast %add3A_75 : vector<16xi32> to vector<1x16xi32>
        tpu.vector_store %arg6[%swap3A_76, %swap3A_77], %swap3A_80 {strides = array<i32>} : memref<16x128xi32, #tpu.memory_space<vmem>>, vector<1x16xi32>,
        %get3A_81 = arith.index_cast %scan3A_46 : i32 to index
        %get3A_82 = arith.constant 48 : index
        %get3A_83 = tpu.vector_load %arg6[%get3A_81, %get3A_82] {strides = array<i32>} : memref<16x128xi32, #tpu.memory_space<vmem>>, vector<1x16xi32>,
        %get3A_84 = vector.shape_cast %get3A_83 : vector<1x16xi32> to vector<16xi32>
        %add3A_85 = arith.addi %get3A_84, %get3A_84 : vector<16xi32>
        %add3A_86 = vector.broadcast %arg0 : i32 to vector<16xi32>
        %add3A_87 = arith.addi %add3A_85, %add3A_86 : vector<16xi32>
        %swap3A_88 = arith.index_cast %scan3A_46 : i32 to index
        %swap3A_89 = arith.constant 48 : index
        %swap3A_90 = tpu.vector_load %arg6[%swap3A_88, %swap3A_89] {strides = array<i32>} : memref<16x128xi32, #tpu.memory_space<vmem>>, vector<1x16xi32>,
        %swap3A_91 = vector.shape_cast %swap3A_90 : vector<1x16xi32> to vector<16xi32>
        %swap3A_92 = vector.shape_cast %add3A_87 : vector<16xi32> to vector<1x16xi32>
        tpu.vector_store %arg6[%swap3A_88, %swap3A_89], %swap3A_92 {strides = array<i32>} : memref<16x128xi32, #tpu.memory_space<vmem>>, vector<1x16xi32>,
        %get3A_93 = arith.index_cast %scan3A_46 : i32 to index
        %get3A_94 = arith.constant 64 : index
        %get3A_95 = tpu.vector_load %arg6[%get3A_93, %get3A_94] {strides = array<i32>} : memref<16x128xi32, #tpu.memory_space<vmem>>, vector<1x16xi32>,
        %get3A_96 = vector.shape_cast %get3A_95 : vector<1x16xi32> to vector<16xi32>
        %add3A_97 = arith.addi %get3A_96, %get3A_96 : vector<16xi32>
        %add3A_98 = vector.broadcast %arg0 : i32 to vector<16xi32>
        %add3A_99 = arith.addi %add3A_97, %add3A_98 : vector<16xi32>
        %swap3A_100 = arith.index_cast %scan3A_46 : i32 to index
        %swap3A_101 = arith.constant 64 : index
        %swap3A_102 = tpu.vector_load %arg6[%swap3A_100, %swap3A_101] {strides = array<i32>} : memref<16x128xi32, #tpu.memory_space<vmem>>, vector<1x16xi32>,
        %swap3A_103 = vector.shape_cast %swap3A_102 : vector<1x16xi32> to vector<16xi32>
        %swap3A_104 = vector.shape_cast %add3A_99 : vector<16xi32> to vector<1x16xi32>
        tpu.vector_store %arg6[%swap3A_100, %swap3A_101], %swap3A_104 {strides = array<i32>} : memref<16x128xi32, #tpu.memory_space<vmem>>, vector<1x16xi32>,
        %get3A_105 = arith.index_cast %scan3A_46 : i32 to index
        %get3A_106 = arith.constant 80 : index
        %get3A_107 = tpu.vector_load %arg6[%get3A_105, %get3A_106] {strides = array<i32>} : memref<16x128xi32, #tpu.memory_space<vmem>>, vector<1x16xi32>,
        %get3A_108 = vector.shape_cast %get3A_107 : vector<1x16xi32> to vector<16xi32>
        %add3A_109 = arith.addi %get3A_108, %get3A_108 : vector<16xi32>
        %add3A_110 = vector.broadcast %arg0 : i32 to vector<16xi32>
        %add3A_111 = arith.addi %add3A_109, %add3A_110 : vector<16xi32>
        %swap3A_112 = arith.index_cast %scan3A_46 : i32 to index
        %swap3A_113 = arith.constant 80 : index
        %swap3A_114 = tpu.vector_load %arg6[%swap3A_112, %swap3A_113] {strides = array<i32>} : memref<16x128xi32, #tpu.memory_space<vmem>>, vector<1x16xi32>,
        %swap3A_115 = vector.shape_cast %swap3A_114 : vector<1x16xi32> to vector<16xi32>
        %swap3A_116 = vector.shape_cast %add3A_111 : vector<16xi32> to vector<1x16xi32>
        tpu.vector_store %arg6[%swap3A_112, %swap3A_113], %swap3A_116 {strides = array<i32>} : memref<16x128xi32, #tpu.memory_space<vmem>>, vector<1x16xi32>,
        %get3A_117 = arith.index_cast %scan3A_46 : i32 to index
        %get3A_118 = arith.constant 96 : index
        %get3A_119 = tpu.vector_load %arg6[%get3A_117, %get3A_118] {strides = array<i32>} : memref<16x128xi32, #tpu.memory_space<vmem>>, vector<1x16xi32>,
        %get3A_120 = vector.shape_cast %get3A_119 : vector<1x16xi32> to vector<16xi32>
        %add3A_121 = arith.addi %get3A_120, %get3A_120 : vector<16xi32>
        %add3A_122 = vector.broadcast %arg0 : i32 to vector<16xi32>
        %add3A_123 = arith.addi %add3A_121, %add3A_122 : vector<16xi32>
        %swap3A_124 = arith.index_cast %scan3A_46 : i32 to index
        %swap3A_125 = arith.constant 96 : index
        %swap3A_126 = tpu.vector_load %arg6[%swap3A_124, %swap3A_125] {strides = array<i32>} : memref<16x128xi32, #tpu.memory_space<vmem>>, vector<1x16xi32>,
        %swap3A_127 = vector.shape_cast %swap3A_126 : vector<1x16xi32> to vector<16xi32>
        %swap3A_128 = vector.shape_cast %add3A_123 : vector<16xi32> to vector<1x16xi32>
        tpu.vector_store %arg6[%swap3A_124, %swap3A_125], %swap3A_128 {strides = array<i32>} : memref<16x128xi32, #tpu.memory_space<vmem>>, vector<1x16xi32>,
        %get3A_129 = arith.index_cast %scan3A_46 : i32 to index
        %get3A_130 = arith.constant 112 : index
        %get3A_131 = tpu.vector_load %arg6[%get3A_129, %get3A_130] {strides = array<i32>} : memref<16x128xi32, #tpu.memory_space<vmem>>, vector<1x16xi32>,
        %get3A_132 = vector.shape_cast %get3A_131 : vector<1x16xi32> to vector<16xi32>
        %add3A_133 = arith.addi %get3A_132, %get3A_132 : vector<16xi32>
        %add3A_134 = vector.broadcast %arg0 : i32 to vector<16xi32>
        %add3A_135 = arith.addi %add3A_133, %add3A_134 : vector<16xi32>
        %swap3A_136 = arith.index_cast %scan3A_46 : i32 to index
        %swap3A_137 = arith.constant 112 : index
        %swap3A_138 = tpu.vector_load %arg6[%swap3A_136, %swap3A_137] {strides = array<i32>} : memref<16x128xi32, #tpu.memory_space<vmem>>, vector<1x16xi32>,
        %swap3A_139 = vector.shape_cast %swap3A_138 : vector<1x16xi32> to vector<16xi32>
        %swap3A_140 = vector.shape_cast %add3A_135 : vector<16xi32> to vector<1x16xi32>
        tpu.vector_store %arg6[%swap3A_136, %swap3A_137], %swap3A_140 {strides = array<i32>} : memref<16x128xi32, #tpu.memory_space<vmem>>, vector<1x16xi32>,
      }
      %scan3A_33 = arith.constant 16 : i32
      %dma_start3A = arith.constant 0 : i32
      %dma_start3A_34 = arith.constant 0 : i32
      %dma_start3A_35 = tpu.memref_slice %arg6[%dma_start3A, %dma_start3A_34] : memref<16x128xi32, #tpu.memory_space<vmem>> -> memref<1x128xi32, #tpu.memory_space<vmem>>
      %dma_start3A_36 = tpu.memref_squeeze %dma_start3A_35 : memref<1x128xi32, #tpu.memory_space<vmem>> -> memref<128xi32, #tpu.memory_space<vmem>>
      %dma_start3A_37 = arith.constant 0 : i32
      %dma_start3A_38 = arith.constant 0 : i32
      %dma_start3A_39 = tpu.memref_slice %arg2[%dma_start3A_37, %dma_start3A_38] : memref<20480x128xf32, #tpu.memory_space<hbm>> -> memref<20480x128xf32, #tpu.memory_space<hbm>>
      tpu.enqueue_indirect_dma source(%dma_start3A_39 : memref<20480x128xf32, #tpu.memory_space<hbm>>) target(%arg8 : memref<128x128xf32, #tpu.memory_space<vmem>>) offsets(%dma_start3A_36 : memref<128xi32, #tpu.memory_space<vmem>>) semaphore(%arg11 : memref<!tpu.dma_semaphore, #tpu.memory_space<semaphore_mem>>)
      %scan3A_40 = arith.constant 0 : i32
      %scan3A_41 = arith.constant 0 : i32
      %scan3A_42 = arith.constant 8 : i32
      %scan3A_43 = arith.addi %scan3A_41, %scan3A_42 : i32
      %scan3A_44 = arith.constant 1 : i32
      scf.for %scan3A_46 = %scan3A_41 to %scan3A_43 step %scan3A_44  : i32 {
        %mul3A_47 = arith.constant 2 : i32
        %mul3A_48 = arith.muli %mul3A_47, %scan3A_46 : i32
        %add3A_49 = arith.constant 1 : i32
        %add3A_50 = arith.addi %mul3A_48, %add3A_49 : i32
        %dma_start3A_51 = arith.constant 0 : i32
        %dma_start3A_52 = tpu.memref_slice %arg6[%add3A_50, %dma_start3A_51] : memref<16x128xi32, #tpu.memory_space<vmem>> -> memref<1x128xi32, #tpu.memory_space<vmem>>
        %dma_start3A_53 = tpu.memref_squeeze %dma_start3A_52 : memref<1x128xi32, #tpu.memory_space<vmem>> -> memref<128xi32, #tpu.memory_space<vmem>>
        %dma_start3A_54 = arith.constant 0 : i32
        %dma_start3A_55 = arith.constant 0 : i32
        %dma_start3A_56 = tpu.memref_slice %arg2[%dma_start3A_54, %dma_start3A_55] : memref<20480x128xf32, #tpu.memory_space<hbm>> -> memref<20480x128xf32, #tpu.memory_space<hbm>>
        tpu.enqueue_indirect_dma source(%dma_start3A_56 : memref<20480x128xf32, #tpu.memory_space<hbm>>) target(%arg9 : memref<128x128xf32, #tpu.memory_space<vmem>>) offsets(%dma_start3A_53 : memref<128xi32, #tpu.memory_space<vmem>>) semaphore(%arg12 : memref<!tpu.dma_semaphore, #tpu.memory_space<semaphore_mem>>)
        %dma_wait3A = arith.constant 0 : i32
        %dma_wait3A_57 = tpu.memref_slice %arg6[%mul3A_48, %dma_wait3A] : memref<16x128xi32, #tpu.memory_space<vmem>> -> memref<1x128xi32, #tpu.memory_space<vmem>>
        %dma_wait3A_58 = tpu.memref_squeeze %dma_wait3A_57 : memref<1x128xi32, #tpu.memory_space<vmem>> -> memref<128xi32, #tpu.memory_space<vmem>>
        %dma_wait3A_59 = arith.constant 0 : i32
        %dma_wait3A_60 = arith.constant 0 : i32
        %dma_wait3A_61 = tpu.memref_slice %arg2[%dma_wait3A_59, %dma_wait3A_60] : memref<20480x128xf32, #tpu.memory_space<hbm>> -> memref<20480x128xf32, #tpu.memory_space<hbm>>
        tpu.wait_indirect_dma semaphore(%arg11 : memref<!tpu.dma_semaphore, #tpu.memory_space<semaphore_mem>>) src(%dma_wait3A_61 : memref<20480x128xf32, #tpu.memory_space<hbm>>) dst(%arg8 : memref<128x128xf32, #tpu.memory_space<vmem>>)
        "tpu.region"() ({
          %run_scoped3A = tpu.sem_alloc : memref<!tpu.dma_semaphore, #tpu.memory_space<semaphore_mem>>
          %dma_start3A_72 = arith.constant 0 : i32
          %dma_start3A_73 = tpu.memref_slice %arg7[%mul3A_48, %dma_start3A_72] : memref<16x128xi32, #tpu.memory_space<vmem>> -> memref<1x128xi32, #tpu.memory_space<vmem>>
          %dma_start3A_74 = tpu.memref_squeeze %dma_start3A_73 : memref<1x128xi32, #tpu.memory_space<vmem>> -> memref<128xi32, #tpu.memory_space<vmem>>
          %dma_start3A_75 = arith.constant 0 : i32
          %dma_start3A_76 = arith.constant 0 : i32
          %dma_start3A_77 = tpu.memref_slice %arg10[%dma_start3A_75, %dma_start3A_76] : memref<10240x128xf32, #tpu.memory_space<vmem_shared>> -> memref<10240x128xf32, #tpu.memory_space<vmem_shared>>
          tpu.enqueue_indirect_dma source(%arg8 : memref<128x128xf32, #tpu.memory_space<vmem>>) target(%dma_start3A_77 : memref<10240x128xf32, #tpu.memory_space<vmem_shared>>) offsets(%dma_start3A_74 : memref<128xi32, #tpu.memory_space<vmem>>) semaphore(%run_scoped3A : memref<!tpu.dma_semaphore, #tpu.memory_space<semaphore_mem>>) {add = true}
          %dma_wait3A_78 = arith.constant 0 : i32
          %dma_wait3A_79 = tpu.memref_slice %arg7[%mul3A_48, %dma_wait3A_78] : memref<16x128xi32, #tpu.memory_space<vmem>> -> memref<1x128xi32, #tpu.memory_space<vmem>>
          %dma_wait3A_80 = tpu.memref_squeeze %dma_wait3A_79 : memref<1x128xi32, #tpu.memory_space<vmem>> -> memref<128xi32, #tpu.memory_space<vmem>>
          %dma_wait3A_81 = arith.constant 0 : i32
          %dma_wait3A_82 = arith.constant 0 : i32
          %dma_wait3A_83 = tpu.memref_slice %arg10[%dma_wait3A_81, %dma_wait3A_82] : memref<10240x128xf32, #tpu.memory_space<vmem_shared>> -> memref<10240x128xf32, #tpu.memory_space<vmem_shared>>
          tpu.wait_indirect_dma semaphore(%run_scoped3A : memref<!tpu.dma_semaphore, #tpu.memory_space<semaphore_mem>>) src(%arg8 : memref<128x128xf32, #tpu.memory_space<vmem>>) dst(%dma_wait3A_83 : memref<10240x128xf32, #tpu.memory_space<vmem_shared>>)
          tpu.yield
        }) : () -> ()
        %add3A_62 = arith.constant 1 : i32
        %add3A_63 = arith.addi %add3A_50, %add3A_62 : i32
        %lt3A = arith.constant 16 : i32
        %lt3A_64 = arith.cmpi slt, %add3A_63, %lt3A : i32
        %convert_element_type3A = arith.extui %lt3A_64 : i1 to i32
        %cond3A = arith.constant 0 : i32
        %cond3A_65 = arith.cmpi ne, %convert_element_type3A, %cond3A : i32
        scf.if %cond3A_65 {
          %add3A_72 = arith.constant 1 : i32
          %add3A_73 = arith.addi %add3A_50, %add3A_72 : i32
          %dma_start3A_74 = arith.constant 0 : i32
          %dma_start3A_75 = tpu.memref_slice %arg6[%add3A_73, %dma_start3A_74] : memref<16x128xi32, #tpu.memory_space<vmem>> -> memref<1x128xi32, #tpu.memory_space<vmem>>
          %dma_start3A_76 = tpu.memref_squeeze %dma_start3A_75 : memref<1x128xi32, #tpu.memory_space<vmem>> -> memref<128xi32, #tpu.memory_space<vmem>>
          %dma_start3A_77 = arith.constant 0 : i32
          %dma_start3A_78 = arith.constant 0 : i32
          %dma_start3A_79 = tpu.memref_slice %arg2[%dma_start3A_77, %dma_start3A_78] : memref<20480x128xf32, #tpu.memory_space<hbm>> -> memref<20480x128xf32, #tpu.memory_space<hbm>>
          tpu.enqueue_indirect_dma source(%dma_start3A_79 : memref<20480x128xf32, #tpu.memory_space<hbm>>) target(%arg8 : memref<128x128xf32, #tpu.memory_space<vmem>>) offsets(%dma_start3A_76 : memref<128xi32, #tpu.memory_space<vmem>>) semaphore(%arg11 : memref<!tpu.dma_semaphore, #tpu.memory_space<semaphore_mem>>)
        } else {
        }
        %dma_wait3A_66 = arith.constant 0 : i32
        %dma_wait3A_67 = tpu.memref_slice %arg6[%add3A_50, %dma_wait3A_66] : memref<16x128xi32, #tpu.memory_space<vmem>> -> memref<1x128xi32, #tpu.memory_space<vmem>>
        %dma_wait3A_68 = tpu.memref_squeeze %dma_wait3A_67 : memref<1x128xi32, #tpu.memory_space<vmem>> -> memref<128xi32, #tpu.memory_space<vmem>>
        %dma_wait3A_69 = arith.constant 0 : i32
        %dma_wait3A_70 = arith.constant 0 : i32
        %dma_wait3A_71 = tpu.memref_slice %arg2[%dma_wait3A_69, %dma_wait3A_70] : memref<20480x128xf32, #tpu.memory_space<hbm>> -> memref<20480x128xf32, #tpu.memory_space<hbm>>
        tpu.wait_indirect_dma semaphore(%arg12 : memref<!tpu.dma_semaphore, #tpu.memory_space<semaphore_mem>>) src(%dma_wait3A_71 : memref<20480x128xf32, #tpu.memory_space<hbm>>) dst(%arg9 : memref<128x128xf32, #tpu.memory_space<vmem>>)
        "tpu.region"() ({
          %run_scoped3A = tpu.sem_alloc : memref<!tpu.dma_semaphore, #tpu.memory_space<semaphore_mem>>
          %dma_start3A_72 = arith.constant 0 : i32
          %dma_start3A_73 = tpu.memref_slice %arg7[%add3A_50, %dma_start3A_72] : memref<16x128xi32, #tpu.memory_space<vmem>> -> memref<1x128xi32, #tpu.memory_space<vmem>>
          %dma_start3A_74 = tpu.memref_squeeze %dma_start3A_73 : memref<1x128xi32, #tpu.memory_space<vmem>> -> memref<128xi32, #tpu.memory_space<vmem>>
          %dma_start3A_75 = arith.constant 0 : i32
          %dma_start3A_76 = arith.constant 0 : i32
          %dma_start3A_77 = tpu.memref_slice %arg10[%dma_start3A_75, %dma_start3A_76] : memref<10240x128xf32, #tpu.memory_space<vmem_shared>> -> memref<10240x128xf32, #tpu.memory_space<vmem_shared>>
          tpu.enqueue_indirect_dma source(%arg9 : memref<128x128xf32, #tpu.memory_space<vmem>>) target(%dma_start3A_77 : memref<10240x128xf32, #tpu.memory_space<vmem_shared>>) offsets(%dma_start3A_74 : memref<128xi32, #tpu.memory_space<vmem>>) semaphore(%run_scoped3A : memref<!tpu.dma_semaphore, #tpu.memory_space<semaphore_mem>>) {add = true}
          %dma_wait3A_78 = arith.constant 0 : i32
          %dma_wait3A_79 = tpu.memref_slice %arg7[%add3A_50, %dma_wait3A_78] : memref<16x128xi32, #tpu.memory_space<vmem>> -> memref<1x128xi32, #tpu.memory_space<vmem>>
          %dma_wait3A_80 = tpu.memref_squeeze %dma_wait3A_79 : memref<1x128xi32, #tpu.memory_space<vmem>> -> memref<128xi32, #tpu.memory_space<vmem>>
          %dma_wait3A_81 = arith.constant 0 : i32
          %dma_wait3A_82 = arith.constant 0 : i32
          %dma_wait3A_83 = tpu.memref_slice %arg10[%dma_wait3A_81, %dma_wait3A_82] : memref<10240x128xf32, #tpu.memory_space<vmem_shared>> -> memref<10240x128xf32, #tpu.memory_space<vmem_shared>>
          tpu.wait_indirect_dma semaphore(%run_scoped3A : memref<!tpu.dma_semaphore, #tpu.memory_space<semaphore_mem>>) src(%arg9 : memref<128x128xf32, #tpu.memory_space<vmem>>) dst(%dma_wait3A_83 : memref<10240x128xf32, #tpu.memory_space<vmem_shared>>)
          tpu.yield
        }) : () -> ()
      }
      %scan3A_45 = arith.constant 8 : i32
    }
    %scan3A_22 = arith.constant 5 : i32
    %barrier3A_23 = arith.constant 0 : index
    tpu.barrier barrier_id(%barrier3A_23)
    "tpu.region"() ({
      %run_scoped3A = tpu.sem_alloc : memref<!tpu.dma_semaphore, #tpu.memory_space<semaphore_mem>>
      %dma_start3A = arith.constant 0 : i32
      %dma_start3A_24 = tpu.memref_slice %arg5[%arg0, %mul3A_5, %dma_start3A] : memref<2x10240x128xf32, #tpu.memory_space<hbm>> -> memref<1x640x128xf32, #tpu.memory_space<hbm>>
      %dma_start3A_25 = tpu.memref_squeeze %dma_start3A_24 : memref<1x640x128xf32, #tpu.memory_space<hbm>> -> memref<640x128xf32, #tpu.memory_space<hbm>>
      %dma_start3A_26 = arith.constant 0 : i32
      %dma_start3A_27 = tpu.memref_slice %arg10[%mul3A_5, %dma_start3A_26] : memref<10240x128xf32, #tpu.memory_space<vmem_shared>> -> memref<640x128xf32, #tpu.memory_space<vmem_shared>>
      tpu.enqueue_dma source(%dma_start3A_27 : memref<640x128xf32, #tpu.memory_space<vmem_shared>>) target(%dma_start3A_25 : memref<640x128xf32, #tpu.memory_space<hbm>>) target_semaphore(%run_scoped3A : memref<!tpu.dma_semaphore, #tpu.memory_space<semaphore_mem>>)
      %dma_wait3A = arith.constant 0 : i32
      %dma_wait3A_28 = tpu.memref_slice %arg5[%arg0, %mul3A_5, %dma_wait3A] : memref<2x10240x128xf32, #tpu.memory_space<hbm>> -> memref<1x640x128xf32, #tpu.memory_space<hbm>>
      %dma_wait3A_29 = tpu.memref_squeeze %dma_wait3A_28 : memref<1x640x128xf32, #tpu.memory_space<hbm>> -> memref<640x128xf32, #tpu.memory_space<hbm>>
      %dma_wait3A_30 = arith.constant 0 : i32
      %dma_wait3A_31 = tpu.memref_slice %arg10[%mul3A_5, %dma_wait3A_30] : memref<10240x128xf32, #tpu.memory_space<vmem_shared>> -> memref<640x128xf32, #tpu.memory_space<vmem_shared>>
      tpu.wait_dma2 semaphore(%run_scoped3A : memref<!tpu.dma_semaphore, #tpu.memory_space<semaphore_mem>>) src(%dma_wait3A_31 : memref<640x128xf32, #tpu.memory_space<vmem_shared>>) dst(%dma_wait3A_29 : memref<640x128xf32, #tpu.memory_space<hbm>>)
      tpu.yield
    }) : () -> ()
    return
  }
}

#map = affine_map<(d0, d1) -> (0)>
#map1 = affine_map<(d0, d1) -> (0, 0)>
module attributes {stable_mosaic.version = 14 : i64} {
  func.func @body(%arg0: i32, %arg1: i32, %arg2: memref<10240xf32, #tpu.memory_space<hbm>>, %arg3: memref<1280x128xi32, #tpu.memory_space<hbm>>, %arg4: memref<1280x128xi32, #tpu.memory_space<hbm>>, %arg5: memref<2x10240xf32, #tpu.memory_space<hbm>>, %arg6: memref<40x128xi32, #tpu.memory_space<vmem>>, %arg7: memref<40x128xi32, #tpu.memory_space<vmem>>, %arg8: memref<128xf32, #tpu.memory_space<vmem>>, %arg9: memref<128xf32, #tpu.memory_space<vmem>>, %arg10: memref<10240xf32, #tpu.memory_space<vmem_shared>>, %arg11: memref<!tpu.dma_semaphore, #tpu.memory_space<semaphore_mem>>, %arg12: memref<!tpu.dma_semaphore, #tpu.memory_space<semaphore_mem>>) attributes {dimension_semantics = [#tpu.dimension_semantics<core_parallel>, #tpu.dimension_semantics<subcore_parallel>], iteration_bounds = array<i64: 2, 16>, scalar_prefetch = 0 : i64, scratch_operands = 7 : i64, tpu.core_type = #tpu.core_type<sc_vector_subcore>, window_params = [{transform_indices = #map}, {transform_indices = #map1}, {transform_indices = #map1}, {transform_indices = #map1}]} {
    %broadcast_in_dim3A = arith.constant 0.000000e+00 : f32
    %broadcast_in_dim3A_0 = vector.broadcast %broadcast_in_dim3A : f32 to vector<16xf32>
    %swap3A = arith.constant 0 : index
    %swap3A_1 = tpu.vector_load %arg8[%swap3A] {strides = array<i32>} : memref<128xf32, #tpu.memory_space<vmem>>, vector<16xf32>,
    %swap3A_2 = vector.shape_cast %swap3A_1 : vector<16xf32> to vector<16xf32>
    %swap3A_3 = vector.shape_cast %broadcast_in_dim3A_0 : vector<16xf32> to vector<16xf32>
    tpu.vector_store %arg8[%swap3A], %swap3A_3 {strides = array<i32>} : memref<128xf32, #tpu.memory_space<vmem>>, vector<16xf32>,
    %broadcast_in_dim3A_4 = arith.constant 0.000000e+00 : f32
    %broadcast_in_dim3A_5 = vector.broadcast %broadcast_in_dim3A_4 : f32 to vector<16xf32>
    %swap3A_6 = arith.constant 16 : index
    %swap3A_7 = tpu.vector_load %arg8[%swap3A_6] {strides = array<i32>} : memref<128xf32, #tpu.memory_space<vmem>>, vector<16xf32>,
    %swap3A_8 = vector.shape_cast %swap3A_7 : vector<16xf32> to vector<16xf32>
    %swap3A_9 = vector.shape_cast %broadcast_in_dim3A_5 : vector<16xf32> to vector<16xf32>
    tpu.vector_store %arg8[%swap3A_6], %swap3A_9 {strides = array<i32>} : memref<128xf32, #tpu.memory_space<vmem>>, vector<16xf32>,
    %broadcast_in_dim3A_10 = arith.constant 0.000000e+00 : f32
    %broadcast_in_dim3A_11 = vector.broadcast %broadcast_in_dim3A_10 : f32 to vector<16xf32>
    %swap3A_12 = arith.constant 32 : index
    %swap3A_13 = tpu.vector_load %arg8[%swap3A_12] {strides = array<i32>} : memref<128xf32, #tpu.memory_space<vmem>>, vector<16xf32>,
    %swap3A_14 = vector.shape_cast %swap3A_13 : vector<16xf32> to vector<16xf32>
    %swap3A_15 = vector.shape_cast %broadcast_in_dim3A_11 : vector<16xf32> to vector<16xf32>
    tpu.vector_store %arg8[%swap3A_12], %swap3A_15 {strides = array<i32>} : memref<128xf32, #tpu.memory_space<vmem>>, vector<16xf32>,
    %broadcast_in_dim3A_16 = arith.constant 0.000000e+00 : f32
    %broadcast_in_dim3A_17 = vector.broadcast %broadcast_in_dim3A_16 : f32 to vector<16xf32>
    %swap3A_18 = arith.constant 48 : index
    %swap3A_19 = tpu.vector_load %arg8[%swap3A_18] {strides = array<i32>} : memref<128xf32, #tpu.memory_space<vmem>>, vector<16xf32>,
    %swap3A_20 = vector.shape_cast %swap3A_19 : vector<16xf32> to vector<16xf32>
    %swap3A_21 = vector.shape_cast %broadcast_in_dim3A_17 : vector<16xf32> to vector<16xf32>
    tpu.vector_store %arg8[%swap3A_18], %swap3A_21 {strides = array<i32>} : memref<128xf32, #tpu.memory_space<vmem>>, vector<16xf32>,
    %broadcast_in_dim3A_22 = arith.constant 0.000000e+00 : f32
    %broadcast_in_dim3A_23 = vector.broadcast %broadcast_in_dim3A_22 : f32 to vector<16xf32>
    %swap3A_24 = arith.constant 64 : index
    %swap3A_25 = tpu.vector_load %arg8[%swap3A_24] {strides = array<i32>} : memref<128xf32, #tpu.memory_space<vmem>>, vector<16xf32>,
    %swap3A_26 = vector.shape_cast %swap3A_25 : vector<16xf32> to vector<16xf32>
    %swap3A_27 = vector.shape_cast %broadcast_in_dim3A_23 : vector<16xf32> to vector<16xf32>
    tpu.vector_store %arg8[%swap3A_24], %swap3A_27 {strides = array<i32>} : memref<128xf32, #tpu.memory_space<vmem>>, vector<16xf32>,
    %broadcast_in_dim3A_28 = arith.constant 0.000000e+00 : f32
    %broadcast_in_dim3A_29 = vector.broadcast %broadcast_in_dim3A_28 : f32 to vector<16xf32>
    %swap3A_30 = arith.constant 80 : index
    %swap3A_31 = tpu.vector_load %arg8[%swap3A_30] {strides = array<i32>} : memref<128xf32, #tpu.memory_space<vmem>>, vector<16xf32>,
    %swap3A_32 = vector.shape_cast %swap3A_31 : vector<16xf32> to vector<16xf32>
    %swap3A_33 = vector.shape_cast %broadcast_in_dim3A_29 : vector<16xf32> to vector<16xf32>
    tpu.vector_store %arg8[%swap3A_30], %swap3A_33 {strides = array<i32>} : memref<128xf32, #tpu.memory_space<vmem>>, vector<16xf32>,
    %broadcast_in_dim3A_34 = arith.constant 0.000000e+00 : f32
    %broadcast_in_dim3A_35 = vector.broadcast %broadcast_in_dim3A_34 : f32 to vector<16xf32>
    %swap3A_36 = arith.constant 96 : index
    %swap3A_37 = tpu.vector_load %arg8[%swap3A_36] {strides = array<i32>} : memref<128xf32, #tpu.memory_space<vmem>>, vector<16xf32>,
    %swap3A_38 = vector.shape_cast %swap3A_37 : vector<16xf32> to vector<16xf32>
    %swap3A_39 = vector.shape_cast %broadcast_in_dim3A_35 : vector<16xf32> to vector<16xf32>
    tpu.vector_store %arg8[%swap3A_36], %swap3A_39 {strides = array<i32>} : memref<128xf32, #tpu.memory_space<vmem>>, vector<16xf32>,
    %broadcast_in_dim3A_40 = arith.constant 0.000000e+00 : f32
    %broadcast_in_dim3A_41 = vector.broadcast %broadcast_in_dim3A_40 : f32 to vector<16xf32>
    %swap3A_42 = arith.constant 112 : index
    %swap3A_43 = tpu.vector_load %arg8[%swap3A_42] {strides = array<i32>} : memref<128xf32, #tpu.memory_space<vmem>>, vector<16xf32>,
    %swap3A_44 = vector.shape_cast %swap3A_43 : vector<16xf32> to vector<16xf32>
    %swap3A_45 = vector.shape_cast %broadcast_in_dim3A_41 : vector<16xf32> to vector<16xf32>
    tpu.vector_store %arg8[%swap3A_42], %swap3A_45 {strides = array<i32>} : memref<128xf32, #tpu.memory_space<vmem>>, vector<16xf32>,
    %mul3A = arith.constant 640 : i32
    %mul3A_46 = arith.muli %arg1, %mul3A : i32
    %add3A = arith.constant 0 : i32
    %add3A_47 = arith.addi %mul3A_46, %add3A : i32
    "tpu.region"() ({
      %run_scoped3A = tpu.sem_alloc : memref<!tpu.dma_semaphore, #tpu.memory_space<semaphore_mem>>
      %dma_start3A_72 = tpu.memref_slice %arg10[%add3A_47] : memref<10240xf32, #tpu.memory_space<vmem_shared>> -> memref<128xf32, #tpu.memory_space<vmem_shared>>
      %dma_start3A_73 = tpu.memref_slice %arg10[%add3A_47] : memref<10240xf32, #tpu.memory_space<vmem_shared>> -> memref<128xf32, #tpu.memory_space<vmem_shared>>
      tpu.enqueue_dma source(%arg8 : memref<128xf32, #tpu.memory_space<vmem>>) target(%dma_start3A_73 : memref<128xf32, #tpu.memory_space<vmem_shared>>) target_semaphore(%run_scoped3A : memref<!tpu.dma_semaphore, #tpu.memory_space<semaphore_mem>>)
      %dma_wait3A = tpu.memref_slice %arg10[%add3A_47] : memref<10240xf32, #tpu.memory_space<vmem_shared>> -> memref<128xf32, #tpu.memory_space<vmem_shared>>
      %dma_wait3A_74 = tpu.memref_slice %arg10[%add3A_47] : memref<10240xf32, #tpu.memory_space<vmem_shared>> -> memref<128xf32, #tpu.memory_space<vmem_shared>>
      tpu.wait_dma2 semaphore(%run_scoped3A : memref<!tpu.dma_semaphore, #tpu.memory_space<semaphore_mem>>) src(%arg8 : memref<128xf32, #tpu.memory_space<vmem>>) dst(%dma_wait3A_74 : memref<128xf32, #tpu.memory_space<vmem_shared>>)
      tpu.yield
    }) : () -> ()
    %add3A_48 = arith.constant 128 : i32
    %add3A_49 = arith.addi %mul3A_46, %add3A_48 : i32
    "tpu.region"() ({
      %run_scoped3A = tpu.sem_alloc : memref<!tpu.dma_semaphore, #tpu.memory_space<semaphore_mem>>
      %dma_start3A_72 = tpu.memref_slice %arg10[%add3A_49] : memref<10240xf32, #tpu.memory_space<vmem_shared>> -> memref<128xf32, #tpu.memory_space<vmem_shared>>
      %dma_start3A_73 = tpu.memref_slice %arg10[%add3A_49] : memref<10240xf32, #tpu.memory_space<vmem_shared>> -> memref<128xf32, #tpu.memory_space<vmem_shared>>
      tpu.enqueue_dma source(%arg8 : memref<128xf32, #tpu.memory_space<vmem>>) target(%dma_start3A_73 : memref<128xf32, #tpu.memory_space<vmem_shared>>) target_semaphore(%run_scoped3A : memref<!tpu.dma_semaphore, #tpu.memory_space<semaphore_mem>>)
      %dma_wait3A = tpu.memref_slice %arg10[%add3A_49] : memref<10240xf32, #tpu.memory_space<vmem_shared>> -> memref<128xf32, #tpu.memory_space<vmem_shared>>
      %dma_wait3A_74 = tpu.memref_slice %arg10[%add3A_49] : memref<10240xf32, #tpu.memory_space<vmem_shared>> -> memref<128xf32, #tpu.memory_space<vmem_shared>>
      tpu.wait_dma2 semaphore(%run_scoped3A : memref<!tpu.dma_semaphore, #tpu.memory_space<semaphore_mem>>) src(%arg8 : memref<128xf32, #tpu.memory_space<vmem>>) dst(%dma_wait3A_74 : memref<128xf32, #tpu.memory_space<vmem_shared>>)
      tpu.yield
    }) : () -> ()
    %add3A_50 = arith.constant 256 : i32
    %add3A_51 = arith.addi %mul3A_46, %add3A_50 : i32
    "tpu.region"() ({
      %run_scoped3A = tpu.sem_alloc : memref<!tpu.dma_semaphore, #tpu.memory_space<semaphore_mem>>
      %dma_start3A_72 = tpu.memref_slice %arg10[%add3A_51] : memref<10240xf32, #tpu.memory_space<vmem_shared>> -> memref<128xf32, #tpu.memory_space<vmem_shared>>
      %dma_start3A_73 = tpu.memref_slice %arg10[%add3A_51] : memref<10240xf32, #tpu.memory_space<vmem_shared>> -> memref<128xf32, #tpu.memory_space<vmem_shared>>
      tpu.enqueue_dma source(%arg8 : memref<128xf32, #tpu.memory_space<vmem>>) target(%dma_start3A_73 : memref<128xf32, #tpu.memory_space<vmem_shared>>) target_semaphore(%run_scoped3A : memref<!tpu.dma_semaphore, #tpu.memory_space<semaphore_mem>>)
      %dma_wait3A = tpu.memref_slice %arg10[%add3A_51] : memref<10240xf32, #tpu.memory_space<vmem_shared>> -> memref<128xf32, #tpu.memory_space<vmem_shared>>
      %dma_wait3A_74 = tpu.memref_slice %arg10[%add3A_51] : memref<10240xf32, #tpu.memory_space<vmem_shared>> -> memref<128xf32, #tpu.memory_space<vmem_shared>>
      tpu.wait_dma2 semaphore(%run_scoped3A : memref<!tpu.dma_semaphore, #tpu.memory_space<semaphore_mem>>) src(%arg8 : memref<128xf32, #tpu.memory_space<vmem>>) dst(%dma_wait3A_74 : memref<128xf32, #tpu.memory_space<vmem_shared>>)
      tpu.yield
    }) : () -> ()
    %add3A_52 = arith.constant 384 : i32
    %add3A_53 = arith.addi %mul3A_46, %add3A_52 : i32
    "tpu.region"() ({
      %run_scoped3A = tpu.sem_alloc : memref<!tpu.dma_semaphore, #tpu.memory_space<semaphore_mem>>
      %dma_start3A_72 = tpu.memref_slice %arg10[%add3A_53] : memref<10240xf32, #tpu.memory_space<vmem_shared>> -> memref<128xf32, #tpu.memory_space<vmem_shared>>
      %dma_start3A_73 = tpu.memref_slice %arg10[%add3A_53] : memref<10240xf32, #tpu.memory_space<vmem_shared>> -> memref<128xf32, #tpu.memory_space<vmem_shared>>
      tpu.enqueue_dma source(%arg8 : memref<128xf32, #tpu.memory_space<vmem>>) target(%dma_start3A_73 : memref<128xf32, #tpu.memory_space<vmem_shared>>) target_semaphore(%run_scoped3A : memref<!tpu.dma_semaphore, #tpu.memory_space<semaphore_mem>>)
      %dma_wait3A = tpu.memref_slice %arg10[%add3A_53] : memref<10240xf32, #tpu.memory_space<vmem_shared>> -> memref<128xf32, #tpu.memory_space<vmem_shared>>
      %dma_wait3A_74 = tpu.memref_slice %arg10[%add3A_53] : memref<10240xf32, #tpu.memory_space<vmem_shared>> -> memref<128xf32, #tpu.memory_space<vmem_shared>>
      tpu.wait_dma2 semaphore(%run_scoped3A : memref<!tpu.dma_semaphore, #tpu.memory_space<semaphore_mem>>) src(%arg8 : memref<128xf32, #tpu.memory_space<vmem>>) dst(%dma_wait3A_74 : memref<128xf32, #tpu.memory_space<vmem_shared>>)
      tpu.yield
    }) : () -> ()
    %add3A_54 = arith.constant 512 : i32
    %add3A_55 = arith.addi %mul3A_46, %add3A_54 : i32
    "tpu.region"() ({
      %run_scoped3A = tpu.sem_alloc : memref<!tpu.dma_semaphore, #tpu.memory_space<semaphore_mem>>
      %dma_start3A_72 = tpu.memref_slice %arg10[%add3A_55] : memref<10240xf32, #tpu.memory_space<vmem_shared>> -> memref<128xf32, #tpu.memory_space<vmem_shared>>
      %dma_start3A_73 = tpu.memref_slice %arg10[%add3A_55] : memref<10240xf32, #tpu.memory_space<vmem_shared>> -> memref<128xf32, #tpu.memory_space<vmem_shared>>
      tpu.enqueue_dma source(%arg8 : memref<128xf32, #tpu.memory_space<vmem>>) target(%dma_start3A_73 : memref<128xf32, #tpu.memory_space<vmem_shared>>) target_semaphore(%run_scoped3A : memref<!tpu.dma_semaphore, #tpu.memory_space<semaphore_mem>>)
      %dma_wait3A = tpu.memref_slice %arg10[%add3A_55] : memref<10240xf32, #tpu.memory_space<vmem_shared>> -> memref<128xf32, #tpu.memory_space<vmem_shared>>
      %dma_wait3A_74 = tpu.memref_slice %arg10[%add3A_55] : memref<10240xf32, #tpu.memory_space<vmem_shared>> -> memref<128xf32, #tpu.memory_space<vmem_shared>>
      tpu.wait_dma2 semaphore(%run_scoped3A : memref<!tpu.dma_semaphore, #tpu.memory_space<semaphore_mem>>) src(%arg8 : memref<128xf32, #tpu.memory_space<vmem>>) dst(%dma_wait3A_74 : memref<128xf32, #tpu.memory_space<vmem_shared>>)
      tpu.yield
    }) : () -> ()
    %mul3A_56 = arith.constant 16 : i32
    %mul3A_57 = arith.muli %arg0, %mul3A_56 : i32
    %add3A_58 = arith.addi %mul3A_57, %arg1 : i32
    %mul3A_59 = arith.constant 40 : i32
    %mul3A_60 = arith.muli %add3A_58, %mul3A_59 : i32
    "tpu.region"() ({
      %run_scoped3A = tpu.sem_alloc : memref<!tpu.dma_semaphore, #tpu.memory_space<semaphore_mem>>
      %dma_start3A_72 = arith.constant 0 : i32
      %dma_start3A_73 = tpu.memref_slice %arg4[%mul3A_60, %dma_start3A_72] : memref<1280x128xi32, #tpu.memory_space<hbm>> -> memref<40x128xi32, #tpu.memory_space<hbm>>
      %dma_start3A_74 = arith.constant 0 : i32
      %dma_start3A_75 = tpu.memref_slice %arg4[%mul3A_60, %dma_start3A_74] : memref<1280x128xi32, #tpu.memory_space<hbm>> -> memref<40x128xi32, #tpu.memory_space<hbm>>
      tpu.enqueue_dma source(%dma_start3A_75 : memref<40x128xi32, #tpu.memory_space<hbm>>) target(%arg7 : memref<40x128xi32, #tpu.memory_space<vmem>>) target_semaphore(%run_scoped3A : memref<!tpu.dma_semaphore, #tpu.memory_space<semaphore_mem>>)
      %dma_wait3A = arith.constant 0 : i32
      %dma_wait3A_76 = tpu.memref_slice %arg4[%mul3A_60, %dma_wait3A] : memref<1280x128xi32, #tpu.memory_space<hbm>> -> memref<40x128xi32, #tpu.memory_space<hbm>>
      %dma_wait3A_77 = arith.constant 0 : i32
      %dma_wait3A_78 = tpu.memref_slice %arg4[%mul3A_60, %dma_wait3A_77] : memref<1280x128xi32, #tpu.memory_space<hbm>> -> memref<40x128xi32, #tpu.memory_space<hbm>>
      tpu.wait_dma2 semaphore(%run_scoped3A : memref<!tpu.dma_semaphore, #tpu.memory_space<semaphore_mem>>) src(%dma_wait3A_78 : memref<40x128xi32, #tpu.memory_space<hbm>>) dst(%arg7 : memref<40x128xi32, #tpu.memory_space<vmem>>)
      tpu.yield
    }) : () -> ()
    "tpu.region"() ({
      %run_scoped3A = tpu.sem_alloc : memref<!tpu.dma_semaphore, #tpu.memory_space<semaphore_mem>>
      %dma_start3A_72 = arith.constant 0 : i32
      %dma_start3A_73 = tpu.memref_slice %arg3[%mul3A_60, %dma_start3A_72] : memref<1280x128xi32, #tpu.memory_space<hbm>> -> memref<40x128xi32, #tpu.memory_space<hbm>>
      %dma_start3A_74 = arith.constant 0 : i32
      %dma_start3A_75 = tpu.memref_slice %arg3[%mul3A_60, %dma_start3A_74] : memref<1280x128xi32, #tpu.memory_space<hbm>> -> memref<40x128xi32, #tpu.memory_space<hbm>>
      tpu.enqueue_dma source(%dma_start3A_75 : memref<40x128xi32, #tpu.memory_space<hbm>>) target(%arg6 : memref<40x128xi32, #tpu.memory_space<vmem>>) target_semaphore(%run_scoped3A : memref<!tpu.dma_semaphore, #tpu.memory_space<semaphore_mem>>)
      %dma_wait3A = arith.constant 0 : i32
      %dma_wait3A_76 = tpu.memref_slice %arg3[%mul3A_60, %dma_wait3A] : memref<1280x128xi32, #tpu.memory_space<hbm>> -> memref<40x128xi32, #tpu.memory_space<hbm>>
      %dma_wait3A_77 = arith.constant 0 : i32
      %dma_wait3A_78 = tpu.memref_slice %arg3[%mul3A_60, %dma_wait3A_77] : memref<1280x128xi32, #tpu.memory_space<hbm>> -> memref<40x128xi32, #tpu.memory_space<hbm>>
      tpu.wait_dma2 semaphore(%run_scoped3A : memref<!tpu.dma_semaphore, #tpu.memory_space<semaphore_mem>>) src(%dma_wait3A_78 : memref<40x128xi32, #tpu.memory_space<hbm>>) dst(%arg6 : memref<40x128xi32, #tpu.memory_space<vmem>>)
      tpu.yield
    }) : () -> ()
    %barrier3A = arith.constant 0 : index
    tpu.barrier barrier_id(%barrier3A)
    %dma_start3A = arith.constant 0 : i32
    %dma_start3A_61 = arith.constant 0 : i32
    %dma_start3A_62 = tpu.memref_slice %arg6[%dma_start3A, %dma_start3A_61] : memref<40x128xi32, #tpu.memory_space<vmem>> -> memref<1x128xi32, #tpu.memory_space<vmem>>
    %dma_start3A_63 = tpu.memref_squeeze %dma_start3A_62 : memref<1x128xi32, #tpu.memory_space<vmem>> -> memref<128xi32, #tpu.memory_space<vmem>>
    %dma_start3A_64 = arith.constant 0 : i32
    %dma_start3A_65 = tpu.memref_slice %arg2[%dma_start3A_64] : memref<10240xf32, #tpu.memory_space<hbm>> -> memref<10240xf32, #tpu.memory_space<hbm>>
    tpu.enqueue_indirect_dma source(%dma_start3A_65 : memref<10240xf32, #tpu.memory_space<hbm>>) target(%arg8 : memref<128xf32, #tpu.memory_space<vmem>>) offsets(%dma_start3A_63 : memref<128xi32, #tpu.memory_space<vmem>>) semaphore(%arg11 : memref<!tpu.dma_semaphore, #tpu.memory_space<semaphore_mem>>)
    %scan3A = arith.constant 0 : i32
    %scan3A_66 = arith.constant 0 : i32
    %scan3A_67 = arith.constant 20 : i32
    %scan3A_68 = arith.addi %scan3A_66, %scan3A_67 : i32
    %scan3A_69 = arith.constant 1 : i32
    scf.for %scan3A_72 = %scan3A_66 to %scan3A_68 step %scan3A_69  : i32 {
      %mul3A_73 = arith.constant 2 : i32
      %mul3A_74 = arith.muli %mul3A_73, %scan3A_72 : i32
      %add3A_75 = arith.constant 1 : i32
      %add3A_76 = arith.addi %mul3A_74, %add3A_75 : i32
      %dma_start3A_77 = arith.constant 0 : i32
      %dma_start3A_78 = tpu.memref_slice %arg6[%add3A_76, %dma_start3A_77] : memref<40x128xi32, #tpu.memory_space<vmem>> -> memref<1x128xi32, #tpu.memory_space<vmem>>
      %dma_start3A_79 = tpu.memref_squeeze %dma_start3A_78 : memref<1x128xi32, #tpu.memory_space<vmem>> -> memref<128xi32, #tpu.memory_space<vmem>>
      %dma_start3A_80 = arith.constant 0 : i32
      %dma_start3A_81 = tpu.memref_slice %arg2[%dma_start3A_80] : memref<10240xf32, #tpu.memory_space<hbm>> -> memref<10240xf32, #tpu.memory_space<hbm>>
      tpu.enqueue_indirect_dma source(%dma_start3A_81 : memref<10240xf32, #tpu.memory_space<hbm>>) target(%arg9 : memref<128xf32, #tpu.memory_space<vmem>>) offsets(%dma_start3A_79 : memref<128xi32, #tpu.memory_space<vmem>>) semaphore(%arg12 : memref<!tpu.dma_semaphore, #tpu.memory_space<semaphore_mem>>)
      %dma_wait3A = arith.constant 0 : i32
      %dma_wait3A_82 = tpu.memref_slice %arg6[%mul3A_74, %dma_wait3A] : memref<40x128xi32, #tpu.memory_space<vmem>> -> memref<1x128xi32, #tpu.memory_space<vmem>>
      %dma_wait3A_83 = tpu.memref_squeeze %dma_wait3A_82 : memref<1x128xi32, #tpu.memory_space<vmem>> -> memref<128xi32, #tpu.memory_space<vmem>>
      %dma_wait3A_84 = arith.constant 0 : i32
      %dma_wait3A_85 = tpu.memref_slice %arg2[%dma_wait3A_84] : memref<10240xf32, #tpu.memory_space<hbm>> -> memref<10240xf32, #tpu.memory_space<hbm>>
      tpu.wait_indirect_dma semaphore(%arg11 : memref<!tpu.dma_semaphore, #tpu.memory_space<semaphore_mem>>) src(%dma_wait3A_85 : memref<10240xf32, #tpu.memory_space<hbm>>) dst(%arg8 : memref<128xf32, #tpu.memory_space<vmem>>)
      "tpu.region"() ({
        %run_scoped3A = tpu.sem_alloc : memref<!tpu.dma_semaphore, #tpu.memory_space<semaphore_mem>>
        %dma_start3A_95 = arith.constant 0 : i32
        %dma_start3A_96 = tpu.memref_slice %arg7[%mul3A_74, %dma_start3A_95] : memref<40x128xi32, #tpu.memory_space<vmem>> -> memref<1x128xi32, #tpu.memory_space<vmem>>
        %dma_start3A_97 = tpu.memref_squeeze %dma_start3A_96 : memref<1x128xi32, #tpu.memory_space<vmem>> -> memref<128xi32, #tpu.memory_space<vmem>>
        %dma_start3A_98 = arith.constant 0 : i32
        %dma_start3A_99 = tpu.memref_slice %arg10[%dma_start3A_98] : memref<10240xf32, #tpu.memory_space<vmem_shared>> -> memref<10240xf32, #tpu.memory_space<vmem_shared>>
        tpu.enqueue_indirect_dma source(%arg8 : memref<128xf32, #tpu.memory_space<vmem>>) target(%dma_start3A_99 : memref<10240xf32, #tpu.memory_space<vmem_shared>>) offsets(%dma_start3A_97 : memref<128xi32, #tpu.memory_space<vmem>>) semaphore(%run_scoped3A : memref<!tpu.dma_semaphore, #tpu.memory_space<semaphore_mem>>) {add = true}
        %dma_wait3A_100 = arith.constant 0 : i32
        %dma_wait3A_101 = tpu.memref_slice %arg7[%mul3A_74, %dma_wait3A_100] : memref<40x128xi32, #tpu.memory_space<vmem>> -> memref<1x128xi32, #tpu.memory_space<vmem>>
        %dma_wait3A_102 = tpu.memref_squeeze %dma_wait3A_101 : memref<1x128xi32, #tpu.memory_space<vmem>> -> memref<128xi32, #tpu.memory_space<vmem>>
        %dma_wait3A_103 = arith.constant 0 : i32
        %dma_wait3A_104 = tpu.memref_slice %arg10[%dma_wait3A_103] : memref<10240xf32, #tpu.memory_space<vmem_shared>> -> memref<10240xf32, #tpu.memory_space<vmem_shared>>
        tpu.wait_indirect_dma semaphore(%run_scoped3A : memref<!tpu.dma_semaphore, #tpu.memory_space<semaphore_mem>>) src(%arg8 : memref<128xf32, #tpu.memory_space<vmem>>) dst(%dma_wait3A_104 : memref<10240xf32, #tpu.memory_space<vmem_shared>>)
        tpu.yield
      }) : () -> ()
      %add3A_86 = arith.constant 1 : i32
      %add3A_87 = arith.addi %add3A_76, %add3A_86 : i32
      %lt3A = arith.constant 40 : i32
      %lt3A_88 = arith.cmpi slt, %add3A_87, %lt3A : i32
      %convert_element_type3A = arith.extui %lt3A_88 : i1 to i32
      %cond3A = arith.constant 0 : i32
      %cond3A_89 = arith.cmpi ne, %convert_element_type3A, %cond3A : i32
      scf.if %cond3A_89 {
        %add3A_95 = arith.constant 1 : i32
        %add3A_96 = arith.addi %add3A_76, %add3A_95 : i32
        %dma_start3A_97 = arith.constant 0 : i32
        %dma_start3A_98 = tpu.memref_slice %arg6[%add3A_96, %dma_start3A_97] : memref<40x128xi32, #tpu.memory_space<vmem>> -> memref<1x128xi32, #tpu.memory_space<vmem>>
        %dma_start3A_99 = tpu.memref_squeeze %dma_start3A_98 : memref<1x128xi32, #tpu.memory_space<vmem>> -> memref<128xi32, #tpu.memory_space<vmem>>
        %dma_start3A_100 = arith.constant 0 : i32
        %dma_start3A_101 = tpu.memref_slice %arg2[%dma_start3A_100] : memref<10240xf32, #tpu.memory_space<hbm>> -> memref<10240xf32, #tpu.memory_space<hbm>>
        tpu.enqueue_indirect_dma source(%dma_start3A_101 : memref<10240xf32, #tpu.memory_space<hbm>>) target(%arg8 : memref<128xf32, #tpu.memory_space<vmem>>) offsets(%dma_start3A_99 : memref<128xi32, #tpu.memory_space<vmem>>) semaphore(%arg11 : memref<!tpu.dma_semaphore, #tpu.memory_space<semaphore_mem>>)
      } else {
      }
      %dma_wait3A_90 = arith.constant 0 : i32
      %dma_wait3A_91 = tpu.memref_slice %arg6[%add3A_76, %dma_wait3A_90] : memref<40x128xi32, #tpu.memory_space<vmem>> -> memref<1x128xi32, #tpu.memory_space<vmem>>
      %dma_wait3A_92 = tpu.memref_squeeze %dma_wait3A_91 : memref<1x128xi32, #tpu.memory_space<vmem>> -> memref<128xi32, #tpu.memory_space<vmem>>
      %dma_wait3A_93 = arith.constant 0 : i32
      %dma_wait3A_94 = tpu.memref_slice %arg2[%dma_wait3A_93] : memref<10240xf32, #tpu.memory_space<hbm>> -> memref<10240xf32, #tpu.memory_space<hbm>>
      tpu.wait_indirect_dma semaphore(%arg12 : memref<!tpu.dma_semaphore, #tpu.memory_space<semaphore_mem>>) src(%dma_wait3A_94 : memref<10240xf32, #tpu.memory_space<hbm>>) dst(%arg9 : memref<128xf32, #tpu.memory_space<vmem>>)
      "tpu.region"() ({
        %run_scoped3A = tpu.sem_alloc : memref<!tpu.dma_semaphore, #tpu.memory_space<semaphore_mem>>
        %dma_start3A_95 = arith.constant 0 : i32
        %dma_start3A_96 = tpu.memref_slice %arg7[%add3A_76, %dma_start3A_95] : memref<40x128xi32, #tpu.memory_space<vmem>> -> memref<1x128xi32, #tpu.memory_space<vmem>>
        %dma_start3A_97 = tpu.memref_squeeze %dma_start3A_96 : memref<1x128xi32, #tpu.memory_space<vmem>> -> memref<128xi32, #tpu.memory_space<vmem>>
        %dma_start3A_98 = arith.constant 0 : i32
        %dma_start3A_99 = tpu.memref_slice %arg10[%dma_start3A_98] : memref<10240xf32, #tpu.memory_space<vmem_shared>> -> memref<10240xf32, #tpu.memory_space<vmem_shared>>
        tpu.enqueue_indirect_dma source(%arg9 : memref<128xf32, #tpu.memory_space<vmem>>) target(%dma_start3A_99 : memref<10240xf32, #tpu.memory_space<vmem_shared>>) offsets(%dma_start3A_97 : memref<128xi32, #tpu.memory_space<vmem>>) semaphore(%run_scoped3A : memref<!tpu.dma_semaphore, #tpu.memory_space<semaphore_mem>>) {add = true}
        %dma_wait3A_100 = arith.constant 0 : i32
        %dma_wait3A_101 = tpu.memref_slice %arg7[%add3A_76, %dma_wait3A_100] : memref<40x128xi32, #tpu.memory_space<vmem>> -> memref<1x128xi32, #tpu.memory_space<vmem>>
        %dma_wait3A_102 = tpu.memref_squeeze %dma_wait3A_101 : memref<1x128xi32, #tpu.memory_space<vmem>> -> memref<128xi32, #tpu.memory_space<vmem>>
        %dma_wait3A_103 = arith.constant 0 : i32
        %dma_wait3A_104 = tpu.memref_slice %arg10[%dma_wait3A_103] : memref<10240xf32, #tpu.memory_space<vmem_shared>> -> memref<10240xf32, #tpu.memory_space<vmem_shared>>
        tpu.wait_indirect_dma semaphore(%run_scoped3A : memref<!tpu.dma_semaphore, #tpu.memory_space<semaphore_mem>>) src(%arg9 : memref<128xf32, #tpu.memory_space<vmem>>) dst(%dma_wait3A_104 : memref<10240xf32, #tpu.memory_space<vmem_shared>>)
        tpu.yield
      }) : () -> ()
    }
    %scan3A_70 = arith.constant 20 : i32
    %barrier3A_71 = arith.constant 0 : index
    tpu.barrier barrier_id(%barrier3A_71)
    "tpu.region"() ({
      %run_scoped3A = tpu.sem_alloc : memref<!tpu.dma_semaphore, #tpu.memory_space<semaphore_mem>>
      %dma_start3A_72 = tpu.memref_slice %arg5[%arg0, %mul3A_46] : memref<2x10240xf32, #tpu.memory_space<hbm>> -> memref<1x640xf32, #tpu.memory_space<hbm>>
      %dma_start3A_73 = tpu.memref_squeeze %dma_start3A_72 : memref<1x640xf32, #tpu.memory_space<hbm>> -> memref<640xf32, #tpu.memory_space<hbm>>
      %dma_start3A_74 = tpu.memref_slice %arg10[%mul3A_46] : memref<10240xf32, #tpu.memory_space<vmem_shared>> -> memref<640xf32, #tpu.memory_space<vmem_shared>>
      tpu.enqueue_dma source(%dma_start3A_74 : memref<640xf32, #tpu.memory_space<vmem_shared>>) target(%dma_start3A_73 : memref<640xf32, #tpu.memory_space<hbm>>) target_semaphore(%run_scoped3A : memref<!tpu.dma_semaphore, #tpu.memory_space<semaphore_mem>>)
      %dma_wait3A = tpu.memref_slice %arg5[%arg0, %mul3A_46] : memref<2x10240xf32, #tpu.memory_space<hbm>> -> memref<1x640xf32, #tpu.memory_space<hbm>>
      %dma_wait3A_75 = tpu.memref_squeeze %dma_wait3A : memref<1x640xf32, #tpu.memory_space<hbm>> -> memref<640xf32, #tpu.memory_space<hbm>>
      %dma_wait3A_76 = tpu.memref_slice %arg10[%mul3A_46] : memref<10240xf32, #tpu.memory_space<vmem_shared>> -> memref<640xf32, #tpu.memory_space<vmem_shared>>
      tpu.wait_dma2 semaphore(%run_scoped3A : memref<!tpu.dma_semaphore, #tpu.memory_space<semaphore_mem>>) src(%dma_wait3A_76 : memref<640xf32, #tpu.memory_space<vmem_shared>>) dst(%dma_wait3A_75 : memref<640xf32, #tpu.memory_space<hbm>>)
      tpu.yield
    }) : () -> ()
    return
  }
}

module attributes {stable_mosaic.version = 14 : i64} {
  func.func @body(%arg0: i32, %arg1: memref<1024x2xf32, #tpu.memory_space<vmem>>, %arg2: memref<1024x256xf32, #tpu.memory_space<vmem>>, %arg3: memref<256x256xf32, #tpu.memory_space<vmem>>, %arg4: memref<1024x256xf32, #tpu.memory_space<vmem>>) attributes {dimension_semantics = [#tpu.dimension_semantics<arbitrary>], iteration_bounds = array<i64: 10>, scalar_prefetch = 0 : i64, scratch_operands = 0 : i64, tpu.core_type = #tpu.core_type<tc>, window_params = [{transform_indices = @transform_0, window_bounds = array<i64: 1024, 2>}, {transform_indices = @transform_1, window_bounds = array<i64: 1024, 256>}, {pipeline_mode = #tpu.pipeline_mode<synchronous>, transform_indices = @transform_2, window_bounds = array<i64: 256, 256>}, {transform_indices = @transform_3, window_bounds = array<i64: 1024, 256>}]} {
    %get3A = arith.constant 0 : index
    %get3A_0 = arith.constant 0 : index
    %get3A_1 = vector.load %arg1[%get3A, %get3A_0] : memref<1024x2xf32, #tpu.memory_space<vmem>>, vector<1024x2xf32>
    %slice3A = vector.extract_strided_slice %get3A_1 {offsets = [0, 0], sizes = [1024, 1], strides = [1, 1]} : vector<1024x2xf32> to vector<1024x1xf32>
    %slice3A_2 = vector.extract_strided_slice %get3A_1 {offsets = [0, 1], sizes = [1024, 1], strides = [1, 1]} : vector<1024x2xf32> to vector<1024x1xf32>
    %add3A = arith.addf %slice3A, %slice3A_2 : vector<1024x1xf32>
    %add3A_3 = arith.constant 1.000000e+00 : f32
    %add3A_4 = vector.broadcast %add3A_3 : f32 to vector<1024x1xf32>
    %add3A_5 = arith.addf %add3A, %add3A_4 : vector<1024x1xf32>
    %rsqrt3A = math.rsqrt %add3A_5 : vector<1024x1xf32>
    %get3A_6 = arith.constant 0 : index
    %get3A_7 = arith.constant 0 : index
    %get3A_8 = vector.load %arg2[%get3A_6, %get3A_7] : memref<1024x256xf32, #tpu.memory_space<vmem>>, vector<1024x256xf32>
    %get3A_9 = arith.constant 0 : index
    %get3A_10 = arith.constant 0 : index
    %get3A_11 = vector.load %arg3[%get3A_9, %get3A_10] : memref<256x256xf32, #tpu.memory_space<vmem>>, vector<256x256xf32>
    %dot_general3A = arith.constant dense<0.000000e+00> : vector<1024x256xf32>
    %dot_general3A_12 = tpu.matmul %get3A_8, %get3A_11, %dot_general3A {dimension_numbers = #tpu.dot_dimension_numbers<[1], [0], [0], [1], [0, 0, 1, 1], [], []>, transpose_lhs_hint = false} : vector<1024x256xf32>, vector<256x256xf32>, vector<1024x256xf32> -> vector<1024x256xf32>
    %mul3A = vector.broadcast %rsqrt3A : vector<1024x1xf32> to vector<1024x256xf32>
    %mul3A_13 = arith.mulf %dot_general3A_12, %mul3A : vector<1024x256xf32>
    %swap3A = arith.constant 0 : index
    %swap3A_14 = arith.constant 0 : index
    %swap3A_15 = vector.load %arg4[%swap3A, %swap3A_14] : memref<1024x256xf32, #tpu.memory_space<vmem>>, vector<1024x256xf32>
    tpu.vector_store %arg4[%swap3A, %swap3A_14], %mul3A_13 {strides = array<i32>} : memref<1024x256xf32, #tpu.memory_space<vmem>>, vector<1024x256xf32>,
    return
  }
  func.func @transform_0(%arg0: i32) -> (i32, i32) {
    %c0_i32 = arith.constant 0 : i32
    %c0_i32_0 = arith.constant 0 : i32
    return %arg0, %c0_i32 : i32, i32
  }
  func.func @transform_1(%arg0: i32) -> (i32, i32) {
    %c0_i32 = arith.constant 0 : i32
    %c0_i32_0 = arith.constant 0 : i32
    return %arg0, %c0_i32 : i32, i32
  }
  func.func @transform_2(%arg0: i32) -> (i32, i32) {
    %c0_i32 = arith.constant 0 : i32
    %c0_i32_0 = arith.constant 0 : i32
    %c0_i32_1 = arith.constant 0 : i32
    return %c0_i32, %c0_i32_0 : i32, i32
  }
  func.func @transform_3(%arg0: i32) -> (i32, i32) {
    %c0_i32 = arith.constant 0 : i32
    %c0_i32_0 = arith.constant 0 : i32
    return %arg0, %c0_i32 : i32, i32
  }
}

module attributes {stable_mosaic.version = 14 : i64} {
  func.func @body(%arg0: i32, %arg1: i32, %arg2: memref<2x1024x128xf32, #tpu.memory_space<vmem>>, %arg3: memref<1024x256xf32, #tpu.memory_space<vmem>>, %arg4: memref<1024x2xf32, #tpu.memory_space<vmem>>, %arg5: memref<1x256xf32, #tpu.memory_space<vmem>>, %arg6: memref<1x256xf32, #tpu.memory_space<vmem>>, %arg7: memref<1x256xf32, #tpu.memory_space<vmem>>, %arg8: memref<256x256xf32, #tpu.memory_space<vmem>>, %arg9: memref<1024x256xf32, #tpu.memory_space<vmem>>, %arg10: memref<10240x256xf32, #tpu.memory_space<vmem>>, %arg11: memref<8x256xf32, #tpu.memory_space<vmem>>) attributes {dimension_semantics = [#tpu.dimension_semantics<arbitrary>, #tpu.dimension_semantics<arbitrary>], iteration_bounds = array<i64: 2, 10>, scalar_prefetch = 0 : i64, scratch_operands = 2 : i64, tpu.core_type = #tpu.core_type<tc>, window_params = [{transform_indices = @transform_0, window_bounds = array<i64: 2, 1024, 128>}, {transform_indices = @transform_1, window_bounds = array<i64: 1024, 256>}, {transform_indices = @transform_2, window_bounds = array<i64: 1024, 2>}, {pipeline_mode = #tpu.pipeline_mode<synchronous>, transform_indices = @transform_3, window_bounds = array<i64: 1, 256>}, {pipeline_mode = #tpu.pipeline_mode<synchronous>, transform_indices = @transform_4, window_bounds = array<i64: 1, 256>}, {pipeline_mode = #tpu.pipeline_mode<synchronous>, transform_indices = @transform_5, window_bounds = array<i64: 1, 256>}, {pipeline_mode = #tpu.pipeline_mode<synchronous>, transform_indices = @transform_6, window_bounds = array<i64: 256, 256>}, {transform_indices = @transform_7, window_bounds = array<i64: 1024, 256>}]} {
    %get3A = arith.constant 0 : index
    %get3A_0 = arith.constant 0 : index
    %get3A_1 = vector.load %arg4[%get3A, %get3A_0] : memref<1024x2xf32, #tpu.memory_space<vmem>>, vector<1024x2xf32>
    %slice3A = vector.extract_strided_slice %get3A_1 {offsets = [0, 0], sizes = [1024, 1], strides = [1, 1]} : vector<1024x2xf32> to vector<1024x1xf32>
    %slice3A_2 = vector.extract_strided_slice %get3A_1 {offsets = [0, 1], sizes = [1024, 1], strides = [1, 1]} : vector<1024x2xf32> to vector<1024x1xf32>
    %add3A = arith.addf %slice3A, %slice3A_2 : vector<1024x1xf32>
    %add3A_3 = arith.constant 1.000000e+00 : f32
    %add3A_4 = vector.broadcast %add3A_3 : f32 to vector<1024x1xf32>
    %add3A_5 = arith.addf %add3A, %add3A_4 : vector<1024x1xf32>
    %rsqrt3A = math.rsqrt %add3A_5 : vector<1024x1xf32>
    %eq3A = arith.constant 0 : i32
    %eq3A_6 = arith.cmpi eq, %arg0, %eq3A : i32
    %convert_element_type3A = arith.extui %eq3A_6 : i1 to i32
    %cond3A = arith.constant 0 : i32
    %cond3A_7 = arith.cmpi ne, %convert_element_type3A, %cond3A : i32
    scf.if %cond3A_7 {
      %get3A_13 = arith.constant 0 : index
      %get3A_14 = arith.constant 0 : index
      %get3A_15 = arith.constant 0 : index
      %get3A_16 = vector.load %arg2[%get3A_13, %get3A_14, %get3A_15] : memref<2x1024x128xf32, #tpu.memory_space<vmem>>, vector<1x1024x128xf32>
      %get3A_17 = vector.shape_cast %get3A_16 : vector<1x1024x128xf32> to vector<1024x128xf32>
      %get3A_18 = arith.constant 1 : index
      %get3A_19 = arith.constant 0 : index
      %get3A_20 = arith.constant 0 : index
      %get3A_21 = vector.load %arg2[%get3A_18, %get3A_19, %get3A_20] : memref<2x1024x128xf32, #tpu.memory_space<vmem>>, vector<1x1024x128xf32>
      %get3A_22 = vector.shape_cast %get3A_21 : vector<1x1024x128xf32> to vector<1024x128xf32>
      %concatenate3A = tpu.concatenate %get3A_17, %get3A_22 in 1 : vector<1024x128xf32>, vector<1024x128xf32> -> vector<1024x256xf32>
      %get3A_23 = arith.constant 0 : index
      %get3A_24 = arith.constant 0 : index
      %get3A_25 = vector.load %arg3[%get3A_23, %get3A_24] : memref<1024x256xf32, #tpu.memory_space<vmem>>, vector<1024x256xf32>
      %add3A_26 = arith.addf %concatenate3A, %get3A_25 : vector<1024x256xf32>
      %mul3A = vector.broadcast %rsqrt3A : vector<1024x1xf32> to vector<1024x256xf32>
      %mul3A_27 = arith.mulf %mul3A, %add3A_26 : vector<1024x256xf32>
      %get3A_28 = arith.constant 0 : index
      %get3A_29 = arith.constant 0 : index
      %get3A_30 = vector.load %arg5[%get3A_28, %get3A_29] : memref<1x256xf32, #tpu.memory_space<vmem>>, vector<1x256xf32>
      %add3A_31 = vector.broadcast %get3A_30 : vector<1x256xf32> to vector<1024x256xf32>
      %add3A_32 = arith.addf %mul3A_27, %add3A_31 : vector<1024x256xf32>
      %mul3A_33 = arith.constant 1024 : i32
      %mul3A_34 = arith.muli %arg1, %mul3A_33 : i32
      %iota3A = tpu.iota {dimensions = array<i32: 0>} : vector<1024x1xi32>
      %add3A_35 = vector.broadcast %mul3A_34 : i32 to vector<1024x1xi32>
      %add3A_36 = arith.addi %add3A_35, %iota3A : vector<1024x1xi32>
      %lt3A = arith.constant 10000 : i32
      %lt3A_37 = vector.broadcast %lt3A : i32 to vector<1024x1xi32>
      %lt3A_38 = arith.cmpi slt, %add3A_36, %lt3A_37 : vector<1024x1xi32>
      %jit3A = arith.constant 0.000000e+00 : f32
      %broadcast_in_dim3A = vector.shape_cast %lt3A_38 : vector<1024x1xi1> to vector<1024x1xi1>
      %broadcast_in_dim3A_39 = vector.broadcast %broadcast_in_dim3A : vector<1024x1xi1> to vector<1024x256xi1>
      %broadcast_in_dim3A_40 = vector.broadcast %jit3A : f32 to vector<1024x256xf32>
      %select_n3A = arith.select %broadcast_in_dim3A_39, %add3A_32, %broadcast_in_dim3A_40 : vector<1024x256xi1>, vector<1024x256xf32>
      %mul3A_41 = arith.constant 1024 : i32
      %mul3A_42 = arith.muli %arg1, %mul3A_41 : i32
      %swap3A = arith.index_cast %mul3A_42 : i32 to index
      %swap3A_43 = arith.constant 0 : index
      %swap3A_44 = vector.load %arg10[%swap3A, %swap3A_43] : memref<10240x256xf32, #tpu.memory_space<vmem>>, vector<1024x256xf32>
      tpu.vector_store %arg10[%swap3A, %swap3A_43], %select_n3A {strides = array<i32>} : memref<10240x256xf32, #tpu.memory_space<vmem>>, vector<1024x256xf32>,
      %eq3A_45 = arith.constant 0 : i32
      %eq3A_46 = arith.cmpi eq, %arg1, %eq3A_45 : i32
      %convert_element_type3A_47 = arith.extui %eq3A_46 : i1 to i32
      %cond3A_48 = arith.constant 0 : i32
      %cond3A_49 = arith.cmpi ne, %convert_element_type3A_47, %cond3A_48 : i32
      scf.if %cond3A_49 {
        %broadcast_in_dim3A_70 = arith.constant 0.000000e+00 : f32
        %broadcast_in_dim3A_71 = vector.broadcast %broadcast_in_dim3A_70 : f32 to vector<8x256xf32>
        %swap3A_72 = arith.constant 0 : index
        %swap3A_73 = arith.constant 0 : index
        %swap3A_74 = vector.load %arg11[%swap3A_72, %swap3A_73] : memref<8x256xf32, #tpu.memory_space<vmem>>, vector<8x256xf32>
        tpu.vector_store %arg11[%swap3A_72, %swap3A_73], %broadcast_in_dim3A_71 {strides = array<i32>} : memref<8x256xf32, #tpu.memory_space<vmem>>, vector<8x256xf32>,
      } else {
      }
      %get3A_50 = arith.constant 0 : index
      %get3A_51 = arith.constant 0 : index
      %get3A_52 = vector.load %arg11[%get3A_50, %get3A_51] : memref<8x256xf32, #tpu.memory_space<vmem>>, vector<1x256xf32>
      %reduce_sum3A = arith.constant dense<0.000000e+00> : vector<256xf32>
      %reduce_sum3A_53 = vector.multi_reduction <add>, %select_n3A, %reduce_sum3A [0] : vector<1024x256xf32> to vector<256xf32>
      %broadcast_in_dim3A_54 = vector.shape_cast %reduce_sum3A_53 : vector<256xf32> to vector<1x256xf32>
      %add3A_55 = arith.addf %get3A_52, %broadcast_in_dim3A_54 : vector<1x256xf32>
      %swap3A_56 = arith.constant 0 : index
      %swap3A_57 = arith.constant 0 : index
      %swap3A_58 = vector.load %arg11[%swap3A_56, %swap3A_57] : memref<8x256xf32, #tpu.memory_space<vmem>>, vector<1x256xf32>
      tpu.vector_store %arg11[%swap3A_56, %swap3A_57], %add3A_55 {strides = array<i32>} : memref<8x256xf32, #tpu.memory_space<vmem>>, vector<1x256xf32>,
      %get3A_59 = arith.constant 1 : index
      %get3A_60 = arith.constant 0 : index
      %get3A_61 = vector.load %arg11[%get3A_59, %get3A_60] : memref<8x256xf32, #tpu.memory_space<vmem>>, vector<1x256xf32>
      %mul3A_62 = arith.mulf %select_n3A, %select_n3A : vector<1024x256xf32>
      %reduce_sum3A_63 = arith.constant dense<0.000000e+00> : vector<256xf32>
      %reduce_sum3A_64 = vector.multi_reduction <add>, %mul3A_62, %reduce_sum3A_63 [0] : vector<1024x256xf32> to vector<256xf32>
      %broadcast_in_dim3A_65 = vector.shape_cast %reduce_sum3A_64 : vector<256xf32> to vector<1x256xf32>
      %add3A_66 = arith.addf %get3A_61, %broadcast_in_dim3A_65 : vector<1x256xf32>
      %swap3A_67 = arith.constant 1 : index
      %swap3A_68 = arith.constant 0 : index
      %swap3A_69 = vector.load %arg11[%swap3A_67, %swap3A_68] : memref<8x256xf32, #tpu.memory_space<vmem>>, vector<1x256xf32>
      tpu.vector_store %arg11[%swap3A_67, %swap3A_68], %add3A_66 {strides = array<i32>} : memref<8x256xf32, #tpu.memory_space<vmem>>, vector<1x256xf32>,
    } else {
    }
    %eq3A_8 = arith.constant 1 : i32
    %eq3A_9 = arith.cmpi eq, %arg0, %eq3A_8 : i32
    %convert_element_type3A_10 = arith.extui %eq3A_9 : i1 to i32
    %cond3A_11 = arith.constant 0 : i32
    %cond3A_12 = arith.cmpi ne, %convert_element_type3A_10, %cond3A_11 : i32
    scf.if %cond3A_12 {
      %get3A_13 = arith.constant 0 : index
      %get3A_14 = arith.constant 0 : index
      %get3A_15 = vector.load %arg11[%get3A_13, %get3A_14] : memref<8x256xf32, #tpu.memory_space<vmem>>, vector<1x256xf32>
      %mul3A = arith.constant 9.99999974E-5 : f32
      %mul3A_16 = vector.broadcast %mul3A : f32 to vector<1x256xf32>
      %mul3A_17 = arith.mulf %get3A_15, %mul3A_16 : vector<1x256xf32>
      %get3A_18 = arith.constant 1 : index
      %get3A_19 = arith.constant 0 : index
      %get3A_20 = vector.load %arg11[%get3A_18, %get3A_19] : memref<8x256xf32, #tpu.memory_space<vmem>>, vector<1x256xf32>
      %mul3A_21 = arith.constant 9.99999974E-5 : f32
      %mul3A_22 = vector.broadcast %mul3A_21 : f32 to vector<1x256xf32>
      %mul3A_23 = arith.mulf %get3A_20, %mul3A_22 : vector<1x256xf32>
      %mul3A_24 = arith.mulf %mul3A_17, %mul3A_17 : vector<1x256xf32>
      %sub3A = arith.subf %mul3A_23, %mul3A_24 : vector<1x256xf32>
      %add3A_25 = arith.constant 9.99999974E-6 : f32
      %add3A_26 = vector.broadcast %add3A_25 : f32 to vector<1x256xf32>
      %add3A_27 = arith.addf %sub3A, %add3A_26 : vector<1x256xf32>
      %rsqrt3A_28 = math.rsqrt %add3A_27 : vector<1x256xf32>
      %mul3A_29 = arith.constant 1024 : i32
      %mul3A_30 = arith.muli %arg1, %mul3A_29 : i32
      %get3A_31 = arith.index_cast %mul3A_30 : i32 to index
      %get3A_32 = arith.constant 0 : index
      %get3A_33 = vector.load %arg10[%get3A_31, %get3A_32] : memref<10240x256xf32, #tpu.memory_space<vmem>>, vector<1024x256xf32>
      %sub3A_34 = vector.broadcast %mul3A_17 : vector<1x256xf32> to vector<1024x256xf32>
      %sub3A_35 = arith.subf %get3A_33, %sub3A_34 : vector<1024x256xf32>
      %mul3A_36 = vector.broadcast %rsqrt3A_28 : vector<1x256xf32> to vector<1024x256xf32>
      %mul3A_37 = arith.mulf %sub3A_35, %mul3A_36 : vector<1024x256xf32>
      %get3A_38 = arith.constant 0 : index
      %get3A_39 = arith.constant 0 : index
      %get3A_40 = vector.load %arg6[%get3A_38, %get3A_39] : memref<1x256xf32, #tpu.memory_space<vmem>>, vector<1x256xf32>
      %mul3A_41 = vector.broadcast %get3A_40 : vector<1x256xf32> to vector<1024x256xf32>
      %mul3A_42 = arith.mulf %mul3A_37, %mul3A_41 : vector<1024x256xf32>
      %get3A_43 = arith.constant 0 : index
      %get3A_44 = arith.constant 0 : index
      %get3A_45 = vector.load %arg7[%get3A_43, %get3A_44] : memref<1x256xf32, #tpu.memory_space<vmem>>, vector<1x256xf32>
      %add3A_46 = vector.broadcast %get3A_45 : vector<1x256xf32> to vector<1024x256xf32>
      %add3A_47 = arith.addf %mul3A_42, %add3A_46 : vector<1024x256xf32>
      %max3A = arith.constant 0.000000e+00 : f32
      %max3A_48 = vector.broadcast %max3A : f32 to vector<1024x256xf32>
      %max3A_49 = arith.maximumf %add3A_47, %max3A_48 : vector<1024x256xf32>
      %get3A_50 = arith.constant 0 : index
      %get3A_51 = arith.constant 0 : index
      %get3A_52 = vector.load %arg8[%get3A_50, %get3A_51] : memref<256x256xf32, #tpu.memory_space<vmem>>, vector<256x256xf32>
      %dot_general3A = arith.constant dense<0.000000e+00> : vector<1024x256xf32>
      %dot_general3A_53 = tpu.matmul %max3A_49, %get3A_52, %dot_general3A {dimension_numbers = #tpu.dot_dimension_numbers<[1], [0], [0], [1], [0, 0, 1, 1], [], []>, transpose_lhs_hint = false} : vector<1024x256xf32>, vector<256x256xf32>, vector<1024x256xf32> -> vector<1024x256xf32>
      %mul3A_54 = vector.broadcast %rsqrt3A : vector<1024x1xf32> to vector<1024x256xf32>
      %mul3A_55 = arith.mulf %dot_general3A_53, %mul3A_54 : vector<1024x256xf32>
      %swap3A = arith.constant 0 : index
      %swap3A_56 = arith.constant 0 : index
      %swap3A_57 = vector.load %arg9[%swap3A, %swap3A_56] : memref<1024x256xf32, #tpu.memory_space<vmem>>, vector<1024x256xf32>
      tpu.vector_store %arg9[%swap3A, %swap3A_56], %mul3A_55 {strides = array<i32>} : memref<1024x256xf32, #tpu.memory_space<vmem>>, vector<1024x256xf32>,
    } else {
    }
    return
  }
  func.func @transform_0(%arg0: i32, %arg1: i32) -> (i32, i32, i32) {
    %sub3A = arith.constant 1 : i32
    %sub3A_0 = arith.subi %sub3A, %arg0 : i32
    %mul3A = arith.muli %arg1, %sub3A_0 : i32
    %c0_i32 = arith.constant 0 : i32
    %c0_i32_1 = arith.constant 0 : i32
    %c0_i32_2 = arith.constant 0 : i32
    return %c0_i32, %mul3A, %c0_i32_1 : i32, i32, i32
  }
  func.func @transform_1(%arg0: i32, %arg1: i32) -> (i32, i32) {
    %sub3A = arith.constant 1 : i32
    %sub3A_0 = arith.subi %sub3A, %arg0 : i32
    %mul3A = arith.muli %arg1, %sub3A_0 : i32
    %c0_i32 = arith.constant 0 : i32
    %c0_i32_1 = arith.constant 0 : i32
    return %mul3A, %c0_i32 : i32, i32
  }
  func.func @transform_2(%arg0: i32, %arg1: i32) -> (i32, i32) {
    %c0_i32 = arith.constant 0 : i32
    %c0_i32_0 = arith.constant 0 : i32
    return %arg1, %c0_i32 : i32, i32
  }
  func.func @transform_3(%arg0: i32, %arg1: i32) -> (i32, i32) {
    %c0_i32 = arith.constant 0 : i32
    %c0_i32_0 = arith.constant 0 : i32
    %c0_i32_1 = arith.constant 0 : i32
    return %c0_i32, %c0_i32_0 : i32, i32
  }
  func.func @transform_4(%arg0: i32, %arg1: i32) -> (i32, i32) {
    %c0_i32 = arith.constant 0 : i32
    %c0_i32_0 = arith.constant 0 : i32
    %c0_i32_1 = arith.constant 0 : i32
    return %c0_i32, %c0_i32_0 : i32, i32
  }
  func.func @transform_5(%arg0: i32, %arg1: i32) -> (i32, i32) {
    %c0_i32 = arith.constant 0 : i32
    %c0_i32_0 = arith.constant 0 : i32
    %c0_i32_1 = arith.constant 0 : i32
    return %c0_i32, %c0_i32_0 : i32, i32
  }
  func.func @transform_6(%arg0: i32, %arg1: i32) -> (i32, i32) {
    %c0_i32 = arith.constant 0 : i32
    %c0_i32_0 = arith.constant 0 : i32
    %c0_i32_1 = arith.constant 0 : i32
    return %c0_i32, %c0_i32_0 : i32, i32
  }
  func.func @transform_7(%arg0: i32, %arg1: i32) -> (i32, i32) {
    %mul3A = arith.muli %arg1, %arg0 : i32
    %c0_i32 = arith.constant 0 : i32
    %c0_i32_0 = arith.constant 0 : i32
    return %mul3A, %c0_i32 : i32, i32
  }
}

module attributes {stable_mosaic.version = 14 : i64} {
  func.func @body(%arg0: i32, %arg1: i32, %arg2: memref<2x1024x128xf32, #tpu.memory_space<vmem>>, %arg3: memref<1024x256xf32, #tpu.memory_space<vmem>>, %arg4: memref<1024x2xf32, #tpu.memory_space<vmem>>, %arg5: memref<1x256xf32, #tpu.memory_space<vmem>>, %arg6: memref<1x256xf32, #tpu.memory_space<vmem>>, %arg7: memref<1x256xf32, #tpu.memory_space<vmem>>, %arg8: memref<256x128xf32, #tpu.memory_space<vmem>>, %arg9: memref<1024x128xf32, #tpu.memory_space<vmem>>, %arg10: memref<10240x256xf32, #tpu.memory_space<vmem>>, %arg11: memref<8x256xf32, #tpu.memory_space<vmem>>) attributes {dimension_semantics = [#tpu.dimension_semantics<arbitrary>, #tpu.dimension_semantics<arbitrary>], iteration_bounds = array<i64: 2, 10>, scalar_prefetch = 0 : i64, scratch_operands = 2 : i64, tpu.core_type = #tpu.core_type<tc>, window_params = [{transform_indices = @transform_0, window_bounds = array<i64: 2, 1024, 128>}, {transform_indices = @transform_1, window_bounds = array<i64: 1024, 256>}, {transform_indices = @transform_2, window_bounds = array<i64: 1024, 2>}, {pipeline_mode = #tpu.pipeline_mode<synchronous>, transform_indices = @transform_3, window_bounds = array<i64: 1, 256>}, {pipeline_mode = #tpu.pipeline_mode<synchronous>, transform_indices = @transform_4, window_bounds = array<i64: 1, 256>}, {pipeline_mode = #tpu.pipeline_mode<synchronous>, transform_indices = @transform_5, window_bounds = array<i64: 1, 256>}, {pipeline_mode = #tpu.pipeline_mode<synchronous>, transform_indices = @transform_6, window_bounds = array<i64: 256, 128>}, {transform_indices = @transform_7, window_bounds = array<i64: 1024, 128>}]} {
    %get3A = arith.constant 0 : index
    %get3A_0 = arith.constant 0 : index
    %get3A_1 = vector.load %arg4[%get3A, %get3A_0] : memref<1024x2xf32, #tpu.memory_space<vmem>>, vector<1024x2xf32>
    %slice3A = vector.extract_strided_slice %get3A_1 {offsets = [0, 0], sizes = [1024, 1], strides = [1, 1]} : vector<1024x2xf32> to vector<1024x1xf32>
    %slice3A_2 = vector.extract_strided_slice %get3A_1 {offsets = [0, 1], sizes = [1024, 1], strides = [1, 1]} : vector<1024x2xf32> to vector<1024x1xf32>
    %add3A = arith.addf %slice3A, %slice3A_2 : vector<1024x1xf32>
    %add3A_3 = arith.constant 1.000000e+00 : f32
    %add3A_4 = vector.broadcast %add3A_3 : f32 to vector<1024x1xf32>
    %add3A_5 = arith.addf %add3A, %add3A_4 : vector<1024x1xf32>
    %rsqrt3A = math.rsqrt %add3A_5 : vector<1024x1xf32>
    %eq3A = arith.constant 0 : i32
    %eq3A_6 = arith.cmpi eq, %arg0, %eq3A : i32
    %convert_element_type3A = arith.extui %eq3A_6 : i1 to i32
    %cond3A = arith.constant 0 : i32
    %cond3A_7 = arith.cmpi ne, %convert_element_type3A, %cond3A : i32
    scf.if %cond3A_7 {
      %get3A_13 = arith.constant 0 : index
      %get3A_14 = arith.constant 0 : index
      %get3A_15 = arith.constant 0 : index
      %get3A_16 = vector.load %arg2[%get3A_13, %get3A_14, %get3A_15] : memref<2x1024x128xf32, #tpu.memory_space<vmem>>, vector<1x1024x128xf32>
      %get3A_17 = vector.shape_cast %get3A_16 : vector<1x1024x128xf32> to vector<1024x128xf32>
      %get3A_18 = arith.constant 1 : index
      %get3A_19 = arith.constant 0 : index
      %get3A_20 = arith.constant 0 : index
      %get3A_21 = vector.load %arg2[%get3A_18, %get3A_19, %get3A_20] : memref<2x1024x128xf32, #tpu.memory_space<vmem>>, vector<1x1024x128xf32>
      %get3A_22 = vector.shape_cast %get3A_21 : vector<1x1024x128xf32> to vector<1024x128xf32>
      %concatenate3A = tpu.concatenate %get3A_17, %get3A_22 in 1 : vector<1024x128xf32>, vector<1024x128xf32> -> vector<1024x256xf32>
      %get3A_23 = arith.constant 0 : index
      %get3A_24 = arith.constant 0 : index
      %get3A_25 = vector.load %arg3[%get3A_23, %get3A_24] : memref<1024x256xf32, #tpu.memory_space<vmem>>, vector<1024x256xf32>
      %add3A_26 = arith.addf %concatenate3A, %get3A_25 : vector<1024x256xf32>
      %mul3A = vector.broadcast %rsqrt3A : vector<1024x1xf32> to vector<1024x256xf32>
      %mul3A_27 = arith.mulf %mul3A, %add3A_26 : vector<1024x256xf32>
      %get3A_28 = arith.constant 0 : index
      %get3A_29 = arith.constant 0 : index
      %get3A_30 = vector.load %arg5[%get3A_28, %get3A_29] : memref<1x256xf32, #tpu.memory_space<vmem>>, vector<1x256xf32>
      %add3A_31 = vector.broadcast %get3A_30 : vector<1x256xf32> to vector<1024x256xf32>
      %add3A_32 = arith.addf %mul3A_27, %add3A_31 : vector<1024x256xf32>
      %mul3A_33 = arith.constant 1024 : i32
      %mul3A_34 = arith.muli %arg1, %mul3A_33 : i32
      %iota3A = tpu.iota {dimensions = array<i32: 0>} : vector<1024x1xi32>
      %add3A_35 = vector.broadcast %mul3A_34 : i32 to vector<1024x1xi32>
      %add3A_36 = arith.addi %add3A_35, %iota3A : vector<1024x1xi32>
      %lt3A = arith.constant 10000 : i32
      %lt3A_37 = vector.broadcast %lt3A : i32 to vector<1024x1xi32>
      %lt3A_38 = arith.cmpi slt, %add3A_36, %lt3A_37 : vector<1024x1xi32>
      %jit3A = arith.constant 0.000000e+00 : f32
      %broadcast_in_dim3A = vector.shape_cast %lt3A_38 : vector<1024x1xi1> to vector<1024x1xi1>
      %broadcast_in_dim3A_39 = vector.broadcast %broadcast_in_dim3A : vector<1024x1xi1> to vector<1024x256xi1>
      %broadcast_in_dim3A_40 = vector.broadcast %jit3A : f32 to vector<1024x256xf32>
      %select_n3A = arith.select %broadcast_in_dim3A_39, %add3A_32, %broadcast_in_dim3A_40 : vector<1024x256xi1>, vector<1024x256xf32>
      %mul3A_41 = arith.constant 1024 : i32
      %mul3A_42 = arith.muli %arg1, %mul3A_41 : i32
      %swap3A = arith.index_cast %mul3A_42 : i32 to index
      %swap3A_43 = arith.constant 0 : index
      %swap3A_44 = vector.load %arg10[%swap3A, %swap3A_43] : memref<10240x256xf32, #tpu.memory_space<vmem>>, vector<1024x256xf32>
      tpu.vector_store %arg10[%swap3A, %swap3A_43], %select_n3A {strides = array<i32>} : memref<10240x256xf32, #tpu.memory_space<vmem>>, vector<1024x256xf32>,
      %eq3A_45 = arith.constant 0 : i32
      %eq3A_46 = arith.cmpi eq, %arg1, %eq3A_45 : i32
      %convert_element_type3A_47 = arith.extui %eq3A_46 : i1 to i32
      %cond3A_48 = arith.constant 0 : i32
      %cond3A_49 = arith.cmpi ne, %convert_element_type3A_47, %cond3A_48 : i32
      scf.if %cond3A_49 {
        %broadcast_in_dim3A_70 = arith.constant 0.000000e+00 : f32
        %broadcast_in_dim3A_71 = vector.broadcast %broadcast_in_dim3A_70 : f32 to vector<8x256xf32>
        %swap3A_72 = arith.constant 0 : index
        %swap3A_73 = arith.constant 0 : index
        %swap3A_74 = vector.load %arg11[%swap3A_72, %swap3A_73] : memref<8x256xf32, #tpu.memory_space<vmem>>, vector<8x256xf32>
        tpu.vector_store %arg11[%swap3A_72, %swap3A_73], %broadcast_in_dim3A_71 {strides = array<i32>} : memref<8x256xf32, #tpu.memory_space<vmem>>, vector<8x256xf32>,
      } else {
      }
      %get3A_50 = arith.constant 0 : index
      %get3A_51 = arith.constant 0 : index
      %get3A_52 = vector.load %arg11[%get3A_50, %get3A_51] : memref<8x256xf32, #tpu.memory_space<vmem>>, vector<1x256xf32>
      %reduce_sum3A = arith.constant dense<0.000000e+00> : vector<256xf32>
      %reduce_sum3A_53 = vector.multi_reduction <add>, %select_n3A, %reduce_sum3A [0] : vector<1024x256xf32> to vector<256xf32>
      %broadcast_in_dim3A_54 = vector.shape_cast %reduce_sum3A_53 : vector<256xf32> to vector<1x256xf32>
      %add3A_55 = arith.addf %get3A_52, %broadcast_in_dim3A_54 : vector<1x256xf32>
      %swap3A_56 = arith.constant 0 : index
      %swap3A_57 = arith.constant 0 : index
      %swap3A_58 = vector.load %arg11[%swap3A_56, %swap3A_57] : memref<8x256xf32, #tpu.memory_space<vmem>>, vector<1x256xf32>
      tpu.vector_store %arg11[%swap3A_56, %swap3A_57], %add3A_55 {strides = array<i32>} : memref<8x256xf32, #tpu.memory_space<vmem>>, vector<1x256xf32>,
      %get3A_59 = arith.constant 1 : index
      %get3A_60 = arith.constant 0 : index
      %get3A_61 = vector.load %arg11[%get3A_59, %get3A_60] : memref<8x256xf32, #tpu.memory_space<vmem>>, vector<1x256xf32>
      %mul3A_62 = arith.mulf %select_n3A, %select_n3A : vector<1024x256xf32>
      %reduce_sum3A_63 = arith.constant dense<0.000000e+00> : vector<256xf32>
      %reduce_sum3A_64 = vector.multi_reduction <add>, %mul3A_62, %reduce_sum3A_63 [0] : vector<1024x256xf32> to vector<256xf32>
      %broadcast_in_dim3A_65 = vector.shape_cast %reduce_sum3A_64 : vector<256xf32> to vector<1x256xf32>
      %add3A_66 = arith.addf %get3A_61, %broadcast_in_dim3A_65 : vector<1x256xf32>
      %swap3A_67 = arith.constant 1 : index
      %swap3A_68 = arith.constant 0 : index
      %swap3A_69 = vector.load %arg11[%swap3A_67, %swap3A_68] : memref<8x256xf32, #tpu.memory_space<vmem>>, vector<1x256xf32>
      tpu.vector_store %arg11[%swap3A_67, %swap3A_68], %add3A_66 {strides = array<i32>} : memref<8x256xf32, #tpu.memory_space<vmem>>, vector<1x256xf32>,
    } else {
    }
    %eq3A_8 = arith.constant 1 : i32
    %eq3A_9 = arith.cmpi eq, %arg0, %eq3A_8 : i32
    %convert_element_type3A_10 = arith.extui %eq3A_9 : i1 to i32
    %cond3A_11 = arith.constant 0 : i32
    %cond3A_12 = arith.cmpi ne, %convert_element_type3A_10, %cond3A_11 : i32
    scf.if %cond3A_12 {
      %get3A_13 = arith.constant 0 : index
      %get3A_14 = arith.constant 0 : index
      %get3A_15 = vector.load %arg11[%get3A_13, %get3A_14] : memref<8x256xf32, #tpu.memory_space<vmem>>, vector<1x256xf32>
      %mul3A = arith.constant 9.99999974E-5 : f32
      %mul3A_16 = vector.broadcast %mul3A : f32 to vector<1x256xf32>
      %mul3A_17 = arith.mulf %get3A_15, %mul3A_16 : vector<1x256xf32>
      %get3A_18 = arith.constant 1 : index
      %get3A_19 = arith.constant 0 : index
      %get3A_20 = vector.load %arg11[%get3A_18, %get3A_19] : memref<8x256xf32, #tpu.memory_space<vmem>>, vector<1x256xf32>
      %mul3A_21 = arith.constant 9.99999974E-5 : f32
      %mul3A_22 = vector.broadcast %mul3A_21 : f32 to vector<1x256xf32>
      %mul3A_23 = arith.mulf %get3A_20, %mul3A_22 : vector<1x256xf32>
      %mul3A_24 = arith.mulf %mul3A_17, %mul3A_17 : vector<1x256xf32>
      %sub3A = arith.subf %mul3A_23, %mul3A_24 : vector<1x256xf32>
      %add3A_25 = arith.constant 9.99999974E-6 : f32
      %add3A_26 = vector.broadcast %add3A_25 : f32 to vector<1x256xf32>
      %add3A_27 = arith.addf %sub3A, %add3A_26 : vector<1x256xf32>
      %rsqrt3A_28 = math.rsqrt %add3A_27 : vector<1x256xf32>
      %mul3A_29 = arith.constant 1024 : i32
      %mul3A_30 = arith.muli %arg1, %mul3A_29 : i32
      %get3A_31 = arith.index_cast %mul3A_30 : i32 to index
      %get3A_32 = arith.constant 0 : index
      %get3A_33 = vector.load %arg10[%get3A_31, %get3A_32] : memref<10240x256xf32, #tpu.memory_space<vmem>>, vector<1024x256xf32>
      %sub3A_34 = vector.broadcast %mul3A_17 : vector<1x256xf32> to vector<1024x256xf32>
      %sub3A_35 = arith.subf %get3A_33, %sub3A_34 : vector<1024x256xf32>
      %mul3A_36 = vector.broadcast %rsqrt3A_28 : vector<1x256xf32> to vector<1024x256xf32>
      %mul3A_37 = arith.mulf %sub3A_35, %mul3A_36 : vector<1024x256xf32>
      %get3A_38 = arith.constant 0 : index
      %get3A_39 = arith.constant 0 : index
      %get3A_40 = vector.load %arg6[%get3A_38, %get3A_39] : memref<1x256xf32, #tpu.memory_space<vmem>>, vector<1x256xf32>
      %mul3A_41 = vector.broadcast %get3A_40 : vector<1x256xf32> to vector<1024x256xf32>
      %mul3A_42 = arith.mulf %mul3A_37, %mul3A_41 : vector<1024x256xf32>
      %get3A_43 = arith.constant 0 : index
      %get3A_44 = arith.constant 0 : index
      %get3A_45 = vector.load %arg7[%get3A_43, %get3A_44] : memref<1x256xf32, #tpu.memory_space<vmem>>, vector<1x256xf32>
      %add3A_46 = vector.broadcast %get3A_45 : vector<1x256xf32> to vector<1024x256xf32>
      %add3A_47 = arith.addf %mul3A_42, %add3A_46 : vector<1024x256xf32>
      %max3A = arith.constant 0.000000e+00 : f32
      %max3A_48 = vector.broadcast %max3A : f32 to vector<1024x256xf32>
      %max3A_49 = arith.maximumf %add3A_47, %max3A_48 : vector<1024x256xf32>
      %get3A_50 = arith.constant 0 : index
      %get3A_51 = arith.constant 0 : index
      %get3A_52 = vector.load %arg8[%get3A_50, %get3A_51] : memref<256x128xf32, #tpu.memory_space<vmem>>, vector<256x128xf32>
      %dot_general3A = arith.constant dense<0.000000e+00> : vector<1024x128xf32>
      %dot_general3A_53 = tpu.matmul %max3A_49, %get3A_52, %dot_general3A {dimension_numbers = #tpu.dot_dimension_numbers<[1], [0], [0], [1], [0, 0, 1, 1], [], []>, transpose_lhs_hint = false} : vector<1024x256xf32>, vector<256x128xf32>, vector<1024x128xf32> -> vector<1024x128xf32>
      %mul3A_54 = vector.broadcast %rsqrt3A : vector<1024x1xf32> to vector<1024x128xf32>
      %mul3A_55 = arith.mulf %dot_general3A_53, %mul3A_54 : vector<1024x128xf32>
      %swap3A = arith.constant 0 : index
      %swap3A_56 = arith.constant 0 : index
      %swap3A_57 = vector.load %arg9[%swap3A, %swap3A_56] : memref<1024x128xf32, #tpu.memory_space<vmem>>, vector<1024x128xf32>
      tpu.vector_store %arg9[%swap3A, %swap3A_56], %mul3A_55 {strides = array<i32>} : memref<1024x128xf32, #tpu.memory_space<vmem>>, vector<1024x128xf32>,
    } else {
    }
    return
  }
  func.func @transform_0(%arg0: i32, %arg1: i32) -> (i32, i32, i32) {
    %sub3A = arith.constant 1 : i32
    %sub3A_0 = arith.subi %sub3A, %arg0 : i32
    %mul3A = arith.muli %arg1, %sub3A_0 : i32
    %c0_i32 = arith.constant 0 : i32
    %c0_i32_1 = arith.constant 0 : i32
    %c0_i32_2 = arith.constant 0 : i32
    return %c0_i32, %mul3A, %c0_i32_1 : i32, i32, i32
  }
  func.func @transform_1(%arg0: i32, %arg1: i32) -> (i32, i32) {
    %sub3A = arith.constant 1 : i32
    %sub3A_0 = arith.subi %sub3A, %arg0 : i32
    %mul3A = arith.muli %arg1, %sub3A_0 : i32
    %c0_i32 = arith.constant 0 : i32
    %c0_i32_1 = arith.constant 0 : i32
    return %mul3A, %c0_i32 : i32, i32
  }
  func.func @transform_2(%arg0: i32, %arg1: i32) -> (i32, i32) {
    %c0_i32 = arith.constant 0 : i32
    %c0_i32_0 = arith.constant 0 : i32
    return %arg1, %c0_i32 : i32, i32
  }
  func.func @transform_3(%arg0: i32, %arg1: i32) -> (i32, i32) {
    %c0_i32 = arith.constant 0 : i32
    %c0_i32_0 = arith.constant 0 : i32
    %c0_i32_1 = arith.constant 0 : i32
    return %c0_i32, %c0_i32_0 : i32, i32
  }
  func.func @transform_4(%arg0: i32, %arg1: i32) -> (i32, i32) {
    %c0_i32 = arith.constant 0 : i32
    %c0_i32_0 = arith.constant 0 : i32
    %c0_i32_1 = arith.constant 0 : i32
    return %c0_i32, %c0_i32_0 : i32, i32
  }
  func.func @transform_5(%arg0: i32, %arg1: i32) -> (i32, i32) {
    %c0_i32 = arith.constant 0 : i32
    %c0_i32_0 = arith.constant 0 : i32
    %c0_i32_1 = arith.constant 0 : i32
    return %c0_i32, %c0_i32_0 : i32, i32
  }
  func.func @transform_6(%arg0: i32, %arg1: i32) -> (i32, i32) {
    %c0_i32 = arith.constant 0 : i32
    %c0_i32_0 = arith.constant 0 : i32
    %c0_i32_1 = arith.constant 0 : i32
    return %c0_i32, %c0_i32_0 : i32, i32
  }
  func.func @transform_7(%arg0: i32, %arg1: i32) -> (i32, i32) {
    %mul3A = arith.muli %arg1, %arg0 : i32
    %c0_i32 = arith.constant 0 : i32
    %c0_i32_0 = arith.constant 0 : i32
    return %mul3A, %c0_i32 : i32, i32
  }
}

module attributes {stable_mosaic.version = 14 : i64} {
  func.func @body(%arg0: i32, %arg1: memref<1024x2xf32, #tpu.memory_space<vmem>>, %arg2: memref<1024x128xf32, #tpu.memory_space<vmem>>, %arg3: memref<1024x2xf32, #tpu.memory_space<vmem>>, %arg4: memref<1x128xf32, #tpu.memory_space<vmem>>, %arg5: memref<1024x8xf32, #tpu.memory_space<vmem>>) attributes {dimension_semantics = [#tpu.dimension_semantics<arbitrary>], iteration_bounds = array<i64: 10>, scalar_prefetch = 0 : i64, scratch_operands = 0 : i64, tpu.core_type = #tpu.core_type<tc>, window_params = [{transform_indices = @transform_0, window_bounds = array<i64: 1024, 2>}, {transform_indices = @transform_1, window_bounds = array<i64: 1024, 128>}, {transform_indices = @transform_2, window_bounds = array<i64: 1024, 2>}, {pipeline_mode = #tpu.pipeline_mode<synchronous>, transform_indices = @transform_3, window_bounds = array<i64: 1, 128>}, {transform_indices = @transform_4, window_bounds = array<i64: 1024, 8>}]} {
    %get3A = arith.constant 0 : index
    %get3A_0 = arith.constant 0 : index
    %get3A_1 = vector.load %arg3[%get3A, %get3A_0] : memref<1024x2xf32, #tpu.memory_space<vmem>>, vector<1024x2xf32>
    %slice3A = vector.extract_strided_slice %get3A_1 {offsets = [0, 0], sizes = [1024, 1], strides = [1, 1]} : vector<1024x2xf32> to vector<1024x1xf32>
    %slice3A_2 = vector.extract_strided_slice %get3A_1 {offsets = [0, 1], sizes = [1024, 1], strides = [1, 1]} : vector<1024x2xf32> to vector<1024x1xf32>
    %add3A = arith.addf %slice3A, %slice3A_2 : vector<1024x1xf32>
    %add3A_3 = arith.constant 1.000000e+00 : f32
    %add3A_4 = vector.broadcast %add3A_3 : f32 to vector<1024x1xf32>
    %add3A_5 = arith.addf %add3A, %add3A_4 : vector<1024x1xf32>
    %rsqrt3A = math.rsqrt %add3A_5 : vector<1024x1xf32>
    %get3A_6 = arith.constant 0 : index
    %get3A_7 = arith.constant 0 : index
    %get3A_8 = vector.load %arg1[%get3A_6, %get3A_7] : memref<1024x2xf32, #tpu.memory_space<vmem>>, vector<1024x1xf32>
    %get3A_9 = arith.constant 0 : index
    %get3A_10 = arith.constant 1 : index
    %get3A_11 = vector.load %arg1[%get3A_9, %get3A_10] : memref<1024x2xf32, #tpu.memory_space<vmem>>, vector<1024x1xf32>
    %add3A_12 = arith.addf %get3A_8, %get3A_11 : vector<1024x1xf32>
    %get3A_13 = arith.constant 0 : index
    %get3A_14 = arith.constant 0 : index
    %get3A_15 = vector.load %arg2[%get3A_13, %get3A_14] : memref<1024x128xf32, #tpu.memory_space<vmem>>, vector<1024x1xf32>
    %add3A_16 = arith.addf %add3A_12, %get3A_15 : vector<1024x1xf32>
    %mul3A = arith.mulf %rsqrt3A, %add3A_16 : vector<1024x1xf32>
    %get3A_17 = arith.constant 0 : index
    %get3A_18 = arith.constant 0 : index
    %get3A_19 = vector.load %arg4[%get3A_17, %get3A_18] : memref<1x128xf32, #tpu.memory_space<vmem>>, vector<1x1xf32>
    %add3A_20 = vector.broadcast %get3A_19 : vector<1x1xf32> to vector<1024x1xf32>
    %add3A_21 = arith.addf %mul3A, %add3A_20 : vector<1024x1xf32>
    %broadcast_in_dim3A = vector.shape_cast %add3A_21 : vector<1024x1xf32> to vector<1024x1xf32>
    %broadcast_in_dim3A_22 = vector.broadcast %broadcast_in_dim3A : vector<1024x1xf32> to vector<1024x8xf32>
    %swap3A = arith.constant 0 : index
    %swap3A_23 = arith.constant 0 : index
    %swap3A_24 = vector.load %arg5[%swap3A, %swap3A_23] : memref<1024x8xf32, #tpu.memory_space<vmem>>, vector<1024x8xf32>
    tpu.vector_store %arg5[%swap3A, %swap3A_23], %broadcast_in_dim3A_22 {strides = array<i32>} : memref<1024x8xf32, #tpu.memory_space<vmem>>, vector<1024x8xf32>,
    return
  }
  func.func @transform_0(%arg0: i32) -> (i32, i32) {
    %c0_i32 = arith.constant 0 : i32
    %c0_i32_0 = arith.constant 0 : i32
    return %arg0, %c0_i32 : i32, i32
  }
  func.func @transform_1(%arg0: i32) -> (i32, i32) {
    %c0_i32 = arith.constant 0 : i32
    %c0_i32_0 = arith.constant 0 : i32
    return %arg0, %c0_i32 : i32, i32
  }
  func.func @transform_2(%arg0: i32) -> (i32, i32) {
    %c0_i32 = arith.constant 0 : i32
    %c0_i32_0 = arith.constant 0 : i32
    return %arg0, %c0_i32 : i32, i32
  }
  func.func @transform_3(%arg0: i32) -> (i32, i32) {
    %c0_i32 = arith.constant 0 : i32
    %c0_i32_0 = arith.constant 0 : i32
    %c0_i32_1 = arith.constant 0 : i32
    return %c0_i32, %c0_i32_0 : i32, i32
  }
  func.func @transform_4(%arg0: i32) -> (i32, i32) {
    %c0_i32 = arith.constant 0 : i32
    %c0_i32_0 = arith.constant 0 : i32
    return %arg0, %c0_i32 : i32, i32
  }
}

</mosaic_0001>

<sc_bundles>
// kernel: kernel.12.cloned.1.call-start
scs
__scs_entry_jumppad:
0x0: {  	(pc) =	sbr.rel $0x88, $3  }
0x1: {  	(tag) =	ssettag $0x0;
	lr =	simm.s32 $0x1  }
0x2: {  	[smem:$0x3F91] =	sst lr;
	_ =	strace $0xD0000000  }
0x3: {  	_ = 	snop  }
0x4: {  	_ = 	snop  }
0x5: {  	_ = 	snop  }
0x6: {  	_ = 	snop  }
0x7: {  	_ = 	snop  }
__scs_overlays_trampoline_lowered:
0x8: {  	[smem:$0x3FA0] =	sst s0  }
0x9: {  	[smem:$0x3FA1] =	sst s1  }
0xa: {  	[smem:$0x3FA2] =	sst s2  }
0xb: {  	[smem:$0x3FA3] =	sst s3  }
0xc: {  	[smem:$0x3FA4] =	sst s4  }
0xd: {  	[smem:$0x3FA5] =	sst s5  }
0xe: {  	[smem:$0x3FA6] =	sst s6  }
0xf: {  	[smem:$0x3FA7] =	sst s7  }
0x10: {  	[smem:$0x3FA8] =	sst s8  }
0x11: {  	[smem:$0x3FA9] =	sst s9;
	s0 =	simm.s32 @!p0 $0x0  }
0x12: {  	s1 =	sld [smem:$0x3F8F];
	s0 =	simm.s32 @p0 $0x1  }
0x13: {  	[smem:$0x3FAA] =	sst s0;
	s0 =	simm.s32 @!p1 $0x0  }
0x14: {  	s2 =	sld [smem:$0x3F8E];
	s0 =	simm.s32 @p1 $0x1  }
0x15: {  	[smem:$0x3FAB] =	sst s0;
	s0 =	simm.s32 @!p2 $0x0  }
0x16: {  	s3 =	sld [smem:$0x3FDB];
	s0 =	simm.s32 @p2 $0x1  }
0x17: {  	s4 =	simm.s32 $0x1BF5;
	[smem:$0x3FAD] =	sst s0  }
0x18: {  	s0 =	sld [smem:$0x3F90];
	_ =	swait.ge [sflag:s4], $0x0  }
0x19: {  	s7 =	sld [smem:$0x3F91]  }
0x1a: {  	s8 =	sadd.s32 $0xFFFFE003, lr  }
0x1b: {  	s9 =	sadd.s32 $0xFFFFFEF7, lr;
	s5 =	simm.s32 $0xFFFFFFFF;
	p2 =	slt.u32 s8, $0xFFFFF086  }
0x1c: {  	p1 =	slt.u32 s9, $0xF7A;
	s5 =	simm.s32 @!p2 $0x0  }
0x1d: {  	s5 =	simm.s32 @p1 $0x1;
	p0 =	seq.s32 s7, s2  }
0x1e: {  	s7 =	smul.u32 @!p0 $0xF7A, s2;
	p2 =	seq.s32 @!p0 s5, $0x0  }
0x1f: {  	s9 =	smul.u32 $0xF7A, s1;
	s8 =	simm.s32 @!p0 $0x1BF5;
	p2 =	por !p2, p0  }
0x20: {  	[sflag:s8] =	ssyncset.s32 @!p0 $0xFFFFF086;
	s6 =	sadd.s32 @!p0 s3, s7;
	s7 =	simm.s32 @!p0 $0x108  }
0x21: {  	s3 =	sadd.s32 s3, s9;
	s6 =	sadd.s32 @!p0 $0x88, s6;
	s7 =	simm.s32 @p2 $0x1082  }
0x22: {  	[simem:s7], [sflag:s8] =	dma.local @!p0 [hbm:s6], $0xF7A  }
0x23: {  	s9 =	sor.u32 $0xD0000000, s2;
	s6 =	simm.s32 $0x108;
	_ =	swait.ge @!p0 [sflag:s8], $0x0  }
0x24: {  	s3 =	sadd.s32 $0x88, s3;
	s6 =	simm.s32 @!p1 $0x1082;
	[sflag:s4] =	ssyncset.s32 $0xFFFFF086  }
0x25: {  	[simem:s6], [sflag:s4] =	dma.local [hbm:s3], $0xF7A  }
0x26: {  	[smem:$0x3F91] =	sst s1;
	(tag) =	ssettag s2;
	_ =	strace s9  }
0x27: {  	s1 =	sld [smem:$0x3FA1]  }
0x28: {  	s2 =	sld [smem:$0x3FA2]  }
0x29: {  	s4 =	sld [smem:$0x3FA4]  }
0x2a: {  	p0 =	seq.s32 s5, $0x0;
	s5 =	sld [smem:$0x3FA5]  }
0x2b: {  	s6 =	sld [smem:$0x3FA6]  }
0x2c: {  	s7 =	sld [smem:$0x3FA7]  }
0x2d: {  	s3 =	simm.s32 $0x108;
	s8 =	sld [smem:$0x3FA8]  }
0x2e: {  	s3 =	simm.s32 @!p0 $0x1082;
	s9 =	sld [smem:$0x3FA9]  }
0x2f: {  	lr =	sadd.s32 s0, s3;
	s0 =	sld [smem:$0x3FA0]  }
0x30: {  	s3 =	sld [smem:$0x3FA3]  }
0x31: {  	[smem:$0x3FAC] =	sst s10  }
0x32: {  	s10 =	sld [smem:$0x3FAA];
	_ =	sdelay $0x3  }
0x33: {  	p0 =	seq.s32 s10, $0x1;
	s10 =	sld [smem:$0x3FAC];
	_ =	sdelay $0x3  }
0x34: {  	[smem:$0x3FAC] =	sst s10  }
0x35: {  	s10 =	sld [smem:$0x3FAB];
	_ =	sdelay $0x3  }
0x36: {  	p1 =	seq.s32 s10, $0x1;
	s10 =	sld [smem:$0x3FAC];
	_ =	sdelay $0x3  }
0x37: {  	[smem:$0x3FAC] =	sst s10  }
0x38: {  	s10 =	sld [smem:$0x3FAD]  }
0x39: {  	_ = 	snop;
	(pc) =	sbr.ind lr, $3  }
0x3a: {  	_ = 	snop  }
0x3b: {  	_ = 	snop  }
0x3c: {  	p2 =	seq.s32 s10, $0x1;
	s10 =	sld [smem:$0x3FAC]  }
0x3d: {  	_ =	shalt  }
0x3e: {  	_ =	shalt  }
0x3f: {  	_ =	shalt  }
0x40: {  	_ =	shalt  }
0x41: {  	_ =	shalt  }
0x42: {  	_ =	shalt  }
0x43: {  	_ =	shalt  }
0x44: {  	_ =	shalt  }
0x45: {  	_ =	shalt  }
0x46: {  	_ =	shalt  }
0x47: {  	_ =	shalt  }
0x48: {  	_ =	shalt  }
0x49: {  	_ =	shalt  }
0x4a: {  	_ =	shalt  }
0x4b: {  	_ =	shalt  }
0x4c: {  	_ =	shalt  }
0x4d: {  	_ =	shalt  }
0x4e: {  	_ =	shalt  }
0x4f: {  	_ =	shalt  }
0x50: {  	_ =	shalt  }
0x51: {  	_ =	shalt  }
0x52: {  	_ =	shalt  }
0x53: {  	_ =	shalt  }
0x54: {  	_ =	shalt  }
0x55: {  	_ =	shalt  }
0x56: {  	_ =	shalt  }
0x57: {  	_ =	shalt  }
0x58: {  	_ =	shalt  }
0x59: {  	_ =	shalt  }
0x5a: {  	_ =	shalt  }
0x5b: {  	_ =	shalt  }
0x5c: {  	_ =	shalt  }
0x5d: {  	_ =	shalt  }
0x5e: {  	_ =	shalt  }
0x5f: {  	_ =	shalt  }
0x60: {  	_ =	shalt  }
0x61: {  	_ =	shalt  }
0x62: {  	_ =	shalt  }
0x63: {  	_ =	shalt  }
0x64: {  	_ =	shalt  }
0x65: {  	_ =	shalt  }
0x66: {  	_ =	shalt  }
0x67: {  	_ =	shalt  }
0x68: {  	_ =	shalt  }
0x69: {  	_ =	shalt  }
0x6a: {  	_ =	shalt  }
0x6b: {  	_ =	shalt  }
0x6c: {  	_ =	shalt  }
0x6d: {  	_ =	shalt  }
0x6e: {  	_ =	shalt  }
0x6f: {  	_ =	shalt  }
0x70: {  	_ =	shalt  }
0x71: {  	_ =	shalt  }
0x72: {  	_ =	shalt  }
0x73: {  	_ =	shalt  }
0x74: {  	_ =	shalt  }
0x75: {  	_ =	shalt  }
0x76: {  	_ =	shalt  }
0x77: {  	_ =	shalt  }
0x78: {  	_ =	shalt  }
0x79: {  	_ =	shalt  }
0x7a: {  	_ =	shalt  }
0x7b: {  	_ =	shalt  }
0x7c: {  	_ =	shalt  }
0x7d: {  	_ =	shalt  }
0x7e: {  	_ =	shalt  }
0x7f: {  	_ =	shalt  }
0x80: {  	_ =	shalt  }
0x81: {  	_ =	shalt  }
0x82: {  	_ =	shalt  }
0x83: {  	_ =	shalt  }
0x84: {  	_ =	shalt  }
0x85: {  	_ =	shalt  }
0x86: {  	_ =	shalt  }
0x87: {  	_ =	shalt  }
.Lfunc_end0:
.L_simem_size_0:
called_computation_lowered:
.L_overlay_start_0:
0x88: {  	s2 =	sld [smem:$0x3FD9]  }
0x89: {  	s3 =	sld [smem:$0x3FFE];
	_ =	sdelay $0x1  }
0x8a: {  	s1 =	srdreg.scid  }
0x8b: {  	s0 =	sand.u32 $0x1, s1  }
0x8c: {  	s16 =	sshll.u32 s0, $0xA;
	s2 =	sadd.s32 s3, s2  }
0x8d: {  	s2 =	sadd.s32 s2, s16  }
0x8e: {  	[smem:$0x3FB8] =	sst s2  }
0x8f: {  	_ = 	snop  }
0x90: {  	(tm) =	ssettm $0x1  }
0x91: {  	s17 =	sld [smem:$0x3FFB];
	_ =	sdelay $0x3  }
0x92: {  	_ =	strace s17  }
0x93: {  	s2 =	sld [smem:$0x3FFC];
	_ =	sdelay $0x3  }
0x94: {  	_ =	strace s2  }
0x95: {  	s2 =	sld [smem:$0x3FFD];
	_ =	sdelay $0x3  }
0x96: {  	_ =	strace s2  }
0x97: {  	_ =	strace $0x8FFFFFFF  }
0x98: {  	s18 =	sld [smem:$0x3FDB];
	_ =	sdelay $0x1  }
0x99: {  	s19 =	simm.s32 $_scs_section_size  }
0x9a: {  	s4 =	simm.s32 $_size__tile_overlayer_lowered;
	s5 =	simm.s32 $_tile_overlayer_lowered  }
0x9b: {  	s22 =	simm.s32 $0x1BFF;
	s21 =	sshll.u32 s5, $0x1;
	s2 =	sadd.s32 s19, s18  }
0x9c: {  	s6 =	simm.s32 $0x0;
	s20 =	sshll.u32 s4, $0x1;
	s4 =	sadd.s32 s21, s2  }
0x9d: {  	[timem:s6], [sflag:s22] =	dma.local [hbm:s4], s20  }
0x9e: {  	_ =	swait.ge [sflag:s22], s20  }
0x9f: {  	s3 =	ssub.s32 $0x0, s20;
	[sflag:s22] =	ssyncset.done $0x0  }
0xa0: {  	[sflag:s22] =	ssyncadd.s32 s3;
	_ =	sdelay $0x1  }
0xa1: {  	s23 =	simm.s32 $0x1B8B  }
0xa2: {  	_ =	swait.ge [sflag:s23], $0x1  }
0xa3: {  	[sflag:s23] =	ssyncset.done $0x0  }
0xa4: {  	s25 =	simm.s32 $0x1B8E;
	s24 =	sld [smem:$0x3FFE];
	[sflag:s23] =	ssyncadd.s32 $0xFFFFFFFF  }
0xa5: {  	s26 =	simm.s32 $execute0_lowered;
	[smem:$0x3FD2] =	sst s25  }
0xa6: {  	s4 =	sshll.u32 s26, $0x1;
	_ =	strace $0x80000046;
	[dreg:$0x1] =	wrdreg $0xFFFFFFFF  }
0xa7: {  	s28 =	simm.s32 $_size_execute0_lowered;
	s2 =	sadd.s32 s2, s4;
	[dreg:$0x0] =	wrdreg $0x0  }
0xa8: {  	s4 =	sshll.u32 s28, $0x1;
	[dreg:$0x2] =	wrdreg s2  }
0xa9: {  	[dreg:$0x3] =	wrdreg s4  }
0xaa: {  	[dreg:$0x4] =	wrdreg $0xC0  }
0xab: {  	_ =	task [dreg:s6], $0x5FFFF  }
0xac: {  	[dreg:$0x1] =	wrdreg $0xFFFFFFFF  }
0xad: {  	[dreg:$0x0] =	wrdreg $0x60  }
0xae: {  	[dreg:$0x2] =	wrdreg s24  }
0xaf: {  	[dreg:$0x3] =	wrdreg $0x14800  }
0xb0: {  	[dreg:$0x4] =	wrdreg $0x9  }
0xb1: {  	_ =	task.clear_ibuf [dreg:s6], $0x5FFFF;
	_ =	strace $0x90000046  }
0xb2: {  	s29 =	simm.s32 $0x9;
	_ =	strace $0x80000048  }
0xb3: {  	_ =	swait.ge [sflag:s29], $0x1  }
0xb4: {  	[sflag:s29] =	ssyncadd.s32 $0xFFFFFFFF  }
0xb5: {  	_ =	strace $0x90000048  }
0xb6: {  	_ =	sfence  }
0xb7: {  	s30 =	sld [smem:$0x0];
	_ =	sdelay $0x2  }
0xb8: {  	s31 =	sshll.u32 s1, $0xD;
	s1 =	sshrl.u32 s1, $0x2  }
0xb9: {  	s3 =	sand.u32 $0x4000, s31;
	s1 =	sadd.s32 s1, s30  }
0xba: {  	s0 =	sor.u32 s3, s0;
	s1 =	sshll.u32 s1, $0x11  }
0xbb: {  	s0 =	sor.u32 s1, s0  }
0xbc: {  	s0 =	sadd.s32 $0x8F2B, s0  }
0xbd: {  	[sflag:s0] =	ssyncadd.remote.s32 $0x1  }
0xbe: {  	_ =	sfence.sel $0xFFFF  }
0xbf: {  	[dreg:$0x0] =	wrdreg $0xFFFFFFFF;
	(pc) =	sbr.abs _section_cstart, $3  }
0xc0: {  	[dreg:$0x1] =	wrdreg $0xFFFFFFFF  }
0xc1: {  	_ =	task.clear_ibuf [dreg:s6], $0x2FFFF;
	_ =	strace $0x9FFFFFFF  }
0xc2: {  	(tm) =	ssettm $0x7FFFFFFF  }
0xc3: {  	_ =	shalt  }
tec
execute0_lowered:
.L_overlay_start_1:
0x0: {  	(tag) =	ssettag $0x1  }
0x1: {  	s5 =	rddreg [dreg:$0x0]  }
0x2: {  	s0 =	srdreg.scid;
	s2 =	rddreg [dreg:$0x1];
	s3 =	simm.s32 $0x0  }
0x3: {  	s12 =	simm.s32 $0x1400;
	s13 =	simm.s32 $0x1;
	s14 =	simm.s32 $0x80  }
0x4: {  	s17 =	simm.s32 $0x20;
	s4 =	sand.u32 $0x1, s0;
	s0 =	stileid.u32  }
0x5: {  	s18 =	simm.s32 $0x10;
	s19 =	simm.s32 $0x0;
	s7 =	smul.u32 $0x500, s0  }
0x6: {  	[smem:$0x7FF] =	sst s3;
	s1 =	sshll.u32 s4, $0x4;
	s8 =	smul.u32 $0xA00, s0  }
0x7: {  	s28 =	sshll.u32 s4, $0x7;
	s29 =	ssub.s32 $0x2, s4;
	s15 =	sshll.u32 s0, $0x6  }
0x8: {  	s1 =	sor.u32 s0, s1;
	s31 =	sshrl.u32 s29, $0x1;
	s15 =	sor.u32 $0x1C01, s15  }
0x9: {  	s6 =	smul.u32 $0x280, s1;
	s1 =	rddreg [dreg:$0x2];
	s30 =	sshrl.u32 s8, $0x2  }
0xa: {  	_ =	strace $0x80000047;
	s11 =	ssub.s32 s29, s31;
	s4 =	sadd.s32 s30, s2  }
0xb: {  	s11 =	smax.u32 s11, $0x1;
	s9 =	sadd.s32 s6, s5;
	s6 =	sor.u32 s28, s7  }
0xc: {  	s7 =	sadd.s32 $0x180, s4;
	s8 =	sadd.s32 $0x200, s4;
	s6 =	sshrl.u32 s6, $0x3  }
0xd: {  	s16 =	sshrl.u32 s4, $0x3;
	s9 =	sadd.s32 $0x2400, s9;
	s10 =	sadd.s32 s6, s5  }
0xe: {  	v0 =	vimm.f32 $0.0e+00;
	v1 =	vimm.f32 $1.000000000e+00;
	s5 =	sadd.s32 $0x80, s4;
	s6 =	sadd.s32 $0x100, s4;
	s10 =	sadd.s32 $0xC400, s10  }
.LBB2_1:
0xf: {  	[tilespmem:$0x1400] =	vst v0  }
0x10: {  	[tilespmem:$0x1410] =	vst v0  }
0x11: {  	[tilespmem:$0x1420] =	vst v0  }
0x12: {  	[tilespmem:$0x1430] =	vst v0  }
0x13: {  	[tilespmem:$0x1440] =	vst v0  }
0x14: {  	[tilespmem:$0x1450] =	vst v0  }
0x15: {  	[tilespmem:$0x1460] =	vst v0  }
0x16: {  	[tilespmem:$0x1470] =	vst v0  }
0x17: {  	[spmem:s4] =	stream.linear.scatter [tilespmem:s12], [sflag:$0x1], $0x80, $0x38;
	[tilespmem:$0x1700] =	vst v63  }
0x18: {  	_ =	swait.ge [sflag:s13], $0x80  }
0x19: {  	[sflag:s13] =	ssyncset.done $0x0  }
0x1a: {  	[sflag:s13] =	ssyncadd.s32 $0xFFFFFF80  }
0x1b: {  	[spmem:s5] =	stream.linear.scatter [tilespmem:s12], [sflag:$0x1], $0x80, $0x38;
	[tilespmem:$0x1700] =	vst v63  }
0x1c: {  	_ =	swait.ge [sflag:s13], $0x80  }
0x1d: {  	[sflag:s13] =	ssyncset.done $0x0  }
0x1e: {  	[sflag:s13] =	ssyncadd.s32 $0xFFFFFF80  }
0x1f: {  	[spmem:s6] =	stream.linear.scatter [tilespmem:s12], [sflag:$0x1], $0x80, $0x38;
	[tilespmem:$0x1700] =	vst v63  }
0x20: {  	_ =	swait.ge [sflag:s13], $0x80  }
0x21: {  	[sflag:s13] =	ssyncset.done $0x0  }
0x22: {  	[sflag:s13] =	ssyncadd.s32 $0xFFFFFF80  }
0x23: {  	[spmem:s7] =	stream.linear.scatter [tilespmem:s12], [sflag:$0x1], $0x80, $0x38;
	[tilespmem:$0x1700] =	vst v63  }
0x24: {  	_ =	swait.ge [sflag:s13], $0x80  }
0x25: {  	[sflag:s13] =	ssyncset.done $0x0  }
0x26: {  	[sflag:s13] =	ssyncadd.s32 $0xFFFFFF80  }
0x27: {  	[spmem:s8] =	stream.linear.scatter [tilespmem:s12], [sflag:$0x1], $0x80, $0x38;
	[tilespmem:$0x1700] =	vst v63  }
0x28: {  	_ =	swait.ge [sflag:s13], $0x80  }
0x29: {  	[sflag:s13] =	ssyncset.done $0x0  }
0x2a: {  	[sflag:s13] =	ssyncadd.s32 $0xFFFFFF80  }
0x2b: {  	[tilespmem:s3], [sflag:$0x1] =	stream.linear.gather [hbm4b:s9+s3], $0x1400, $0x38;
	[tilespmem:$0x1700] =	vst v63  }
0x2c: {  	_ =	swait.ge [sflag:s13], $0x1400  }
0x2d: {  	[sflag:s13] =	ssyncset.done $0x0  }
0x2e: {  	[sflag:s13] =	ssyncadd.s32 $0xFFFFEC00  }
0x2f: {  	[tilespmem:$0x1400] =	vst v1  }
0x30: {  	[tilespmem:$0x1410] =	vst v1  }
0x31: {  	[tilespmem:$0x1420] =	vst v1  }
0x32: {  	[tilespmem:$0x1430] =	vst v1  }
0x33: {  	[tilespmem:$0x1440] =	vst v1  }
0x34: {  	[tilespmem:$0x1450] =	vst v1  }
0x35: {  	[tilespmem:$0x1460] =	vst v1  }
0x36: {  	[tilespmem:$0x1470] =	vst v1  }
0x37: {  	s20 =	simm.s32 $0x0;
	[bflag:$0x0] =	sbarrier.arrive $0xFFFF  }
0x38: {  	[spmem:s2] =	stream.indirect.scatter.add.f32 [tilespmem:s12], [sflag:$0x1], $0x1, s20, s14, $0xb8;
	[tilespmem:$0x1700] =	vst v63  }
0x39: {  	_ =	swait.ge [sflag:s13], $0x80  }
0x3a: {  	s20 =	simm.s32 $0x200;
	[sflag:s13] =	ssyncset.done $0x0  }
.LBB2_2:
0x3b: {  	s21 =	sshra.s32 s20, $0x2;
	[sflag:s13] =	ssyncadd.s32 $0xFFFFFF80;
	p0 =	sne.s32 s20, $0x4E00  }
0x3c: {  	[spmem:s2] =	stream.indirect.scatter.add.f32 [tilespmem:s12], [sflag:$0x1], $0x1, s21, s14, $0xb8;
	[tilespmem:$0x1700] =	vst v63  }
.Ltmp0:
0x3d: {  	_ = 	snop;
	(pc) =	sbr.rel @p0 .LBB2_2-.Ltmp0, $4  }
0x3e: {  	_ = 	snop  }
0x3f: {  	s20 =	sadd.s32 $0x200, s20  }
0x40: {  	_ =	swait.ge [sflag:s13], $0x80  }
0x41: {  	[sflag:s13] =	ssyncset.done $0x0  }
0x42: {  	s19 =	sadd.s32 $0x1, s19  }
0x43: {  	[sflag:s13] =	ssyncadd.s32 $0xFFFFFF80;
	p0 =	sne.s32 s19, s11  }
.Ltmp1:
0x44: {  	[bflag:$0x0] =	sbarrier.arrive $0xFFFF;
	(pc) =	sbr.rel @p0 .LBB2_1-.Ltmp1, $4  }
0x45: {  	[hbm:s10@s17], [sflag:s15] =	dma.strided [spmem:s16@s18], $0x50, s13, $0x10   }
0x46: {  	_ =	swait.ge [sflag:s13], $0x50  }
0x47: {  	[sflag:s13] =	ssyncset.done $0x0  }
0x48: {  	[sflag:s13] =	ssyncadd.s32 $0xFFFFFFB0  }
0x49: {  	_ =	sfence.sel $0x180000  }
0x4a: {  	[bflag:$0x0] =	sbarrier.arrive $0xFFFF  }
0x4b: {  	p0 =	sne.s32 s0, $0x0;
	_ =	strace $0x90000047  }
0x4c: {  	s0 =	sadd.s32 @!p0 $0x100000, s1;
	[bflag:$0x2] =	sbarrier.arrive $0xFFFF  }
0x4d: {  	[sflag:s0] =	ssyncadd.tile.s32 @!p0 $0x1;
	_ =	shalt  }
.Lfunc_end2:
_tile_overlayer_lowered:
.L_overlay_start_2:
0x4e: {  	(tag) =	ssettag $0x2  }
0x4f: {  	s0 =	rddreg [dreg:$0x0];
	s2 =	stileid.u32  }
0x50: {  	s1 =	rddreg [dreg:$0x1];
	p0 =	sne.s32 s2, $0x0  }
0x51: {  	s3 =	rddreg [dreg:$0x2];
	[bflag:$0x3] =	sbarrier.arrive $0xFFFF;
	s2 =	simm.s32 @!p0 $0x1C01  }
0x52: {  	[timem:s3], [sflag:s2] =	dma.local @!p0 [hbm:s0], s1  }
0x53: {  	s0 =	simm.s32 @!p0 $0x1  }
0x54: {  	_ =	swait.ge @!p0 [sflag:s0], s1  }
0x55: {  	s1 =	ssub.s32 @!p0 $0x0, s1;
	[sflag:s0] =	ssyncset.done @!p0 $0x0  }
0x56: {  	[sflag:s0] =	ssyncadd.s32 @!p0 s1  }
0x57: {  	[bflag:$0x3] =	sbarrier.arrive $0xFFFF  }
0x58: {  	_ =	shalt  }

// kernel: kernel.15.cloned.1.call-start
scs
__scs_entry_jumppad:
0x0: {  	(pc) =	sbr.rel $0x88, $3  }
0x1: {  	(tag) =	ssettag $0x0;
	lr =	simm.s32 $0x1  }
0x2: {  	[smem:$0x3F91] =	sst lr;
	_ =	strace $0xD0000000  }
0x3: {  	_ = 	snop  }
0x4: {  	_ = 	snop  }
0x5: {  	_ = 	snop  }
0x6: {  	_ = 	snop  }
0x7: {  	_ = 	snop  }
__scs_overlays_trampoline_lowered:
0x8: {  	[smem:$0x3FA0] =	sst s0  }
0x9: {  	[smem:$0x3FA1] =	sst s1  }
0xa: {  	[smem:$0x3FA2] =	sst s2  }
0xb: {  	[smem:$0x3FA3] =	sst s3  }
0xc: {  	[smem:$0x3FA4] =	sst s4  }
0xd: {  	[smem:$0x3FA5] =	sst s5  }
0xe: {  	[smem:$0x3FA6] =	sst s6  }
0xf: {  	[smem:$0x3FA7] =	sst s7  }
0x10: {  	[smem:$0x3FA8] =	sst s8  }
0x11: {  	[smem:$0x3FA9] =	sst s9;
	s0 =	simm.s32 @!p0 $0x0  }
0x12: {  	s1 =	sld [smem:$0x3F8F];
	s0 =	simm.s32 @p0 $0x1  }
0x13: {  	[smem:$0x3FAA] =	sst s0;
	s0 =	simm.s32 @!p1 $0x0  }
0x14: {  	s2 =	sld [smem:$0x3F8E];
	s0 =	simm.s32 @p1 $0x1  }
0x15: {  	[smem:$0x3FAB] =	sst s0;
	s0 =	simm.s32 @!p2 $0x0  }
0x16: {  	s3 =	sld [smem:$0x3FDB];
	s0 =	simm.s32 @p2 $0x1  }
0x17: {  	s4 =	simm.s32 $0x1BF5;
	[smem:$0x3FAD] =	sst s0  }
0x18: {  	s0 =	sld [smem:$0x3F90];
	_ =	swait.ge [sflag:s4], $0x0  }
0x19: {  	s7 =	sld [smem:$0x3F91]  }
0x1a: {  	s8 =	sadd.s32 $0xFFFFE003, lr  }
0x1b: {  	s9 =	sadd.s32 $0xFFFFFEF7, lr;
	s5 =	simm.s32 $0xFFFFFFFF;
	p2 =	slt.u32 s8, $0xFFFFF086  }
0x1c: {  	p1 =	slt.u32 s9, $0xF7A;
	s5 =	simm.s32 @!p2 $0x0  }
0x1d: {  	s5 =	simm.s32 @p1 $0x1;
	p0 =	seq.s32 s7, s2  }
0x1e: {  	s7 =	smul.u32 @!p0 $0xF7A, s2;
	p2 =	seq.s32 @!p0 s5, $0x0  }
0x1f: {  	s9 =	smul.u32 $0xF7A, s1;
	s8 =	simm.s32 @!p0 $0x1BF5;
	p2 =	por !p2, p0  }
0x20: {  	[sflag:s8] =	ssyncset.s32 @!p0 $0xFFFFF086;
	s6 =	sadd.s32 @!p0 s3, s7;
	s7 =	simm.s32 @!p0 $0x108  }
0x21: {  	s3 =	sadd.s32 s3, s9;
	s6 =	sadd.s32 @!p0 $0x88, s6;
	s7 =	simm.s32 @p2 $0x1082  }
0x22: {  	[simem:s7], [sflag:s8] =	dma.local @!p0 [hbm:s6], $0xF7A  }
0x23: {  	s9 =	sor.u32 $0xD0000000, s2;
	s6 =	simm.s32 $0x108;
	_ =	swait.ge @!p0 [sflag:s8], $0x0  }
0x24: {  	s3 =	sadd.s32 $0x88, s3;
	s6 =	simm.s32 @!p1 $0x1082;
	[sflag:s4] =	ssyncset.s32 $0xFFFFF086  }
0x25: {  	[simem:s6], [sflag:s4] =	dma.local [hbm:s3], $0xF7A  }
0x26: {  	[smem:$0x3F91] =	sst s1;
	(tag) =	ssettag s2;
	_ =	strace s9  }
0x27: {  	s1 =	sld [smem:$0x3FA1]  }
0x28: {  	s2 =	sld [smem:$0x3FA2]  }
0x29: {  	s4 =	sld [smem:$0x3FA4]  }
0x2a: {  	p0 =	seq.s32 s5, $0x0;
	s5 =	sld [smem:$0x3FA5]  }
0x2b: {  	s6 =	sld [smem:$0x3FA6]  }
0x2c: {  	s7 =	sld [smem:$0x3FA7]  }
0x2d: {  	s3 =	simm.s32 $0x108;
	s8 =	sld [smem:$0x3FA8]  }
0x2e: {  	s3 =	simm.s32 @!p0 $0x1082;
	s9 =	sld [smem:$0x3FA9]  }
0x2f: {  	lr =	sadd.s32 s0, s3;
	s0 =	sld [smem:$0x3FA0]  }
0x30: {  	s3 =	sld [smem:$0x3FA3]  }
0x31: {  	[smem:$0x3FAC] =	sst s10  }
0x32: {  	s10 =	sld [smem:$0x3FAA];
	_ =	sdelay $0x3  }
0x33: {  	p0 =	seq.s32 s10, $0x1;
	s10 =	sld [smem:$0x3FAC];
	_ =	sdelay $0x3  }
0x34: {  	[smem:$0x3FAC] =	sst s10  }
0x35: {  	s10 =	sld [smem:$0x3FAB];
	_ =	sdelay $0x3  }
0x36: {  	p1 =	seq.s32 s10, $0x1;
	s10 =	sld [smem:$0x3FAC];
	_ =	sdelay $0x3  }
0x37: {  	[smem:$0x3FAC] =	sst s10  }
0x38: {  	s10 =	sld [smem:$0x3FAD]  }
0x39: {  	_ = 	snop;
	(pc) =	sbr.ind lr, $3  }
0x3a: {  	_ = 	snop  }
0x3b: {  	_ = 	snop  }
0x3c: {  	p2 =	seq.s32 s10, $0x1;
	s10 =	sld [smem:$0x3FAC]  }
0x3d: {  	_ =	shalt  }
0x3e: {  	_ =	shalt  }
0x3f: {  	_ =	shalt  }
0x40: {  	_ =	shalt  }
0x41: {  	_ =	shalt  }
0x42: {  	_ =	shalt  }
0x43: {  	_ =	shalt  }
0x44: {  	_ =	shalt  }
0x45: {  	_ =	shalt  }
0x46: {  	_ =	shalt  }
0x47: {  	_ =	shalt  }
0x48: {  	_ =	shalt  }
0x49: {  	_ =	shalt  }
0x4a: {  	_ =	shalt  }
0x4b: {  	_ =	shalt  }
0x4c: {  	_ =	shalt  }
0x4d: {  	_ =	shalt  }
0x4e: {  	_ =	shalt  }
0x4f: {  	_ =	shalt  }
0x50: {  	_ =	shalt  }
0x51: {  	_ =	shalt  }
0x52: {  	_ =	shalt  }
0x53: {  	_ =	shalt  }
0x54: {  	_ =	shalt  }
0x55: {  	_ =	shalt  }
0x56: {  	_ =	shalt  }
0x57: {  	_ =	shalt  }
0x58: {  	_ =	shalt  }
0x59: {  	_ =	shalt  }
0x5a: {  	_ =	shalt  }
0x5b: {  	_ =	shalt  }
0x5c: {  	_ =	shalt  }
0x5d: {  	_ =	shalt  }
0x5e: {  	_ =	shalt  }
0x5f: {  	_ =	shalt  }
0x60: {  	_ =	shalt  }
0x61: {  	_ =	shalt  }
0x62: {  	_ =	shalt  }
0x63: {  	_ =	shalt  }
0x64: {  	_ =	shalt  }
0x65: {  	_ =	shalt  }
0x66: {  	_ =	shalt  }
0x67: {  	_ =	shalt  }
0x68: {  	_ =	shalt  }
0x69: {  	_ =	shalt  }
0x6a: {  	_ =	shalt  }
0x6b: {  	_ =	shalt  }
0x6c: {  	_ =	shalt  }
0x6d: {  	_ =	shalt  }
0x6e: {  	_ =	shalt  }
0x6f: {  	_ =	shalt  }
0x70: {  	_ =	shalt  }
0x71: {  	_ =	shalt  }
0x72: {  	_ =	shalt  }
0x73: {  	_ =	shalt  }
0x74: {  	_ =	shalt  }
0x75: {  	_ =	shalt  }
0x76: {  	_ =	shalt  }
0x77: {  	_ =	shalt  }
0x78: {  	_ =	shalt  }
0x79: {  	_ =	shalt  }
0x7a: {  	_ =	shalt  }
0x7b: {  	_ =	shalt  }
0x7c: {  	_ =	shalt  }
0x7d: {  	_ =	shalt  }
0x7e: {  	_ =	shalt  }
0x7f: {  	_ =	shalt  }
0x80: {  	_ =	shalt  }
0x81: {  	_ =	shalt  }
0x82: {  	_ =	shalt  }
0x83: {  	_ =	shalt  }
0x84: {  	_ =	shalt  }
0x85: {  	_ =	shalt  }
0x86: {  	_ =	shalt  }
0x87: {  	_ =	shalt  }
.Lfunc_end0:
.L_simem_size_0:
called_computation.1_lowered:
.L_overlay_start_0:
0x88: {  	s2 =	sld [smem:$0x3FD9]  }
0x89: {  	s3 =	sld [smem:$0x3FFE];
	_ =	sdelay $0x1  }
0x8a: {  	s1 =	srdreg.scid  }
0x8b: {  	s0 =	sand.u32 $0x1, s1  }
0x8c: {  	s16 =	sshll.u32 s0, $0xA;
	s2 =	sadd.s32 s3, s2  }
0x8d: {  	s2 =	sadd.s32 s2, s16  }
0x8e: {  	[smem:$0x3FB8] =	sst s2  }
0x8f: {  	_ = 	snop  }
0x90: {  	(tm) =	ssettm $0x1  }
0x91: {  	s17 =	sld [smem:$0x3FFB];
	_ =	sdelay $0x3  }
0x92: {  	_ =	strace s17  }
0x93: {  	s2 =	sld [smem:$0x3FFC];
	_ =	sdelay $0x3  }
0x94: {  	_ =	strace s2  }
0x95: {  	s2 =	sld [smem:$0x3FFD];
	_ =	sdelay $0x3  }
0x96: {  	_ =	strace s2  }
0x97: {  	_ =	strace $0x8FFFFFFF  }
0x98: {  	s18 =	sld [smem:$0x3FDB];
	_ =	sdelay $0x1  }
0x99: {  	s19 =	simm.s32 $_scs_section_size  }
0x9a: {  	s4 =	simm.s32 $_size__tile_overlayer_lowered;
	s5 =	simm.s32 $_tile_overlayer_lowered  }
0x9b: {  	s22 =	simm.s32 $0x1BFF;
	s21 =	sshll.u32 s5, $0x1;
	s2 =	sadd.s32 s19, s18  }
0x9c: {  	s6 =	simm.s32 $0x0;
	s20 =	sshll.u32 s4, $0x1;
	s4 =	sadd.s32 s21, s2  }
0x9d: {  	[timem:s6], [sflag:s22] =	dma.local [hbm:s4], s20  }
0x9e: {  	_ =	swait.ge [sflag:s22], s20  }
0x9f: {  	s3 =	ssub.s32 $0x0, s20;
	[sflag:s22] =	ssyncset.done $0x0  }
0xa0: {  	[sflag:s22] =	ssyncadd.s32 s3;
	_ =	sdelay $0x1  }
0xa1: {  	s23 =	simm.s32 $0x1B8B  }
0xa2: {  	_ =	swait.ge [sflag:s23], $0x1  }
0xa3: {  	[sflag:s23] =	ssyncset.done $0x0  }
0xa4: {  	s25 =	simm.s32 $0x1B8E;
	s24 =	sld [smem:$0x3FFE];
	[sflag:s23] =	ssyncadd.s32 $0xFFFFFFFF  }
0xa5: {  	s26 =	simm.s32 $execute0_lowered;
	[smem:$0x3FD2] =	sst s25  }
0xa6: {  	s4 =	sshll.u32 s26, $0x1;
	_ =	strace $0x80000049;
	[dreg:$0x1] =	wrdreg $0xFFFFFFFF  }
0xa7: {  	s28 =	simm.s32 $_size_execute0_lowered;
	s2 =	sadd.s32 s2, s4;
	[dreg:$0x0] =	wrdreg $0x0  }
0xa8: {  	s4 =	sshll.u32 s28, $0x1;
	[dreg:$0x2] =	wrdreg s2  }
0xa9: {  	[dreg:$0x3] =	wrdreg s4  }
0xaa: {  	[dreg:$0x4] =	wrdreg $0xC0  }
0xab: {  	_ =	task [dreg:s6], $0x5FFFF  }
0xac: {  	[dreg:$0x1] =	wrdreg $0xFFFFFFFF  }
0xad: {  	[dreg:$0x0] =	wrdreg $0x60  }
0xae: {  	[dreg:$0x2] =	wrdreg s24  }
0xaf: {  	[dreg:$0x3] =	wrdreg $0x90000  }
0xb0: {  	[dreg:$0x4] =	wrdreg $0x9  }
0xb1: {  	_ =	task.clear_ibuf [dreg:s6], $0x5FFFF;
	_ =	strace $0x90000049  }
0xb2: {  	s29 =	simm.s32 $0x9;
	_ =	strace $0x8000004B  }
0xb3: {  	_ =	swait.ge [sflag:s29], $0x1  }
0xb4: {  	[sflag:s29] =	ssyncadd.s32 $0xFFFFFFFF  }
0xb5: {  	_ =	strace $0x9000004B  }
0xb6: {  	_ =	sfence  }
0xb7: {  	s30 =	sld [smem:$0x0];
	_ =	sdelay $0x2  }
0xb8: {  	s31 =	sshll.u32 s1, $0xD;
	s1 =	sshrl.u32 s1, $0x2  }
0xb9: {  	s3 =	sand.u32 $0x4000, s31;
	s1 =	sadd.s32 s1, s30  }
0xba: {  	s0 =	sor.u32 s3, s0;
	s1 =	sshll.u32 s1, $0x11  }
0xbb: {  	s0 =	sor.u32 s1, s0  }
0xbc: {  	s0 =	sadd.s32 $0x8F2B, s0  }
0xbd: {  	[sflag:s0] =	ssyncadd.remote.s32 $0x1  }
0xbe: {  	_ =	sfence.sel $0xFFFF  }
0xbf: {  	[dreg:$0x0] =	wrdreg $0xFFFFFFFF;
	(pc) =	sbr.abs _section_cstart, $3  }
0xc0: {  	[dreg:$0x1] =	wrdreg $0xFFFFFFFF  }
0xc1: {  	_ =	task.clear_ibuf [dreg:s6], $0x2FFFF;
	_ =	strace $0x9FFFFFFF  }
0xc2: {  	(tm) =	ssettm $0x7FFFFFFF  }
0xc3: {  	_ =	shalt  }
tec
execute0_lowered:
.L_overlay_start_1:
0x0: {  	(tag) =	ssettag $0x1  }
0x1: {  	s0 =	rddreg [dreg:$0x0]  }
0x2: {  	s1 =	rddreg [dreg:$0x1];
	s2 =	srdreg.scid;
	s4 =	simm.s32 $0x0  }
0x3: {  	s9 =	stileid.u32;
	s15 =	simm.s32 $0x1000;
	s16 =	simm.s32 $0x3  }
0x4: {  	s17 =	simm.s32 $0x800;
	s18 =	simm.s32 $0x80;
	s19 =	simm.s32 $0x5000  }
0x5: {  	s13 =	simm.s32 $0xC00;
	s14 =	simm.s32 $0x500;
	s28 =	simm.s32 $0x700  }
0x6: {  	s29 =	simm.s32 $0xE80;
	s30 =	simm.s32 $0x780;
	s7 =	smul.u32 $0x14000, s9  }
0x7: {  	s31 =	simm.s32 $0xF00;
	s2 =	sand.u32 $0x1, s2;
	s8 =	smul.u32 $0x50000, s9  }
0x8: {  	[smem:$0x7FF] =	sst s4;
	s4 =	sadd.s32 $0x5C400, s0;
	s12 =	smul.u32 $0x2800, s9  }
0x9: {  	s5 =	sadd.s32 $0x7400, s0;
	s6 =	sadd.s32 $0x2400, s0;
	s3 =	smul.u32 $0x140000, s2  }
0xa: {  	_ =	strace $0x8000004A;
	s20 =	ssub.s32 $0x2, s2;
	s8 =	sshrl.u32 s8, $0x2  }
0xb: {  	s21 =	sshrl.u32 s20, $0x1;
	s3 =	sadd.s32 s7, s3;
	s10 =	sadd.s32 s8, s1  }
0xc: {  	s7 =	simm.s32 $0xC80;
	s22 =	sadd.s32 $0x4000, s10;
	[dreg:$0x3] =	wrdreg s10  }
0xd: {  	s8 =	simm.s32 $0x0;
	s23 =	sadd.s32 $0x8000, s10;
	[dreg:$0x4] =	wrdreg s22  }
0xe: {  	s3 =	sshrl.u32 s3, $0x3;
	s24 =	sadd.s32 $0xC000, s10;
	[dreg:$0x5] =	wrdreg s23  }
0xf: {  	s25 =	sadd.s32 $0x10000, s10;
	s0 =	sadd.s32 s3, s0;
	[dreg:$0x6] =	wrdreg s24  }
0x10: {  	s3 =	ssub.s32 s20, s21;
	[dreg:$0x7] =	wrdreg s25;
	s20 =	simm.s32 $0x1  }
0x11: {  	s22 =	simm.s32 $0x2;
	s21 =	simm.s32 $0xD00;
	s23 =	simm.s32 $0x600  }
0x12: {  	s24 =	simm.s32 $0xD80;
	s25 =	simm.s32 $0x680;
	s0 =	sadd.s32 $0xAC400, s0  }
0x13: {  	s26 =	smax.u32 s3, $0x1;
	s3 =	simm.s32 $0x580;
	[dreg:$0x8] =	wrdreg s0  }
0x14: {  	v1 =	vimm.f32 $0.0e+00;
	v0 =	vmov s2;
	[dreg:$0x9] =	wrdreg s26;
	s26 =	simm.s32 $0xE00;
	s0 =	simm.s32 $0xF80  }
.LBB2_1:
0x15: {  	[dreg:$0xa] =	wrdreg s8;
	s2 =	simm.s32 $0x0;
	s8 =	simm.s32 $0x200  }
.LBB2_2:
0x16: {  	p0 =	sne.s32 s8, $0xFE00;
	[tilespmem:s2+$0x1070] =	vst v1  }
0x17: {  	[tilespmem:s2+$0x1000] =	vst v1  }
0x18: {  	[tilespmem:s2+$0x1010] =	vst v1  }
.Ltmp0:
0x19: {  	[tilespmem:s2+$0x1020] =	vst v1;
	(pc) =	sbr.rel @p0 .LBB2_2-.Ltmp0, $4  }
0x1a: {  	[tilespmem:s2+$0x1030] =	vst v1  }
0x1b: {  	[tilespmem:s2+$0x1040] =	vst v1  }
0x1c: {  	[tilespmem:s2+$0x1050] =	vst v1  }
0x1d: {  	[tilespmem:s2+$0x1060] =	vst v1;
	s2 =	sshra.s32 s8, $0x2;
	s8 =	sadd.s32 $0x200, s8  }
0x1e: {  	[tilespmem:s2+$0x1070] =	vst v1  }
0x1f: {  	[tilespmem:s2+$0x1000] =	vst v1  }
0x20: {  	[tilespmem:s2+$0x1010] =	vst v1  }
0x21: {  	[tilespmem:s2+$0x1020] =	vst v1  }
0x22: {  	[tilespmem:s2+$0x1030] =	vst v1  }
0x23: {  	[tilespmem:s2+$0x1040] =	vst v1  }
0x24: {  	[tilespmem:s2+$0x1050] =	vst v1  }
0x25: {  	[tilespmem:s2+$0x1060] =	vst v1  }
0x26: {  	[spmem:s10] =	stream.linear.scatter [tilespmem:s15], [sflag:$0x3], $0x4000, $0x38;
	[tilespmem:$0x1D000] =	vst v63  }
0x27: {  	_ =	swait.ge [sflag:s16], $0x4000  }
0x28: {  	[sflag:s16] =	ssyncset.done $0x0  }
0x29: {  	s8 =	rddreg [dreg:$0x4];
	[sflag:s16] =	ssyncadd.s32 $0xFFFFC000  }
0x2a: {  	[spmem:s8] =	stream.linear.scatter [tilespmem:s15], [sflag:$0x3], $0x4000, $0x38;
	[tilespmem:$0x1D000] =	vst v63  }
0x2b: {  	_ =	swait.ge [sflag:s16], $0x4000  }
0x2c: {  	[sflag:s16] =	ssyncset.done $0x0  }
0x2d: {  	s9 =	rddreg [dreg:$0x5];
	[sflag:s16] =	ssyncadd.s32 $0xFFFFC000  }
0x2e: {  	[spmem:s9] =	stream.linear.scatter [tilespmem:s15], [sflag:$0x3], $0x4000, $0x38;
	[tilespmem:$0x1D000] =	vst v63  }
0x2f: {  	_ =	swait.ge [sflag:s16], $0x4000  }
0x30: {  	[sflag:s16] =	ssyncset.done $0x0  }
0x31: {  	s10 =	rddreg [dreg:$0x6];
	[sflag:s16] =	ssyncadd.s32 $0xFFFFC000  }
0x32: {  	[spmem:s10] =	stream.linear.scatter [tilespmem:s15], [sflag:$0x3], $0x4000, $0x38;
	[tilespmem:$0x1D000] =	vst v63  }
0x33: {  	_ =	swait.ge [sflag:s16], $0x4000  }
0x34: {  	[sflag:s16] =	ssyncset.done $0x0  }
0x35: {  	s11 =	rddreg [dreg:$0x7];
	[sflag:s16] =	ssyncadd.s32 $0xFFFFC000  }
0x36: {  	[spmem:s11] =	stream.linear.scatter [tilespmem:s15], [sflag:$0x3], $0x4000, $0x38;
	[tilespmem:$0x1D000] =	vst v63  }
0x37: {  	_ =	swait.ge [sflag:s16], $0x4000  }
0x38: {  	[sflag:s16] =	ssyncset.done $0x0  }
0x39: {  	[sflag:s16] =	ssyncadd.s32 $0xFFFFC000  }
0x3a: {  	s2 =	simm.s32 $0x0;
	s8 =	simm.s32 $0x0;
	[bflag:$0x0] =	sbarrier.arrive $0xFFFF  }
.LBB2_4:
0x3b: {  	s9 =	sshll.u32 s8, $0xB  }
0x3c: {  	s9 =	sadd.s32 s12, s9  }
0x3d: {  	s9 =	sshrl.u32 s9, $0x3  }
0x3e: {  	s10 =	sadd.s32 s5, s9  }
0x3f: {  	[tilespmem:s2], [sflag:$0x3] =	stream.linear.gather [hbm4b:s10+s2], $0x800, $0x38;
	[tilespmem:$0x1D000] =	vst v63  }
0x40: {  	_ =	swait.ge [sflag:s16], $0x800  }
0x41: {  	[sflag:s16] =	ssyncset.done $0x0  }
0x42: {  	s9 =	sadd.s32 s6, s9;
	[sflag:s16] =	ssyncadd.s32 $0xFFFFF800  }
0x43: {  	[tilespmem:s17], [sflag:$0x3] =	stream.linear.gather [hbm4b:s9+s2], $0x800, $0x38;
	[tilespmem:$0x1D000] =	vst v63  }
0x44: {  	_ =	swait.ge [sflag:s16], $0x800  }
0x45: {  	[sflag:s16] =	ssyncset.done $0x0  }
0x46: {  	s9 =	simm.s32 $0x0;
	[sflag:s16] =	ssyncadd.s32 $0xFFFFF800  }
0x47: {  	v3 =	vld [tilespmem:s9+$0x0]  }
0x48: {  	v4 =	vld [tilespmem:s9+$0x10]  }
0x49: {  	v6 =	vld [tilespmem:s9+$0x20]  }
0x4a: {  	v5 =	vld [tilespmem:s9+$0x30]  }
0x4b: {  	v2 =	vld [tilespmem:s9+$0x40]  }
0x4c: {  	v7 =	vshll.u32 v3, $0x1;
	v3 =	vld [tilespmem:s9+$0x50]  }
0x4d: {  	s10 =	simm.s32 $0x200;
	v8 =	vshll.u32 v4, $0x1;
	v4 =	vld [tilespmem:s9+$0x60];
	v7 =	vor.u32 v0, v7  }
.LBB2_5:
0x4e: {  	s11 =	sshra.s32 s10, $0x2;
	p0 =	sne.s32 s10, $0x1E00;
	[tilespmem:s9+$0x0] =	vst v7;
	v7 =	vor.u32 v0, v8;
	v6 =	vshll.u32 v6, $0x1;
	v8 =	vld [tilespmem:s9+$0x70]  }
0x4f: {  	v9 =	vld [tilespmem:s11+$0x0];
	[tilespmem:s9+$0x10] =	vst v7;
	v6 =	vor.u32 v0, v6;
	v5 =	vshll.u32 v5, $0x1  }
0x50: {  	v10 =	vld [tilespmem:s11+$0x10];
	[tilespmem:s9+$0x20] =	vst v6;
	v5 =	vor.u32 v0, v5;
	v2 =	vshll.u32 v2, $0x1  }
.Ltmp1:
0x51: {  	v6 =	vld [tilespmem:s11+$0x20];
	[tilespmem:s9+$0x30] =	vst v5;
	v2 =	vor.u32 v0, v2;
	v3 =	vshll.u32 v3, $0x1;
	(pc) =	sbr.rel @p0 .LBB2_5-.Ltmp1, $4  }
0x52: {  	v5 =	vld [tilespmem:s11+$0x30];
	[tilespmem:s9+$0x40] =	vst v2;
	v3 =	vor.u32 v0, v3;
	v4 =	vshll.u32 v4, $0x1  }
0x53: {  	v2 =	vld [tilespmem:s11+$0x40];
	[tilespmem:s9+$0x50] =	vst v3;
	v4 =	vor.u32 v0, v4;
	v7 =	vshll.u32 v8, $0x1  }
0x54: {  	v8 =	vshll.u32 v9, $0x1;
	v3 =	vld [tilespmem:s11+$0x50];
	[tilespmem:s9+$0x60] =	vst v4;
	v9 =	vor.u32 v0, v7  }
0x55: {  	s10 =	sadd.s32 $0x200, s10;
	v7 =	vor.u32 v0, v8;
	v8 =	vshll.u32 v10, $0x1;
	v4 =	vld [tilespmem:s11+$0x60];
	[tilespmem:s9+$0x70] =	vst v9;
	s9 =	smov.u32 s11  }
0x56: {  	[tilespmem:s9+$0x0] =	vst v7;
	v62 =	vor.u32 v0, v8;
	v6 =	vshll.u32 v6, $0x1;
	v63 =	vld [tilespmem:s9+$0x70]  }
0x57: {  	[tilespmem:s9+$0x10] =	vst v62;
	v6 =	vor.u32 v0, v6;
	v5 =	vshll.u32 v5, $0x1  }
0x58: {  	[tilespmem:s9+$0x20] =	vst v6;
	v5 =	vor.u32 v0, v5;
	v2 =	vshll.u32 v2, $0x1  }
0x59: {  	[tilespmem:s9+$0x30] =	vst v5;
	v2 =	vor.u32 v0, v2;
	v3 =	vshll.u32 v3, $0x1  }
0x5a: {  	[tilespmem:s9+$0x40] =	vst v2;
	v2 =	vor.u32 v0, v3;
	v3 =	vshll.u32 v4, $0x1  }
0x5b: {  	[tilespmem:s9+$0x50] =	vst v2;
	v2 =	vor.u32 v0, v3;
	v3 =	vshll.u32 v63, $0x1  }
0x5c: {  	[tilespmem:s9+$0x60] =	vst v2;
	v2 =	vor.u32 v0, v3  }
0x5d: {  	s10 =	simm.s32 $0x0;
	[tilespmem:s9+$0x70] =	vst v2  }
0x5e: {  	[tilespmem:s15], [sflag:$0x1] =	stream.indirect.gather [hbm4b:s4+s18], $0x80, s10, s18, $0xb8;
	[tilespmem:$0x1D000] =	vst v63  }
0x5f: {  	_ = 	snop  }
0x60: {  	[tilespmem:s19], [sflag:$0x2] =	stream.indirect.gather [hbm4b:s4+s18], $0x80, s18, s18, $0xb8;
	[tilespmem:$0x1D000] =	vst v63  }
0x61: {  	_ =	swait.ge [sflag:s20], $0x4000  }
0x62: {  	[sflag:s20] =	ssyncset.done $0x0  }
0x63: {  	[sflag:s20] =	ssyncadd.s32 $0xFFFFC000  }
0x64: {  	[spmem:s1] =	stream.indirect.scatter.add.f32 [tilespmem:s15], [sflag:$0x3], $0x80, s17, s18, $0xb8;
	[tilespmem:$0x1D000] =	vst v63  }
0x65: {  	_ =	swait.ge [sflag:s16], $0x4000  }
0x66: {  	[sflag:s16] =	ssyncset.done $0x0  }
0x67: {  	s11 =	simm.s32 $0x100;
	[sflag:s16] =	ssyncadd.s32 $0xFFFFC000  }
0x68: {  	[tilespmem:s15], [sflag:$0x1] =	stream.indirect.gather [hbm4b:s4+s18], $0x80, s11, s18, $0xb8;
	[tilespmem:$0x1D000] =	vst v63  }
0x69: {  	_ =	swait.ge [sflag:s22], $0x4000  }
0x6a: {  	[sflag:s22] =	ssyncset.done $0x0  }
0x6b: {  	s10 =	simm.s32 $0x880;
	[sflag:s22] =	ssyncadd.s32 $0xFFFFC000  }
0x6c: {  	[spmem:s1] =	stream.indirect.scatter.add.f32 [tilespmem:s19], [sflag:$0x3], $0x80, s10, s18, $0xb8;
	[tilespmem:$0x1D000] =	vst v63  }
0x6d: {  	_ =	swait.ge [sflag:s16], $0x4000  }
0x6e: {  	[sflag:s16] =	ssyncset.done $0x0  }
0x6f: {  	s11 =	simm.s32 $0x180;
	[sflag:s16] =	ssyncadd.s32 $0xFFFFC000  }
0x70: {  	[tilespmem:s19], [sflag:$0x2] =	stream.indirect.gather [hbm4b:s4+s18], $0x80, s11, s18, $0xb8;
	[tilespmem:$0x1D000] =	vst v63  }
0x71: {  	_ =	swait.ge [sflag:s20], $0x4000  }
0x72: {  	[sflag:s20] =	ssyncset.done $0x0  }
0x73: {  	s10 =	simm.s32 $0x900;
	[sflag:s20] =	ssyncadd.s32 $0xFFFFC000  }
0x74: {  	[spmem:s1] =	stream.indirect.scatter.add.f32 [tilespmem:s15], [sflag:$0x3], $0x80, s10, s18, $0xb8;
	[tilespmem:$0x1D000] =	vst v63  }
0x75: {  	_ =	swait.ge [sflag:s16], $0x4000  }
0x76: {  	[sflag:s16] =	ssyncset.done $0x0  }
0x77: {  	s11 =	simm.s32 $0x200;
	[sflag:s16] =	ssyncadd.s32 $0xFFFFC000  }
0x78: {  	[tilespmem:s15], [sflag:$0x1] =	stream.indirect.gather [hbm4b:s4+s18], $0x80, s11, s18, $0xb8;
	[tilespmem:$0x1D000] =	vst v63  }
0x79: {  	_ =	swait.ge [sflag:s22], $0x4000  }
0x7a: {  	[sflag:s22] =	ssyncset.done $0x0  }
0x7b: {  	s10 =	simm.s32 $0x980;
	[sflag:s22] =	ssyncadd.s32 $0xFFFFC000  }
0x7c: {  	[spmem:s1] =	stream.indirect.scatter.add.f32 [tilespmem:s19], [sflag:$0x3], $0x80, s10, s18, $0xb8;
	[tilespmem:$0x1D000] =	vst v63  }
0x7d: {  	_ =	swait.ge [sflag:s16], $0x4000  }
0x7e: {  	[sflag:s16] =	ssyncset.done $0x0  }
0x7f: {  	s11 =	simm.s32 $0x280;
	[sflag:s16] =	ssyncadd.s32 $0xFFFFC000  }
0x80: {  	[tilespmem:s19], [sflag:$0x2] =	stream.indirect.gather [hbm4b:s4+s18], $0x80, s11, s18, $0xb8;
	[tilespmem:$0x1D000] =	vst v63  }
0x81: {  	_ =	swait.ge [sflag:s20], $0x4000  }
0x82: {  	[sflag:s20] =	ssyncset.done $0x0  }
0x83: {  	s10 =	simm.s32 $0xA00;
	[sflag:s20] =	ssyncadd.s32 $0xFFFFC000  }
0x84: {  	[spmem:s1] =	stream.indirect.scatter.add.f32 [tilespmem:s15], [sflag:$0x3], $0x80, s10, s18, $0xb8;
	[tilespmem:$0x1D000] =	vst v63  }
0x85: {  	_ =	swait.ge [sflag:s16], $0x4000  }
0x86: {  	[sflag:s16] =	ssyncset.done $0x0  }
0x87: {  	s11 =	simm.s32 $0x300;
	[sflag:s16] =	ssyncadd.s32 $0xFFFFC000  }
0x88: {  	[tilespmem:s15], [sflag:$0x1] =	stream.indirect.gather [hbm4b:s4+s18], $0x80, s11, s18, $0xb8;
	[tilespmem:$0x1D000] =	vst v63  }
0x89: {  	_ =	swait.ge [sflag:s22], $0x4000  }
0x8a: {  	[sflag:s22] =	ssyncset.done $0x0  }
0x8b: {  	s10 =	simm.s32 $0xA80;
	[sflag:s22] =	ssyncadd.s32 $0xFFFFC000  }
0x8c: {  	[spmem:s1] =	stream.indirect.scatter.add.f32 [tilespmem:s19], [sflag:$0x3], $0x80, s10, s18, $0xb8;
	[tilespmem:$0x1D000] =	vst v63  }
0x8d: {  	_ =	swait.ge [sflag:s16], $0x4000  }
0x8e: {  	[sflag:s16] =	ssyncset.done $0x0  }
0x8f: {  	s11 =	simm.s32 $0x380;
	[sflag:s16] =	ssyncadd.s32 $0xFFFFC000  }
0x90: {  	[tilespmem:s19], [sflag:$0x2] =	stream.indirect.gather [hbm4b:s4+s18], $0x80, s11, s18, $0xb8;
	[tilespmem:$0x1D000] =	vst v63  }
0x91: {  	_ =	swait.ge [sflag:s20], $0x4000  }
0x92: {  	[sflag:s20] =	ssyncset.done $0x0  }
0x93: {  	s10 =	simm.s32 $0xB00;
	[sflag:s20] =	ssyncadd.s32 $0xFFFFC000  }
0x94: {  	[spmem:s1] =	stream.indirect.scatter.add.f32 [tilespmem:s15], [sflag:$0x3], $0x80, s10, s18, $0xb8;
	[tilespmem:$0x1D000] =	vst v63  }
0x95: {  	_ =	swait.ge [sflag:s16], $0x4000  }
0x96: {  	[sflag:s16] =	ssyncset.done $0x0  }
0x97: {  	s11 =	simm.s32 $0x400;
	[sflag:s16] =	ssyncadd.s32 $0xFFFFC000  }
0x98: {  	[tilespmem:s15], [sflag:$0x1] =	stream.indirect.gather [hbm4b:s4+s18], $0x80, s11, s18, $0xb8;
	[tilespmem:$0x1D000] =	vst v63  }
0x99: {  	_ =	swait.ge [sflag:s22], $0x4000  }
0x9a: {  	[sflag:s22] =	ssyncset.done $0x0  }
0x9b: {  	s10 =	simm.s32 $0xB80;
	[sflag:s22] =	ssyncadd.s32 $0xFFFFC000  }
0x9c: {  	[spmem:s1] =	stream.indirect.scatter.add.f32 [tilespmem:s19], [sflag:$0x3], $0x80, s10, s18, $0xb8;
	[tilespmem:$0x1D000] =	vst v63  }
0x9d: {  	_ =	swait.ge [sflag:s16], $0x4000  }
0x9e: {  	[sflag:s16] =	ssyncset.done $0x0  }
0x9f: {  	s11 =	simm.s32 $0x480;
	[sflag:s16] =	ssyncadd.s32 $0xFFFFC000  }
0xa0: {  	[tilespmem:s19], [sflag:$0x2] =	stream.indirect.gather [hbm4b:s4+s18], $0x80, s11, s18, $0xb8;
	[tilespmem:$0x1D000] =	vst v63  }
0xa1: {  	_ =	swait.ge [sflag:s20], $0x4000  }
0xa2: {  	[sflag:s20] =	ssyncset.done $0x0  }
0xa3: {  	[sflag:s20] =	ssyncadd.s32 $0xFFFFC000  }
0xa4: {  	[spmem:s1] =	stream.indirect.scatter.add.f32 [tilespmem:s15], [sflag:$0x3], $0x80, s13, s18, $0xb8;
	[tilespmem:$0x1D000] =	vst v63  }
0xa5: {  	_ =	swait.ge [sflag:s16], $0x4000  }
0xa6: {  	[sflag:s16] =	ssyncset.done $0x0  }
0xa7: {  	[sflag:s16] =	ssyncadd.s32 $0xFFFFC000  }
0xa8: {  	[tilespmem:s15], [sflag:$0x1] =	stream.indirect.gather [hbm4b:s4+s18], $0x80, s14, s18, $0xb8;
	[tilespmem:$0x1D000] =	vst v63  }
0xa9: {  	_ =	swait.ge [sflag:s22], $0x4000  }
0xaa: {  	[sflag:s22] =	ssyncset.done $0x0  }
0xab: {  	[sflag:s22] =	ssyncadd.s32 $0xFFFFC000  }
0xac: {  	[spmem:s1] =	stream.indirect.scatter.add.f32 [tilespmem:s19], [sflag:$0x3], $0x80, s7, s18, $0xb8;
	[tilespmem:$0x1D000] =	vst v63  }
0xad: {  	_ =	swait.ge [sflag:s16], $0x4000  }
0xae: {  	[sflag:s16] =	ssyncset.done $0x0  }
0xaf: {  	[sflag:s16] =	ssyncadd.s32 $0xFFFFC000  }
0xb0: {  	[tilespmem:s19], [sflag:$0x2] =	stream.indirect.gather [hbm4b:s4+s18], $0x80, s3, s18, $0xb8;
	[tilespmem:$0x1D000] =	vst v63  }
0xb1: {  	_ =	swait.ge [sflag:s20], $0x4000  }
0xb2: {  	[sflag:s20] =	ssyncset.done $0x0  }
0xb3: {  	[sflag:s20] =	ssyncadd.s32 $0xFFFFC000  }
0xb4: {  	[spmem:s1] =	stream.indirect.scatter.add.f32 [tilespmem:s15], [sflag:$0x3], $0x80, s21, s18, $0xb8;
	[tilespmem:$0x1D000] =	vst v63  }
0xb5: {  	_ =	swait.ge [sflag:s16], $0x4000  }
0xb6: {  	[sflag:s16] =	ssyncset.done $0x0  }
0xb7: {  	[sflag:s16] =	ssyncadd.s32 $0xFFFFC000  }
0xb8: {  	[tilespmem:s15], [sflag:$0x1] =	stream.indirect.gather [hbm4b:s4+s18], $0x80, s23, s18, $0xb8;
	[tilespmem:$0x1D000] =	vst v63  }
0xb9: {  	_ =	swait.ge [sflag:s22], $0x4000  }
0xba: {  	[sflag:s22] =	ssyncset.done $0x0  }
0xbb: {  	[sflag:s22] =	ssyncadd.s32 $0xFFFFC000  }
0xbc: {  	[spmem:s1] =	stream.indirect.scatter.add.f32 [tilespmem:s19], [sflag:$0x3], $0x80, s24, s18, $0xb8;
	[tilespmem:$0x1D000] =	vst v63  }
0xbd: {  	_ =	swait.ge [sflag:s16], $0x4000  }
0xbe: {  	[sflag:s16] =	ssyncset.done $0x0  }
0xbf: {  	[sflag:s16] =	ssyncadd.s32 $0xFFFFC000  }
0xc0: {  	[tilespmem:s19], [sflag:$0x2] =	stream.indirect.gather [hbm4b:s4+s18], $0x80, s25, s18, $0xb8;
	[tilespmem:$0x1D000] =	vst v63  }
0xc1: {  	_ =	swait.ge [sflag:s20], $0x4000  }
0xc2: {  	[sflag:s20] =	ssyncset.done $0x0  }
0xc3: {  	[sflag:s20] =	ssyncadd.s32 $0xFFFFC000  }
0xc4: {  	[spmem:s1] =	stream.indirect.scatter.add.f32 [tilespmem:s15], [sflag:$0x3], $0x80, s26, s18, $0xb8;
	[tilespmem:$0x1D000] =	vst v63  }
0xc5: {  	_ =	swait.ge [sflag:s16], $0x4000  }
0xc6: {  	[sflag:s16] =	ssyncset.done $0x0  }
0xc7: {  	[sflag:s16] =	ssyncadd.s32 $0xFFFFC000  }
0xc8: {  	[tilespmem:s15], [sflag:$0x1] =	stream.indirect.gather [hbm4b:s4+s18], $0x80, s28, s18, $0xb8;
	[tilespmem:$0x1D000] =	vst v63  }
0xc9: {  	_ =	swait.ge [sflag:s22], $0x4000  }
0xca: {  	[sflag:s22] =	ssyncset.done $0x0  }
0xcb: {  	[sflag:s22] =	ssyncadd.s32 $0xFFFFC000  }
0xcc: {  	[spmem:s1] =	stream.indirect.scatter.add.f32 [tilespmem:s19], [sflag:$0x3], $0x80, s29, s18, $0xb8;
	[tilespmem:$0x1D000] =	vst v63  }
0xcd: {  	_ =	swait.ge [sflag:s16], $0x4000  }
0xce: {  	[sflag:s16] =	ssyncset.done $0x0  }
0xcf: {  	[sflag:s16] =	ssyncadd.s32 $0xFFFFC000  }
0xd0: {  	[tilespmem:s19], [sflag:$0x2] =	stream.indirect.gather [hbm4b:s4+s18], $0x80, s30, s18, $0xb8;
	[tilespmem:$0x1D000] =	vst v63  }
0xd1: {  	_ =	swait.ge [sflag:s20], $0x4000  }
0xd2: {  	[sflag:s20] =	ssyncset.done $0x0  }
0xd3: {  	[sflag:s20] =	ssyncadd.s32 $0xFFFFC000  }
0xd4: {  	[spmem:s1] =	stream.indirect.scatter.add.f32 [tilespmem:s15], [sflag:$0x3], $0x80, s31, s18, $0xb8;
	[tilespmem:$0x1D000] =	vst v63  }
0xd5: {  	_ =	swait.ge [sflag:s16], $0x4000  }
0xd6: {  	[sflag:s16] =	ssyncset.done $0x0  }
0xd7: {  	[sflag:s16] =	ssyncadd.s32 $0xFFFFC000  }
0xd8: {  	s8 =	sadd.s32 $0x1, s8;
	_ =	swait.ge [sflag:s22], $0x4000  }
0xd9: {  	p0 =	sne.s32 s8, $0x5;
	[sflag:s22] =	ssyncset.done $0x0  }
.Ltmp2:
0xda: {  	[sflag:s22] =	ssyncadd.s32 $0xFFFFC000;
	(pc) =	sbr.rel @p0 .LBB2_4-.Ltmp2, $4  }
0xdb: {  	[spmem:s1] =	stream.indirect.scatter.add.f32 [tilespmem:s19], [sflag:$0x3], $0x80, s0, s18, $0xb8;
	[tilespmem:$0x1D000] =	vst v63  }
0xdc: {  	_ =	swait.ge [sflag:s16], $0x4000  }
0xdd: {  	[sflag:s16] =	ssyncset.done $0x0  }
0xde: {  	[sflag:s16] =	ssyncadd.s32 $0xFFFFC000  }
0xdf: {  	s2 =	stileid.u32;
	[bflag:$0x0] =	sbarrier.arrive $0xFFFF  }
0xe0: {  	s2 =	sshll.u32 s2, $0x6;
	s10 =	rddreg [dreg:$0x3]  }
0xe1: {  	s9 =	rddreg [dreg:$0x8];
	s2 =	sor.u32 $0x1C03, s2;
	s8 =	sshrl.u32 s10, $0x3  }
0xe2: {  	[hbm:s9], [sflag:s2] =	dma.local [spmem:s8], $0x2800  }
0xe3: {  	_ =	swait.ge [sflag:s16], $0x2800  }
0xe4: {  	s9 =	rddreg [dreg:$0xa]  }
0xe5: {  	s11 =	rddreg [dreg:$0x9];
	s8 =	sadd.s32 $0x1, s9  }
0xe6: {  	p0 =	sne.s32 s8, s11  }
.Ltmp3:
0xe7: {  	_ = 	snop;
	(pc) =	sbr.rel @p0 .LBB2_1-.Ltmp3, $3  }
0xe8: {  	_ =	sdelay $0x1  }
0xe9: {  	[sflag:s16] =	ssyncset.done $0x0  }
0xea: {  	[sflag:s16] =	ssyncadd.s32 $0xFFFFD800  }
0xeb: {  	_ =	sfence.sel $0x180000  }
0xec: {  	[bflag:$0x0] =	sbarrier.arrive $0xFFFF  }
0xed: {  	_ =	strace $0x9000004A  }
0xee: {  	s0 =	stileid.u32;
	[bflag:$0x2] =	sbarrier.arrive $0xFFFF  }
0xef: {  	p0 =	sne.s32 s0, $0x0;
	s0 =	rddreg [dreg:$0x2]  }
0xf0: {  	s0 =	sadd.s32 @!p0 $0x100000, s0  }
0xf1: {  	[sflag:s0] =	ssyncadd.tile.s32 @!p0 $0x1;
	_ =	shalt  }
.Lfunc_end2:
_tile_overlayer_lowered:
.L_overlay_start_2:
0xf2: {  	(tag) =	ssettag $0x2  }
0xf3: {  	s0 =	rddreg [dreg:$0x0];
	s2 =	stileid.u32  }
0xf4: {  	s1 =	rddreg [dreg:$0x1];
	p0 =	sne.s32 s2, $0x0  }
0xf5: {  	s3 =	rddreg [dreg:$0x2];
	[bflag:$0x3] =	sbarrier.arrive $0xFFFF;
	s2 =	simm.s32 @!p0 $0x1C03  }
0xf6: {  	[timem:s3], [sflag:s2] =	dma.local @!p0 [hbm:s0], s1  }
0xf7: {  	s0 =	simm.s32 @!p0 $0x3  }
0xf8: {  	_ =	swait.ge @!p0 [sflag:s0], s1  }
0xf9: {  	s1 =	ssub.s32 @!p0 $0x0, s1;
	[sflag:s0] =	ssyncset.done @!p0 $0x0  }
0xfa: {  	[sflag:s0] =	ssyncadd.s32 @!p0 s1  }
0xfb: {  	[bflag:$0x3] =	sbarrier.arrive $0xFFFF  }
0xfc: {  	_ =	shalt  }

// kernel: kernel.18.cloned.1.call-start
scs
__scs_entry_jumppad:
0x0: {  	(pc) =	sbr.rel $0x88, $3  }
0x1: {  	(tag) =	ssettag $0x0;
	lr =	simm.s32 $0x1  }
0x2: {  	[smem:$0x3F91] =	sst lr;
	_ =	strace $0xD0000000  }
0x3: {  	_ = 	snop  }
0x4: {  	_ = 	snop  }
0x5: {  	_ = 	snop  }
0x6: {  	_ = 	snop  }
0x7: {  	_ = 	snop  }
__scs_overlays_trampoline_lowered:
0x8: {  	[smem:$0x3FA0] =	sst s0  }
0x9: {  	[smem:$0x3FA1] =	sst s1  }
0xa: {  	[smem:$0x3FA2] =	sst s2  }
0xb: {  	[smem:$0x3FA3] =	sst s3  }
0xc: {  	[smem:$0x3FA4] =	sst s4  }
0xd: {  	[smem:$0x3FA5] =	sst s5  }
0xe: {  	[smem:$0x3FA6] =	sst s6  }
0xf: {  	[smem:$0x3FA7] =	sst s7  }
0x10: {  	[smem:$0x3FA8] =	sst s8  }
0x11: {  	[smem:$0x3FA9] =	sst s9;
	s0 =	simm.s32 @!p0 $0x0  }
0x12: {  	s1 =	sld [smem:$0x3F8F];
	s0 =	simm.s32 @p0 $0x1  }
0x13: {  	[smem:$0x3FAA] =	sst s0;
	s0 =	simm.s32 @!p1 $0x0  }
0x14: {  	s2 =	sld [smem:$0x3F8E];
	s0 =	simm.s32 @p1 $0x1  }
0x15: {  	[smem:$0x3FAB] =	sst s0;
	s0 =	simm.s32 @!p2 $0x0  }
0x16: {  	s3 =	sld [smem:$0x3FDB];
	s0 =	simm.s32 @p2 $0x1  }
0x17: {  	s4 =	simm.s32 $0x1BF5;
	[smem:$0x3FAD] =	sst s0  }
0x18: {  	s0 =	sld [smem:$0x3F90];
	_ =	swait.ge [sflag:s4], $0x0  }
0x19: {  	s7 =	sld [smem:$0x3F91]  }
0x1a: {  	s8 =	sadd.s32 $0xFFFFE003, lr  }
0x1b: {  	s9 =	sadd.s32 $0xFFFFFEF7, lr;
	s5 =	simm.s32 $0xFFFFFFFF;
	p2 =	slt.u32 s8, $0xFFFFF086  }
0x1c: {  	p1 =	slt.u32 s9, $0xF7A;
	s5 =	simm.s32 @!p2 $0x0  }
0x1d: {  	s5 =	simm.s32 @p1 $0x1;
	p0 =	seq.s32 s7, s2  }
0x1e: {  	s7 =	smul.u32 @!p0 $0xF7A, s2;
	p2 =	seq.s32 @!p0 s5, $0x0  }
0x1f: {  	s9 =	smul.u32 $0xF7A, s1;
	s8 =	simm.s32 @!p0 $0x1BF5;
	p2 =	por !p2, p0  }
0x20: {  	[sflag:s8] =	ssyncset.s32 @!p0 $0xFFFFF086;
	s6 =	sadd.s32 @!p0 s3, s7;
	s7 =	simm.s32 @!p0 $0x108  }
0x21: {  	s3 =	sadd.s32 s3, s9;
	s6 =	sadd.s32 @!p0 $0x88, s6;
	s7 =	simm.s32 @p2 $0x1082  }
0x22: {  	[simem:s7], [sflag:s8] =	dma.local @!p0 [hbm:s6], $0xF7A  }
0x23: {  	s9 =	sor.u32 $0xD0000000, s2;
	s6 =	simm.s32 $0x108;
	_ =	swait.ge @!p0 [sflag:s8], $0x0  }
0x24: {  	s3 =	sadd.s32 $0x88, s3;
	s6 =	simm.s32 @!p1 $0x1082;
	[sflag:s4] =	ssyncset.s32 $0xFFFFF086  }
0x25: {  	[simem:s6], [sflag:s4] =	dma.local [hbm:s3], $0xF7A  }
0x26: {  	[smem:$0x3F91] =	sst s1;
	(tag) =	ssettag s2;
	_ =	strace s9  }
0x27: {  	s1 =	sld [smem:$0x3FA1]  }
0x28: {  	s2 =	sld [smem:$0x3FA2]  }
0x29: {  	s4 =	sld [smem:$0x3FA4]  }
0x2a: {  	p0 =	seq.s32 s5, $0x0;
	s5 =	sld [smem:$0x3FA5]  }
0x2b: {  	s6 =	sld [smem:$0x3FA6]  }
0x2c: {  	s7 =	sld [smem:$0x3FA7]  }
0x2d: {  	s3 =	simm.s32 $0x108;
	s8 =	sld [smem:$0x3FA8]  }
0x2e: {  	s3 =	simm.s32 @!p0 $0x1082;
	s9 =	sld [smem:$0x3FA9]  }
0x2f: {  	lr =	sadd.s32 s0, s3;
	s0 =	sld [smem:$0x3FA0]  }
0x30: {  	s3 =	sld [smem:$0x3FA3]  }
0x31: {  	[smem:$0x3FAC] =	sst s10  }
0x32: {  	s10 =	sld [smem:$0x3FAA];
	_ =	sdelay $0x3  }
0x33: {  	p0 =	seq.s32 s10, $0x1;
	s10 =	sld [smem:$0x3FAC];
	_ =	sdelay $0x3  }
0x34: {  	[smem:$0x3FAC] =	sst s10  }
0x35: {  	s10 =	sld [smem:$0x3FAB];
	_ =	sdelay $0x3  }
0x36: {  	p1 =	seq.s32 s10, $0x1;
	s10 =	sld [smem:$0x3FAC];
	_ =	sdelay $0x3  }
0x37: {  	[smem:$0x3FAC] =	sst s10  }
0x38: {  	s10 =	sld [smem:$0x3FAD]  }
0x39: {  	_ = 	snop;
	(pc) =	sbr.ind lr, $3  }
0x3a: {  	_ = 	snop  }
0x3b: {  	_ = 	snop  }
0x3c: {  	p2 =	seq.s32 s10, $0x1;
	s10 =	sld [smem:$0x3FAC]  }
0x3d: {  	_ =	shalt  }
0x3e: {  	_ =	shalt  }
0x3f: {  	_ =	shalt  }
0x40: {  	_ =	shalt  }
0x41: {  	_ =	shalt  }
0x42: {  	_ =	shalt  }
0x43: {  	_ =	shalt  }
0x44: {  	_ =	shalt  }
0x45: {  	_ =	shalt  }
0x46: {  	_ =	shalt  }
0x47: {  	_ =	shalt  }
0x48: {  	_ =	shalt  }
0x49: {  	_ =	shalt  }
0x4a: {  	_ =	shalt  }
0x4b: {  	_ =	shalt  }
0x4c: {  	_ =	shalt  }
0x4d: {  	_ =	shalt  }
0x4e: {  	_ =	shalt  }
0x4f: {  	_ =	shalt  }
0x50: {  	_ =	shalt  }
0x51: {  	_ =	shalt  }
0x52: {  	_ =	shalt  }
0x53: {  	_ =	shalt  }
0x54: {  	_ =	shalt  }
0x55: {  	_ =	shalt  }
0x56: {  	_ =	shalt  }
0x57: {  	_ =	shalt  }
0x58: {  	_ =	shalt  }
0x59: {  	_ =	shalt  }
0x5a: {  	_ =	shalt  }
0x5b: {  	_ =	shalt  }
0x5c: {  	_ =	shalt  }
0x5d: {  	_ =	shalt  }
0x5e: {  	_ =	shalt  }
0x5f: {  	_ =	shalt  }
0x60: {  	_ =	shalt  }
0x61: {  	_ =	shalt  }
0x62: {  	_ =	shalt  }
0x63: {  	_ =	shalt  }
0x64: {  	_ =	shalt  }
0x65: {  	_ =	shalt  }
0x66: {  	_ =	shalt  }
0x67: {  	_ =	shalt  }
0x68: {  	_ =	shalt  }
0x69: {  	_ =	shalt  }
0x6a: {  	_ =	shalt  }
0x6b: {  	_ =	shalt  }
0x6c: {  	_ =	shalt  }
0x6d: {  	_ =	shalt  }
0x6e: {  	_ =	shalt  }
0x6f: {  	_ =	shalt  }
0x70: {  	_ =	shalt  }
0x71: {  	_ =	shalt  }
0x72: {  	_ =	shalt  }
0x73: {  	_ =	shalt  }
0x74: {  	_ =	shalt  }
0x75: {  	_ =	shalt  }
0x76: {  	_ =	shalt  }
0x77: {  	_ =	shalt  }
0x78: {  	_ =	shalt  }
0x79: {  	_ =	shalt  }
0x7a: {  	_ =	shalt  }
0x7b: {  	_ =	shalt  }
0x7c: {  	_ =	shalt  }
0x7d: {  	_ =	shalt  }
0x7e: {  	_ =	shalt  }
0x7f: {  	_ =	shalt  }
0x80: {  	_ =	shalt  }
0x81: {  	_ =	shalt  }
0x82: {  	_ =	shalt  }
0x83: {  	_ =	shalt  }
0x84: {  	_ =	shalt  }
0x85: {  	_ =	shalt  }
0x86: {  	_ =	shalt  }
0x87: {  	_ =	shalt  }
.Lfunc_end0:
.L_simem_size_0:
called_computation.2_lowered:
.L_overlay_start_0:
0x88: {  	s2 =	sld [smem:$0x3FD9]  }
0x89: {  	s3 =	sld [smem:$0x3FFE];
	_ =	sdelay $0x1  }
0x8a: {  	s1 =	srdreg.scid  }
0x8b: {  	s0 =	sand.u32 $0x1, s1  }
0x8c: {  	s16 =	sshll.u32 s0, $0xA;
	s2 =	sadd.s32 s3, s2  }
0x8d: {  	s2 =	sadd.s32 s2, s16  }
0x8e: {  	[smem:$0x3FB8] =	sst s2  }
0x8f: {  	_ = 	snop  }
0x90: {  	(tm) =	ssettm $0x1  }
0x91: {  	s17 =	sld [smem:$0x3FFB];
	_ =	sdelay $0x3  }
0x92: {  	_ =	strace s17  }
0x93: {  	s2 =	sld [smem:$0x3FFC];
	_ =	sdelay $0x3  }
0x94: {  	_ =	strace s2  }
0x95: {  	s2 =	sld [smem:$0x3FFD];
	_ =	sdelay $0x3  }
0x96: {  	_ =	strace s2  }
0x97: {  	_ =	strace $0x8FFFFFFF  }
0x98: {  	s18 =	sld [smem:$0x3FDB];
	_ =	sdelay $0x1  }
0x99: {  	s19 =	simm.s32 $_scs_section_size  }
0x9a: {  	s4 =	simm.s32 $_size__tile_overlayer_lowered;
	s5 =	simm.s32 $_tile_overlayer_lowered  }
0x9b: {  	s22 =	simm.s32 $0x1BFF;
	s21 =	sshll.u32 s5, $0x1;
	s2 =	sadd.s32 s19, s18  }
0x9c: {  	s6 =	simm.s32 $0x0;
	s20 =	sshll.u32 s4, $0x1;
	s4 =	sadd.s32 s21, s2  }
0x9d: {  	[timem:s6], [sflag:s22] =	dma.local [hbm:s4], s20  }
0x9e: {  	_ =	swait.ge [sflag:s22], s20  }
0x9f: {  	s3 =	ssub.s32 $0x0, s20;
	[sflag:s22] =	ssyncset.done $0x0  }
0xa0: {  	[sflag:s22] =	ssyncadd.s32 s3;
	_ =	sdelay $0x1  }
0xa1: {  	s23 =	simm.s32 $0x1B8B  }
0xa2: {  	_ =	swait.ge [sflag:s23], $0x1  }
0xa3: {  	[sflag:s23] =	ssyncset.done $0x0  }
0xa4: {  	s25 =	simm.s32 $0x1B8E;
	s24 =	sld [smem:$0x3FFE];
	[sflag:s23] =	ssyncadd.s32 $0xFFFFFFFF  }
0xa5: {  	s26 =	simm.s32 $execute0_lowered;
	[smem:$0x3FD2] =	sst s25  }
0xa6: {  	s4 =	sshll.u32 s26, $0x1;
	_ =	strace $0x8000004C;
	[dreg:$0x1] =	wrdreg $0xFFFFFFFF  }
0xa7: {  	s28 =	simm.s32 $_size_execute0_lowered;
	s2 =	sadd.s32 s2, s4;
	[dreg:$0x0] =	wrdreg $0x0  }
0xa8: {  	s4 =	sshll.u32 s28, $0x1;
	[dreg:$0x2] =	wrdreg s2  }
0xa9: {  	[dreg:$0x3] =	wrdreg s4  }
0xaa: {  	[dreg:$0x4] =	wrdreg $0xC0  }
0xab: {  	_ =	task [dreg:s6], $0x5FFFF  }
0xac: {  	[dreg:$0x1] =	wrdreg $0xFFFFFFFF  }
0xad: {  	[dreg:$0x0] =	wrdreg $0x60  }
0xae: {  	[dreg:$0x2] =	wrdreg s24  }
0xaf: {  	[dreg:$0x3] =	wrdreg $0x90000  }
0xb0: {  	[dreg:$0x4] =	wrdreg $0x9  }
0xb1: {  	_ =	task.clear_ibuf [dreg:s6], $0x5FFFF;
	_ =	strace $0x9000004C  }
0xb2: {  	s29 =	simm.s32 $0x9;
	_ =	strace $0x8000004E  }
0xb3: {  	_ =	swait.ge [sflag:s29], $0x1  }
0xb4: {  	[sflag:s29] =	ssyncadd.s32 $0xFFFFFFFF  }
0xb5: {  	_ =	strace $0x9000004E  }
0xb6: {  	_ =	sfence  }
0xb7: {  	s30 =	sld [smem:$0x0];
	_ =	sdelay $0x2  }
0xb8: {  	s31 =	sshll.u32 s1, $0xD;
	s1 =	sshrl.u32 s1, $0x2  }
0xb9: {  	s3 =	sand.u32 $0x4000, s31;
	s1 =	sadd.s32 s1, s30  }
0xba: {  	s0 =	sor.u32 s3, s0;
	s1 =	sshll.u32 s1, $0x11  }
0xbb: {  	s0 =	sor.u32 s1, s0  }
0xbc: {  	s0 =	sadd.s32 $0x8F2B, s0  }
0xbd: {  	[sflag:s0] =	ssyncadd.remote.s32 $0x1  }
0xbe: {  	_ =	sfence.sel $0xFFFF  }
0xbf: {  	[dreg:$0x0] =	wrdreg $0xFFFFFFFF;
	(pc) =	sbr.abs _section_cstart, $3  }
0xc0: {  	[dreg:$0x1] =	wrdreg $0xFFFFFFFF  }
0xc1: {  	_ =	task.clear_ibuf [dreg:s6], $0x2FFFF;
	_ =	strace $0x9FFFFFFF  }
0xc2: {  	(tm) =	ssettm $0x7FFFFFFF  }
0xc3: {  	_ =	shalt  }
tec
execute0_lowered:
.L_overlay_start_1:
0x0: {  	(tag) =	ssettag $0x1  }
0x1: {  	s0 =	rddreg [dreg:$0x0]  }
0x2: {  	s1 =	rddreg [dreg:$0x1];
	s2 =	srdreg.scid;
	s4 =	simm.s32 $0x0  }
0x3: {  	s9 =	stileid.u32;
	s15 =	simm.s32 $0x1000;
	s16 =	simm.s32 $0x3  }
0x4: {  	s17 =	simm.s32 $0x800;
	s18 =	simm.s32 $0x80;
	s19 =	simm.s32 $0x5000  }
0x5: {  	s13 =	simm.s32 $0xC00;
	s14 =	simm.s32 $0x500;
	s28 =	simm.s32 $0x700  }
0x6: {  	s29 =	simm.s32 $0xE80;
	s30 =	simm.s32 $0x780;
	s7 =	smul.u32 $0x14000, s9  }
0x7: {  	s31 =	simm.s32 $0xF00;
	s2 =	sand.u32 $0x1, s2;
	s8 =	smul.u32 $0x50000, s9  }
0x8: {  	[smem:$0x7FF] =	sst s4;
	s4 =	sadd.s32 $0x5C400, s0;
	s12 =	smul.u32 $0x2800, s9  }
0x9: {  	s5 =	sadd.s32 $0x7400, s0;
	s6 =	sadd.s32 $0x2400, s0;
	s3 =	smul.u32 $0x140000, s2  }
0xa: {  	_ =	strace $0x8000004D;
	s20 =	ssub.s32 $0x2, s2;
	s8 =	sshrl.u32 s8, $0x2  }
0xb: {  	s21 =	sshrl.u32 s20, $0x1;
	s3 =	sadd.s32 s7, s3;
	s10 =	sadd.s32 s8, s1  }
0xc: {  	s7 =	simm.s32 $0xC80;
	s22 =	sadd.s32 $0x4000, s10;
	[dreg:$0x3] =	wrdreg s10  }
0xd: {  	s8 =	simm.s32 $0x0;
	s23 =	sadd.s32 $0x8000, s10;
	[dreg:$0x4] =	wrdreg s22  }
0xe: {  	s3 =	sshrl.u32 s3, $0x3;
	s24 =	sadd.s32 $0xC000, s10;
	[dreg:$0x5] =	wrdreg s23  }
0xf: {  	s25 =	sadd.s32 $0x10000, s10;
	s0 =	sadd.s32 s3, s0;
	[dreg:$0x6] =	wrdreg s24  }
0x10: {  	s3 =	ssub.s32 s20, s21;
	[dreg:$0x7] =	wrdreg s25;
	s20 =	simm.s32 $0x1  }
0x11: {  	s22 =	simm.s32 $0x2;
	s21 =	simm.s32 $0xD00;
	s23 =	simm.s32 $0x600  }
0x12: {  	s24 =	simm.s32 $0xD80;
	s25 =	simm.s32 $0x680;
	s0 =	sadd.s32 $0xAC400, s0  }
0x13: {  	s26 =	smax.u32 s3, $0x1;
	s3 =	simm.s32 $0x580;
	[dreg:$0x8] =	wrdreg s0  }
0x14: {  	v1 =	vimm.f32 $0.0e+00;
	v0 =	vmov s2;
	[dreg:$0x9] =	wrdreg s26;
	s26 =	simm.s32 $0xE00;
	s0 =	simm.s32 $0xF80  }
.LBB2_1:
0x15: {  	[dreg:$0xa] =	wrdreg s8;
	s2 =	simm.s32 $0x0;
	s8 =	simm.s32 $0x200  }
.LBB2_2:
0x16: {  	p0 =	sne.s32 s8, $0xFE00;
	[tilespmem:s2+$0x1070] =	vst v1  }
0x17: {  	[tilespmem:s2+$0x1000] =	vst v1  }
0x18: {  	[tilespmem:s2+$0x1010] =	vst v1  }
.Ltmp0:
0x19: {  	[tilespmem:s2+$0x1020] =	vst v1;
	(pc) =	sbr.rel @p0 .LBB2_2-.Ltmp0, $4  }
0x1a: {  	[tilespmem:s2+$0x1030] =	vst v1  }
0x1b: {  	[tilespmem:s2+$0x1040] =	vst v1  }
0x1c: {  	[tilespmem:s2+$0x1050] =	vst v1  }
0x1d: {  	[tilespmem:s2+$0x1060] =	vst v1;
	s2 =	sshra.s32 s8, $0x2;
	s8 =	sadd.s32 $0x200, s8  }
0x1e: {  	[tilespmem:s2+$0x1070] =	vst v1  }
0x1f: {  	[tilespmem:s2+$0x1000] =	vst v1  }
0x20: {  	[tilespmem:s2+$0x1010] =	vst v1  }
0x21: {  	[tilespmem:s2+$0x1020] =	vst v1  }
0x22: {  	[tilespmem:s2+$0x1030] =	vst v1  }
0x23: {  	[tilespmem:s2+$0x1040] =	vst v1  }
0x24: {  	[tilespmem:s2+$0x1050] =	vst v1  }
0x25: {  	[tilespmem:s2+$0x1060] =	vst v1  }
0x26: {  	[spmem:s10] =	stream.linear.scatter [tilespmem:s15], [sflag:$0x3], $0x4000, $0x38;
	[tilespmem:$0x1D000] =	vst v63  }
0x27: {  	_ =	swait.ge [sflag:s16], $0x4000  }
0x28: {  	[sflag:s16] =	ssyncset.done $0x0  }
0x29: {  	s8 =	rddreg [dreg:$0x4];
	[sflag:s16] =	ssyncadd.s32 $0xFFFFC000  }
0x2a: {  	[spmem:s8] =	stream.linear.scatter [tilespmem:s15], [sflag:$0x3], $0x4000, $0x38;
	[tilespmem:$0x1D000] =	vst v63  }
0x2b: {  	_ =	swait.ge [sflag:s16], $0x4000  }
0x2c: {  	[sflag:s16] =	ssyncset.done $0x0  }
0x2d: {  	s9 =	rddreg [dreg:$0x5];
	[sflag:s16] =	ssyncadd.s32 $0xFFFFC000  }
0x2e: {  	[spmem:s9] =	stream.linear.scatter [tilespmem:s15], [sflag:$0x3], $0x4000, $0x38;
	[tilespmem:$0x1D000] =	vst v63  }
0x2f: {  	_ =	swait.ge [sflag:s16], $0x4000  }
0x30: {  	[sflag:s16] =	ssyncset.done $0x0  }
0x31: {  	s10 =	rddreg [dreg:$0x6];
	[sflag:s16] =	ssyncadd.s32 $0xFFFFC000  }
0x32: {  	[spmem:s10] =	stream.linear.scatter [tilespmem:s15], [sflag:$0x3], $0x4000, $0x38;
	[tilespmem:$0x1D000] =	vst v63  }
0x33: {  	_ =	swait.ge [sflag:s16], $0x4000  }
0x34: {  	[sflag:s16] =	ssyncset.done $0x0  }
0x35: {  	s11 =	rddreg [dreg:$0x7];
	[sflag:s16] =	ssyncadd.s32 $0xFFFFC000  }
0x36: {  	[spmem:s11] =	stream.linear.scatter [tilespmem:s15], [sflag:$0x3], $0x4000, $0x38;
	[tilespmem:$0x1D000] =	vst v63  }
0x37: {  	_ =	swait.ge [sflag:s16], $0x4000  }
0x38: {  	[sflag:s16] =	ssyncset.done $0x0  }
0x39: {  	[sflag:s16] =	ssyncadd.s32 $0xFFFFC000  }
0x3a: {  	s2 =	simm.s32 $0x0;
	s8 =	simm.s32 $0x0;
	[bflag:$0x0] =	sbarrier.arrive $0xFFFF  }
.LBB2_4:
0x3b: {  	s9 =	sshll.u32 s8, $0xB  }
0x3c: {  	s9 =	sadd.s32 s12, s9  }
0x3d: {  	s9 =	sshrl.u32 s9, $0x3  }
0x3e: {  	s10 =	sadd.s32 s5, s9  }
0x3f: {  	[tilespmem:s2], [sflag:$0x3] =	stream.linear.gather [hbm4b:s10+s2], $0x800, $0x38;
	[tilespmem:$0x1D000] =	vst v63  }
0x40: {  	_ =	swait.ge [sflag:s16], $0x800  }
0x41: {  	[sflag:s16] =	ssyncset.done $0x0  }
0x42: {  	s9 =	sadd.s32 s6, s9;
	[sflag:s16] =	ssyncadd.s32 $0xFFFFF800  }
0x43: {  	[tilespmem:s17], [sflag:$0x3] =	stream.linear.gather [hbm4b:s9+s2], $0x800, $0x38;
	[tilespmem:$0x1D000] =	vst v63  }
0x44: {  	_ =	swait.ge [sflag:s16], $0x800  }
0x45: {  	[sflag:s16] =	ssyncset.done $0x0  }
0x46: {  	s9 =	simm.s32 $0x0;
	[sflag:s16] =	ssyncadd.s32 $0xFFFFF800  }
0x47: {  	v3 =	vld [tilespmem:s9+$0x0]  }
0x48: {  	v4 =	vld [tilespmem:s9+$0x10]  }
0x49: {  	v6 =	vld [tilespmem:s9+$0x20]  }
0x4a: {  	v5 =	vld [tilespmem:s9+$0x30]  }
0x4b: {  	v2 =	vld [tilespmem:s9+$0x40]  }
0x4c: {  	v7 =	vshll.u32 v3, $0x1;
	v3 =	vld [tilespmem:s9+$0x50]  }
0x4d: {  	s10 =	simm.s32 $0x200;
	v8 =	vshll.u32 v4, $0x1;
	v4 =	vld [tilespmem:s9+$0x60];
	v7 =	vor.u32 v0, v7  }
.LBB2_5:
0x4e: {  	s11 =	sshra.s32 s10, $0x2;
	p0 =	sne.s32 s10, $0x1E00;
	[tilespmem:s9+$0x0] =	vst v7;
	v7 =	vor.u32 v0, v8;
	v6 =	vshll.u32 v6, $0x1;
	v8 =	vld [tilespmem:s9+$0x70]  }
0x4f: {  	v9 =	vld [tilespmem:s11+$0x0];
	[tilespmem:s9+$0x10] =	vst v7;
	v6 =	vor.u32 v0, v6;
	v5 =	vshll.u32 v5, $0x1  }
0x50: {  	v10 =	vld [tilespmem:s11+$0x10];
	[tilespmem:s9+$0x20] =	vst v6;
	v5 =	vor.u32 v0, v5;
	v2 =	vshll.u32 v2, $0x1  }
.Ltmp1:
0x51: {  	v6 =	vld [tilespmem:s11+$0x20];
	[tilespmem:s9+$0x30] =	vst v5;
	v2 =	vor.u32 v0, v2;
	v3 =	vshll.u32 v3, $0x1;
	(pc) =	sbr.rel @p0 .LBB2_5-.Ltmp1, $4  }
0x52: {  	v5 =	vld [tilespmem:s11+$0x30];
	[tilespmem:s9+$0x40] =	vst v2;
	v3 =	vor.u32 v0, v3;
	v4 =	vshll.u32 v4, $0x1  }
0x53: {  	v2 =	vld [tilespmem:s11+$0x40];
	[tilespmem:s9+$0x50] =	vst v3;
	v4 =	vor.u32 v0, v4;
	v7 =	vshll.u32 v8, $0x1  }
0x54: {  	v8 =	vshll.u32 v9, $0x1;
	v3 =	vld [tilespmem:s11+$0x50];
	[tilespmem:s9+$0x60] =	vst v4;
	v9 =	vor.u32 v0, v7  }
0x55: {  	s10 =	sadd.s32 $0x200, s10;
	v7 =	vor.u32 v0, v8;
	v8 =	vshll.u32 v10, $0x1;
	v4 =	vld [tilespmem:s11+$0x60];
	[tilespmem:s9+$0x70] =	vst v9;
	s9 =	smov.u32 s11  }
0x56: {  	[tilespmem:s9+$0x0] =	vst v7;
	v62 =	vor.u32 v0, v8;
	v6 =	vshll.u32 v6, $0x1;
	v63 =	vld [tilespmem:s9+$0x70]  }
0x57: {  	[tilespmem:s9+$0x10] =	vst v62;
	v6 =	vor.u32 v0, v6;
	v5 =	vshll.u32 v5, $0x1  }
0x58: {  	[tilespmem:s9+$0x20] =	vst v6;
	v5 =	vor.u32 v0, v5;
	v2 =	vshll.u32 v2, $0x1  }
0x59: {  	[tilespmem:s9+$0x30] =	vst v5;
	v2 =	vor.u32 v0, v2;
	v3 =	vshll.u32 v3, $0x1  }
0x5a: {  	[tilespmem:s9+$0x40] =	vst v2;
	v2 =	vor.u32 v0, v3;
	v3 =	vshll.u32 v4, $0x1  }
0x5b: {  	[tilespmem:s9+$0x50] =	vst v2;
	v2 =	vor.u32 v0, v3;
	v3 =	vshll.u32 v63, $0x1  }
0x5c: {  	[tilespmem:s9+$0x60] =	vst v2;
	v2 =	vor.u32 v0, v3  }
0x5d: {  	s10 =	simm.s32 $0x0;
	[tilespmem:s9+$0x70] =	vst v2  }
0x5e: {  	[tilespmem:s15], [sflag:$0x1] =	stream.indirect.gather [hbm4b:s4+s18], $0x80, s10, s18, $0xb8;
	[tilespmem:$0x1D000] =	vst v63  }
0x5f: {  	_ = 	snop  }
0x60: {  	[tilespmem:s19], [sflag:$0x2] =	stream.indirect.gather [hbm4b:s4+s18], $0x80, s18, s18, $0xb8;
	[tilespmem:$0x1D000] =	vst v63  }
0x61: {  	_ =	swait.ge [sflag:s20], $0x4000  }
0x62: {  	[sflag:s20] =	ssyncset.done $0x0  }
0x63: {  	[sflag:s20] =	ssyncadd.s32 $0xFFFFC000  }
0x64: {  	[spmem:s1] =	stream.indirect.scatter.add.f32 [tilespmem:s15], [sflag:$0x3], $0x80, s17, s18, $0xb8;
	[tilespmem:$0x1D000] =	vst v63  }
0x65: {  	_ =	swait.ge [sflag:s16], $0x4000  }
0x66: {  	[sflag:s16] =	ssyncset.done $0x0  }
0x67: {  	s11 =	simm.s32 $0x100;
	[sflag:s16] =	ssyncadd.s32 $0xFFFFC000  }
0x68: {  	[tilespmem:s15], [sflag:$0x1] =	stream.indirect.gather [hbm4b:s4+s18], $0x80, s11, s18, $0xb8;
	[tilespmem:$0x1D000] =	vst v63  }
0x69: {  	_ =	swait.ge [sflag:s22], $0x4000  }
0x6a: {  	[sflag:s22] =	ssyncset.done $0x0  }
0x6b: {  	s10 =	simm.s32 $0x880;
	[sflag:s22] =	ssyncadd.s32 $0xFFFFC000  }
0x6c: {  	[spmem:s1] =	stream.indirect.scatter.add.f32 [tilespmem:s19], [sflag:$0x3], $0x80, s10, s18, $0xb8;
	[tilespmem:$0x1D000] =	vst v63  }
0x6d: {  	_ =	swait.ge [sflag:s16], $0x4000  }
0x6e: {  	[sflag:s16] =	ssyncset.done $0x0  }
0x6f: {  	s11 =	simm.s32 $0x180;
	[sflag:s16] =	ssyncadd.s32 $0xFFFFC000  }
0x70: {  	[tilespmem:s19], [sflag:$0x2] =	stream.indirect.gather [hbm4b:s4+s18], $0x80, s11, s18, $0xb8;
	[tilespmem:$0x1D000] =	vst v63  }
0x71: {  	_ =	swait.ge [sflag:s20], $0x4000  }
0x72: {  	[sflag:s20] =	ssyncset.done $0x0  }
0x73: {  	s10 =	simm.s32 $0x900;
	[sflag:s20] =	ssyncadd.s32 $0xFFFFC000  }
0x74: {  	[spmem:s1] =	stream.indirect.scatter.add.f32 [tilespmem:s15], [sflag:$0x3], $0x80, s10, s18, $0xb8;
	[tilespmem:$0x1D000] =	vst v63  }
0x75: {  	_ =	swait.ge [sflag:s16], $0x4000  }
0x76: {  	[sflag:s16] =	ssyncset.done $0x0  }
0x77: {  	s11 =	simm.s32 $0x200;
	[sflag:s16] =	ssyncadd.s32 $0xFFFFC000  }
0x78: {  	[tilespmem:s15], [sflag:$0x1] =	stream.indirect.gather [hbm4b:s4+s18], $0x80, s11, s18, $0xb8;
	[tilespmem:$0x1D000] =	vst v63  }
0x79: {  	_ =	swait.ge [sflag:s22], $0x4000  }
0x7a: {  	[sflag:s22] =	ssyncset.done $0x0  }
0x7b: {  	s10 =	simm.s32 $0x980;
	[sflag:s22] =	ssyncadd.s32 $0xFFFFC000  }
0x7c: {  	[spmem:s1] =	stream.indirect.scatter.add.f32 [tilespmem:s19], [sflag:$0x3], $0x80, s10, s18, $0xb8;
	[tilespmem:$0x1D000] =	vst v63  }
0x7d: {  	_ =	swait.ge [sflag:s16], $0x4000  }
0x7e: {  	[sflag:s16] =	ssyncset.done $0x0  }
0x7f: {  	s11 =	simm.s32 $0x280;
	[sflag:s16] =	ssyncadd.s32 $0xFFFFC000  }
0x80: {  	[tilespmem:s19], [sflag:$0x2] =	stream.indirect.gather [hbm4b:s4+s18], $0x80, s11, s18, $0xb8;
	[tilespmem:$0x1D000] =	vst v63  }
0x81: {  	_ =	swait.ge [sflag:s20], $0x4000  }
0x82: {  	[sflag:s20] =	ssyncset.done $0x0  }
0x83: {  	s10 =	simm.s32 $0xA00;
	[sflag:s20] =	ssyncadd.s32 $0xFFFFC000  }
0x84: {  	[spmem:s1] =	stream.indirect.scatter.add.f32 [tilespmem:s15], [sflag:$0x3], $0x80, s10, s18, $0xb8;
	[tilespmem:$0x1D000] =	vst v63  }
0x85: {  	_ =	swait.ge [sflag:s16], $0x4000  }
0x86: {  	[sflag:s16] =	ssyncset.done $0x0  }
0x87: {  	s11 =	simm.s32 $0x300;
	[sflag:s16] =	ssyncadd.s32 $0xFFFFC000  }
0x88: {  	[tilespmem:s15], [sflag:$0x1] =	stream.indirect.gather [hbm4b:s4+s18], $0x80, s11, s18, $0xb8;
	[tilespmem:$0x1D000] =	vst v63  }
0x89: {  	_ =	swait.ge [sflag:s22], $0x4000  }
0x8a: {  	[sflag:s22] =	ssyncset.done $0x0  }
0x8b: {  	s10 =	simm.s32 $0xA80;
	[sflag:s22] =	ssyncadd.s32 $0xFFFFC000  }
0x8c: {  	[spmem:s1] =	stream.indirect.scatter.add.f32 [tilespmem:s19], [sflag:$0x3], $0x80, s10, s18, $0xb8;
	[tilespmem:$0x1D000] =	vst v63  }
0x8d: {  	_ =	swait.ge [sflag:s16], $0x4000  }
0x8e: {  	[sflag:s16] =	ssyncset.done $0x0  }
0x8f: {  	s11 =	simm.s32 $0x380;
	[sflag:s16] =	ssyncadd.s32 $0xFFFFC000  }
0x90: {  	[tilespmem:s19], [sflag:$0x2] =	stream.indirect.gather [hbm4b:s4+s18], $0x80, s11, s18, $0xb8;
	[tilespmem:$0x1D000] =	vst v63  }
0x91: {  	_ =	swait.ge [sflag:s20], $0x4000  }
0x92: {  	[sflag:s20] =	ssyncset.done $0x0  }
0x93: {  	s10 =	simm.s32 $0xB00;
	[sflag:s20] =	ssyncadd.s32 $0xFFFFC000  }
0x94: {  	[spmem:s1] =	stream.indirect.scatter.add.f32 [tilespmem:s15], [sflag:$0x3], $0x80, s10, s18, $0xb8;
	[tilespmem:$0x1D000] =	vst v63  }
0x95: {  	_ =	swait.ge [sflag:s16], $0x4000  }
0x96: {  	[sflag:s16] =	ssyncset.done $0x0  }
0x97: {  	s11 =	simm.s32 $0x400;
	[sflag:s16] =	ssyncadd.s32 $0xFFFFC000  }
0x98: {  	[tilespmem:s15], [sflag:$0x1] =	stream.indirect.gather [hbm4b:s4+s18], $0x80, s11, s18, $0xb8;
	[tilespmem:$0x1D000] =	vst v63  }
0x99: {  	_ =	swait.ge [sflag:s22], $0x4000  }
0x9a: {  	[sflag:s22] =	ssyncset.done $0x0  }
0x9b: {  	s10 =	simm.s32 $0xB80;
	[sflag:s22] =	ssyncadd.s32 $0xFFFFC000  }
0x9c: {  	[spmem:s1] =	stream.indirect.scatter.add.f32 [tilespmem:s19], [sflag:$0x3], $0x80, s10, s18, $0xb8;
	[tilespmem:$0x1D000] =	vst v63  }
0x9d: {  	_ =	swait.ge [sflag:s16], $0x4000  }
0x9e: {  	[sflag:s16] =	ssyncset.done $0x0  }
0x9f: {  	s11 =	simm.s32 $0x480;
	[sflag:s16] =	ssyncadd.s32 $0xFFFFC000  }
0xa0: {  	[tilespmem:s19], [sflag:$0x2] =	stream.indirect.gather [hbm4b:s4+s18], $0x80, s11, s18, $0xb8;
	[tilespmem:$0x1D000] =	vst v63  }
0xa1: {  	_ =	swait.ge [sflag:s20], $0x4000  }
0xa2: {  	[sflag:s20] =	ssyncset.done $0x0  }
0xa3: {  	[sflag:s20] =	ssyncadd.s32 $0xFFFFC000  }
0xa4: {  	[spmem:s1] =	stream.indirect.scatter.add.f32 [tilespmem:s15], [sflag:$0x3], $0x80, s13, s18, $0xb8;
	[tilespmem:$0x1D000] =	vst v63  }
0xa5: {  	_ =	swait.ge [sflag:s16], $0x4000  }
0xa6: {  	[sflag:s16] =	ssyncset.done $0x0  }
0xa7: {  	[sflag:s16] =	ssyncadd.s32 $0xFFFFC000  }
0xa8: {  	[tilespmem:s15], [sflag:$0x1] =	stream.indirect.gather [hbm4b:s4+s18], $0x80, s14, s18, $0xb8;
	[tilespmem:$0x1D000] =	vst v63  }
0xa9: {  	_ =	swait.ge [sflag:s22], $0x4000  }
0xaa: {  	[sflag:s22] =	ssyncset.done $0x0  }
0xab: {  	[sflag:s22] =	ssyncadd.s32 $0xFFFFC000  }
0xac: {  	[spmem:s1] =	stream.indirect.scatter.add.f32 [tilespmem:s19], [sflag:$0x3], $0x80, s7, s18, $0xb8;
	[tilespmem:$0x1D000] =	vst v63  }
0xad: {  	_ =	swait.ge [sflag:s16], $0x4000  }
0xae: {  	[sflag:s16] =	ssyncset.done $0x0  }
0xaf: {  	[sflag:s16] =	ssyncadd.s32 $0xFFFFC000  }
0xb0: {  	[tilespmem:s19], [sflag:$0x2] =	stream.indirect.gather [hbm4b:s4+s18], $0x80, s3, s18, $0xb8;
	[tilespmem:$0x1D000] =	vst v63  }
0xb1: {  	_ =	swait.ge [sflag:s20], $0x4000  }
0xb2: {  	[sflag:s20] =	ssyncset.done $0x0  }
0xb3: {  	[sflag:s20] =	ssyncadd.s32 $0xFFFFC000  }
0xb4: {  	[spmem:s1] =	stream.indirect.scatter.add.f32 [tilespmem:s15], [sflag:$0x3], $0x80, s21, s18, $0xb8;
	[tilespmem:$0x1D000] =	vst v63  }
0xb5: {  	_ =	swait.ge [sflag:s16], $0x4000  }
0xb6: {  	[sflag:s16] =	ssyncset.done $0x0  }
0xb7: {  	[sflag:s16] =	ssyncadd.s32 $0xFFFFC000  }
0xb8: {  	[tilespmem:s15], [sflag:$0x1] =	stream.indirect.gather [hbm4b:s4+s18], $0x80, s23, s18, $0xb8;
	[tilespmem:$0x1D000] =	vst v63  }
0xb9: {  	_ =	swait.ge [sflag:s22], $0x4000  }
0xba: {  	[sflag:s22] =	ssyncset.done $0x0  }
0xbb: {  	[sflag:s22] =	ssyncadd.s32 $0xFFFFC000  }
0xbc: {  	[spmem:s1] =	stream.indirect.scatter.add.f32 [tilespmem:s19], [sflag:$0x3], $0x80, s24, s18, $0xb8;
	[tilespmem:$0x1D000] =	vst v63  }
0xbd: {  	_ =	swait.ge [sflag:s16], $0x4000  }
0xbe: {  	[sflag:s16] =	ssyncset.done $0x0  }
0xbf: {  	[sflag:s16] =	ssyncadd.s32 $0xFFFFC000  }
0xc0: {  	[tilespmem:s19], [sflag:$0x2] =	stream.indirect.gather [hbm4b:s4+s18], $0x80, s25, s18, $0xb8;
	[tilespmem:$0x1D000] =	vst v63  }
0xc1: {  	_ =	swait.ge [sflag:s20], $0x4000  }
0xc2: {  	[sflag:s20] =	ssyncset.done $0x0  }
0xc3: {  	[sflag:s20] =	ssyncadd.s32 $0xFFFFC000  }
0xc4: {  	[spmem:s1] =	stream.indirect.scatter.add.f32 [tilespmem:s15], [sflag:$0x3], $0x80, s26, s18, $0xb8;
	[tilespmem:$0x1D000] =	vst v63  }
0xc5: {  	_ =	swait.ge [sflag:s16], $0x4000  }
0xc6: {  	[sflag:s16] =	ssyncset.done $0x0  }
0xc7: {  	[sflag:s16] =	ssyncadd.s32 $0xFFFFC000  }
0xc8: {  	[tilespmem:s15], [sflag:$0x1] =	stream.indirect.gather [hbm4b:s4+s18], $0x80, s28, s18, $0xb8;
	[tilespmem:$0x1D000] =	vst v63  }
0xc9: {  	_ =	swait.ge [sflag:s22], $0x4000  }
0xca: {  	[sflag:s22] =	ssyncset.done $0x0  }
0xcb: {  	[sflag:s22] =	ssyncadd.s32 $0xFFFFC000  }
0xcc: {  	[spmem:s1] =	stream.indirect.scatter.add.f32 [tilespmem:s19], [sflag:$0x3], $0x80, s29, s18, $0xb8;
	[tilespmem:$0x1D000] =	vst v63  }
0xcd: {  	_ =	swait.ge [sflag:s16], $0x4000  }
0xce: {  	[sflag:s16] =	ssyncset.done $0x0  }
0xcf: {  	[sflag:s16] =	ssyncadd.s32 $0xFFFFC000  }
0xd0: {  	[tilespmem:s19], [sflag:$0x2] =	stream.indirect.gather [hbm4b:s4+s18], $0x80, s30, s18, $0xb8;
	[tilespmem:$0x1D000] =	vst v63  }
0xd1: {  	_ =	swait.ge [sflag:s20], $0x4000  }
0xd2: {  	[sflag:s20] =	ssyncset.done $0x0  }
0xd3: {  	[sflag:s20] =	ssyncadd.s32 $0xFFFFC000  }
0xd4: {  	[spmem:s1] =	stream.indirect.scatter.add.f32 [tilespmem:s15], [sflag:$0x3], $0x80, s31, s18, $0xb8;
	[tilespmem:$0x1D000] =	vst v63  }
0xd5: {  	_ =	swait.ge [sflag:s16], $0x4000  }
0xd6: {  	[sflag:s16] =	ssyncset.done $0x0  }
0xd7: {  	[sflag:s16] =	ssyncadd.s32 $0xFFFFC000  }
0xd8: {  	s8 =	sadd.s32 $0x1, s8;
	_ =	swait.ge [sflag:s22], $0x4000  }
0xd9: {  	p0 =	sne.s32 s8, $0x5;
	[sflag:s22] =	ssyncset.done $0x0  }
.Ltmp2:
0xda: {  	[sflag:s22] =	ssyncadd.s32 $0xFFFFC000;
	(pc) =	sbr.rel @p0 .LBB2_4-.Ltmp2, $4  }
0xdb: {  	[spmem:s1] =	stream.indirect.scatter.add.f32 [tilespmem:s19], [sflag:$0x3], $0x80, s0, s18, $0xb8;
	[tilespmem:$0x1D000] =	vst v63  }
0xdc: {  	_ =	swait.ge [sflag:s16], $0x4000  }
0xdd: {  	[sflag:s16] =	ssyncset.done $0x0  }
0xde: {  	[sflag:s16] =	ssyncadd.s32 $0xFFFFC000  }
0xdf: {  	s2 =	stileid.u32;
	[bflag:$0x0] =	sbarrier.arrive $0xFFFF  }
0xe0: {  	s2 =	sshll.u32 s2, $0x6;
	s10 =	rddreg [dreg:$0x3]  }
0xe1: {  	s9 =	rddreg [dreg:$0x8];
	s2 =	sor.u32 $0x1C03, s2;
	s8 =	sshrl.u32 s10, $0x3  }
0xe2: {  	[hbm:s9], [sflag:s2] =	dma.local [spmem:s8], $0x2800  }
0xe3: {  	_ =	swait.ge [sflag:s16], $0x2800  }
0xe4: {  	s9 =	rddreg [dreg:$0xa]  }
0xe5: {  	s11 =	rddreg [dreg:$0x9];
	s8 =	sadd.s32 $0x1, s9  }
0xe6: {  	p0 =	sne.s32 s8, s11  }
.Ltmp3:
0xe7: {  	_ = 	snop;
	(pc) =	sbr.rel @p0 .LBB2_1-.Ltmp3, $3  }
0xe8: {  	_ =	sdelay $0x1  }
0xe9: {  	[sflag:s16] =	ssyncset.done $0x0  }
0xea: {  	[sflag:s16] =	ssyncadd.s32 $0xFFFFD800  }
0xeb: {  	_ =	sfence.sel $0x180000  }
0xec: {  	[bflag:$0x0] =	sbarrier.arrive $0xFFFF  }
0xed: {  	_ =	strace $0x9000004D  }
0xee: {  	s0 =	stileid.u32;
	[bflag:$0x2] =	sbarrier.arrive $0xFFFF  }
0xef: {  	p0 =	sne.s32 s0, $0x0;
	s0 =	rddreg [dreg:$0x2]  }
0xf0: {  	s0 =	sadd.s32 @!p0 $0x100000, s0  }
0xf1: {  	[sflag:s0] =	ssyncadd.tile.s32 @!p0 $0x1;
	_ =	shalt  }
.Lfunc_end2:
_tile_overlayer_lowered:
.L_overlay_start_2:
0xf2: {  	(tag) =	ssettag $0x2  }
0xf3: {  	s0 =	rddreg [dreg:$0x0];
	s2 =	stileid.u32  }
0xf4: {  	s1 =	rddreg [dreg:$0x1];
	p0 =	sne.s32 s2, $0x0  }
0xf5: {  	s3 =	rddreg [dreg:$0x2];
	[bflag:$0x3] =	sbarrier.arrive $0xFFFF;
	s2 =	simm.s32 @!p0 $0x1C03  }
0xf6: {  	[timem:s3], [sflag:s2] =	dma.local @!p0 [hbm:s0], s1  }
0xf7: {  	s0 =	simm.s32 @!p0 $0x3  }
0xf8: {  	_ =	swait.ge @!p0 [sflag:s0], s1  }
0xf9: {  	s1 =	ssub.s32 @!p0 $0x0, s1;
	[sflag:s0] =	ssyncset.done @!p0 $0x0  }
0xfa: {  	[sflag:s0] =	ssyncadd.s32 @!p0 s1  }
0xfb: {  	[bflag:$0x3] =	sbarrier.arrive $0xFFFF  }
0xfc: {  	_ =	shalt  }

// kernel: kernel.21.cloned.1.call-start
scs
__scs_entry_jumppad:
0x0: {  	(pc) =	sbr.rel $0x88, $3  }
0x1: {  	(tag) =	ssettag $0x0;
	lr =	simm.s32 $0x1  }
0x2: {  	[smem:$0x3F91] =	sst lr;
	_ =	strace $0xD0000000  }
0x3: {  	_ = 	snop  }
0x4: {  	_ = 	snop  }
0x5: {  	_ = 	snop  }
0x6: {  	_ = 	snop  }
0x7: {  	_ = 	snop  }
__scs_overlays_trampoline_lowered:
0x8: {  	[smem:$0x3FA0] =	sst s0  }
0x9: {  	[smem:$0x3FA1] =	sst s1  }
0xa: {  	[smem:$0x3FA2] =	sst s2  }
0xb: {  	[smem:$0x3FA3] =	sst s3  }
0xc: {  	[smem:$0x3FA4] =	sst s4  }
0xd: {  	[smem:$0x3FA5] =	sst s5  }
0xe: {  	[smem:$0x3FA6] =	sst s6  }
0xf: {  	[smem:$0x3FA7] =	sst s7  }
0x10: {  	[smem:$0x3FA8] =	sst s8  }
0x11: {  	[smem:$0x3FA9] =	sst s9;
	s0 =	simm.s32 @!p0 $0x0  }
0x12: {  	s1 =	sld [smem:$0x3F8F];
	s0 =	simm.s32 @p0 $0x1  }
0x13: {  	[smem:$0x3FAA] =	sst s0;
	s0 =	simm.s32 @!p1 $0x0  }
0x14: {  	s2 =	sld [smem:$0x3F8E];
	s0 =	simm.s32 @p1 $0x1  }
0x15: {  	[smem:$0x3FAB] =	sst s0;
	s0 =	simm.s32 @!p2 $0x0  }
0x16: {  	s3 =	sld [smem:$0x3FDB];
	s0 =	simm.s32 @p2 $0x1  }
0x17: {  	s4 =	simm.s32 $0x1BF5;
	[smem:$0x3FAD] =	sst s0  }
0x18: {  	s0 =	sld [smem:$0x3F90];
	_ =	swait.ge [sflag:s4], $0x0  }
0x19: {  	s7 =	sld [smem:$0x3F91]  }
0x1a: {  	s8 =	sadd.s32 $0xFFFFE003, lr  }
0x1b: {  	s9 =	sadd.s32 $0xFFFFFEF7, lr;
	s5 =	simm.s32 $0xFFFFFFFF;
	p2 =	slt.u32 s8, $0xFFFFF086  }
0x1c: {  	p1 =	slt.u32 s9, $0xF7A;
	s5 =	simm.s32 @!p2 $0x0  }
0x1d: {  	s5 =	simm.s32 @p1 $0x1;
	p0 =	seq.s32 s7, s2  }
0x1e: {  	s7 =	smul.u32 @!p0 $0xF7A, s2;
	p2 =	seq.s32 @!p0 s5, $0x0  }
0x1f: {  	s9 =	smul.u32 $0xF7A, s1;
	s8 =	simm.s32 @!p0 $0x1BF5;
	p2 =	por !p2, p0  }
0x20: {  	[sflag:s8] =	ssyncset.s32 @!p0 $0xFFFFF086;
	s6 =	sadd.s32 @!p0 s3, s7;
	s7 =	simm.s32 @!p0 $0x108  }
0x21: {  	s3 =	sadd.s32 s3, s9;
	s6 =	sadd.s32 @!p0 $0x88, s6;
	s7 =	simm.s32 @p2 $0x1082  }
0x22: {  	[simem:s7], [sflag:s8] =	dma.local @!p0 [hbm:s6], $0xF7A  }
0x23: {  	s9 =	sor.u32 $0xD0000000, s2;
	s6 =	simm.s32 $0x108;
	_ =	swait.ge @!p0 [sflag:s8], $0x0  }
0x24: {  	s3 =	sadd.s32 $0x88, s3;
	s6 =	simm.s32 @!p1 $0x1082;
	[sflag:s4] =	ssyncset.s32 $0xFFFFF086  }
0x25: {  	[simem:s6], [sflag:s4] =	dma.local [hbm:s3], $0xF7A  }
0x26: {  	[smem:$0x3F91] =	sst s1;
	(tag) =	ssettag s2;
	_ =	strace s9  }
0x27: {  	s1 =	sld [smem:$0x3FA1]  }
0x28: {  	s2 =	sld [smem:$0x3FA2]  }
0x29: {  	s4 =	sld [smem:$0x3FA4]  }
0x2a: {  	p0 =	seq.s32 s5, $0x0;
	s5 =	sld [smem:$0x3FA5]  }
0x2b: {  	s6 =	sld [smem:$0x3FA6]  }
0x2c: {  	s7 =	sld [smem:$0x3FA7]  }
0x2d: {  	s3 =	simm.s32 $0x108;
	s8 =	sld [smem:$0x3FA8]  }
0x2e: {  	s3 =	simm.s32 @!p0 $0x1082;
	s9 =	sld [smem:$0x3FA9]  }
0x2f: {  	lr =	sadd.s32 s0, s3;
	s0 =	sld [smem:$0x3FA0]  }
0x30: {  	s3 =	sld [smem:$0x3FA3]  }
0x31: {  	[smem:$0x3FAC] =	sst s10  }
0x32: {  	s10 =	sld [smem:$0x3FAA];
	_ =	sdelay $0x3  }
0x33: {  	p0 =	seq.s32 s10, $0x1;
	s10 =	sld [smem:$0x3FAC];
	_ =	sdelay $0x3  }
0x34: {  	[smem:$0x3FAC] =	sst s10  }
0x35: {  	s10 =	sld [smem:$0x3FAB];
	_ =	sdelay $0x3  }
0x36: {  	p1 =	seq.s32 s10, $0x1;
	s10 =	sld [smem:$0x3FAC];
	_ =	sdelay $0x3  }
0x37: {  	[smem:$0x3FAC] =	sst s10  }
0x38: {  	s10 =	sld [smem:$0x3FAD]  }
0x39: {  	_ = 	snop;
	(pc) =	sbr.ind lr, $3  }
0x3a: {  	_ = 	snop  }
0x3b: {  	_ = 	snop  }
0x3c: {  	p2 =	seq.s32 s10, $0x1;
	s10 =	sld [smem:$0x3FAC]  }
0x3d: {  	_ =	shalt  }
0x3e: {  	_ =	shalt  }
0x3f: {  	_ =	shalt  }
0x40: {  	_ =	shalt  }
0x41: {  	_ =	shalt  }
0x42: {  	_ =	shalt  }
0x43: {  	_ =	shalt  }
0x44: {  	_ =	shalt  }
0x45: {  	_ =	shalt  }
0x46: {  	_ =	shalt  }
0x47: {  	_ =	shalt  }
0x48: {  	_ =	shalt  }
0x49: {  	_ =	shalt  }
0x4a: {  	_ =	shalt  }
0x4b: {  	_ =	shalt  }
0x4c: {  	_ =	shalt  }
0x4d: {  	_ =	shalt  }
0x4e: {  	_ =	shalt  }
0x4f: {  	_ =	shalt  }
0x50: {  	_ =	shalt  }
0x51: {  	_ =	shalt  }
0x52: {  	_ =	shalt  }
0x53: {  	_ =	shalt  }
0x54: {  	_ =	shalt  }
0x55: {  	_ =	shalt  }
0x56: {  	_ =	shalt  }
0x57: {  	_ =	shalt  }
0x58: {  	_ =	shalt  }
0x59: {  	_ =	shalt  }
0x5a: {  	_ =	shalt  }
0x5b: {  	_ =	shalt  }
0x5c: {  	_ =	shalt  }
0x5d: {  	_ =	shalt  }
0x5e: {  	_ =	shalt  }
0x5f: {  	_ =	shalt  }
0x60: {  	_ =	shalt  }
0x61: {  	_ =	shalt  }
0x62: {  	_ =	shalt  }
0x63: {  	_ =	shalt  }
0x64: {  	_ =	shalt  }
0x65: {  	_ =	shalt  }
0x66: {  	_ =	shalt  }
0x67: {  	_ =	shalt  }
0x68: {  	_ =	shalt  }
0x69: {  	_ =	shalt  }
0x6a: {  	_ =	shalt  }
0x6b: {  	_ =	shalt  }
0x6c: {  	_ =	shalt  }
0x6d: {  	_ =	shalt  }
0x6e: {  	_ =	shalt  }
0x6f: {  	_ =	shalt  }
0x70: {  	_ =	shalt  }
0x71: {  	_ =	shalt  }
0x72: {  	_ =	shalt  }
0x73: {  	_ =	shalt  }
0x74: {  	_ =	shalt  }
0x75: {  	_ =	shalt  }
0x76: {  	_ =	shalt  }
0x77: {  	_ =	shalt  }
0x78: {  	_ =	shalt  }
0x79: {  	_ =	shalt  }
0x7a: {  	_ =	shalt  }
0x7b: {  	_ =	shalt  }
0x7c: {  	_ =	shalt  }
0x7d: {  	_ =	shalt  }
0x7e: {  	_ =	shalt  }
0x7f: {  	_ =	shalt  }
0x80: {  	_ =	shalt  }
0x81: {  	_ =	shalt  }
0x82: {  	_ =	shalt  }
0x83: {  	_ =	shalt  }
0x84: {  	_ =	shalt  }
0x85: {  	_ =	shalt  }
0x86: {  	_ =	shalt  }
0x87: {  	_ =	shalt  }
.Lfunc_end0:
.L_simem_size_0:
called_computation.3_lowered:
.L_overlay_start_0:
0x88: {  	s2 =	sld [smem:$0x3FD9]  }
0x89: {  	s3 =	sld [smem:$0x3FFE];
	_ =	sdelay $0x1  }
0x8a: {  	s1 =	srdreg.scid  }
0x8b: {  	s0 =	sand.u32 $0x1, s1  }
0x8c: {  	s16 =	sshll.u32 s0, $0xA;
	s2 =	sadd.s32 s3, s2  }
0x8d: {  	s2 =	sadd.s32 s2, s16  }
0x8e: {  	[smem:$0x3FB8] =	sst s2  }
0x8f: {  	_ = 	snop  }
0x90: {  	(tm) =	ssettm $0x1  }
0x91: {  	s17 =	sld [smem:$0x3FFB];
	_ =	sdelay $0x3  }
0x92: {  	_ =	strace s17  }
0x93: {  	s2 =	sld [smem:$0x3FFC];
	_ =	sdelay $0x3  }
0x94: {  	_ =	strace s2  }
0x95: {  	s2 =	sld [smem:$0x3FFD];
	_ =	sdelay $0x3  }
0x96: {  	_ =	strace s2  }
0x97: {  	_ =	strace $0x8FFFFFFF  }
0x98: {  	s18 =	sld [smem:$0x3FDB];
	_ =	sdelay $0x1  }
0x99: {  	s19 =	simm.s32 $_scs_section_size  }
0x9a: {  	s4 =	simm.s32 $_size__tile_overlayer_lowered;
	s5 =	simm.s32 $_tile_overlayer_lowered  }
0x9b: {  	s22 =	simm.s32 $0x1BFF;
	s21 =	sshll.u32 s5, $0x1;
	s2 =	sadd.s32 s19, s18  }
0x9c: {  	s6 =	simm.s32 $0x0;
	s20 =	sshll.u32 s4, $0x1;
	s4 =	sadd.s32 s21, s2  }
0x9d: {  	[timem:s6], [sflag:s22] =	dma.local [hbm:s4], s20  }
0x9e: {  	_ =	swait.ge [sflag:s22], s20  }
0x9f: {  	s3 =	ssub.s32 $0x0, s20;
	[sflag:s22] =	ssyncset.done $0x0  }
0xa0: {  	[sflag:s22] =	ssyncadd.s32 s3;
	_ =	sdelay $0x1  }
0xa1: {  	s23 =	simm.s32 $0x1B8B  }
0xa2: {  	_ =	swait.ge [sflag:s23], $0x1  }
0xa3: {  	[sflag:s23] =	ssyncset.done $0x0  }
0xa4: {  	s25 =	simm.s32 $0x1B8E;
	s24 =	sld [smem:$0x3FFE];
	[sflag:s23] =	ssyncadd.s32 $0xFFFFFFFF  }
0xa5: {  	s26 =	simm.s32 $execute0_lowered;
	[smem:$0x3FD2] =	sst s25  }
0xa6: {  	s4 =	sshll.u32 s26, $0x1;
	_ =	strace $0x8000004F;
	[dreg:$0x1] =	wrdreg $0xFFFFFFFF  }
0xa7: {  	s28 =	simm.s32 $_size_execute0_lowered;
	s2 =	sadd.s32 s2, s4;
	[dreg:$0x0] =	wrdreg $0x0  }
0xa8: {  	s4 =	sshll.u32 s28, $0x1;
	[dreg:$0x2] =	wrdreg s2  }
0xa9: {  	[dreg:$0x3] =	wrdreg s4  }
0xaa: {  	[dreg:$0x4] =	wrdreg $0xC0  }
0xab: {  	_ =	task [dreg:s6], $0x5FFFF  }
0xac: {  	[dreg:$0x1] =	wrdreg $0xFFFFFFFF  }
0xad: {  	[dreg:$0x0] =	wrdreg $0x60  }
0xae: {  	[dreg:$0x2] =	wrdreg s24  }
0xaf: {  	[dreg:$0x3] =	wrdreg $0x90000  }
0xb0: {  	[dreg:$0x4] =	wrdreg $0x9  }
0xb1: {  	_ =	task.clear_ibuf [dreg:s6], $0x5FFFF;
	_ =	strace $0x9000004F  }
0xb2: {  	s29 =	simm.s32 $0x9;
	_ =	strace $0x80000051  }
0xb3: {  	_ =	swait.ge [sflag:s29], $0x1  }
0xb4: {  	[sflag:s29] =	ssyncadd.s32 $0xFFFFFFFF  }
0xb5: {  	_ =	strace $0x90000051  }
0xb6: {  	_ =	sfence  }
0xb7: {  	s30 =	sld [smem:$0x0];
	_ =	sdelay $0x2  }
0xb8: {  	s31 =	sshll.u32 s1, $0xD;
	s1 =	sshrl.u32 s1, $0x2  }
0xb9: {  	s3 =	sand.u32 $0x4000, s31;
	s1 =	sadd.s32 s1, s30  }
0xba: {  	s0 =	sor.u32 s3, s0;
	s1 =	sshll.u32 s1, $0x11  }
0xbb: {  	s0 =	sor.u32 s1, s0  }
0xbc: {  	s0 =	sadd.s32 $0x8F2B, s0  }
0xbd: {  	[sflag:s0] =	ssyncadd.remote.s32 $0x1  }
0xbe: {  	_ =	sfence.sel $0xFFFF  }
0xbf: {  	[dreg:$0x0] =	wrdreg $0xFFFFFFFF;
	(pc) =	sbr.abs _section_cstart, $3  }
0xc0: {  	[dreg:$0x1] =	wrdreg $0xFFFFFFFF  }
0xc1: {  	_ =	task.clear_ibuf [dreg:s6], $0x2FFFF;
	_ =	strace $0x9FFFFFFF  }
0xc2: {  	(tm) =	ssettm $0x7FFFFFFF  }
0xc3: {  	_ =	shalt  }
tec
execute0_lowered:
.L_overlay_start_1:
0x0: {  	(tag) =	ssettag $0x1  }
0x1: {  	s0 =	rddreg [dreg:$0x0]  }
0x2: {  	s1 =	rddreg [dreg:$0x1];
	s2 =	srdreg.scid;
	s4 =	simm.s32 $0x0  }
0x3: {  	s9 =	stileid.u32;
	s15 =	simm.s32 $0x1000;
	s16 =	simm.s32 $0x3  }
0x4: {  	s17 =	simm.s32 $0x800;
	s18 =	simm.s32 $0x80;
	s19 =	simm.s32 $0x5000  }
0x5: {  	s13 =	simm.s32 $0xC00;
	s14 =	simm.s32 $0x500;
	s28 =	simm.s32 $0x700  }
0x6: {  	s29 =	simm.s32 $0xE80;
	s30 =	simm.s32 $0x780;
	s7 =	smul.u32 $0x14000, s9  }
0x7: {  	s31 =	simm.s32 $0xF00;
	s2 =	sand.u32 $0x1, s2;
	s8 =	smul.u32 $0x50000, s9  }
0x8: {  	[smem:$0x7FF] =	sst s4;
	s4 =	sadd.s32 $0x5C400, s0;
	s12 =	smul.u32 $0x2800, s9  }
0x9: {  	s5 =	sadd.s32 $0x7400, s0;
	s6 =	sadd.s32 $0x2400, s0;
	s3 =	smul.u32 $0x140000, s2  }
0xa: {  	_ =	strace $0x80000050;
	s20 =	ssub.s32 $0x2, s2;
	s8 =	sshrl.u32 s8, $0x2  }
0xb: {  	s21 =	sshrl.u32 s20, $0x1;
	s3 =	sadd.s32 s7, s3;
	s10 =	sadd.s32 s8, s1  }
0xc: {  	s7 =	simm.s32 $0xC80;
	s22 =	sadd.s32 $0x4000, s10;
	[dreg:$0x3] =	wrdreg s10  }
0xd: {  	s8 =	simm.s32 $0x0;
	s23 =	sadd.s32 $0x8000, s10;
	[dreg:$0x4] =	wrdreg s22  }
0xe: {  	s3 =	sshrl.u32 s3, $0x3;
	s24 =	sadd.s32 $0xC000, s10;
	[dreg:$0x5] =	wrdreg s23  }
0xf: {  	s25 =	sadd.s32 $0x10000, s10;
	s0 =	sadd.s32 s3, s0;
	[dreg:$0x6] =	wrdreg s24  }
0x10: {  	s3 =	ssub.s32 s20, s21;
	[dreg:$0x7] =	wrdreg s25;
	s20 =	simm.s32 $0x1  }
0x11: {  	s22 =	simm.s32 $0x2;
	s21 =	simm.s32 $0xD00;
	s23 =	simm.s32 $0x600  }
0x12: {  	s24 =	simm.s32 $0xD80;
	s25 =	simm.s32 $0x680;
	s0 =	sadd.s32 $0xAC400, s0  }
0x13: {  	s26 =	smax.u32 s3, $0x1;
	s3 =	simm.s32 $0x580;
	[dreg:$0x8] =	wrdreg s0  }
0x14: {  	v1 =	vimm.f32 $0.0e+00;
	v0 =	vmov s2;
	[dreg:$0x9] =	wrdreg s26;
	s26 =	simm.s32 $0xE00;
	s0 =	simm.s32 $0xF80  }
.LBB2_1:
0x15: {  	[dreg:$0xa] =	wrdreg s8;
	s2 =	simm.s32 $0x0;
	s8 =	simm.s32 $0x200  }
.LBB2_2:
0x16: {  	p0 =	sne.s32 s8, $0xFE00;
	[tilespmem:s2+$0x1070] =	vst v1  }
0x17: {  	[tilespmem:s2+$0x1000] =	vst v1  }
0x18: {  	[tilespmem:s2+$0x1010] =	vst v1  }
.Ltmp0:
0x19: {  	[tilespmem:s2+$0x1020] =	vst v1;
	(pc) =	sbr.rel @p0 .LBB2_2-.Ltmp0, $4  }
0x1a: {  	[tilespmem:s2+$0x1030] =	vst v1  }
0x1b: {  	[tilespmem:s2+$0x1040] =	vst v1  }
0x1c: {  	[tilespmem:s2+$0x1050] =	vst v1  }
0x1d: {  	[tilespmem:s2+$0x1060] =	vst v1;
	s2 =	sshra.s32 s8, $0x2;
	s8 =	sadd.s32 $0x200, s8  }
0x1e: {  	[tilespmem:s2+$0x1070] =	vst v1  }
0x1f: {  	[tilespmem:s2+$0x1000] =	vst v1  }
0x20: {  	[tilespmem:s2+$0x1010] =	vst v1  }
0x21: {  	[tilespmem:s2+$0x1020] =	vst v1  }
0x22: {  	[tilespmem:s2+$0x1030] =	vst v1  }
0x23: {  	[tilespmem:s2+$0x1040] =	vst v1  }
0x24: {  	[tilespmem:s2+$0x1050] =	vst v1  }
0x25: {  	[tilespmem:s2+$0x1060] =	vst v1  }
0x26: {  	[spmem:s10] =	stream.linear.scatter [tilespmem:s15], [sflag:$0x3], $0x4000, $0x38;
	[tilespmem:$0x1D000] =	vst v63  }
0x27: {  	_ =	swait.ge [sflag:s16], $0x4000  }
0x28: {  	[sflag:s16] =	ssyncset.done $0x0  }
0x29: {  	s8 =	rddreg [dreg:$0x4];
	[sflag:s16] =	ssyncadd.s32 $0xFFFFC000  }
0x2a: {  	[spmem:s8] =	stream.linear.scatter [tilespmem:s15], [sflag:$0x3], $0x4000, $0x38;
	[tilespmem:$0x1D000] =	vst v63  }
0x2b: {  	_ =	swait.ge [sflag:s16], $0x4000  }
0x2c: {  	[sflag:s16] =	ssyncset.done $0x0  }
0x2d: {  	s9 =	rddreg [dreg:$0x5];
	[sflag:s16] =	ssyncadd.s32 $0xFFFFC000  }
0x2e: {  	[spmem:s9] =	stream.linear.scatter [tilespmem:s15], [sflag:$0x3], $0x4000, $0x38;
	[tilespmem:$0x1D000] =	vst v63  }
0x2f: {  	_ =	swait.ge [sflag:s16], $0x4000  }
0x30: {  	[sflag:s16] =	ssyncset.done $0x0  }
0x31: {  	s10 =	rddreg [dreg:$0x6];
	[sflag:s16] =	ssyncadd.s32 $0xFFFFC000  }
0x32: {  	[spmem:s10] =	stream.linear.scatter [tilespmem:s15], [sflag:$0x3], $0x4000, $0x38;
	[tilespmem:$0x1D000] =	vst v63  }
0x33: {  	_ =	swait.ge [sflag:s16], $0x4000  }
0x34: {  	[sflag:s16] =	ssyncset.done $0x0  }
0x35: {  	s11 =	rddreg [dreg:$0x7];
	[sflag:s16] =	ssyncadd.s32 $0xFFFFC000  }
0x36: {  	[spmem:s11] =	stream.linear.scatter [tilespmem:s15], [sflag:$0x3], $0x4000, $0x38;
	[tilespmem:$0x1D000] =	vst v63  }
0x37: {  	_ =	swait.ge [sflag:s16], $0x4000  }
0x38: {  	[sflag:s16] =	ssyncset.done $0x0  }
0x39: {  	[sflag:s16] =	ssyncadd.s32 $0xFFFFC000  }
0x3a: {  	s2 =	simm.s32 $0x0;
	s8 =	simm.s32 $0x0;
	[bflag:$0x0] =	sbarrier.arrive $0xFFFF  }
.LBB2_4:
0x3b: {  	s9 =	sshll.u32 s8, $0xB  }
0x3c: {  	s9 =	sadd.s32 s12, s9  }
0x3d: {  	s9 =	sshrl.u32 s9, $0x3  }
0x3e: {  	s10 =	sadd.s32 s5, s9  }
0x3f: {  	[tilespmem:s2], [sflag:$0x3] =	stream.linear.gather [hbm4b:s10+s2], $0x800, $0x38;
	[tilespmem:$0x1D000] =	vst v63  }
0x40: {  	_ =	swait.ge [sflag:s16], $0x800  }
0x41: {  	[sflag:s16] =	ssyncset.done $0x0  }
0x42: {  	s9 =	sadd.s32 s6, s9;
	[sflag:s16] =	ssyncadd.s32 $0xFFFFF800  }
0x43: {  	[tilespmem:s17], [sflag:$0x3] =	stream.linear.gather [hbm4b:s9+s2], $0x800, $0x38;
	[tilespmem:$0x1D000] =	vst v63  }
0x44: {  	_ =	swait.ge [sflag:s16], $0x800  }
0x45: {  	[sflag:s16] =	ssyncset.done $0x0  }
0x46: {  	s9 =	simm.s32 $0x0;
	[sflag:s16] =	ssyncadd.s32 $0xFFFFF800  }
0x47: {  	v3 =	vld [tilespmem:s9+$0x0]  }
0x48: {  	v4 =	vld [tilespmem:s9+$0x10]  }
0x49: {  	v6 =	vld [tilespmem:s9+$0x20]  }
0x4a: {  	v5 =	vld [tilespmem:s9+$0x30]  }
0x4b: {  	v2 =	vld [tilespmem:s9+$0x40]  }
0x4c: {  	v7 =	vshll.u32 v3, $0x1;
	v3 =	vld [tilespmem:s9+$0x50]  }
0x4d: {  	s10 =	simm.s32 $0x200;
	v8 =	vshll.u32 v4, $0x1;
	v4 =	vld [tilespmem:s9+$0x60];
	v7 =	vor.u32 v0, v7  }
.LBB2_5:
0x4e: {  	s11 =	sshra.s32 s10, $0x2;
	p0 =	sne.s32 s10, $0x1E00;
	[tilespmem:s9+$0x0] =	vst v7;
	v7 =	vor.u32 v0, v8;
	v6 =	vshll.u32 v6, $0x1;
	v8 =	vld [tilespmem:s9+$0x70]  }
0x4f: {  	v9 =	vld [tilespmem:s11+$0x0];
	[tilespmem:s9+$0x10] =	vst v7;
	v6 =	vor.u32 v0, v6;
	v5 =	vshll.u32 v5, $0x1  }
0x50: {  	v10 =	vld [tilespmem:s11+$0x10];
	[tilespmem:s9+$0x20] =	vst v6;
	v5 =	vor.u32 v0, v5;
	v2 =	vshll.u32 v2, $0x1  }
.Ltmp1:
0x51: {  	v6 =	vld [tilespmem:s11+$0x20];
	[tilespmem:s9+$0x30] =	vst v5;
	v2 =	vor.u32 v0, v2;
	v3 =	vshll.u32 v3, $0x1;
	(pc) =	sbr.rel @p0 .LBB2_5-.Ltmp1, $4  }
0x52: {  	v5 =	vld [tilespmem:s11+$0x30];
	[tilespmem:s9+$0x40] =	vst v2;
	v3 =	vor.u32 v0, v3;
	v4 =	vshll.u32 v4, $0x1  }
0x53: {  	v2 =	vld [tilespmem:s11+$0x40];
	[tilespmem:s9+$0x50] =	vst v3;
	v4 =	vor.u32 v0, v4;
	v7 =	vshll.u32 v8, $0x1  }
0x54: {  	v8 =	vshll.u32 v9, $0x1;
	v3 =	vld [tilespmem:s11+$0x50];
	[tilespmem:s9+$0x60] =	vst v4;
	v9 =	vor.u32 v0, v7  }
0x55: {  	s10 =	sadd.s32 $0x200, s10;
	v7 =	vor.u32 v0, v8;
	v8 =	vshll.u32 v10, $0x1;
	v4 =	vld [tilespmem:s11+$0x60];
	[tilespmem:s9+$0x70] =	vst v9;
	s9 =	smov.u32 s11  }
0x56: {  	[tilespmem:s9+$0x0] =	vst v7;
	v62 =	vor.u32 v0, v8;
	v6 =	vshll.u32 v6, $0x1;
	v63 =	vld [tilespmem:s9+$0x70]  }
0x57: {  	[tilespmem:s9+$0x10] =	vst v62;
	v6 =	vor.u32 v0, v6;
	v5 =	vshll.u32 v5, $0x1  }
0x58: {  	[tilespmem:s9+$0x20] =	vst v6;
	v5 =	vor.u32 v0, v5;
	v2 =	vshll.u32 v2, $0x1  }
0x59: {  	[tilespmem:s9+$0x30] =	vst v5;
	v2 =	vor.u32 v0, v2;
	v3 =	vshll.u32 v3, $0x1  }
0x5a: {  	[tilespmem:s9+$0x40] =	vst v2;
	v2 =	vor.u32 v0, v3;
	v3 =	vshll.u32 v4, $0x1  }
0x5b: {  	[tilespmem:s9+$0x50] =	vst v2;
	v2 =	vor.u32 v0, v3;
	v3 =	vshll.u32 v63, $0x1  }
0x5c: {  	[tilespmem:s9+$0x60] =	vst v2;
	v2 =	vor.u32 v0, v3  }
0x5d: {  	s10 =	simm.s32 $0x0;
	[tilespmem:s9+$0x70] =	vst v2  }
0x5e: {  	[tilespmem:s15], [sflag:$0x1] =	stream.indirect.gather [hbm4b:s4+s18], $0x80, s10, s18, $0xb8;
	[tilespmem:$0x1D000] =	vst v63  }
0x5f: {  	_ = 	snop  }
0x60: {  	[tilespmem:s19], [sflag:$0x2] =	stream.indirect.gather [hbm4b:s4+s18], $0x80, s18, s18, $0xb8;
	[tilespmem:$0x1D000] =	vst v63  }
0x61: {  	_ =	swait.ge [sflag:s20], $0x4000  }
0x62: {  	[sflag:s20] =	ssyncset.done $0x0  }
0x63: {  	[sflag:s20] =	ssyncadd.s32 $0xFFFFC000  }
0x64: {  	[spmem:s1] =	stream.indirect.scatter.add.f32 [tilespmem:s15], [sflag:$0x3], $0x80, s17, s18, $0xb8;
	[tilespmem:$0x1D000] =	vst v63  }
0x65: {  	_ =	swait.ge [sflag:s16], $0x4000  }
0x66: {  	[sflag:s16] =	ssyncset.done $0x0  }
0x67: {  	s11 =	simm.s32 $0x100;
	[sflag:s16] =	ssyncadd.s32 $0xFFFFC000  }
0x68: {  	[tilespmem:s15], [sflag:$0x1] =	stream.indirect.gather [hbm4b:s4+s18], $0x80, s11, s18, $0xb8;
	[tilespmem:$0x1D000] =	vst v63  }
0x69: {  	_ =	swait.ge [sflag:s22], $0x4000  }
0x6a: {  	[sflag:s22] =	ssyncset.done $0x0  }
0x6b: {  	s10 =	simm.s32 $0x880;
	[sflag:s22] =	ssyncadd.s32 $0xFFFFC000  }
0x6c: {  	[spmem:s1] =	stream.indirect.scatter.add.f32 [tilespmem:s19], [sflag:$0x3], $0x80, s10, s18, $0xb8;
	[tilespmem:$0x1D000] =	vst v63  }
0x6d: {  	_ =	swait.ge [sflag:s16], $0x4000  }
0x6e: {  	[sflag:s16] =	ssyncset.done $0x0  }
0x6f: {  	s11 =	simm.s32 $0x180;
	[sflag:s16] =	ssyncadd.s32 $0xFFFFC000  }
0x70: {  	[tilespmem:s19], [sflag:$0x2] =	stream.indirect.gather [hbm4b:s4+s18], $0x80, s11, s18, $0xb8;
	[tilespmem:$0x1D000] =	vst v63  }
0x71: {  	_ =	swait.ge [sflag:s20], $0x4000  }
0x72: {  	[sflag:s20] =	ssyncset.done $0x0  }
0x73: {  	s10 =	simm.s32 $0x900;
	[sflag:s20] =	ssyncadd.s32 $0xFFFFC000  }
0x74: {  	[spmem:s1] =	stream.indirect.scatter.add.f32 [tilespmem:s15], [sflag:$0x3], $0x80, s10, s18, $0xb8;
	[tilespmem:$0x1D000] =	vst v63  }
0x75: {  	_ =	swait.ge [sflag:s16], $0x4000  }
0x76: {  	[sflag:s16] =	ssyncset.done $0x0  }
0x77: {  	s11 =	simm.s32 $0x200;
	[sflag:s16] =	ssyncadd.s32 $0xFFFFC000  }
0x78: {  	[tilespmem:s15], [sflag:$0x1] =	stream.indirect.gather [hbm4b:s4+s18], $0x80, s11, s18, $0xb8;
	[tilespmem:$0x1D000] =	vst v63  }
0x79: {  	_ =	swait.ge [sflag:s22], $0x4000  }
0x7a: {  	[sflag:s22] =	ssyncset.done $0x0  }
0x7b: {  	s10 =	simm.s32 $0x980;
	[sflag:s22] =	ssyncadd.s32 $0xFFFFC000  }
0x7c: {  	[spmem:s1] =	stream.indirect.scatter.add.f32 [tilespmem:s19], [sflag:$0x3], $0x80, s10, s18, $0xb8;
	[tilespmem:$0x1D000] =	vst v63  }
0x7d: {  	_ =	swait.ge [sflag:s16], $0x4000  }
0x7e: {  	[sflag:s16] =	ssyncset.done $0x0  }
0x7f: {  	s11 =	simm.s32 $0x280;
	[sflag:s16] =	ssyncadd.s32 $0xFFFFC000  }
0x80: {  	[tilespmem:s19], [sflag:$0x2] =	stream.indirect.gather [hbm4b:s4+s18], $0x80, s11, s18, $0xb8;
	[tilespmem:$0x1D000] =	vst v63  }
0x81: {  	_ =	swait.ge [sflag:s20], $0x4000  }
0x82: {  	[sflag:s20] =	ssyncset.done $0x0  }
0x83: {  	s10 =	simm.s32 $0xA00;
	[sflag:s20] =	ssyncadd.s32 $0xFFFFC000  }
0x84: {  	[spmem:s1] =	stream.indirect.scatter.add.f32 [tilespmem:s15], [sflag:$0x3], $0x80, s10, s18, $0xb8;
	[tilespmem:$0x1D000] =	vst v63  }
0x85: {  	_ =	swait.ge [sflag:s16], $0x4000  }
0x86: {  	[sflag:s16] =	ssyncset.done $0x0  }
0x87: {  	s11 =	simm.s32 $0x300;
	[sflag:s16] =	ssyncadd.s32 $0xFFFFC000  }
0x88: {  	[tilespmem:s15], [sflag:$0x1] =	stream.indirect.gather [hbm4b:s4+s18], $0x80, s11, s18, $0xb8;
	[tilespmem:$0x1D000] =	vst v63  }
0x89: {  	_ =	swait.ge [sflag:s22], $0x4000  }
0x8a: {  	[sflag:s22] =	ssyncset.done $0x0  }
0x8b: {  	s10 =	simm.s32 $0xA80;
	[sflag:s22] =	ssyncadd.s32 $0xFFFFC000  }
0x8c: {  	[spmem:s1] =	stream.indirect.scatter.add.f32 [tilespmem:s19], [sflag:$0x3], $0x80, s10, s18, $0xb8;
	[tilespmem:$0x1D000] =	vst v63  }
0x8d: {  	_ =	swait.ge [sflag:s16], $0x4000  }
0x8e: {  	[sflag:s16] =	ssyncset.done $0x0  }
0x8f: {  	s11 =	simm.s32 $0x380;
	[sflag:s16] =	ssyncadd.s32 $0xFFFFC000  }
0x90: {  	[tilespmem:s19], [sflag:$0x2] =	stream.indirect.gather [hbm4b:s4+s18], $0x80, s11, s18, $0xb8;
	[tilespmem:$0x1D000] =	vst v63  }
0x91: {  	_ =	swait.ge [sflag:s20], $0x4000  }
0x92: {  	[sflag:s20] =	ssyncset.done $0x0  }
0x93: {  	s10 =	simm.s32 $0xB00;
	[sflag:s20] =	ssyncadd.s32 $0xFFFFC000  }
0x94: {  	[spmem:s1] =	stream.indirect.scatter.add.f32 [tilespmem:s15], [sflag:$0x3], $0x80, s10, s18, $0xb8;
	[tilespmem:$0x1D000] =	vst v63  }
0x95: {  	_ =	swait.ge [sflag:s16], $0x4000  }
0x96: {  	[sflag:s16] =	ssyncset.done $0x0  }
0x97: {  	s11 =	simm.s32 $0x400;
	[sflag:s16] =	ssyncadd.s32 $0xFFFFC000  }
0x98: {  	[tilespmem:s15], [sflag:$0x1] =	stream.indirect.gather [hbm4b:s4+s18], $0x80, s11, s18, $0xb8;
	[tilespmem:$0x1D000] =	vst v63  }
0x99: {  	_ =	swait.ge [sflag:s22], $0x4000  }
0x9a: {  	[sflag:s22] =	ssyncset.done $0x0  }
0x9b: {  	s10 =	simm.s32 $0xB80;
	[sflag:s22] =	ssyncadd.s32 $0xFFFFC000  }
0x9c: {  	[spmem:s1] =	stream.indirect.scatter.add.f32 [tilespmem:s19], [sflag:$0x3], $0x80, s10, s18, $0xb8;
	[tilespmem:$0x1D000] =	vst v63  }
0x9d: {  	_ =	swait.ge [sflag:s16], $0x4000  }
0x9e: {  	[sflag:s16] =	ssyncset.done $0x0  }
0x9f: {  	s11 =	simm.s32 $0x480;
	[sflag:s16] =	ssyncadd.s32 $0xFFFFC000  }
0xa0: {  	[tilespmem:s19], [sflag:$0x2] =	stream.indirect.gather [hbm4b:s4+s18], $0x80, s11, s18, $0xb8;
	[tilespmem:$0x1D000] =	vst v63  }
0xa1: {  	_ =	swait.ge [sflag:s20], $0x4000  }
0xa2: {  	[sflag:s20] =	ssyncset.done $0x0  }
0xa3: {  	[sflag:s20] =	ssyncadd.s32 $0xFFFFC000  }
0xa4: {  	[spmem:s1] =	stream.indirect.scatter.add.f32 [tilespmem:s15], [sflag:$0x3], $0x80, s13, s18, $0xb8;
	[tilespmem:$0x1D000] =	vst v63  }
0xa5: {  	_ =	swait.ge [sflag:s16], $0x4000  }
0xa6: {  	[sflag:s16] =	ssyncset.done $0x0  }
0xa7: {  	[sflag:s16] =	ssyncadd.s32 $0xFFFFC000  }
0xa8: {  	[tilespmem:s15], [sflag:$0x1] =	stream.indirect.gather [hbm4b:s4+s18], $0x80, s14, s18, $0xb8;
	[tilespmem:$0x1D000] =	vst v63  }
0xa9: {  	_ =	swait.ge [sflag:s22], $0x4000  }
0xaa: {  	[sflag:s22] =	ssyncset.done $0x0  }
0xab: {  	[sflag:s22] =	ssyncadd.s32 $0xFFFFC000  }
0xac: {  	[spmem:s1] =	stream.indirect.scatter.add.f32 [tilespmem:s19], [sflag:$0x3], $0x80, s7, s18, $0xb8;
	[tilespmem:$0x1D000] =	vst v63  }
0xad: {  	_ =	swait.ge [sflag:s16], $0x4000  }
0xae: {  	[sflag:s16] =	ssyncset.done $0x0  }
0xaf: {  	[sflag:s16] =	ssyncadd.s32 $0xFFFFC000  }
0xb0: {  	[tilespmem:s19], [sflag:$0x2] =	stream.indirect.gather [hbm4b:s4+s18], $0x80, s3, s18, $0xb8;
	[tilespmem:$0x1D000] =	vst v63  }
0xb1: {  	_ =	swait.ge [sflag:s20], $0x4000  }
0xb2: {  	[sflag:s20] =	ssyncset.done $0x0  }
0xb3: {  	[sflag:s20] =	ssyncadd.s32 $0xFFFFC000  }
0xb4: {  	[spmem:s1] =	stream.indirect.scatter.add.f32 [tilespmem:s15], [sflag:$0x3], $0x80, s21, s18, $0xb8;
	[tilespmem:$0x1D000] =	vst v63  }
0xb5: {  	_ =	swait.ge [sflag:s16], $0x4000  }
0xb6: {  	[sflag:s16] =	ssyncset.done $0x0  }
0xb7: {  	[sflag:s16] =	ssyncadd.s32 $0xFFFFC000  }
0xb8: {  	[tilespmem:s15], [sflag:$0x1] =	stream.indirect.gather [hbm4b:s4+s18], $0x80, s23, s18, $0xb8;
	[tilespmem:$0x1D000] =	vst v63  }
0xb9: {  	_ =	swait.ge [sflag:s22], $0x4000  }
0xba: {  	[sflag:s22] =	ssyncset.done $0x0  }
0xbb: {  	[sflag:s22] =	ssyncadd.s32 $0xFFFFC000  }
0xbc: {  	[spmem:s1] =	stream.indirect.scatter.add.f32 [tilespmem:s19], [sflag:$0x3], $0x80, s24, s18, $0xb8;
	[tilespmem:$0x1D000] =	vst v63  }
0xbd: {  	_ =	swait.ge [sflag:s16], $0x4000  }
0xbe: {  	[sflag:s16] =	ssyncset.done $0x0  }
0xbf: {  	[sflag:s16] =	ssyncadd.s32 $0xFFFFC000  }
0xc0: {  	[tilespmem:s19], [sflag:$0x2] =	stream.indirect.gather [hbm4b:s4+s18], $0x80, s25, s18, $0xb8;
	[tilespmem:$0x1D000] =	vst v63  }
0xc1: {  	_ =	swait.ge [sflag:s20], $0x4000  }
0xc2: {  	[sflag:s20] =	ssyncset.done $0x0  }
0xc3: {  	[sflag:s20] =	ssyncadd.s32 $0xFFFFC000  }
0xc4: {  	[spmem:s1] =	stream.indirect.scatter.add.f32 [tilespmem:s15], [sflag:$0x3], $0x80, s26, s18, $0xb8;
	[tilespmem:$0x1D000] =	vst v63  }
0xc5: {  	_ =	swait.ge [sflag:s16], $0x4000  }
0xc6: {  	[sflag:s16] =	ssyncset.done $0x0  }
0xc7: {  	[sflag:s16] =	ssyncadd.s32 $0xFFFFC000  }
0xc8: {  	[tilespmem:s15], [sflag:$0x1] =	stream.indirect.gather [hbm4b:s4+s18], $0x80, s28, s18, $0xb8;
	[tilespmem:$0x1D000] =	vst v63  }
0xc9: {  	_ =	swait.ge [sflag:s22], $0x4000  }
0xca: {  	[sflag:s22] =	ssyncset.done $0x0  }
0xcb: {  	[sflag:s22] =	ssyncadd.s32 $0xFFFFC000  }
0xcc: {  	[spmem:s1] =	stream.indirect.scatter.add.f32 [tilespmem:s19], [sflag:$0x3], $0x80, s29, s18, $0xb8;
	[tilespmem:$0x1D000] =	vst v63  }
0xcd: {  	_ =	swait.ge [sflag:s16], $0x4000  }
0xce: {  	[sflag:s16] =	ssyncset.done $0x0  }
0xcf: {  	[sflag:s16] =	ssyncadd.s32 $0xFFFFC000  }
0xd0: {  	[tilespmem:s19], [sflag:$0x2] =	stream.indirect.gather [hbm4b:s4+s18], $0x80, s30, s18, $0xb8;
	[tilespmem:$0x1D000] =	vst v63  }
0xd1: {  	_ =	swait.ge [sflag:s20], $0x4000  }
0xd2: {  	[sflag:s20] =	ssyncset.done $0x0  }
0xd3: {  	[sflag:s20] =	ssyncadd.s32 $0xFFFFC000  }
0xd4: {  	[spmem:s1] =	stream.indirect.scatter.add.f32 [tilespmem:s15], [sflag:$0x3], $0x80, s31, s18, $0xb8;
	[tilespmem:$0x1D000] =	vst v63  }
0xd5: {  	_ =	swait.ge [sflag:s16], $0x4000  }
0xd6: {  	[sflag:s16] =	ssyncset.done $0x0  }
0xd7: {  	[sflag:s16] =	ssyncadd.s32 $0xFFFFC000  }
0xd8: {  	s8 =	sadd.s32 $0x1, s8;
	_ =	swait.ge [sflag:s22], $0x4000  }
0xd9: {  	p0 =	sne.s32 s8, $0x5;
	[sflag:s22] =	ssyncset.done $0x0  }
.Ltmp2:
0xda: {  	[sflag:s22] =	ssyncadd.s32 $0xFFFFC000;
	(pc) =	sbr.rel @p0 .LBB2_4-.Ltmp2, $4  }
0xdb: {  	[spmem:s1] =	stream.indirect.scatter.add.f32 [tilespmem:s19], [sflag:$0x3], $0x80, s0, s18, $0xb8;
	[tilespmem:$0x1D000] =	vst v63  }
0xdc: {  	_ =	swait.ge [sflag:s16], $0x4000  }
0xdd: {  	[sflag:s16] =	ssyncset.done $0x0  }
0xde: {  	[sflag:s16] =	ssyncadd.s32 $0xFFFFC000  }
0xdf: {  	s2 =	stileid.u32;
	[bflag:$0x0] =	sbarrier.arrive $0xFFFF  }
0xe0: {  	s2 =	sshll.u32 s2, $0x6;
	s10 =	rddreg [dreg:$0x3]  }
0xe1: {  	s9 =	rddreg [dreg:$0x8];
	s2 =	sor.u32 $0x1C03, s2;
	s8 =	sshrl.u32 s10, $0x3  }
0xe2: {  	[hbm:s9], [sflag:s2] =	dma.local [spmem:s8], $0x2800  }
0xe3: {  	_ =	swait.ge [sflag:s16], $0x2800  }
0xe4: {  	s9 =	rddreg [dreg:$0xa]  }
0xe5: {  	s11 =	rddreg [dreg:$0x9];
	s8 =	sadd.s32 $0x1, s9  }
0xe6: {  	p0 =	sne.s32 s8, s11  }
.Ltmp3:
0xe7: {  	_ = 	snop;
	(pc) =	sbr.rel @p0 .LBB2_1-.Ltmp3, $3  }
0xe8: {  	_ =	sdelay $0x1  }
0xe9: {  	[sflag:s16] =	ssyncset.done $0x0  }
0xea: {  	[sflag:s16] =	ssyncadd.s32 $0xFFFFD800  }
0xeb: {  	_ =	sfence.sel $0x180000  }
0xec: {  	[bflag:$0x0] =	sbarrier.arrive $0xFFFF  }
0xed: {  	_ =	strace $0x90000050  }
0xee: {  	s0 =	stileid.u32;
	[bflag:$0x2] =	sbarrier.arrive $0xFFFF  }
0xef: {  	p0 =	sne.s32 s0, $0x0;
	s0 =	rddreg [dreg:$0x2]  }
0xf0: {  	s0 =	sadd.s32 @!p0 $0x100000, s0  }
0xf1: {  	[sflag:s0] =	ssyncadd.tile.s32 @!p0 $0x1;
	_ =	shalt  }
.Lfunc_end2:
_tile_overlayer_lowered:
.L_overlay_start_2:
0xf2: {  	(tag) =	ssettag $0x2  }
0xf3: {  	s0 =	rddreg [dreg:$0x0];
	s2 =	stileid.u32  }
0xf4: {  	s1 =	rddreg [dreg:$0x1];
	p0 =	sne.s32 s2, $0x0  }
0xf5: {  	s3 =	rddreg [dreg:$0x2];
	[bflag:$0x3] =	sbarrier.arrive $0xFFFF;
	s2 =	simm.s32 @!p0 $0x1C03  }
0xf6: {  	[timem:s3], [sflag:s2] =	dma.local @!p0 [hbm:s0], s1  }
0xf7: {  	s0 =	simm.s32 @!p0 $0x3  }
0xf8: {  	_ =	swait.ge @!p0 [sflag:s0], s1  }
0xf9: {  	s1 =	ssub.s32 @!p0 $0x0, s1;
	[sflag:s0] =	ssyncset.done @!p0 $0x0  }
0xfa: {  	[sflag:s0] =	ssyncadd.s32 @!p0 s1  }
0xfb: {  	[bflag:$0x3] =	sbarrier.arrive $0xFFFF  }
0xfc: {  	_ =	shalt  }

// kernel: kernel.24.cloned.1.call-start
scs
__scs_entry_jumppad:
0x0: {  	(pc) =	sbr.rel $0x88, $3  }
0x1: {  	(tag) =	ssettag $0x0;
	lr =	simm.s32 $0x1  }
0x2: {  	[smem:$0x3F91] =	sst lr;
	_ =	strace $0xD0000000  }
0x3: {  	_ = 	snop  }
0x4: {  	_ = 	snop  }
0x5: {  	_ = 	snop  }
0x6: {  	_ = 	snop  }
0x7: {  	_ = 	snop  }
__scs_overlays_trampoline_lowered:
0x8: {  	[smem:$0x3FA0] =	sst s0  }
0x9: {  	[smem:$0x3FA1] =	sst s1  }
0xa: {  	[smem:$0x3FA2] =	sst s2  }
0xb: {  	[smem:$0x3FA3] =	sst s3  }
0xc: {  	[smem:$0x3FA4] =	sst s4  }
0xd: {  	[smem:$0x3FA5] =	sst s5  }
0xe: {  	[smem:$0x3FA6] =	sst s6  }
0xf: {  	[smem:$0x3FA7] =	sst s7  }
0x10: {  	[smem:$0x3FA8] =	sst s8  }
0x11: {  	[smem:$0x3FA9] =	sst s9;
	s0 =	simm.s32 @!p0 $0x0  }
0x12: {  	s1 =	sld [smem:$0x3F8F];
	s0 =	simm.s32 @p0 $0x1  }
0x13: {  	[smem:$0x3FAA] =	sst s0;
	s0 =	simm.s32 @!p1 $0x0  }
0x14: {  	s2 =	sld [smem:$0x3F8E];
	s0 =	simm.s32 @p1 $0x1  }
0x15: {  	[smem:$0x3FAB] =	sst s0;
	s0 =	simm.s32 @!p2 $0x0  }
0x16: {  	s3 =	sld [smem:$0x3FDB];
	s0 =	simm.s32 @p2 $0x1  }
0x17: {  	s4 =	simm.s32 $0x1BF5;
	[smem:$0x3FAD] =	sst s0  }
0x18: {  	s0 =	sld [smem:$0x3F90];
	_ =	swait.ge [sflag:s4], $0x0  }
0x19: {  	s7 =	sld [smem:$0x3F91]  }
0x1a: {  	s8 =	sadd.s32 $0xFFFFE003, lr  }
0x1b: {  	s9 =	sadd.s32 $0xFFFFFEF7, lr;
	s5 =	simm.s32 $0xFFFFFFFF;
	p2 =	slt.u32 s8, $0xFFFFF086  }
0x1c: {  	p1 =	slt.u32 s9, $0xF7A;
	s5 =	simm.s32 @!p2 $0x0  }
0x1d: {  	s5 =	simm.s32 @p1 $0x1;
	p0 =	seq.s32 s7, s2  }
0x1e: {  	s7 =	smul.u32 @!p0 $0xF7A, s2;
	p2 =	seq.s32 @!p0 s5, $0x0  }
0x1f: {  	s9 =	smul.u32 $0xF7A, s1;
	s8 =	simm.s32 @!p0 $0x1BF5;
	p2 =	por !p2, p0  }
0x20: {  	[sflag:s8] =	ssyncset.s32 @!p0 $0xFFFFF086;
	s6 =	sadd.s32 @!p0 s3, s7;
	s7 =	simm.s32 @!p0 $0x108  }
0x21: {  	s3 =	sadd.s32 s3, s9;
	s6 =	sadd.s32 @!p0 $0x88, s6;
	s7 =	simm.s32 @p2 $0x1082  }
0x22: {  	[simem:s7], [sflag:s8] =	dma.local @!p0 [hbm:s6], $0xF7A  }
0x23: {  	s9 =	sor.u32 $0xD0000000, s2;
	s6 =	simm.s32 $0x108;
	_ =	swait.ge @!p0 [sflag:s8], $0x0  }
0x24: {  	s3 =	sadd.s32 $0x88, s3;
	s6 =	simm.s32 @!p1 $0x1082;
	[sflag:s4] =	ssyncset.s32 $0xFFFFF086  }
0x25: {  	[simem:s6], [sflag:s4] =	dma.local [hbm:s3], $0xF7A  }
0x26: {  	[smem:$0x3F91] =	sst s1;
	(tag) =	ssettag s2;
	_ =	strace s9  }
0x27: {  	s1 =	sld [smem:$0x3FA1]  }
0x28: {  	s2 =	sld [smem:$0x3FA2]  }
0x29: {  	s4 =	sld [smem:$0x3FA4]  }
0x2a: {  	p0 =	seq.s32 s5, $0x0;
	s5 =	sld [smem:$0x3FA5]  }
0x2b: {  	s6 =	sld [smem:$0x3FA6]  }
0x2c: {  	s7 =	sld [smem:$0x3FA7]  }
0x2d: {  	s3 =	simm.s32 $0x108;
	s8 =	sld [smem:$0x3FA8]  }
0x2e: {  	s3 =	simm.s32 @!p0 $0x1082;
	s9 =	sld [smem:$0x3FA9]  }
0x2f: {  	lr =	sadd.s32 s0, s3;
	s0 =	sld [smem:$0x3FA0]  }
0x30: {  	s3 =	sld [smem:$0x3FA3]  }
0x31: {  	[smem:$0x3FAC] =	sst s10  }
0x32: {  	s10 =	sld [smem:$0x3FAA];
	_ =	sdelay $0x3  }
0x33: {  	p0 =	seq.s32 s10, $0x1;
	s10 =	sld [smem:$0x3FAC];
	_ =	sdelay $0x3  }
0x34: {  	[smem:$0x3FAC] =	sst s10  }
0x35: {  	s10 =	sld [smem:$0x3FAB];
	_ =	sdelay $0x3  }
0x36: {  	p1 =	seq.s32 s10, $0x1;
	s10 =	sld [smem:$0x3FAC];
	_ =	sdelay $0x3  }
0x37: {  	[smem:$0x3FAC] =	sst s10  }
0x38: {  	s10 =	sld [smem:$0x3FAD]  }
0x39: {  	_ = 	snop;
	(pc) =	sbr.ind lr, $3  }
0x3a: {  	_ = 	snop  }
0x3b: {  	_ = 	snop  }
0x3c: {  	p2 =	seq.s32 s10, $0x1;
	s10 =	sld [smem:$0x3FAC]  }
0x3d: {  	_ =	shalt  }
0x3e: {  	_ =	shalt  }
0x3f: {  	_ =	shalt  }
0x40: {  	_ =	shalt  }
0x41: {  	_ =	shalt  }
0x42: {  	_ =	shalt  }
0x43: {  	_ =	shalt  }
0x44: {  	_ =	shalt  }
0x45: {  	_ =	shalt  }
0x46: {  	_ =	shalt  }
0x47: {  	_ =	shalt  }
0x48: {  	_ =	shalt  }
0x49: {  	_ =	shalt  }
0x4a: {  	_ =	shalt  }
0x4b: {  	_ =	shalt  }
0x4c: {  	_ =	shalt  }
0x4d: {  	_ =	shalt  }
0x4e: {  	_ =	shalt  }
0x4f: {  	_ =	shalt  }
0x50: {  	_ =	shalt  }
0x51: {  	_ =	shalt  }
0x52: {  	_ =	shalt  }
0x53: {  	_ =	shalt  }
0x54: {  	_ =	shalt  }
0x55: {  	_ =	shalt  }
0x56: {  	_ =	shalt  }
0x57: {  	_ =	shalt  }
0x58: {  	_ =	shalt  }
0x59: {  	_ =	shalt  }
0x5a: {  	_ =	shalt  }
0x5b: {  	_ =	shalt  }
0x5c: {  	_ =	shalt  }
0x5d: {  	_ =	shalt  }
0x5e: {  	_ =	shalt  }
0x5f: {  	_ =	shalt  }
0x60: {  	_ =	shalt  }
0x61: {  	_ =	shalt  }
0x62: {  	_ =	shalt  }
0x63: {  	_ =	shalt  }
0x64: {  	_ =	shalt  }
0x65: {  	_ =	shalt  }
0x66: {  	_ =	shalt  }
0x67: {  	_ =	shalt  }
0x68: {  	_ =	shalt  }
0x69: {  	_ =	shalt  }
0x6a: {  	_ =	shalt  }
0x6b: {  	_ =	shalt  }
0x6c: {  	_ =	shalt  }
0x6d: {  	_ =	shalt  }
0x6e: {  	_ =	shalt  }
0x6f: {  	_ =	shalt  }
0x70: {  	_ =	shalt  }
0x71: {  	_ =	shalt  }
0x72: {  	_ =	shalt  }
0x73: {  	_ =	shalt  }
0x74: {  	_ =	shalt  }
0x75: {  	_ =	shalt  }
0x76: {  	_ =	shalt  }
0x77: {  	_ =	shalt  }
0x78: {  	_ =	shalt  }
0x79: {  	_ =	shalt  }
0x7a: {  	_ =	shalt  }
0x7b: {  	_ =	shalt  }
0x7c: {  	_ =	shalt  }
0x7d: {  	_ =	shalt  }
0x7e: {  	_ =	shalt  }
0x7f: {  	_ =	shalt  }
0x80: {  	_ =	shalt  }
0x81: {  	_ =	shalt  }
0x82: {  	_ =	shalt  }
0x83: {  	_ =	shalt  }
0x84: {  	_ =	shalt  }
0x85: {  	_ =	shalt  }
0x86: {  	_ =	shalt  }
0x87: {  	_ =	shalt  }
.Lfunc_end0:
.L_simem_size_0:
called_computation.4_lowered:
.L_overlay_start_0:
0x88: {  	s2 =	sld [smem:$0x3FD9]  }
0x89: {  	s3 =	sld [smem:$0x3FFE];
	_ =	sdelay $0x1  }
0x8a: {  	s1 =	srdreg.scid  }
0x8b: {  	s0 =	sand.u32 $0x1, s1  }
0x8c: {  	s17 =	sshll.u32 s0, $0xA;
	s2 =	sadd.s32 s3, s2  }
0x8d: {  	s2 =	sadd.s32 s2, s17  }
0x8e: {  	[smem:$0x3FB8] =	sst s2  }
0x8f: {  	_ = 	snop  }
0x90: {  	s2 =	sld [smem:$0x3FD0];
	(tm) =	ssettm $0x1  }
0x91: {  	s18 =	sld [smem:$0x3FFB];
	_ =	sdelay $0x3  }
0x92: {  	_ =	strace s18  }
0x93: {  	s3 =	sld [smem:$0x3FFC];
	_ =	sdelay $0x3  }
0x94: {  	_ =	strace s3  }
0x95: {  	s3 =	sld [smem:$0x3FFD];
	_ =	sdelay $0x3  }
0x96: {  	_ =	strace s3  }
0x97: {  	_ =	strace $0x8FFFFFFF  }
0x98: {  	s19 =	sld [smem:$0x3FDB];
	_ =	sdelay $0x1  }
0x99: {  	s4 =	simm.s32 $_scs_section_size  }
0x9a: {  	s5 =	simm.s32 $_size__tile_overlayer_lowered;
	s6 =	simm.s32 $_tile_overlayer_lowered  }
0x9b: {  	s22 =	simm.s32 $0x1BFF;
	s21 =	sshll.u32 s6, $0x1;
	s3 =	sadd.s32 s4, s19  }
0x9c: {  	s7 =	simm.s32 $0x0;
	s20 =	sshll.u32 s5, $0x1;
	s5 =	sadd.s32 s21, s3  }
0x9d: {  	[timem:s7], [sflag:s22] =	dma.local [hbm:s5], s20  }
0x9e: {  	_ =	swait.ge [sflag:s22], s20  }
0x9f: {  	s4 =	ssub.s32 $0x0, s20;
	[sflag:s22] =	ssyncset.done $0x0  }
0xa0: {  	[sflag:s22] =	ssyncadd.s32 s4;
	_ =	sdelay $0x1  }
0xa1: {  	s23 =	simm.s32 $0x1B8B  }
0xa2: {  	_ =	swait.ge [sflag:s23], $0x1  }
0xa3: {  	[sflag:s23] =	ssyncset.done $0x0  }
0xa4: {  	s25 =	simm.s32 $0x1B8E;
	s24 =	sld [smem:$0x3FFE];
	[sflag:s23] =	ssyncadd.s32 $0xFFFFFFFF  }
0xa5: {  	s26 =	simm.s32 $execute0_lowered;
	[smem:$0x3FD2] =	sst s25  }
0xa6: {  	s5 =	sshll.u32 s26, $0x1;
	_ =	strace $0x80000052;
	[dreg:$0x1] =	wrdreg $0xFFFFFFFF  }
0xa7: {  	s28 =	simm.s32 $_size_execute0_lowered;
	s3 =	sadd.s32 s3, s5;
	[dreg:$0x0] =	wrdreg $0x0  }
0xa8: {  	s5 =	sshll.u32 s28, $0x1;
	[dreg:$0x2] =	wrdreg s3  }
0xa9: {  	[dreg:$0x3] =	wrdreg s5  }
0xaa: {  	[dreg:$0x4] =	wrdreg $0xC0  }
0xab: {  	_ =	task [dreg:s7], $0x5FFFF  }
0xac: {  	[dreg:$0x1] =	wrdreg $0xFFFFFFFF  }
0xad: {  	[dreg:$0x0] =	wrdreg $0x60  }
0xae: {  	[dreg:$0x2] =	wrdreg s2  }
0xaf: {  	[dreg:$0x3] =	wrdreg s24  }
0xb0: {  	[dreg:$0x4] =	wrdreg $0x29000  }
0xb1: {  	[dreg:$0x5] =	wrdreg $0x9  }
0xb2: {  	_ =	task.clear_ibuf [dreg:s7], $0x6FFFF;
	_ =	strace $0x90000052  }
0xb3: {  	s29 =	simm.s32 $0x9;
	_ =	strace $0x80000054  }
0xb4: {  	_ =	swait.ge [sflag:s29], $0x1  }
0xb5: {  	[sflag:s29] =	ssyncadd.s32 $0xFFFFFFFF  }
0xb6: {  	_ =	strace $0x90000054  }
0xb7: {  	_ =	sfence  }
0xb8: {  	s30 =	sld [smem:$0x0];
	_ =	sdelay $0x2  }
0xb9: {  	s31 =	sshll.u32 s1, $0xD;
	s1 =	sshrl.u32 s1, $0x2  }
0xba: {  	s3 =	sand.u32 $0x4000, s31;
	s1 =	sadd.s32 s1, s30  }
0xbb: {  	s0 =	sor.u32 s3, s0;
	s1 =	sshll.u32 s1, $0x11  }
0xbc: {  	s0 =	sor.u32 s1, s0  }
0xbd: {  	s0 =	sadd.s32 $0x8F2B, s0  }
0xbe: {  	[sflag:s0] =	ssyncadd.remote.s32 $0x1  }
0xbf: {  	_ =	sfence.sel $0xFFFF  }
0xc0: {  	[dreg:$0x0] =	wrdreg $0xFFFFFFFF;
	(pc) =	sbr.abs _section_cstart, $3  }
0xc1: {  	[dreg:$0x1] =	wrdreg $0xFFFFFFFF  }
0xc2: {  	_ =	task.clear_ibuf [dreg:s7], $0x2FFFF;
	_ =	strace $0x9FFFFFFF  }
0xc3: {  	(tm) =	ssettm $0x7FFFFFFF  }
tec
execute0_lowered:
.L_overlay_start_1:
0x0: {  	(tag) =	ssettag $0x1  }
0x1: {  	s1 =	rddreg [dreg:$0x0]  }
0x2: {  	s0 =	srdreg.scid;
	s6 =	rddreg [dreg:$0x1]  }
0x3: {  	s25 =	stileid.u32;
	s3 =	rddreg [dreg:$0x2]  }
0x4: {  	s4 =	simm.s32 $0x0;
	s14 =	simm.s32 $0x2800;
	s15 =	simm.s32 $0x3  }
0x5: {  	s17 =	simm.s32 $0x80;
	s18 =	simm.s32 $0x2880;
	s19 =	simm.s32 $0x1  }
0x6: {  	s20 =	simm.s32 $0x2;
	s21 =	simm.s32 $0x1380;
	s22 =	simm.s32 $0x2700  }
0x7: {  	s23 =	simm.s32 $0x2780;
	s28 =	simm.s32 $0x10;
	s29 =	simm.s32 $0x0  }
0x8: {  	s5 =	sand.u32 $0x1, s0;
	[smem:$0x7FF] =	sst s4;
	s8 =	smul.u32 $0x500, s25  }
0x9: {  	s10 =	smul.u32 $0xA00, s25;
	s24 =	sshll.u32 s25, $0x6;
	s2 =	sshll.u32 s5, $0x4  }
0xa: {  	_ =	strace $0x80000053;
	s9 =	sshll.u32 s5, $0x7;
	s5 =	ssub.s32 $0x2, s5  }
0xb: {  	s24 =	sor.u32 $0x1C03, s24;
	s30 =	sshrl.u32 s5, $0x1;
	s31 =	sshrl.u32 s10, $0x2  }
0xc: {  	s7 =	sor.u32 s25, s2;
	s13 =	ssub.s32 s5, s30;
	s5 =	sadd.s32 s31, s3  }
0xd: {  	s26 =	sor.u32 s9, s8;
	s7 =	smul.u32 $0x280, s7;
	s8 =	sadd.s32 $0x180, s5  }
0xe: {  	s9 =	sadd.s32 $0x200, s5;
	s13 =	smax.u32 s13, $0x1;
	s25 =	sshrl.u32 s5, $0x3  }
0xf: {  	s11 =	sadd.s32 s7, s6;
	s7 =	sshrl.u32 s26, $0x3;
	s26 =	simm.s32 $0x20  }
0x10: {  	s12 =	sadd.s32 s7, s6;
	s6 =	sadd.s32 $0x80, s5;
	s7 =	sadd.s32 $0x100, s5  }
0x11: {  	v0 =	vimm.f32 $0.0e+00;
	s10 =	sadd.s32 $0x2400, s11;
	s11 =	sadd.s32 $0x7400, s11;
	s12 =	sadd.s32 $0xC400, s12  }
.LBB2_1:
0x12: {  	[tilespmem:$0x2800] =	vst v0  }
0x13: {  	[tilespmem:$0x2810] =	vst v0  }
0x14: {  	[tilespmem:$0x2820] =	vst v0  }
0x15: {  	[tilespmem:$0x2830] =	vst v0  }
0x16: {  	[tilespmem:$0x2840] =	vst v0  }
0x17: {  	[tilespmem:$0x2850] =	vst v0  }
0x18: {  	[tilespmem:$0x2860] =	vst v0  }
0x19: {  	[tilespmem:$0x2870] =	vst v0  }
0x1a: {  	[spmem:s5] =	stream.linear.scatter [tilespmem:s14], [sflag:$0x3], $0x80, $0x38;
	[tilespmem:$0x2B80] =	vst v63  }
0x1b: {  	_ =	swait.ge [sflag:s15], $0x80  }
0x1c: {  	[sflag:s15] =	ssyncset.done $0x0  }
0x1d: {  	[sflag:s15] =	ssyncadd.s32 $0xFFFFFF80  }
0x1e: {  	[spmem:s6] =	stream.linear.scatter [tilespmem:s14], [sflag:$0x3], $0x80, $0x38;
	[tilespmem:$0x2B80] =	vst v63  }
0x1f: {  	_ =	swait.ge [sflag:s15], $0x80  }
0x20: {  	[sflag:s15] =	ssyncset.done $0x0  }
0x21: {  	[sflag:s15] =	ssyncadd.s32 $0xFFFFFF80  }
0x22: {  	[spmem:s7] =	stream.linear.scatter [tilespmem:s14], [sflag:$0x3], $0x80, $0x38;
	[tilespmem:$0x2B80] =	vst v63  }
0x23: {  	_ =	swait.ge [sflag:s15], $0x80  }
0x24: {  	[sflag:s15] =	ssyncset.done $0x0  }
0x25: {  	[sflag:s15] =	ssyncadd.s32 $0xFFFFFF80  }
0x26: {  	[spmem:s8] =	stream.linear.scatter [tilespmem:s14], [sflag:$0x3], $0x80, $0x38;
	[tilespmem:$0x2B80] =	vst v63  }
0x27: {  	_ =	swait.ge [sflag:s15], $0x80  }
0x28: {  	[sflag:s15] =	ssyncset.done $0x0  }
0x29: {  	[sflag:s15] =	ssyncadd.s32 $0xFFFFFF80  }
0x2a: {  	[spmem:s9] =	stream.linear.scatter [tilespmem:s14], [sflag:$0x3], $0x80, $0x38;
	[tilespmem:$0x2B80] =	vst v63  }
0x2b: {  	_ =	swait.ge [sflag:s15], $0x80  }
0x2c: {  	[sflag:s15] =	ssyncset.done $0x0  }
0x2d: {  	s0 =	simm.s32 $0x1400;
	[sflag:s15] =	ssyncadd.s32 $0xFFFFFF80  }
0x2e: {  	[tilespmem:s0], [sflag:$0x3] =	stream.linear.gather [hbm4b:s10+s4], $0x1400, $0x38;
	[tilespmem:$0x2B80] =	vst v63  }
0x2f: {  	_ =	swait.ge [sflag:s15], $0x1400  }
0x30: {  	[sflag:s15] =	ssyncset.done $0x0  }
0x31: {  	[sflag:s15] =	ssyncadd.s32 $0xFFFFEC00  }
0x32: {  	[tilespmem:s4], [sflag:$0x3] =	stream.linear.gather [hbm4b:s11+s4], $0x1400, $0x38;
	[tilespmem:$0x2B80] =	vst v63  }
0x33: {  	_ =	swait.ge [sflag:s15], $0x1400  }
0x34: {  	[sflag:s15] =	ssyncset.done $0x0  }
0x35: {  	[sflag:s15] =	ssyncadd.s32 $0xFFFFEC00  }
0x36: {  	[bflag:$0x0] =	sbarrier.arrive $0xFFFF  }
0x37: {  	[tilespmem:s14], [sflag:$0x1] =	stream.indirect.gather [hbm4b:s1+s17], $0x1, s4, s17, $0xb8;
	[tilespmem:$0x2B80] =	vst v63  }
0x38: {  	s30 =	simm.s32 $0x80  }
0x39: {  	[tilespmem:s18], [sflag:$0x2] =	stream.indirect.gather [hbm4b:s1+s17], $0x1, s30, s17, $0xb8;
	[tilespmem:$0x2B80] =	vst v63  }
0x3a: {  	_ =	swait.ge [sflag:s19], $0x80  }
0x3b: {  	[sflag:s19] =	ssyncset.done $0x0  }
0x3c: {  	s30 =	simm.s32 $0x1400;
	[sflag:s19] =	ssyncadd.s32 $0xFFFFFF80  }
0x3d: {  	[spmem:s3] =	stream.indirect.scatter.add.f32 [tilespmem:s14], [sflag:$0x3], $0x1, s30, s17, $0xb8;
	[tilespmem:$0x2B80] =	vst v63  }
0x3e: {  	_ =	swait.ge [sflag:s15], $0x80  }
0x3f: {  	[sflag:s15] =	ssyncset.done $0x0  }
0x40: {  	s30 =	simm.s32 $0x100;
	[sflag:s15] =	ssyncadd.s32 $0xFFFFFF80  }
0x41: {  	[tilespmem:s14], [sflag:$0x1] =	stream.indirect.gather [hbm4b:s1+s17], $0x1, s30, s17, $0xb8;
	[tilespmem:$0x2B80] =	vst v63  }
0x42: {  	_ =	swait.ge [sflag:s20], $0x80  }
0x43: {  	[sflag:s20] =	ssyncset.done $0x0  }
0x44: {  	s30 =	simm.s32 $0x1480;
	[sflag:s20] =	ssyncadd.s32 $0xFFFFFF80  }
0x45: {  	[spmem:s3] =	stream.indirect.scatter.add.f32 [tilespmem:s18], [sflag:$0x3], $0x1, s30, s17, $0xb8;
	[tilespmem:$0x2B80] =	vst v63  }
0x46: {  	_ =	swait.ge [sflag:s15], $0x80  }
0x47: {  	s31 =	simm.s32 $0x800;
	s30 =	simm.s32 $0x100;
	[sflag:s15] =	ssyncset.done $0x0  }
.LBB2_2:
0x48: {  	s2 =	sadd.s32 $0x80, s30  }
0x49: {  	[sflag:s15] =	ssyncadd.s32 $0xFFFFFF80;
	s0 =	smov.u32 s31;
	s16 =	sadd.s32 $0x400, s31  }
0x4a: {  	[tilespmem:s18], [sflag:$0x2] =	stream.indirect.gather [hbm4b:s1+s17], $0x1, s2, s17, $0xb8;
	[tilespmem:$0x2B80] =	vst v63  }
0x4b: {  	p0 =	sne.s32 s31, $0x4800;
	_ =	swait.ge [sflag:s19], $0x80  }
0x4c: {  	[sflag:s19] =	ssyncset.done $0x0  }
0x4d: {  	s2 =	sadd.s32 $0x1400, s30;
	[sflag:s19] =	ssyncadd.s32 $0xFFFFFF80  }
0x4e: {  	[spmem:s3] =	stream.indirect.scatter.add.f32 [tilespmem:s14], [sflag:$0x3], $0x1, s2, s17, $0xb8;
	[tilespmem:$0x2B80] =	vst v63  }
0x4f: {  	_ =	swait.ge [sflag:s15], $0x80  }
0x50: {  	[sflag:s15] =	ssyncset.done $0x0  }
0x51: {  	s2 =	sadd.s32 $0x100, s30;
	[sflag:s15] =	ssyncadd.s32 $0xFFFFFF80  }
0x52: {  	[tilespmem:s14], [sflag:$0x1] =	stream.indirect.gather [hbm4b:s1+s17], $0x1, s2, s17, $0xb8;
	[tilespmem:$0x2B80] =	vst v63  }
0x53: {  	_ =	swait.ge [sflag:s20], $0x80  }
.Ltmp0:
0x54: {  	[sflag:s20] =	ssyncset.done $0x0;
	(pc) =	sbr.rel @p0 .LBB2_2-.Ltmp0, $4  }
0x55: {  	s2 =	sadd.s32 $0x1480, s30;
	[sflag:s20] =	ssyncadd.s32 $0xFFFFFF80  }
0x56: {  	[spmem:s3] =	stream.indirect.scatter.add.f32 [tilespmem:s18], [sflag:$0x3], $0x1, s2, s17, $0xb8;
	[tilespmem:$0x2B80] =	vst v63  }
0x57: {  	_ =	swait.ge [sflag:s15], $0x80  }
0x58: {  	s31 =	smov.u32 s16;
	s30 =	sshra.s32 s0, $0x2;
	[sflag:s15] =	ssyncset.done $0x0  }
0x59: {  	s0 =	sadd.s32 $0x80, s30;
	[sflag:s15] =	ssyncadd.s32 $0xFFFFFF80  }
0x5a: {  	[tilespmem:s18], [sflag:$0x2] =	stream.indirect.gather [hbm4b:s1+s17], $0x1, s0, s17, $0xb8;
	[tilespmem:$0x2B80] =	vst v63  }
0x5b: {  	_ =	swait.ge [sflag:s19], $0x80  }
0x5c: {  	[sflag:s19] =	ssyncset.done $0x0  }
0x5d: {  	s2 =	sadd.s32 $0x1400, s30;
	[sflag:s19] =	ssyncadd.s32 $0xFFFFFF80  }
0x5e: {  	[spmem:s3] =	stream.indirect.scatter.add.f32 [tilespmem:s14], [sflag:$0x3], $0x1, s2, s17, $0xb8;
	[tilespmem:$0x2B80] =	vst v63  }
0x5f: {  	_ =	swait.ge [sflag:s15], $0x80  }
0x60: {  	[sflag:s15] =	ssyncset.done $0x0  }
0x61: {  	s16 =	sadd.s32 $0x100, s30;
	[sflag:s15] =	ssyncadd.s32 $0xFFFFFF80  }
0x62: {  	[tilespmem:s14], [sflag:$0x1] =	stream.indirect.gather [hbm4b:s1+s17], $0x1, s16, s17, $0xb8;
	[tilespmem:$0x2B80] =	vst v63  }
0x63: {  	_ =	swait.ge [sflag:s20], $0x80  }
0x64: {  	[sflag:s20] =	ssyncset.done $0x0  }
0x65: {  	s31 =	sadd.s32 $0x1480, s30;
	[sflag:s20] =	ssyncadd.s32 $0xFFFFFF80  }
0x66: {  	[spmem:s3] =	stream.indirect.scatter.add.f32 [tilespmem:s18], [sflag:$0x3], $0x1, s31, s17, $0xb8;
	[tilespmem:$0x2B80] =	vst v63  }
0x67: {  	_ =	swait.ge [sflag:s15], $0x80  }
0x68: {  	[sflag:s15] =	ssyncset.done $0x0  }
0x69: {  	[sflag:s15] =	ssyncadd.s32 $0xFFFFFF80  }
0x6a: {  	[tilespmem:s18], [sflag:$0x2] =	stream.indirect.gather [hbm4b:s1+s17], $0x1, s21, s17, $0xb8;
	[tilespmem:$0x2B80] =	vst v63  }
0x6b: {  	_ =	swait.ge [sflag:s19], $0x80  }
0x6c: {  	[sflag:s19] =	ssyncset.done $0x0  }
0x6d: {  	[sflag:s19] =	ssyncadd.s32 $0xFFFFFF80  }
0x6e: {  	[spmem:s3] =	stream.indirect.scatter.add.f32 [tilespmem:s14], [sflag:$0x3], $0x1, s22, s17, $0xb8;
	[tilespmem:$0x2B80] =	vst v63  }
0x6f: {  	_ =	swait.ge [sflag:s15], $0x80  }
0x70: {  	[sflag:s15] =	ssyncset.done $0x0  }
0x71: {  	[sflag:s15] =	ssyncadd.s32 $0xFFFFFF80  }
0x72: {  	_ =	swait.ge [sflag:s20], $0x80  }
0x73: {  	[sflag:s20] =	ssyncset.done $0x0  }
0x74: {  	[sflag:s20] =	ssyncadd.s32 $0xFFFFFF80  }
0x75: {  	[spmem:s3] =	stream.indirect.scatter.add.f32 [tilespmem:s18], [sflag:$0x3], $0x1, s23, s17, $0xb8;
	[tilespmem:$0x2B80] =	vst v63  }
0x76: {  	_ =	swait.ge [sflag:s15], $0x80  }
0x77: {  	s29 =	sadd.s32 $0x1, s29;
	[sflag:s15] =	ssyncset.done $0x0  }
0x78: {  	p0 =	sne.s32 s29, s13;
	[sflag:s15] =	ssyncadd.s32 $0xFFFFFF80  }
.Ltmp1:
0x79: {  	[bflag:$0x0] =	sbarrier.arrive $0xFFFF;
	(pc) =	sbr.rel @p0 .LBB2_1-.Ltmp1, $4  }
0x7a: {  	[hbm:s12@s26], [sflag:s24] =	dma.strided [spmem:s25@s28], $0x50, s19, $0x10   }
0x7b: {  	_ =	swait.ge [sflag:s15], $0x50  }
0x7c: {  	[sflag:s15] =	ssyncset.done $0x0  }
0x7d: {  	[sflag:s15] =	ssyncadd.s32 $0xFFFFFFB0  }
0x7e: {  	_ =	sfence.sel $0x180000  }
0x7f: {  	[bflag:$0x0] =	sbarrier.arrive $0xFFFF  }
0x80: {  	_ =	strace $0x90000053  }
0x81: {  	s0 =	stileid.u32;
	[bflag:$0x2] =	sbarrier.arrive $0xFFFF  }
0x82: {  	p0 =	sne.s32 s0, $0x0;
	s0 =	rddreg [dreg:$0x3]  }
0x83: {  	s0 =	sadd.s32 @!p0 $0x100000, s0  }
0x84: {  	[sflag:s0] =	ssyncadd.tile.s32 @!p0 $0x1;
	_ =	shalt  }
.Lfunc_end2:
_tile_overlayer_lowered:
.L_overlay_start_2:
0x85: {  	(tag) =	ssettag $0x2  }
0x86: {  	s0 =	rddreg [dreg:$0x0];
	s2 =	stileid.u32  }
0x87: {  	s1 =	rddreg [dreg:$0x1];
	p0 =	sne.s32 s2, $0x0  }
0x88: {  	s3 =	rddreg [dreg:$0x2];
	[bflag:$0x3] =	sbarrier.arrive $0xFFFF;
	s2 =	simm.s32 @!p0 $0x1C03  }
0x89: {  	[timem:s3], [sflag:s2] =	dma.local @!p0 [hbm:s0], s1  }
0x8a: {  	s0 =	simm.s32 @!p0 $0x3  }
0x8b: {  	_ =	swait.ge @!p0 [sflag:s0], s1  }
0x8c: {  	s1 =	ssub.s32 @!p0 $0x0, s1;
	[sflag:s0] =	ssyncset.done @!p0 $0x0  }
0x8d: {  	[sflag:s0] =	ssyncadd.s32 @!p0 s1  }
0x8e: {  	[bflag:$0x3] =	sbarrier.arrive $0xFFFF  }
0x8f: {  	_ =	shalt  }

</sc_bundles>
